<compile_context>
chip_gen: v7x
topology: tpu7x:2x2x1
jax: 0.10.2.dev20260603
libtpu: 0.0.44.dev20260713+nightly
codegen_flags: <defaults>
</compile_context>

<pallas_src>
import functools

import jax
import jax.numpy as jnp
from jax import lax
from jax.experimental import pallas as pl
from jax.experimental.pallas import tpu as pltpu
from jax.experimental.pallas import tpu_sc as plsc

N = 10000
E = 320000
H = 128
C = 10
STEPS = 3

NC = 2
NS = 16

CHUNK = 128
KS = 16
K = 2
E_PAD = 327680
NCHUNKS = E_PAD // CHUNK
CH_PER_CORE = NCHUNKS // NC
CH_PER_SUB = CH_PER_CORE // NS
GROUPS = CH_PER_SUB // KS
N_OUT = 10240
ROWS_PER_SUB = N_OUT // NS

BN = 1000
NB = N // BN



@functools.cache
def _sc_scatter_kernel():
    return functools.partial(
        pl.kernel,
        out_type=jax.ShapeDtypeStruct((NC, N_OUT, H), jnp.float32),
        mesh=plsc.VectorSubcoreMesh(core_axis_name="c", subcore_axis_name="s",
                                    num_cores=NC, num_subcores=NS),
        scratch_types=[
            pltpu.VMEM_SHARED((N_OUT, H), jnp.float32),
            pltpu.VMEM((KS, CHUNK), jnp.int32),
            pltpu.VMEM((KS, CHUNK), jnp.int32),
            pltpu.VMEM((CHUNK, H), jnp.float32),
            pltpu.VMEM((CHUNK, H), jnp.float32),
            pltpu.SemaphoreType.DMA,
            pltpu.SemaphoreType.DMA,
        ],
    )(_sc_scatter_body)


def _sc_scatter_body(t_hbm, src_hbm, dst_hbm, out_hbm, m_sh, src_v, dst_v,
                     rows_a, rows_b, gsem, ssem):
    c = lax.axis_index("c")
    s = lax.axis_index("s")
    r0 = s * ROWS_PER_SUB
    bufs = (rows_a, rows_b)

    def zbody(i, _):
        for j in range(H // 16):
            rows_a[i, pl.ds(j * 16, 16)] = jnp.zeros((16,), jnp.float32)
        return 0

    lax.fori_loop(0, CHUNK, zbody, 0)
    for q in range(ROWS_PER_SUB // CHUNK):
        pltpu.sync_copy(rows_a, m_sh.at[pl.ds(r0 + q * CHUNK, CHUNK)])
    plsc.subcore_barrier()

    def gbody(g, _):
        ch0 = c * CH_PER_CORE + s * CH_PER_SUB + g * KS
        pltpu.sync_copy(src_hbm.at[pl.ds(ch0, KS)], src_v)
        pltpu.sync_copy(dst_hbm.at[pl.ds(ch0, KS)], dst_v)
        gath = [pltpu.async_copy(t_hbm.at[src_v.at[0]], bufs[0], gsem), None]
        scat = [None, None]
        for kk in range(KS):
            b = kk % 2
            nb = 1 - b
            if kk + 1 < KS:
                if scat[nb] is not None:
                    scat[nb].wait()
                gath[nb] = pltpu.async_copy(t_hbm.at[src_v.at[kk + 1]],
                                            bufs[nb], gsem)
            gath[b].wait()
            scat[b] = pltpu.async_copy(bufs[b], m_sh.at[dst_v.at[kk]], ssem,
                                       add=True)
        scat[0].wait()
        scat[1].wait()
        return 0

    lax.fori_loop(0, GROUPS, gbody, 0)
    plsc.subcore_barrier()
    pltpu.sync_copy(m_sh.at[pl.ds(r0, ROWS_PER_SUB)],
                    out_hbm.at[c, pl.ds(r0, ROWS_PER_SUB)])



def _sigmoid(v):
    return 1.0 / (1.0 + jnp.exp(-v))


def _msg_body(x_ref, wm_ref, bm_ref, t_ref):
    t_ref[...] = (jnp.dot(x_ref[...], wm_ref[...],
                          preferred_element_type=jnp.float32) + bm_ref[...])


_msg_tc = pl.pallas_call(
    _msg_body,
    grid=(NB,),
    in_specs=[
        pl.BlockSpec((BN, H), lambda i: (i, 0)),
        pl.BlockSpec((H, H), lambda i: (0, 0)),
        pl.BlockSpec((1, H), lambda i: (0, 0)),
    ],
    out_specs=pl.BlockSpec((BN, H), lambda i: (i, 0)),
    out_shape=jax.ShapeDtypeStruct((N, H), jnp.float32),
)


def _gru(m, x, wih_ref, bih_ref, whh_ref, bhh_ref):
    gi = jnp.dot(m, wih_ref[...], preferred_element_type=jnp.float32) + bih_ref[...]
    gh = jnp.dot(x, whh_ref[...], preferred_element_type=jnp.float32) + bhh_ref[...]
    r = _sigmoid(gi[:, :H] + gh[:, :H])
    z = _sigmoid(gi[:, H:2 * H] + gh[:, H:2 * H])
    n = jnp.tanh(gi[:, 2 * H:] + r * gh[:, 2 * H:])
    return (1.0 - z) * n + z * x


def _gru_msg_body(m2_ref, x_ref, wih_ref, bih_ref, whh_ref, bhh_ref,
                  wm_ref, bm_ref, xn_ref, t_ref):
    m = m2_ref[0] + m2_ref[1]
    xn = _gru(m, x_ref[...], wih_ref, bih_ref, whh_ref, bhh_ref)
    xn_ref[...] = xn
    t_ref[...] = (jnp.dot(xn, wm_ref[...],
                          preferred_element_type=jnp.float32) + bm_ref[...])


_gru_msg_tc = pl.pallas_call(
    _gru_msg_body,
    grid=(NB,),
    in_specs=[
        pl.BlockSpec((NC, BN, H), lambda i: (0, i, 0)),
        pl.BlockSpec((BN, H), lambda i: (i, 0)),
        pl.BlockSpec((H, 3 * H), lambda i: (0, 0)),
        pl.BlockSpec((1, 3 * H), lambda i: (0, 0)),
        pl.BlockSpec((H, 3 * H), lambda i: (0, 0)),
        pl.BlockSpec((1, 3 * H), lambda i: (0, 0)),
        pl.BlockSpec((H, H), lambda i: (0, 0)),
        pl.BlockSpec((1, H), lambda i: (0, 0)),
    ],
    out_specs=[
        pl.BlockSpec((BN, H), lambda i: (i, 0)),
        pl.BlockSpec((BN, H), lambda i: (i, 0)),
    ],
    out_shape=[
        jax.ShapeDtypeStruct((N, H), jnp.float32),
        jax.ShapeDtypeStruct((N, H), jnp.float32),
    ],
)


def _gru_read_body(m2_ref, x_ref, wih_ref, bih_ref, whh_ref, bhh_ref,
                   wc_ref, bc_ref, out_ref, maxv):
    i = pl.program_id(0)
    m = m2_ref[0] + m2_ref[1]
    xn = _gru(m, x_ref[...], wih_ref, bih_ref, whh_ref, bhh_ref)
    part = jnp.max(xn, axis=0, keepdims=True)

    @pl.when(i == 0)
    def _init():
        maxv[...] = part

    @pl.when(i > 0)
    def _acc():
        maxv[...] = jnp.maximum(maxv[...], part)

    @pl.when(i == NB - 1)
    def _fin():
        out_ref[...] = (jnp.dot(maxv[...], wc_ref[...],
                                preferred_element_type=jnp.float32) + bc_ref[...])


_gru_read_tc = pl.pallas_call(
    _gru_read_body,
    grid=(NB,),
    in_specs=[
        pl.BlockSpec((NC, BN, H), lambda i: (0, i, 0)),
        pl.BlockSpec((BN, H), lambda i: (i, 0)),
        pl.BlockSpec((H, 3 * H), lambda i: (0, 0)),
        pl.BlockSpec((1, 3 * H), lambda i: (0, 0)),
        pl.BlockSpec((H, 3 * H), lambda i: (0, 0)),
        pl.BlockSpec((1, 3 * H), lambda i: (0, 0)),
        pl.BlockSpec((H, H), lambda i: (0, 0)),
        pl.BlockSpec((1, H), lambda i: (0, 0)),
    ],
    out_specs=pl.BlockSpec((1, H), lambda i: (0, 0)),
    out_shape=jax.ShapeDtypeStruct((1, H), jnp.float32),
    scratch_shapes=[pltpu.VMEM((1, H), jnp.float32)],
)



def kernel(h, edge_index, W_msg, b_msg, W_ih, b_ih, W_hh, b_hh, W_cls, b_cls):
    src = edge_index[0]
    dst = edge_index[1]
    pad = E_PAD - E
    srcp = jnp.concatenate([src, jnp.zeros((pad,), jnp.int32)]).reshape(NCHUNKS, CHUNK)
    dst_pad = N + (jnp.arange(pad, dtype=jnp.int32) % (N_OUT - N))
    dstp = jnp.concatenate([dst, dst_pad]).reshape(NCHUNKS, CHUNK)

    wm = W_msg.T
    wih = W_ih.T
    whh = W_hh.T
    bm = b_msg.reshape(1, H)
    bih = b_ih.reshape(1, 3 * H)
    bhh = b_hh.reshape(1, 3 * H)
    wc = jnp.pad(W_cls.T, ((0, 0), (0, H - C)))
    bc = jnp.pad(b_cls.reshape(1, C), ((0, 0), (0, H - C)))

    x = h
    t = _msg_tc(x, wm, bm)
    for step in range(STEPS):
        m2 = _sc_scatter_kernel()(t, srcp, dstp)
        if step < STEPS - 1:
            x, t = _gru_msg_tc(m2, x, wih, bih, whh, bhh, wm, bm)
        else:
            logits = _gru_read_tc(m2, x, wih, bih, whh, bhh, wc, bc)
    return logits[:, :C]

# --- scband reference (transcript-rebuilt; emitter-appended) ---
"""Pipeline reference for scband-gnn-10960756539435 (READ-ONLY COPY).

The authoritative reference and input builder live on the scoring server;
editing this copy changes nothing except your own understanding.
"""

import jax, jax.numpy as jnp
import numpy as np

N = 10000
E = 320000
D = 128
H = 128
C = 10
STEPS = 3


def setup_inputs(seed: int = 0) -> dict:
    key = jax.random.key(seed)
    ks = jax.random.split(key, 12)
    h = jax.random.normal(ks[0], (N, D), dtype=jnp.float32)
    edge_index = jax.random.randint(ks[1], (2, E), 0, N, dtype=jnp.int32)
    s = 0.05
    W_msg = s * jax.random.normal(ks[2], (H, H), dtype=jnp.float32)
    b_msg = jnp.zeros((H,), dtype=jnp.float32)
    W_ih = s * jax.random.normal(ks[3], (3 * H, H), dtype=jnp.float32)
    b_ih = jnp.zeros((3 * H,), dtype=jnp.float32)
    W_hh = s * jax.random.normal(ks[4], (3 * H, H), dtype=jnp.float32)
    b_hh = jnp.zeros((3 * H,), dtype=jnp.float32)
    W_cls = s * jax.random.normal(ks[5], (C, H), dtype=jnp.float32)
    b_cls = jnp.zeros((C,), dtype=jnp.float32)
    return {"h": h, "edge_index": edge_index, "W_msg": W_msg, "b_msg": b_msg,
            "W_ih": W_ih, "b_ih": b_ih, "W_hh": W_hh, "b_hh": b_hh,
            "W_cls": W_cls, "b_cls": b_cls}


def _gru_cell(m, x, W_ih, b_ih, W_hh, b_hh):
    gi = m @ W_ih.T + b_ih
    gh = x @ W_hh.T + b_hh
    i_r, i_z, i_n = jnp.split(gi, 3, axis=-1)
    h_r, h_z, h_n = jnp.split(gh, 3, axis=-1)
    r = jax.nn.sigmoid(i_r + h_r)
    z = jax.nn.sigmoid(i_z + h_z)
    n = jnp.tanh(i_n + r * h_n)
    return (1.0 - z) * n + z * x


def reference(h, edge_index, W_msg, b_msg, W_ih, b_ih, W_hh, b_hh, W_cls, b_cls):
    # GatedGraphConv (DGL), single edge type, n_steps=STEPS, in_dim==hidden_dim
    src = edge_index[0]
    dst = edge_index[1]
    x = h
    for _ in range(STEPS):
        t = x @ W_msg.T + b_msg          # per-etype linear on node features
        msg = jnp.take(t, src, axis=0)    # gather along edges
        m = jnp.zeros((N, H), dtype=x.dtype).at[dst].add(msg)  # scatter-add (copy_e, sum)
        x = _gru_cell(m, x, W_ih, b_ih, W_hh, b_hh)
    # dropout (eval -> identity), then max readout over nodes (single graph)
    hg = jnp.max(x, axis=0, keepdims=True)
    return hg @ W_cls.T + b_cls

if __name__ == "__main__":
    import jax
    _d = setup_inputs()
    print(jax.jit(kernel)(*tuple(_d.values())))

</pallas_src>

<mosaic_0001>
#map = affine_map<(d0, d1) -> (0, 0)>
#map1 = affine_map<(d0, d1) -> (0, 0, 0)>
module attributes {stable_mosaic.version = 14 : i64} {
  func.func @_sc_scatter_body(%arg0: i32, %arg1: i32, %arg2: memref<10000x128xf32, #tpu.memory_space<hbm>>, %arg3: memref<2560x128xi32, #tpu.memory_space<hbm>>, %arg4: memref<2560x128xi32, #tpu.memory_space<hbm>>, %arg5: memref<2x10240x128xf32, #tpu.memory_space<hbm>>, %arg6: memref<10240x128xf32, #tpu.memory_space<vmem_shared>>, %arg7: memref<16x128xi32, #tpu.memory_space<vmem>>, %arg8: memref<16x128xi32, #tpu.memory_space<vmem>>, %arg9: memref<128x128xf32, #tpu.memory_space<vmem>>, %arg10: memref<128x128xf32, #tpu.memory_space<vmem>>, %arg11: memref<!tpu.dma_semaphore, #tpu.memory_space<semaphore_mem>>, %arg12: memref<!tpu.dma_semaphore, #tpu.memory_space<semaphore_mem>>) attributes {dimension_semantics = [#tpu.dimension_semantics<core_parallel>, #tpu.dimension_semantics<subcore_parallel>], iteration_bounds = array<i64: 2, 16>, scalar_prefetch = 0 : i64, scratch_operands = 7 : i64, tpu.core_type = #tpu.core_type<sc_vector_subcore>, window_params = [{transform_indices = #map}, {transform_indices = #map}, {transform_indices = #map}, {transform_indices = #map1}]} {
    %mul3A = arith.constant 640 : i32
    %mul3A_0 = arith.muli %arg1, %mul3A : i32
    %scan3A = arith.constant 0 : i32
    %scan3A_1 = arith.constant 0 : i32
    %scan3A_2 = arith.constant 128 : i32
    %scan3A_3 = arith.addi %scan3A_1, %scan3A_2 : i32
    %scan3A_4 = arith.constant 1 : i32
    %scan3A_5 = scf.for %scan3A_24 = %scan3A_1 to %scan3A_3 step %scan3A_4 iter_args(%scan3A_25 = %scan3A) -> (i32)  : i32 {
      %broadcast_in_dim3A = arith.constant 0.000000e+00 : f32
      %broadcast_in_dim3A_26 = vector.broadcast %broadcast_in_dim3A : f32 to vector<16xf32>
      %swap3A = arith.index_cast %scan3A_24 : i32 to index
      %swap3A_27 = arith.constant 0 : index
      %swap3A_28 = tpu.vector_load %arg9[%swap3A, %swap3A_27] {strides = array<i32>} : memref<128x128xf32, #tpu.memory_space<vmem>>, vector<1x16xf32>,
      %swap3A_29 = vector.shape_cast %swap3A_28 : vector<1x16xf32> to vector<16xf32>
      %swap3A_30 = vector.shape_cast %broadcast_in_dim3A_26 : vector<16xf32> to vector<1x16xf32>
      tpu.vector_store %arg9[%swap3A, %swap3A_27], %swap3A_30 {strides = array<i32>} : memref<128x128xf32, #tpu.memory_space<vmem>>, vector<1x16xf32>,
      %broadcast_in_dim3A_31 = arith.constant 0.000000e+00 : f32
      %broadcast_in_dim3A_32 = vector.broadcast %broadcast_in_dim3A_31 : f32 to vector<16xf32>
      %swap3A_33 = arith.index_cast %scan3A_24 : i32 to index
      %swap3A_34 = arith.constant 16 : index
      %swap3A_35 = tpu.vector_load %arg9[%swap3A_33, %swap3A_34] {strides = array<i32>} : memref<128x128xf32, #tpu.memory_space<vmem>>, vector<1x16xf32>,
      %swap3A_36 = vector.shape_cast %swap3A_35 : vector<1x16xf32> to vector<16xf32>
      %swap3A_37 = vector.shape_cast %broadcast_in_dim3A_32 : vector<16xf32> to vector<1x16xf32>
      tpu.vector_store %arg9[%swap3A_33, %swap3A_34], %swap3A_37 {strides = array<i32>} : memref<128x128xf32, #tpu.memory_space<vmem>>, vector<1x16xf32>,
      %broadcast_in_dim3A_38 = arith.constant 0.000000e+00 : f32
      %broadcast_in_dim3A_39 = vector.broadcast %broadcast_in_dim3A_38 : f32 to vector<16xf32>
      %swap3A_40 = arith.index_cast %scan3A_24 : i32 to index
      %swap3A_41 = arith.constant 32 : index
      %swap3A_42 = tpu.vector_load %arg9[%swap3A_40, %swap3A_41] {strides = array<i32>} : memref<128x128xf32, #tpu.memory_space<vmem>>, vector<1x16xf32>,
      %swap3A_43 = vector.shape_cast %swap3A_42 : vector<1x16xf32> to vector<16xf32>
      %swap3A_44 = vector.shape_cast %broadcast_in_dim3A_39 : vector<16xf32> to vector<1x16xf32>
      tpu.vector_store %arg9[%swap3A_40, %swap3A_41], %swap3A_44 {strides = array<i32>} : memref<128x128xf32, #tpu.memory_space<vmem>>, vector<1x16xf32>,
      %broadcast_in_dim3A_45 = arith.constant 0.000000e+00 : f32
      %broadcast_in_dim3A_46 = vector.broadcast %broadcast_in_dim3A_45 : f32 to vector<16xf32>
      %swap3A_47 = arith.index_cast %scan3A_24 : i32 to index
      %swap3A_48 = arith.constant 48 : index
      %swap3A_49 = tpu.vector_load %arg9[%swap3A_47, %swap3A_48] {strides = array<i32>} : memref<128x128xf32, #tpu.memory_space<vmem>>, vector<1x16xf32>,
      %swap3A_50 = vector.shape_cast %swap3A_49 : vector<1x16xf32> to vector<16xf32>
      %swap3A_51 = vector.shape_cast %broadcast_in_dim3A_46 : vector<16xf32> to vector<1x16xf32>
      tpu.vector_store %arg9[%swap3A_47, %swap3A_48], %swap3A_51 {strides = array<i32>} : memref<128x128xf32, #tpu.memory_space<vmem>>, vector<1x16xf32>,
      %broadcast_in_dim3A_52 = arith.constant 0.000000e+00 : f32
      %broadcast_in_dim3A_53 = vector.broadcast %broadcast_in_dim3A_52 : f32 to vector<16xf32>
      %swap3A_54 = arith.index_cast %scan3A_24 : i32 to index
      %swap3A_55 = arith.constant 64 : index
      %swap3A_56 = tpu.vector_load %arg9[%swap3A_54, %swap3A_55] {strides = array<i32>} : memref<128x128xf32, #tpu.memory_space<vmem>>, vector<1x16xf32>,
      %swap3A_57 = vector.shape_cast %swap3A_56 : vector<1x16xf32> to vector<16xf32>
      %swap3A_58 = vector.shape_cast %broadcast_in_dim3A_53 : vector<16xf32> to vector<1x16xf32>
      tpu.vector_store %arg9[%swap3A_54, %swap3A_55], %swap3A_58 {strides = array<i32>} : memref<128x128xf32, #tpu.memory_space<vmem>>, vector<1x16xf32>,
      %broadcast_in_dim3A_59 = arith.constant 0.000000e+00 : f32
      %broadcast_in_dim3A_60 = vector.broadcast %broadcast_in_dim3A_59 : f32 to vector<16xf32>
      %swap3A_61 = arith.index_cast %scan3A_24 : i32 to index
      %swap3A_62 = arith.constant 80 : index
      %swap3A_63 = tpu.vector_load %arg9[%swap3A_61, %swap3A_62] {strides = array<i32>} : memref<128x128xf32, #tpu.memory_space<vmem>>, vector<1x16xf32>,
      %swap3A_64 = vector.shape_cast %swap3A_63 : vector<1x16xf32> to vector<16xf32>
      %swap3A_65 = vector.shape_cast %broadcast_in_dim3A_60 : vector<16xf32> to vector<1x16xf32>
      tpu.vector_store %arg9[%swap3A_61, %swap3A_62], %swap3A_65 {strides = array<i32>} : memref<128x128xf32, #tpu.memory_space<vmem>>, vector<1x16xf32>,
      %broadcast_in_dim3A_66 = arith.constant 0.000000e+00 : f32
      %broadcast_in_dim3A_67 = vector.broadcast %broadcast_in_dim3A_66 : f32 to vector<16xf32>
      %swap3A_68 = arith.index_cast %scan3A_24 : i32 to index
      %swap3A_69 = arith.constant 96 : index
      %swap3A_70 = tpu.vector_load %arg9[%swap3A_68, %swap3A_69] {strides = array<i32>} : memref<128x128xf32, #tpu.memory_space<vmem>>, vector<1x16xf32>,
      %swap3A_71 = vector.shape_cast %swap3A_70 : vector<1x16xf32> to vector<16xf32>
      %swap3A_72 = vector.shape_cast %broadcast_in_dim3A_67 : vector<16xf32> to vector<1x16xf32>
      tpu.vector_store %arg9[%swap3A_68, %swap3A_69], %swap3A_72 {strides = array<i32>} : memref<128x128xf32, #tpu.memory_space<vmem>>, vector<1x16xf32>,
      %broadcast_in_dim3A_73 = arith.constant 0.000000e+00 : f32
      %broadcast_in_dim3A_74 = vector.broadcast %broadcast_in_dim3A_73 : f32 to vector<16xf32>
      %swap3A_75 = arith.index_cast %scan3A_24 : i32 to index
      %swap3A_76 = arith.constant 112 : index
      %swap3A_77 = tpu.vector_load %arg9[%swap3A_75, %swap3A_76] {strides = array<i32>} : memref<128x128xf32, #tpu.memory_space<vmem>>, vector<1x16xf32>,
      %swap3A_78 = vector.shape_cast %swap3A_77 : vector<1x16xf32> to vector<16xf32>
      %swap3A_79 = vector.shape_cast %broadcast_in_dim3A_74 : vector<16xf32> to vector<1x16xf32>
      tpu.vector_store %arg9[%swap3A_75, %swap3A_76], %swap3A_79 {strides = array<i32>} : memref<128x128xf32, #tpu.memory_space<vmem>>, vector<1x16xf32>,
      %scan3A_80 = arith.constant 0 : i32
      scf.yield %scan3A_80 : i32
    }
    %scan3A_6 = arith.constant 128 : i32
    %add3A = arith.constant 0 : i32
    %add3A_7 = arith.addi %mul3A_0, %add3A : i32
    "tpu.region"() ({
      %run_scoped3A = tpu.sem_alloc : memref<!tpu.dma_semaphore, #tpu.memory_space<semaphore_mem>>
      %dma_start3A = arith.constant 0 : i32
      %dma_start3A_24 = tpu.memref_slice %arg6[%add3A_7, %dma_start3A] : memref<10240x128xf32, #tpu.memory_space<vmem_shared>> -> memref<128x128xf32, #tpu.memory_space<vmem_shared>>
      %dma_start3A_25 = arith.constant 0 : i32
      %dma_start3A_26 = tpu.memref_slice %arg6[%add3A_7, %dma_start3A_25] : memref<10240x128xf32, #tpu.memory_space<vmem_shared>> -> memref<128x128xf32, #tpu.memory_space<vmem_shared>>
      tpu.enqueue_dma source(%arg9 : memref<128x128xf32, #tpu.memory_space<vmem>>) target(%dma_start3A_26 : memref<128x128xf32, #tpu.memory_space<vmem_shared>>) target_semaphore(%run_scoped3A : memref<!tpu.dma_semaphore, #tpu.memory_space<semaphore_mem>>)
      %dma_wait3A = arith.constant 0 : i32
      %dma_wait3A_27 = tpu.memref_slice %arg6[%add3A_7, %dma_wait3A] : memref<10240x128xf32, #tpu.memory_space<vmem_shared>> -> memref<128x128xf32, #tpu.memory_space<vmem_shared>>
      %dma_wait3A_28 = arith.constant 0 : i32
      %dma_wait3A_29 = tpu.memref_slice %arg6[%add3A_7, %dma_wait3A_28] : memref<10240x128xf32, #tpu.memory_space<vmem_shared>> -> memref<128x128xf32, #tpu.memory_space<vmem_shared>>
      tpu.wait_dma2 semaphore(%run_scoped3A : memref<!tpu.dma_semaphore, #tpu.memory_space<semaphore_mem>>) src(%arg9 : memref<128x128xf32, #tpu.memory_space<vmem>>) dst(%dma_wait3A_29 : memref<128x128xf32, #tpu.memory_space<vmem_shared>>)
      tpu.yield
    }) : () -> ()
    %add3A_8 = arith.constant 128 : i32
    %add3A_9 = arith.addi %mul3A_0, %add3A_8 : i32
    "tpu.region"() ({
      %run_scoped3A = tpu.sem_alloc : memref<!tpu.dma_semaphore, #tpu.memory_space<semaphore_mem>>
      %dma_start3A = arith.constant 0 : i32
      %dma_start3A_24 = tpu.memref_slice %arg6[%add3A_9, %dma_start3A] : memref<10240x128xf32, #tpu.memory_space<vmem_shared>> -> memref<128x128xf32, #tpu.memory_space<vmem_shared>>
      %dma_start3A_25 = arith.constant 0 : i32
      %dma_start3A_26 = tpu.memref_slice %arg6[%add3A_9, %dma_start3A_25] : memref<10240x128xf32, #tpu.memory_space<vmem_shared>> -> memref<128x128xf32, #tpu.memory_space<vmem_shared>>
      tpu.enqueue_dma source(%arg9 : memref<128x128xf32, #tpu.memory_space<vmem>>) target(%dma_start3A_26 : memref<128x128xf32, #tpu.memory_space<vmem_shared>>) target_semaphore(%run_scoped3A : memref<!tpu.dma_semaphore, #tpu.memory_space<semaphore_mem>>)
      %dma_wait3A = arith.constant 0 : i32
      %dma_wait3A_27 = tpu.memref_slice %arg6[%add3A_9, %dma_wait3A] : memref<10240x128xf32, #tpu.memory_space<vmem_shared>> -> memref<128x128xf32, #tpu.memory_space<vmem_shared>>
      %dma_wait3A_28 = arith.constant 0 : i32
      %dma_wait3A_29 = tpu.memref_slice %arg6[%add3A_9, %dma_wait3A_28] : memref<10240x128xf32, #tpu.memory_space<vmem_shared>> -> memref<128x128xf32, #tpu.memory_space<vmem_shared>>
      tpu.wait_dma2 semaphore(%run_scoped3A : memref<!tpu.dma_semaphore, #tpu.memory_space<semaphore_mem>>) src(%arg9 : memref<128x128xf32, #tpu.memory_space<vmem>>) dst(%dma_wait3A_29 : memref<128x128xf32, #tpu.memory_space<vmem_shared>>)
      tpu.yield
    }) : () -> ()
    %add3A_10 = arith.constant 256 : i32
    %add3A_11 = arith.addi %mul3A_0, %add3A_10 : i32
    "tpu.region"() ({
      %run_scoped3A = tpu.sem_alloc : memref<!tpu.dma_semaphore, #tpu.memory_space<semaphore_mem>>
      %dma_start3A = arith.constant 0 : i32
      %dma_start3A_24 = tpu.memref_slice %arg6[%add3A_11, %dma_start3A] : memref<10240x128xf32, #tpu.memory_space<vmem_shared>> -> memref<128x128xf32, #tpu.memory_space<vmem_shared>>
      %dma_start3A_25 = arith.constant 0 : i32
      %dma_start3A_26 = tpu.memref_slice %arg6[%add3A_11, %dma_start3A_25] : memref<10240x128xf32, #tpu.memory_space<vmem_shared>> -> memref<128x128xf32, #tpu.memory_space<vmem_shared>>
      tpu.enqueue_dma source(%arg9 : memref<128x128xf32, #tpu.memory_space<vmem>>) target(%dma_start3A_26 : memref<128x128xf32, #tpu.memory_space<vmem_shared>>) target_semaphore(%run_scoped3A : memref<!tpu.dma_semaphore, #tpu.memory_space<semaphore_mem>>)
      %dma_wait3A = arith.constant 0 : i32
      %dma_wait3A_27 = tpu.memref_slice %arg6[%add3A_11, %dma_wait3A] : memref<10240x128xf32, #tpu.memory_space<vmem_shared>> -> memref<128x128xf32, #tpu.memory_space<vmem_shared>>
      %dma_wait3A_28 = arith.constant 0 : i32
      %dma_wait3A_29 = tpu.memref_slice %arg6[%add3A_11, %dma_wait3A_28] : memref<10240x128xf32, #tpu.memory_space<vmem_shared>> -> memref<128x128xf32, #tpu.memory_space<vmem_shared>>
      tpu.wait_dma2 semaphore(%run_scoped3A : memref<!tpu.dma_semaphore, #tpu.memory_space<semaphore_mem>>) src(%arg9 : memref<128x128xf32, #tpu.memory_space<vmem>>) dst(%dma_wait3A_29 : memref<128x128xf32, #tpu.memory_space<vmem_shared>>)
      tpu.yield
    }) : () -> ()
    %add3A_12 = arith.constant 384 : i32
    %add3A_13 = arith.addi %mul3A_0, %add3A_12 : i32
    "tpu.region"() ({
      %run_scoped3A = tpu.sem_alloc : memref<!tpu.dma_semaphore, #tpu.memory_space<semaphore_mem>>
      %dma_start3A = arith.constant 0 : i32
      %dma_start3A_24 = tpu.memref_slice %arg6[%add3A_13, %dma_start3A] : memref<10240x128xf32, #tpu.memory_space<vmem_shared>> -> memref<128x128xf32, #tpu.memory_space<vmem_shared>>
      %dma_start3A_25 = arith.constant 0 : i32
      %dma_start3A_26 = tpu.memref_slice %arg6[%add3A_13, %dma_start3A_25] : memref<10240x128xf32, #tpu.memory_space<vmem_shared>> -> memref<128x128xf32, #tpu.memory_space<vmem_shared>>
      tpu.enqueue_dma source(%arg9 : memref<128x128xf32, #tpu.memory_space<vmem>>) target(%dma_start3A_26 : memref<128x128xf32, #tpu.memory_space<vmem_shared>>) target_semaphore(%run_scoped3A : memref<!tpu.dma_semaphore, #tpu.memory_space<semaphore_mem>>)
      %dma_wait3A = arith.constant 0 : i32
      %dma_wait3A_27 = tpu.memref_slice %arg6[%add3A_13, %dma_wait3A] : memref<10240x128xf32, #tpu.memory_space<vmem_shared>> -> memref<128x128xf32, #tpu.memory_space<vmem_shared>>
      %dma_wait3A_28 = arith.constant 0 : i32
      %dma_wait3A_29 = tpu.memref_slice %arg6[%add3A_13, %dma_wait3A_28] : memref<10240x128xf32, #tpu.memory_space<vmem_shared>> -> memref<128x128xf32, #tpu.memory_space<vmem_shared>>
      tpu.wait_dma2 semaphore(%run_scoped3A : memref<!tpu.dma_semaphore, #tpu.memory_space<semaphore_mem>>) src(%arg9 : memref<128x128xf32, #tpu.memory_space<vmem>>) dst(%dma_wait3A_29 : memref<128x128xf32, #tpu.memory_space<vmem_shared>>)
      tpu.yield
    }) : () -> ()
    %add3A_14 = arith.constant 512 : i32
    %add3A_15 = arith.addi %mul3A_0, %add3A_14 : i32
    "tpu.region"() ({
      %run_scoped3A = tpu.sem_alloc : memref<!tpu.dma_semaphore, #tpu.memory_space<semaphore_mem>>
      %dma_start3A = arith.constant 0 : i32
      %dma_start3A_24 = tpu.memref_slice %arg6[%add3A_15, %dma_start3A] : memref<10240x128xf32, #tpu.memory_space<vmem_shared>> -> memref<128x128xf32, #tpu.memory_space<vmem_shared>>
      %dma_start3A_25 = arith.constant 0 : i32
      %dma_start3A_26 = tpu.memref_slice %arg6[%add3A_15, %dma_start3A_25] : memref<10240x128xf32, #tpu.memory_space<vmem_shared>> -> memref<128x128xf32, #tpu.memory_space<vmem_shared>>
      tpu.enqueue_dma source(%arg9 : memref<128x128xf32, #tpu.memory_space<vmem>>) target(%dma_start3A_26 : memref<128x128xf32, #tpu.memory_space<vmem_shared>>) target_semaphore(%run_scoped3A : memref<!tpu.dma_semaphore, #tpu.memory_space<semaphore_mem>>)
      %dma_wait3A = arith.constant 0 : i32
      %dma_wait3A_27 = tpu.memref_slice %arg6[%add3A_15, %dma_wait3A] : memref<10240x128xf32, #tpu.memory_space<vmem_shared>> -> memref<128x128xf32, #tpu.memory_space<vmem_shared>>
      %dma_wait3A_28 = arith.constant 0 : i32
      %dma_wait3A_29 = tpu.memref_slice %arg6[%add3A_15, %dma_wait3A_28] : memref<10240x128xf32, #tpu.memory_space<vmem_shared>> -> memref<128x128xf32, #tpu.memory_space<vmem_shared>>
      tpu.wait_dma2 semaphore(%run_scoped3A : memref<!tpu.dma_semaphore, #tpu.memory_space<semaphore_mem>>) src(%arg9 : memref<128x128xf32, #tpu.memory_space<vmem>>) dst(%dma_wait3A_29 : memref<128x128xf32, #tpu.memory_space<vmem_shared>>)
      tpu.yield
    }) : () -> ()
    %barrier3A = arith.constant 0 : index
    tpu.barrier barrier_id(%barrier3A)
    %scan3A_16 = arith.constant 0 : i32
    %scan3A_17 = arith.constant 0 : i32
    %scan3A_18 = arith.constant 5 : i32
    %scan3A_19 = arith.addi %scan3A_17, %scan3A_18 : i32
    %scan3A_20 = arith.constant 1 : i32
    %scan3A_21 = scf.for %scan3A_24 = %scan3A_17 to %scan3A_19 step %scan3A_20 iter_args(%scan3A_25 = %scan3A_16) -> (i32)  : i32 {
      %mul3A_26 = arith.constant 1280 : i32
      %mul3A_27 = arith.muli %arg0, %mul3A_26 : i32
      %mul3A_28 = arith.constant 80 : i32
      %mul3A_29 = arith.muli %arg1, %mul3A_28 : i32
      %add3A_30 = arith.addi %mul3A_27, %mul3A_29 : i32
      %mul3A_31 = arith.constant 16 : i32
      %mul3A_32 = arith.muli %scan3A_24, %mul3A_31 : i32
      %add3A_33 = arith.addi %add3A_30, %mul3A_32 : i32
      "tpu.region"() ({
        %run_scoped3A = tpu.sem_alloc : memref<!tpu.dma_semaphore, #tpu.memory_space<semaphore_mem>>
        %dma_start3A_481 = arith.constant 0 : i32
        %dma_start3A_482 = tpu.memref_slice %arg3[%add3A_33, %dma_start3A_481] : memref<2560x128xi32, #tpu.memory_space<hbm>> -> memref<16x128xi32, #tpu.memory_space<hbm>>
        %dma_start3A_483 = arith.constant 0 : i32
        %dma_start3A_484 = tpu.memref_slice %arg3[%add3A_33, %dma_start3A_483] : memref<2560x128xi32, #tpu.memory_space<hbm>> -> memref<16x128xi32, #tpu.memory_space<hbm>>
        tpu.enqueue_dma source(%dma_start3A_484 : memref<16x128xi32, #tpu.memory_space<hbm>>) target(%arg7 : memref<16x128xi32, #tpu.memory_space<vmem>>) target_semaphore(%run_scoped3A : memref<!tpu.dma_semaphore, #tpu.memory_space<semaphore_mem>>)
        %dma_wait3A_485 = arith.constant 0 : i32
        %dma_wait3A_486 = tpu.memref_slice %arg3[%add3A_33, %dma_wait3A_485] : memref<2560x128xi32, #tpu.memory_space<hbm>> -> memref<16x128xi32, #tpu.memory_space<hbm>>
        %dma_wait3A_487 = arith.constant 0 : i32
        %dma_wait3A_488 = tpu.memref_slice %arg3[%add3A_33, %dma_wait3A_487] : memref<2560x128xi32, #tpu.memory_space<hbm>> -> memref<16x128xi32, #tpu.memory_space<hbm>>
        tpu.wait_dma2 semaphore(%run_scoped3A : memref<!tpu.dma_semaphore, #tpu.memory_space<semaphore_mem>>) src(%dma_wait3A_488 : memref<16x128xi32, #tpu.memory_space<hbm>>) dst(%arg7 : memref<16x128xi32, #tpu.memory_space<vmem>>)
        tpu.yield
      }) : () -> ()
      "tpu.region"() ({
        %run_scoped3A = tpu.sem_alloc : memref<!tpu.dma_semaphore, #tpu.memory_space<semaphore_mem>>
        %dma_start3A_481 = arith.constant 0 : i32
        %dma_start3A_482 = tpu.memref_slice %arg4[%add3A_33, %dma_start3A_481] : memref<2560x128xi32, #tpu.memory_space<hbm>> -> memref<16x128xi32, #tpu.memory_space<hbm>>
        %dma_start3A_483 = arith.constant 0 : i32
        %dma_start3A_484 = tpu.memref_slice %arg4[%add3A_33, %dma_start3A_483] : memref<2560x128xi32, #tpu.memory_space<hbm>> -> memref<16x128xi32, #tpu.memory_space<hbm>>
        tpu.enqueue_dma source(%dma_start3A_484 : memref<16x128xi32, #tpu.memory_space<hbm>>) target(%arg8 : memref<16x128xi32, #tpu.memory_space<vmem>>) target_semaphore(%run_scoped3A : memref<!tpu.dma_semaphore, #tpu.memory_space<semaphore_mem>>)
        %dma_wait3A_485 = arith.constant 0 : i32
        %dma_wait3A_486 = tpu.memref_slice %arg4[%add3A_33, %dma_wait3A_485] : memref<2560x128xi32, #tpu.memory_space<hbm>> -> memref<16x128xi32, #tpu.memory_space<hbm>>
        %dma_wait3A_487 = arith.constant 0 : i32
        %dma_wait3A_488 = tpu.memref_slice %arg4[%add3A_33, %dma_wait3A_487] : memref<2560x128xi32, #tpu.memory_space<hbm>> -> memref<16x128xi32, #tpu.memory_space<hbm>>
        tpu.wait_dma2 semaphore(%run_scoped3A : memref<!tpu.dma_semaphore, #tpu.memory_space<semaphore_mem>>) src(%dma_wait3A_488 : memref<16x128xi32, #tpu.memory_space<hbm>>) dst(%arg8 : memref<16x128xi32, #tpu.memory_space<vmem>>)
        tpu.yield
      }) : () -> ()
      %dma_start3A = arith.constant 0 : i32
      %dma_start3A_34 = arith.constant 0 : i32
      %dma_start3A_35 = tpu.memref_slice %arg7[%dma_start3A, %dma_start3A_34] : memref<16x128xi32, #tpu.memory_space<vmem>> -> memref<1x128xi32, #tpu.memory_space<vmem>>
      %dma_start3A_36 = tpu.memref_squeeze %dma_start3A_35 : memref<1x128xi32, #tpu.memory_space<vmem>> -> memref<128xi32, #tpu.memory_space<vmem>>
      %dma_start3A_37 = arith.constant 0 : i32
      %dma_start3A_38 = arith.constant 0 : i32
      %dma_start3A_39 = tpu.memref_slice %arg2[%dma_start3A_37, %dma_start3A_38] : memref<10000x128xf32, #tpu.memory_space<hbm>> -> memref<10000x128xf32, #tpu.memory_space<hbm>>
      tpu.enqueue_indirect_dma source(%dma_start3A_39 : memref<10000x128xf32, #tpu.memory_space<hbm>>) target(%arg9 : memref<128x128xf32, #tpu.memory_space<vmem>>) offsets(%dma_start3A_36 : memref<128xi32, #tpu.memory_space<vmem>>) semaphore(%arg11 : memref<!tpu.dma_semaphore, #tpu.memory_space<semaphore_mem>>)
      %dma_start3A_40 = arith.constant 1 : i32
      %dma_start3A_41 = arith.constant 0 : i32
      %dma_start3A_42 = tpu.memref_slice %arg7[%dma_start3A_40, %dma_start3A_41] : memref<16x128xi32, #tpu.memory_space<vmem>> -> memref<1x128xi32, #tpu.memory_space<vmem>>
      %dma_start3A_43 = tpu.memref_squeeze %dma_start3A_42 : memref<1x128xi32, #tpu.memory_space<vmem>> -> memref<128xi32, #tpu.memory_space<vmem>>
      %dma_start3A_44 = arith.constant 0 : i32
      %dma_start3A_45 = arith.constant 0 : i32
      %dma_start3A_46 = tpu.memref_slice %arg2[%dma_start3A_44, %dma_start3A_45] : memref<10000x128xf32, #tpu.memory_space<hbm>> -> memref<10000x128xf32, #tpu.memory_space<hbm>>
      tpu.enqueue_indirect_dma source(%dma_start3A_46 : memref<10000x128xf32, #tpu.memory_space<hbm>>) target(%arg10 : memref<128x128xf32, #tpu.memory_space<vmem>>) offsets(%dma_start3A_43 : memref<128xi32, #tpu.memory_space<vmem>>) semaphore(%arg11 : memref<!tpu.dma_semaphore, #tpu.memory_space<semaphore_mem>>)
      %dma_wait3A = arith.constant 0 : i32
      %dma_wait3A_47 = arith.constant 0 : i32
      %dma_wait3A_48 = tpu.memref_slice %arg7[%dma_wait3A, %dma_wait3A_47] : memref<16x128xi32, #tpu.memory_space<vmem>> -> memref<1x128xi32, #tpu.memory_space<vmem>>
      %dma_wait3A_49 = tpu.memref_squeeze %dma_wait3A_48 : memref<1x128xi32, #tpu.memory_space<vmem>> -> memref<128xi32, #tpu.memory_space<vmem>>
      %dma_wait3A_50 = arith.constant 0 : i32
      %dma_wait3A_51 = arith.constant 0 : i32
      %dma_wait3A_52 = tpu.memref_slice %arg2[%dma_wait3A_50, %dma_wait3A_51] : memref<10000x128xf32, #tpu.memory_space<hbm>> -> memref<10000x128xf32, #tpu.memory_space<hbm>>
      tpu.wait_indirect_dma semaphore(%arg11 : memref<!tpu.dma_semaphore, #tpu.memory_space<semaphore_mem>>) src(%dma_wait3A_52 : memref<10000x128xf32, #tpu.memory_space<hbm>>) dst(%arg9 : memref<128x128xf32, #tpu.memory_space<vmem>>)
      %dma_start3A_53 = arith.constant 0 : i32
      %dma_start3A_54 = arith.constant 0 : i32
      %dma_start3A_55 = tpu.memref_slice %arg8[%dma_start3A_53, %dma_start3A_54] : memref<16x128xi32, #tpu.memory_space<vmem>> -> memref<1x128xi32, #tpu.memory_space<vmem>>
      %dma_start3A_56 = tpu.memref_squeeze %dma_start3A_55 : memref<1x128xi32, #tpu.memory_space<vmem>> -> memref<128xi32, #tpu.memory_space<vmem>>
      %dma_start3A_57 = arith.constant 0 : i32
      %dma_start3A_58 = arith.constant 0 : i32
      %dma_start3A_59 = tpu.memref_slice %arg6[%dma_start3A_57, %dma_start3A_58] : memref<10240x128xf32, #tpu.memory_space<vmem_shared>> -> memref<10240x128xf32, #tpu.memory_space<vmem_shared>>
      tpu.enqueue_indirect_dma source(%arg9 : memref<128x128xf32, #tpu.memory_space<vmem>>) target(%dma_start3A_59 : memref<10240x128xf32, #tpu.memory_space<vmem_shared>>) offsets(%dma_start3A_56 : memref<128xi32, #tpu.memory_space<vmem>>) semaphore(%arg12 : memref<!tpu.dma_semaphore, #tpu.memory_space<semaphore_mem>>) {add = true}
      %dma_wait3A_60 = arith.constant 0 : i32
      %dma_wait3A_61 = arith.constant 0 : i32
      %dma_wait3A_62 = tpu.memref_slice %arg8[%dma_wait3A_60, %dma_wait3A_61] : memref<16x128xi32, #tpu.memory_space<vmem>> -> memref<1x128xi32, #tpu.memory_space<vmem>>
      %dma_wait3A_63 = tpu.memref_squeeze %dma_wait3A_62 : memref<1x128xi32, #tpu.memory_space<vmem>> -> memref<128xi32, #tpu.memory_space<vmem>>
      %dma_wait3A_64 = arith.constant 0 : i32
      %dma_wait3A_65 = arith.constant 0 : i32
      %dma_wait3A_66 = tpu.memref_slice %arg6[%dma_wait3A_64, %dma_wait3A_65] : memref<10240x128xf32, #tpu.memory_space<vmem_shared>> -> memref<10240x128xf32, #tpu.memory_space<vmem_shared>>
      tpu.wait_indirect_dma semaphore(%arg12 : memref<!tpu.dma_semaphore, #tpu.memory_space<semaphore_mem>>) src(%arg9 : memref<128x128xf32, #tpu.memory_space<vmem>>) dst(%dma_wait3A_66 : memref<10240x128xf32, #tpu.memory_space<vmem_shared>>)
      %dma_start3A_67 = arith.constant 2 : i32
      %dma_start3A_68 = arith.constant 0 : i32
      %dma_start3A_69 = tpu.memref_slice %arg7[%dma_start3A_67, %dma_start3A_68] : memref<16x128xi32, #tpu.memory_space<vmem>> -> memref<1x128xi32, #tpu.memory_space<vmem>>
      %dma_start3A_70 = tpu.memref_squeeze %dma_start3A_69 : memref<1x128xi32, #tpu.memory_space<vmem>> -> memref<128xi32, #tpu.memory_space<vmem>>
      %dma_start3A_71 = arith.constant 0 : i32
      %dma_start3A_72 = arith.constant 0 : i32
      %dma_start3A_73 = tpu.memref_slice %arg2[%dma_start3A_71, %dma_start3A_72] : memref<10000x128xf32, #tpu.memory_space<hbm>> -> memref<10000x128xf32, #tpu.memory_space<hbm>>
      tpu.enqueue_indirect_dma source(%dma_start3A_73 : memref<10000x128xf32, #tpu.memory_space<hbm>>) target(%arg9 : memref<128x128xf32, #tpu.memory_space<vmem>>) offsets(%dma_start3A_70 : memref<128xi32, #tpu.memory_space<vmem>>) semaphore(%arg11 : memref<!tpu.dma_semaphore, #tpu.memory_space<semaphore_mem>>)
      %dma_wait3A_74 = arith.constant 1 : i32
      %dma_wait3A_75 = arith.constant 0 : i32
      %dma_wait3A_76 = tpu.memref_slice %arg7[%dma_wait3A_74, %dma_wait3A_75] : memref<16x128xi32, #tpu.memory_space<vmem>> -> memref<1x128xi32, #tpu.memory_space<vmem>>
      %dma_wait3A_77 = tpu.memref_squeeze %dma_wait3A_76 : memref<1x128xi32, #tpu.memory_space<vmem>> -> memref<128xi32, #tpu.memory_space<vmem>>
      %dma_wait3A_78 = arith.constant 0 : i32
      %dma_wait3A_79 = arith.constant 0 : i32
      %dma_wait3A_80 = tpu.memref_slice %arg2[%dma_wait3A_78, %dma_wait3A_79] : memref<10000x128xf32, #tpu.memory_space<hbm>> -> memref<10000x128xf32, #tpu.memory_space<hbm>>
      tpu.wait_indirect_dma semaphore(%arg11 : memref<!tpu.dma_semaphore, #tpu.memory_space<semaphore_mem>>) src(%dma_wait3A_80 : memref<10000x128xf32, #tpu.memory_space<hbm>>) dst(%arg10 : memref<128x128xf32, #tpu.memory_space<vmem>>)
      %dma_start3A_81 = arith.constant 1 : i32
      %dma_start3A_82 = arith.constant 0 : i32
      %dma_start3A_83 = tpu.memref_slice %arg8[%dma_start3A_81, %dma_start3A_82] : memref<16x128xi32, #tpu.memory_space<vmem>> -> memref<1x128xi32, #tpu.memory_space<vmem>>
      %dma_start3A_84 = tpu.memref_squeeze %dma_start3A_83 : memref<1x128xi32, #tpu.memory_space<vmem>> -> memref<128xi32, #tpu.memory_space<vmem>>
      %dma_start3A_85 = arith.constant 0 : i32
      %dma_start3A_86 = arith.constant 0 : i32
      %dma_start3A_87 = tpu.memref_slice %arg6[%dma_start3A_85, %dma_start3A_86] : memref<10240x128xf32, #tpu.memory_space<vmem_shared>> -> memref<10240x128xf32, #tpu.memory_space<vmem_shared>>
      tpu.enqueue_indirect_dma source(%arg10 : memref<128x128xf32, #tpu.memory_space<vmem>>) target(%dma_start3A_87 : memref<10240x128xf32, #tpu.memory_space<vmem_shared>>) offsets(%dma_start3A_84 : memref<128xi32, #tpu.memory_space<vmem>>) semaphore(%arg12 : memref<!tpu.dma_semaphore, #tpu.memory_space<semaphore_mem>>) {add = true}
      %dma_wait3A_88 = arith.constant 1 : i32
      %dma_wait3A_89 = arith.constant 0 : i32
      %dma_wait3A_90 = tpu.memref_slice %arg8[%dma_wait3A_88, %dma_wait3A_89] : memref<16x128xi32, #tpu.memory_space<vmem>> -> memref<1x128xi32, #tpu.memory_space<vmem>>
      %dma_wait3A_91 = tpu.memref_squeeze %dma_wait3A_90 : memref<1x128xi32, #tpu.memory_space<vmem>> -> memref<128xi32, #tpu.memory_space<vmem>>
      %dma_wait3A_92 = arith.constant 0 : i32
      %dma_wait3A_93 = arith.constant 0 : i32
      %dma_wait3A_94 = tpu.memref_slice %arg6[%dma_wait3A_92, %dma_wait3A_93] : memref<10240x128xf32, #tpu.memory_space<vmem_shared>> -> memref<10240x128xf32, #tpu.memory_space<vmem_shared>>
      tpu.wait_indirect_dma semaphore(%arg12 : memref<!tpu.dma_semaphore, #tpu.memory_space<semaphore_mem>>) src(%arg10 : memref<128x128xf32, #tpu.memory_space<vmem>>) dst(%dma_wait3A_94 : memref<10240x128xf32, #tpu.memory_space<vmem_shared>>)
      %dma_start3A_95 = arith.constant 3 : i32
      %dma_start3A_96 = arith.constant 0 : i32
      %dma_start3A_97 = tpu.memref_slice %arg7[%dma_start3A_95, %dma_start3A_96] : memref<16x128xi32, #tpu.memory_space<vmem>> -> memref<1x128xi32, #tpu.memory_space<vmem>>
      %dma_start3A_98 = tpu.memref_squeeze %dma_start3A_97 : memref<1x128xi32, #tpu.memory_space<vmem>> -> memref<128xi32, #tpu.memory_space<vmem>>
      %dma_start3A_99 = arith.constant 0 : i32
      %dma_start3A_100 = arith.constant 0 : i32
      %dma_start3A_101 = tpu.memref_slice %arg2[%dma_start3A_99, %dma_start3A_100] : memref<10000x128xf32, #tpu.memory_space<hbm>> -> memref<10000x128xf32, #tpu.memory_space<hbm>>
      tpu.enqueue_indirect_dma source(%dma_start3A_101 : memref<10000x128xf32, #tpu.memory_space<hbm>>) target(%arg10 : memref<128x128xf32, #tpu.memory_space<vmem>>) offsets(%dma_start3A_98 : memref<128xi32, #tpu.memory_space<vmem>>) semaphore(%arg11 : memref<!tpu.dma_semaphore, #tpu.memory_space<semaphore_mem>>)
      %dma_wait3A_102 = arith.constant 2 : i32
      %dma_wait3A_103 = arith.constant 0 : i32
      %dma_wait3A_104 = tpu.memref_slice %arg7[%dma_wait3A_102, %dma_wait3A_103] : memref<16x128xi32, #tpu.memory_space<vmem>> -> memref<1x128xi32, #tpu.memory_space<vmem>>
      %dma_wait3A_105 = tpu.memref_squeeze %dma_wait3A_104 : memref<1x128xi32, #tpu.memory_space<vmem>> -> memref<128xi32, #tpu.memory_space<vmem>>
      %dma_wait3A_106 = arith.constant 0 : i32
      %dma_wait3A_107 = arith.constant 0 : i32
      %dma_wait3A_108 = tpu.memref_slice %arg2[%dma_wait3A_106, %dma_wait3A_107] : memref<10000x128xf32, #tpu.memory_space<hbm>> -> memref<10000x128xf32, #tpu.memory_space<hbm>>
      tpu.wait_indirect_dma semaphore(%arg11 : memref<!tpu.dma_semaphore, #tpu.memory_space<semaphore_mem>>) src(%dma_wait3A_108 : memref<10000x128xf32, #tpu.memory_space<hbm>>) dst(%arg9 : memref<128x128xf32, #tpu.memory_space<vmem>>)
      %dma_start3A_109 = arith.constant 2 : i32
      %dma_start3A_110 = arith.constant 0 : i32
      %dma_start3A_111 = tpu.memref_slice %arg8[%dma_start3A_109, %dma_start3A_110] : memref<16x128xi32, #tpu.memory_space<vmem>> -> memref<1x128xi32, #tpu.memory_space<vmem>>
      %dma_start3A_112 = tpu.memref_squeeze %dma_start3A_111 : memref<1x128xi32, #tpu.memory_space<vmem>> -> memref<128xi32, #tpu.memory_space<vmem>>
      %dma_start3A_113 = arith.constant 0 : i32
      %dma_start3A_114 = arith.constant 0 : i32
      %dma_start3A_115 = tpu.memref_slice %arg6[%dma_start3A_113, %dma_start3A_114] : memref<10240x128xf32, #tpu.memory_space<vmem_shared>> -> memref<10240x128xf32, #tpu.memory_space<vmem_shared>>
      tpu.enqueue_indirect_dma source(%arg9 : memref<128x128xf32, #tpu.memory_space<vmem>>) target(%dma_start3A_115 : memref<10240x128xf32, #tpu.memory_space<vmem_shared>>) offsets(%dma_start3A_112 : memref<128xi32, #tpu.memory_space<vmem>>) semaphore(%arg12 : memref<!tpu.dma_semaphore, #tpu.memory_space<semaphore_mem>>) {add = true}
      %dma_wait3A_116 = arith.constant 2 : i32
      %dma_wait3A_117 = arith.constant 0 : i32
      %dma_wait3A_118 = tpu.memref_slice %arg8[%dma_wait3A_116, %dma_wait3A_117] : memref<16x128xi32, #tpu.memory_space<vmem>> -> memref<1x128xi32, #tpu.memory_space<vmem>>
      %dma_wait3A_119 = tpu.memref_squeeze %dma_wait3A_118 : memref<1x128xi32, #tpu.memory_space<vmem>> -> memref<128xi32, #tpu.memory_space<vmem>>
      %dma_wait3A_120 = arith.constant 0 : i32
      %dma_wait3A_121 = arith.constant 0 : i32
      %dma_wait3A_122 = tpu.memref_slice %arg6[%dma_wait3A_120, %dma_wait3A_121] : memref<10240x128xf32, #tpu.memory_space<vmem_shared>> -> memref<10240x128xf32, #tpu.memory_space<vmem_shared>>
      tpu.wait_indirect_dma semaphore(%arg12 : memref<!tpu.dma_semaphore, #tpu.memory_space<semaphore_mem>>) src(%arg9 : memref<128x128xf32, #tpu.memory_space<vmem>>) dst(%dma_wait3A_122 : memref<10240x128xf32, #tpu.memory_space<vmem_shared>>)
      %dma_start3A_123 = arith.constant 4 : i32
      %dma_start3A_124 = arith.constant 0 : i32
      %dma_start3A_125 = tpu.memref_slice %arg7[%dma_start3A_123, %dma_start3A_124] : memref<16x128xi32, #tpu.memory_space<vmem>> -> memref<1x128xi32, #tpu.memory_space<vmem>>
      %dma_start3A_126 = tpu.memref_squeeze %dma_start3A_125 : memref<1x128xi32, #tpu.memory_space<vmem>> -> memref<128xi32, #tpu.memory_space<vmem>>
      %dma_start3A_127 = arith.constant 0 : i32
      %dma_start3A_128 = arith.constant 0 : i32
      %dma_start3A_129 = tpu.memref_slice %arg2[%dma_start3A_127, %dma_start3A_128] : memref<10000x128xf32, #tpu.memory_space<hbm>> -> memref<10000x128xf32, #tpu.memory_space<hbm>>
      tpu.enqueue_indirect_dma source(%dma_start3A_129 : memref<10000x128xf32, #tpu.memory_space<hbm>>) target(%arg9 : memref<128x128xf32, #tpu.memory_space<vmem>>) offsets(%dma_start3A_126 : memref<128xi32, #tpu.memory_space<vmem>>) semaphore(%arg11 : memref<!tpu.dma_semaphore, #tpu.memory_space<semaphore_mem>>)
      %dma_wait3A_130 = arith.constant 3 : i32
      %dma_wait3A_131 = arith.constant 0 : i32
      %dma_wait3A_132 = tpu.memref_slice %arg7[%dma_wait3A_130, %dma_wait3A_131] : memref<16x128xi32, #tpu.memory_space<vmem>> -> memref<1x128xi32, #tpu.memory_space<vmem>>
      %dma_wait3A_133 = tpu.memref_squeeze %dma_wait3A_132 : memref<1x128xi32, #tpu.memory_space<vmem>> -> memref<128xi32, #tpu.memory_space<vmem>>
      %dma_wait3A_134 = arith.constant 0 : i32
      %dma_wait3A_135 = arith.constant 0 : i32
      %dma_wait3A_136 = tpu.memref_slice %arg2[%dma_wait3A_134, %dma_wait3A_135] : memref<10000x128xf32, #tpu.memory_space<hbm>> -> memref<10000x128xf32, #tpu.memory_space<hbm>>
      tpu.wait_indirect_dma semaphore(%arg11 : memref<!tpu.dma_semaphore, #tpu.memory_space<semaphore_mem>>) src(%dma_wait3A_136 : memref<10000x128xf32, #tpu.memory_space<hbm>>) dst(%arg10 : memref<128x128xf32, #tpu.memory_space<vmem>>)
      %dma_start3A_137 = arith.constant 3 : i32
      %dma_start3A_138 = arith.constant 0 : i32
      %dma_start3A_139 = tpu.memref_slice %arg8[%dma_start3A_137, %dma_start3A_138] : memref<16x128xi32, #tpu.memory_space<vmem>> -> memref<1x128xi32, #tpu.memory_space<vmem>>
      %dma_start3A_140 = tpu.memref_squeeze %dma_start3A_139 : memref<1x128xi32, #tpu.memory_space<vmem>> -> memref<128xi32, #tpu.memory_space<vmem>>
      %dma_start3A_141 = arith.constant 0 : i32
      %dma_start3A_142 = arith.constant 0 : i32
      %dma_start3A_143 = tpu.memref_slice %arg6[%dma_start3A_141, %dma_start3A_142] : memref<10240x128xf32, #tpu.memory_space<vmem_shared>> -> memref<10240x128xf32, #tpu.memory_space<vmem_shared>>
      tpu.enqueue_indirect_dma source(%arg10 : memref<128x128xf32, #tpu.memory_space<vmem>>) target(%dma_start3A_143 : memref<10240x128xf32, #tpu.memory_space<vmem_shared>>) offsets(%dma_start3A_140 : memref<128xi32, #tpu.memory_space<vmem>>) semaphore(%arg12 : memref<!tpu.dma_semaphore, #tpu.memory_space<semaphore_mem>>) {add = true}
      %dma_wait3A_144 = arith.constant 3 : i32
      %dma_wait3A_145 = arith.constant 0 : i32
      %dma_wait3A_146 = tpu.memref_slice %arg8[%dma_wait3A_144, %dma_wait3A_145] : memref<16x128xi32, #tpu.memory_space<vmem>> -> memref<1x128xi32, #tpu.memory_space<vmem>>
      %dma_wait3A_147 = tpu.memref_squeeze %dma_wait3A_146 : memref<1x128xi32, #tpu.memory_space<vmem>> -> memref<128xi32, #tpu.memory_space<vmem>>
      %dma_wait3A_148 = arith.constant 0 : i32
      %dma_wait3A_149 = arith.constant 0 : i32
      %dma_wait3A_150 = tpu.memref_slice %arg6[%dma_wait3A_148, %dma_wait3A_149] : memref<10240x128xf32, #tpu.memory_space<vmem_shared>> -> memref<10240x128xf32, #tpu.memory_space<vmem_shared>>
      tpu.wait_indirect_dma semaphore(%arg12 : memref<!tpu.dma_semaphore, #tpu.memory_space<semaphore_mem>>) src(%arg10 : memref<128x128xf32, #tpu.memory_space<vmem>>) dst(%dma_wait3A_150 : memref<10240x128xf32, #tpu.memory_space<vmem_shared>>)
      %dma_start3A_151 = arith.constant 5 : i32
      %dma_start3A_152 = arith.constant 0 : i32
      %dma_start3A_153 = tpu.memref_slice %arg7[%dma_start3A_151, %dma_start3A_152] : memref<16x128xi32, #tpu.memory_space<vmem>> -> memref<1x128xi32, #tpu.memory_space<vmem>>
      %dma_start3A_154 = tpu.memref_squeeze %dma_start3A_153 : memref<1x128xi32, #tpu.memory_space<vmem>> -> memref<128xi32, #tpu.memory_space<vmem>>
      %dma_start3A_155 = arith.constant 0 : i32
      %dma_start3A_156 = arith.constant 0 : i32
      %dma_start3A_157 = tpu.memref_slice %arg2[%dma_start3A_155, %dma_start3A_156] : memref<10000x128xf32, #tpu.memory_space<hbm>> -> memref<10000x128xf32, #tpu.memory_space<hbm>>
      tpu.enqueue_indirect_dma source(%dma_start3A_157 : memref<10000x128xf32, #tpu.memory_space<hbm>>) target(%arg10 : memref<128x128xf32, #tpu.memory_space<vmem>>) offsets(%dma_start3A_154 : memref<128xi32, #tpu.memory_space<vmem>>) semaphore(%arg11 : memref<!tpu.dma_semaphore, #tpu.memory_space<semaphore_mem>>)
      %dma_wait3A_158 = arith.constant 4 : i32
      %dma_wait3A_159 = arith.constant 0 : i32
      %dma_wait3A_160 = tpu.memref_slice %arg7[%dma_wait3A_158, %dma_wait3A_159] : memref<16x128xi32, #tpu.memory_space<vmem>> -> memref<1x128xi32, #tpu.memory_space<vmem>>
      %dma_wait3A_161 = tpu.memref_squeeze %dma_wait3A_160 : memref<1x128xi32, #tpu.memory_space<vmem>> -> memref<128xi32, #tpu.memory_space<vmem>>
      %dma_wait3A_162 = arith.constant 0 : i32
      %dma_wait3A_163 = arith.constant 0 : i32
      %dma_wait3A_164 = tpu.memref_slice %arg2[%dma_wait3A_162, %dma_wait3A_163] : memref<10000x128xf32, #tpu.memory_space<hbm>> -> memref<10000x128xf32, #tpu.memory_space<hbm>>
      tpu.wait_indirect_dma semaphore(%arg11 : memref<!tpu.dma_semaphore, #tpu.memory_space<semaphore_mem>>) src(%dma_wait3A_164 : memref<10000x128xf32, #tpu.memory_space<hbm>>) dst(%arg9 : memref<128x128xf32, #tpu.memory_space<vmem>>)
      %dma_start3A_165 = arith.constant 4 : i32
      %dma_start3A_166 = arith.constant 0 : i32
      %dma_start3A_167 = tpu.memref_slice %arg8[%dma_start3A_165, %dma_start3A_166] : memref<16x128xi32, #tpu.memory_space<vmem>> -> memref<1x128xi32, #tpu.memory_space<vmem>>
      %dma_start3A_168 = tpu.memref_squeeze %dma_start3A_167 : memref<1x128xi32, #tpu.memory_space<vmem>> -> memref<128xi32, #tpu.memory_space<vmem>>
      %dma_start3A_169 = arith.constant 0 : i32
      %dma_start3A_170 = arith.constant 0 : i32
      %dma_start3A_171 = tpu.memref_slice %arg6[%dma_start3A_169, %dma_start3A_170] : memref<10240x128xf32, #tpu.memory_space<vmem_shared>> -> memref<10240x128xf32, #tpu.memory_space<vmem_shared>>
      tpu.enqueue_indirect_dma source(%arg9 : memref<128x128xf32, #tpu.memory_space<vmem>>) target(%dma_start3A_171 : memref<10240x128xf32, #tpu.memory_space<vmem_shared>>) offsets(%dma_start3A_168 : memref<128xi32, #tpu.memory_space<vmem>>) semaphore(%arg12 : memref<!tpu.dma_semaphore, #tpu.memory_space<semaphore_mem>>) {add = true}
      %dma_wait3A_172 = arith.constant 4 : i32
      %dma_wait3A_173 = arith.constant 0 : i32
      %dma_wait3A_174 = tpu.memref_slice %arg8[%dma_wait3A_172, %dma_wait3A_173] : memref<16x128xi32, #tpu.memory_space<vmem>> -> memref<1x128xi32, #tpu.memory_space<vmem>>
      %dma_wait3A_175 = tpu.memref_squeeze %dma_wait3A_174 : memref<1x128xi32, #tpu.memory_space<vmem>> -> memref<128xi32, #tpu.memory_space<vmem>>
      %dma_wait3A_176 = arith.constant 0 : i32
      %dma_wait3A_177 = arith.constant 0 : i32
      %dma_wait3A_178 = tpu.memref_slice %arg6[%dma_wait3A_176, %dma_wait3A_177] : memref<10240x128xf32, #tpu.memory_space<vmem_shared>> -> memref<10240x128xf32, #tpu.memory_space<vmem_shared>>
      tpu.wait_indirect_dma semaphore(%arg12 : memref<!tpu.dma_semaphore, #tpu.memory_space<semaphore_mem>>) src(%arg9 : memref<128x128xf32, #tpu.memory_space<vmem>>) dst(%dma_wait3A_178 : memref<10240x128xf32, #tpu.memory_space<vmem_shared>>)
      %dma_start3A_179 = arith.constant 6 : i32
      %dma_start3A_180 = arith.constant 0 : i32
      %dma_start3A_181 = tpu.memref_slice %arg7[%dma_start3A_179, %dma_start3A_180] : memref<16x128xi32, #tpu.memory_space<vmem>> -> memref<1x128xi32, #tpu.memory_space<vmem>>
      %dma_start3A_182 = tpu.memref_squeeze %dma_start3A_181 : memref<1x128xi32, #tpu.memory_space<vmem>> -> memref<128xi32, #tpu.memory_space<vmem>>
      %dma_start3A_183 = arith.constant 0 : i32
      %dma_start3A_184 = arith.constant 0 : i32
      %dma_start3A_185 = tpu.memref_slice %arg2[%dma_start3A_183, %dma_start3A_184] : memref<10000x128xf32, #tpu.memory_space<hbm>> -> memref<10000x128xf32, #tpu.memory_space<hbm>>
      tpu.enqueue_indirect_dma source(%dma_start3A_185 : memref<10000x128xf32, #tpu.memory_space<hbm>>) target(%arg9 : memref<128x128xf32, #tpu.memory_space<vmem>>) offsets(%dma_start3A_182 : memref<128xi32, #tpu.memory_space<vmem>>) semaphore(%arg11 : memref<!tpu.dma_semaphore, #tpu.memory_space<semaphore_mem>>)
      %dma_wait3A_186 = arith.constant 5 : i32
      %dma_wait3A_187 = arith.constant 0 : i32
      %dma_wait3A_188 = tpu.memref_slice %arg7[%dma_wait3A_186, %dma_wait3A_187] : memref<16x128xi32, #tpu.memory_space<vmem>> -> memref<1x128xi32, #tpu.memory_space<vmem>>
      %dma_wait3A_189 = tpu.memref_squeeze %dma_wait3A_188 : memref<1x128xi32, #tpu.memory_space<vmem>> -> memref<128xi32, #tpu.memory_space<vmem>>
      %dma_wait3A_190 = arith.constant 0 : i32
      %dma_wait3A_191 = arith.constant 0 : i32
      %dma_wait3A_192 = tpu.memref_slice %arg2[%dma_wait3A_190, %dma_wait3A_191] : memref<10000x128xf32, #tpu.memory_space<hbm>> -> memref<10000x128xf32, #tpu.memory_space<hbm>>
      tpu.wait_indirect_dma semaphore(%arg11 : memref<!tpu.dma_semaphore, #tpu.memory_space<semaphore_mem>>) src(%dma_wait3A_192 : memref<10000x128xf32, #tpu.memory_space<hbm>>) dst(%arg10 : memref<128x128xf32, #tpu.memory_space<vmem>>)
      %dma_start3A_193 = arith.constant 5 : i32
      %dma_start3A_194 = arith.constant 0 : i32
      %dma_start3A_195 = tpu.memref_slice %arg8[%dma_start3A_193, %dma_start3A_194] : memref<16x128xi32, #tpu.memory_space<vmem>> -> memref<1x128xi32, #tpu.memory_space<vmem>>
      %dma_start3A_196 = tpu.memref_squeeze %dma_start3A_195 : memref<1x128xi32, #tpu.memory_space<vmem>> -> memref<128xi32, #tpu.memory_space<vmem>>
      %dma_start3A_197 = arith.constant 0 : i32
      %dma_start3A_198 = arith.constant 0 : i32
      %dma_start3A_199 = tpu.memref_slice %arg6[%dma_start3A_197, %dma_start3A_198] : memref<10240x128xf32, #tpu.memory_space<vmem_shared>> -> memref<10240x128xf32, #tpu.memory_space<vmem_shared>>
      tpu.enqueue_indirect_dma source(%arg10 : memref<128x128xf32, #tpu.memory_space<vmem>>) target(%dma_start3A_199 : memref<10240x128xf32, #tpu.memory_space<vmem_shared>>) offsets(%dma_start3A_196 : memref<128xi32, #tpu.memory_space<vmem>>) semaphore(%arg12 : memref<!tpu.dma_semaphore, #tpu.memory_space<semaphore_mem>>) {add = true}
      %dma_wait3A_200 = arith.constant 5 : i32
      %dma_wait3A_201 = arith.constant 0 : i32
      %dma_wait3A_202 = tpu.memref_slice %arg8[%dma_wait3A_200, %dma_wait3A_201] : memref<16x128xi32, #tpu.memory_space<vmem>> -> memref<1x128xi32, #tpu.memory_space<vmem>>
      %dma_wait3A_203 = tpu.memref_squeeze %dma_wait3A_202 : memref<1x128xi32, #tpu.memory_space<vmem>> -> memref<128xi32, #tpu.memory_space<vmem>>
      %dma_wait3A_204 = arith.constant 0 : i32
      %dma_wait3A_205 = arith.constant 0 : i32
      %dma_wait3A_206 = tpu.memref_slice %arg6[%dma_wait3A_204, %dma_wait3A_205] : memref<10240x128xf32, #tpu.memory_space<vmem_shared>> -> memref<10240x128xf32, #tpu.memory_space<vmem_shared>>
      tpu.wait_indirect_dma semaphore(%arg12 : memref<!tpu.dma_semaphore, #tpu.memory_space<semaphore_mem>>) src(%arg10 : memref<128x128xf32, #tpu.memory_space<vmem>>) dst(%dma_wait3A_206 : memref<10240x128xf32, #tpu.memory_space<vmem_shared>>)
      %dma_start3A_207 = arith.constant 7 : i32
      %dma_start3A_208 = arith.constant 0 : i32
      %dma_start3A_209 = tpu.memref_slice %arg7[%dma_start3A_207, %dma_start3A_208] : memref<16x128xi32, #tpu.memory_space<vmem>> -> memref<1x128xi32, #tpu.memory_space<vmem>>
      %dma_start3A_210 = tpu.memref_squeeze %dma_start3A_209 : memref<1x128xi32, #tpu.memory_space<vmem>> -> memref<128xi32, #tpu.memory_space<vmem>>
      %dma_start3A_211 = arith.constant 0 : i32
      %dma_start3A_212 = arith.constant 0 : i32
      %dma_start3A_213 = tpu.memref_slice %arg2[%dma_start3A_211, %dma_start3A_212] : memref<10000x128xf32, #tpu.memory_space<hbm>> -> memref<10000x128xf32, #tpu.memory_space<hbm>>
      tpu.enqueue_indirect_dma source(%dma_start3A_213 : memref<10000x128xf32, #tpu.memory_space<hbm>>) target(%arg10 : memref<128x128xf32, #tpu.memory_space<vmem>>) offsets(%dma_start3A_210 : memref<128xi32, #tpu.memory_space<vmem>>) semaphore(%arg11 : memref<!tpu.dma_semaphore, #tpu.memory_space<semaphore_mem>>)
      %dma_wait3A_214 = arith.constant 6 : i32
      %dma_wait3A_215 = arith.constant 0 : i32
      %dma_wait3A_216 = tpu.memref_slice %arg7[%dma_wait3A_214, %dma_wait3A_215] : memref<16x128xi32, #tpu.memory_space<vmem>> -> memref<1x128xi32, #tpu.memory_space<vmem>>
      %dma_wait3A_217 = tpu.memref_squeeze %dma_wait3A_216 : memref<1x128xi32, #tpu.memory_space<vmem>> -> memref<128xi32, #tpu.memory_space<vmem>>
      %dma_wait3A_218 = arith.constant 0 : i32
      %dma_wait3A_219 = arith.constant 0 : i32
      %dma_wait3A_220 = tpu.memref_slice %arg2[%dma_wait3A_218, %dma_wait3A_219] : memref<10000x128xf32, #tpu.memory_space<hbm>> -> memref<10000x128xf32, #tpu.memory_space<hbm>>
      tpu.wait_indirect_dma semaphore(%arg11 : memref<!tpu.dma_semaphore, #tpu.memory_space<semaphore_mem>>) src(%dma_wait3A_220 : memref<10000x128xf32, #tpu.memory_space<hbm>>) dst(%arg9 : memref<128x128xf32, #tpu.memory_space<vmem>>)
      %dma_start3A_221 = arith.constant 6 : i32
      %dma_start3A_222 = arith.constant 0 : i32
      %dma_start3A_223 = tpu.memref_slice %arg8[%dma_start3A_221, %dma_start3A_222] : memref<16x128xi32, #tpu.memory_space<vmem>> -> memref<1x128xi32, #tpu.memory_space<vmem>>
      %dma_start3A_224 = tpu.memref_squeeze %dma_start3A_223 : memref<1x128xi32, #tpu.memory_space<vmem>> -> memref<128xi32, #tpu.memory_space<vmem>>
      %dma_start3A_225 = arith.constant 0 : i32
      %dma_start3A_226 = arith.constant 0 : i32
      %dma_start3A_227 = tpu.memref_slice %arg6[%dma_start3A_225, %dma_start3A_226] : memref<10240x128xf32, #tpu.memory_space<vmem_shared>> -> memref<10240x128xf32, #tpu.memory_space<vmem_shared>>
      tpu.enqueue_indirect_dma source(%arg9 : memref<128x128xf32, #tpu.memory_space<vmem>>) target(%dma_start3A_227 : memref<10240x128xf32, #tpu.memory_space<vmem_shared>>) offsets(%dma_start3A_224 : memref<128xi32, #tpu.memory_space<vmem>>) semaphore(%arg12 : memref<!tpu.dma_semaphore, #tpu.memory_space<semaphore_mem>>) {add = true}
      %dma_wait3A_228 = arith.constant 6 : i32
      %dma_wait3A_229 = arith.constant 0 : i32
      %dma_wait3A_230 = tpu.memref_slice %arg8[%dma_wait3A_228, %dma_wait3A_229] : memref<16x128xi32, #tpu.memory_space<vmem>> -> memref<1x128xi32, #tpu.memory_space<vmem>>
      %dma_wait3A_231 = tpu.memref_squeeze %dma_wait3A_230 : memref<1x128xi32, #tpu.memory_space<vmem>> -> memref<128xi32, #tpu.memory_space<vmem>>
      %dma_wait3A_232 = arith.constant 0 : i32
      %dma_wait3A_233 = arith.constant 0 : i32
      %dma_wait3A_234 = tpu.memref_slice %arg6[%dma_wait3A_232, %dma_wait3A_233] : memref<10240x128xf32, #tpu.memory_space<vmem_shared>> -> memref<10240x128xf32, #tpu.memory_space<vmem_shared>>
      tpu.wait_indirect_dma semaphore(%arg12 : memref<!tpu.dma_semaphore, #tpu.memory_space<semaphore_mem>>) src(%arg9 : memref<128x128xf32, #tpu.memory_space<vmem>>) dst(%dma_wait3A_234 : memref<10240x128xf32, #tpu.memory_space<vmem_shared>>)
      %dma_start3A_235 = arith.constant 8 : i32
      %dma_start3A_236 = arith.constant 0 : i32
      %dma_start3A_237 = tpu.memref_slice %arg7[%dma_start3A_235, %dma_start3A_236] : memref<16x128xi32, #tpu.memory_space<vmem>> -> memref<1x128xi32, #tpu.memory_space<vmem>>
      %dma_start3A_238 = tpu.memref_squeeze %dma_start3A_237 : memref<1x128xi32, #tpu.memory_space<vmem>> -> memref<128xi32, #tpu.memory_space<vmem>>
      %dma_start3A_239 = arith.constant 0 : i32
      %dma_start3A_240 = arith.constant 0 : i32
      %dma_start3A_241 = tpu.memref_slice %arg2[%dma_start3A_239, %dma_start3A_240] : memref<10000x128xf32, #tpu.memory_space<hbm>> -> memref<10000x128xf32, #tpu.memory_space<hbm>>
      tpu.enqueue_indirect_dma source(%dma_start3A_241 : memref<10000x128xf32, #tpu.memory_space<hbm>>) target(%arg9 : memref<128x128xf32, #tpu.memory_space<vmem>>) offsets(%dma_start3A_238 : memref<128xi32, #tpu.memory_space<vmem>>) semaphore(%arg11 : memref<!tpu.dma_semaphore, #tpu.memory_space<semaphore_mem>>)
      %dma_wait3A_242 = arith.constant 7 : i32
      %dma_wait3A_243 = arith.constant 0 : i32
      %dma_wait3A_244 = tpu.memref_slice %arg7[%dma_wait3A_242, %dma_wait3A_243] : memref<16x128xi32, #tpu.memory_space<vmem>> -> memref<1x128xi32, #tpu.memory_space<vmem>>
      %dma_wait3A_245 = tpu.memref_squeeze %dma_wait3A_244 : memref<1x128xi32, #tpu.memory_space<vmem>> -> memref<128xi32, #tpu.memory_space<vmem>>
      %dma_wait3A_246 = arith.constant 0 : i32
      %dma_wait3A_247 = arith.constant 0 : i32
      %dma_wait3A_248 = tpu.memref_slice %arg2[%dma_wait3A_246, %dma_wait3A_247] : memref<10000x128xf32, #tpu.memory_space<hbm>> -> memref<10000x128xf32, #tpu.memory_space<hbm>>
      tpu.wait_indirect_dma semaphore(%arg11 : memref<!tpu.dma_semaphore, #tpu.memory_space<semaphore_mem>>) src(%dma_wait3A_248 : memref<10000x128xf32, #tpu.memory_space<hbm>>) dst(%arg10 : memref<128x128xf32, #tpu.memory_space<vmem>>)
      %dma_start3A_249 = arith.constant 7 : i32
      %dma_start3A_250 = arith.constant 0 : i32
      %dma_start3A_251 = tpu.memref_slice %arg8[%dma_start3A_249, %dma_start3A_250] : memref<16x128xi32, #tpu.memory_space<vmem>> -> memref<1x128xi32, #tpu.memory_space<vmem>>
      %dma_start3A_252 = tpu.memref_squeeze %dma_start3A_251 : memref<1x128xi32, #tpu.memory_space<vmem>> -> memref<128xi32, #tpu.memory_space<vmem>>
      %dma_start3A_253 = arith.constant 0 : i32
      %dma_start3A_254 = arith.constant 0 : i32
      %dma_start3A_255 = tpu.memref_slice %arg6[%dma_start3A_253, %dma_start3A_254] : memref<10240x128xf32, #tpu.memory_space<vmem_shared>> -> memref<10240x128xf32, #tpu.memory_space<vmem_shared>>
      tpu.enqueue_indirect_dma source(%arg10 : memref<128x128xf32, #tpu.memory_space<vmem>>) target(%dma_start3A_255 : memref<10240x128xf32, #tpu.memory_space<vmem_shared>>) offsets(%dma_start3A_252 : memref<128xi32, #tpu.memory_space<vmem>>) semaphore(%arg12 : memref<!tpu.dma_semaphore, #tpu.memory_space<semaphore_mem>>) {add = true}
      %dma_wait3A_256 = arith.constant 7 : i32
      %dma_wait3A_257 = arith.constant 0 : i32
      %dma_wait3A_258 = tpu.memref_slice %arg8[%dma_wait3A_256, %dma_wait3A_257] : memref<16x128xi32, #tpu.memory_space<vmem>> -> memref<1x128xi32, #tpu.memory_space<vmem>>
      %dma_wait3A_259 = tpu.memref_squeeze %dma_wait3A_258 : memref<1x128xi32, #tpu.memory_space<vmem>> -> memref<128xi32, #tpu.memory_space<vmem>>
      %dma_wait3A_260 = arith.constant 0 : i32
      %dma_wait3A_261 = arith.constant 0 : i32
      %dma_wait3A_262 = tpu.memref_slice %arg6[%dma_wait3A_260, %dma_wait3A_261] : memref<10240x128xf32, #tpu.memory_space<vmem_shared>> -> memref<10240x128xf32, #tpu.memory_space<vmem_shared>>
      tpu.wait_indirect_dma semaphore(%arg12 : memref<!tpu.dma_semaphore, #tpu.memory_space<semaphore_mem>>) src(%arg10 : memref<128x128xf32, #tpu.memory_space<vmem>>) dst(%dma_wait3A_262 : memref<10240x128xf32, #tpu.memory_space<vmem_shared>>)
      %dma_start3A_263 = arith.constant 9 : i32
      %dma_start3A_264 = arith.constant 0 : i32
      %dma_start3A_265 = tpu.memref_slice %arg7[%dma_start3A_263, %dma_start3A_264] : memref<16x128xi32, #tpu.memory_space<vmem>> -> memref<1x128xi32, #tpu.memory_space<vmem>>
      %dma_start3A_266 = tpu.memref_squeeze %dma_start3A_265 : memref<1x128xi32, #tpu.memory_space<vmem>> -> memref<128xi32, #tpu.memory_space<vmem>>
      %dma_start3A_267 = arith.constant 0 : i32
      %dma_start3A_268 = arith.constant 0 : i32
      %dma_start3A_269 = tpu.memref_slice %arg2[%dma_start3A_267, %dma_start3A_268] : memref<10000x128xf32, #tpu.memory_space<hbm>> -> memref<10000x128xf32, #tpu.memory_space<hbm>>
      tpu.enqueue_indirect_dma source(%dma_start3A_269 : memref<10000x128xf32, #tpu.memory_space<hbm>>) target(%arg10 : memref<128x128xf32, #tpu.memory_space<vmem>>) offsets(%dma_start3A_266 : memref<128xi32, #tpu.memory_space<vmem>>) semaphore(%arg11 : memref<!tpu.dma_semaphore, #tpu.memory_space<semaphore_mem>>)
      %dma_wait3A_270 = arith.constant 8 : i32
      %dma_wait3A_271 = arith.constant 0 : i32
      %dma_wait3A_272 = tpu.memref_slice %arg7[%dma_wait3A_270, %dma_wait3A_271] : memref<16x128xi32, #tpu.memory_space<vmem>> -> memref<1x128xi32, #tpu.memory_space<vmem>>
      %dma_wait3A_273 = tpu.memref_squeeze %dma_wait3A_272 : memref<1x128xi32, #tpu.memory_space<vmem>> -> memref<128xi32, #tpu.memory_space<vmem>>
      %dma_wait3A_274 = arith.constant 0 : i32
      %dma_wait3A_275 = arith.constant 0 : i32
      %dma_wait3A_276 = tpu.memref_slice %arg2[%dma_wait3A_274, %dma_wait3A_275] : memref<10000x128xf32, #tpu.memory_space<hbm>> -> memref<10000x128xf32, #tpu.memory_space<hbm>>
      tpu.wait_indirect_dma semaphore(%arg11 : memref<!tpu.dma_semaphore, #tpu.memory_space<semaphore_mem>>) src(%dma_wait3A_276 : memref<10000x128xf32, #tpu.memory_space<hbm>>) dst(%arg9 : memref<128x128xf32, #tpu.memory_space<vmem>>)
      %dma_start3A_277 = arith.constant 8 : i32
      %dma_start3A_278 = arith.constant 0 : i32
      %dma_start3A_279 = tpu.memref_slice %arg8[%dma_start3A_277, %dma_start3A_278] : memref<16x128xi32, #tpu.memory_space<vmem>> -> memref<1x128xi32, #tpu.memory_space<vmem>>
      %dma_start3A_280 = tpu.memref_squeeze %dma_start3A_279 : memref<1x128xi32, #tpu.memory_space<vmem>> -> memref<128xi32, #tpu.memory_space<vmem>>
      %dma_start3A_281 = arith.constant 0 : i32
      %dma_start3A_282 = arith.constant 0 : i32
      %dma_start3A_283 = tpu.memref_slice %arg6[%dma_start3A_281, %dma_start3A_282] : memref<10240x128xf32, #tpu.memory_space<vmem_shared>> -> memref<10240x128xf32, #tpu.memory_space<vmem_shared>>
      tpu.enqueue_indirect_dma source(%arg9 : memref<128x128xf32, #tpu.memory_space<vmem>>) target(%dma_start3A_283 : memref<10240x128xf32, #tpu.memory_space<vmem_shared>>) offsets(%dma_start3A_280 : memref<128xi32, #tpu.memory_space<vmem>>) semaphore(%arg12 : memref<!tpu.dma_semaphore, #tpu.memory_space<semaphore_mem>>) {add = true}
      %dma_wait3A_284 = arith.constant 8 : i32
      %dma_wait3A_285 = arith.constant 0 : i32
      %dma_wait3A_286 = tpu.memref_slice %arg8[%dma_wait3A_284, %dma_wait3A_285] : memref<16x128xi32, #tpu.memory_space<vmem>> -> memref<1x128xi32, #tpu.memory_space<vmem>>
      %dma_wait3A_287 = tpu.memref_squeeze %dma_wait3A_286 : memref<1x128xi32, #tpu.memory_space<vmem>> -> memref<128xi32, #tpu.memory_space<vmem>>
      %dma_wait3A_288 = arith.constant 0 : i32
      %dma_wait3A_289 = arith.constant 0 : i32
      %dma_wait3A_290 = tpu.memref_slice %arg6[%dma_wait3A_288, %dma_wait3A_289] : memref<10240x128xf32, #tpu.memory_space<vmem_shared>> -> memref<10240x128xf32, #tpu.memory_space<vmem_shared>>
      tpu.wait_indirect_dma semaphore(%arg12 : memref<!tpu.dma_semaphore, #tpu.memory_space<semaphore_mem>>) src(%arg9 : memref<128x128xf32, #tpu.memory_space<vmem>>) dst(%dma_wait3A_290 : memref<10240x128xf32, #tpu.memory_space<vmem_shared>>)
      %dma_start3A_291 = arith.constant 10 : i32
      %dma_start3A_292 = arith.constant 0 : i32
      %dma_start3A_293 = tpu.memref_slice %arg7[%dma_start3A_291, %dma_start3A_292] : memref<16x128xi32, #tpu.memory_space<vmem>> -> memref<1x128xi32, #tpu.memory_space<vmem>>
      %dma_start3A_294 = tpu.memref_squeeze %dma_start3A_293 : memref<1x128xi32, #tpu.memory_space<vmem>> -> memref<128xi32, #tpu.memory_space<vmem>>
      %dma_start3A_295 = arith.constant 0 : i32
      %dma_start3A_296 = arith.constant 0 : i32
      %dma_start3A_297 = tpu.memref_slice %arg2[%dma_start3A_295, %dma_start3A_296] : memref<10000x128xf32, #tpu.memory_space<hbm>> -> memref<10000x128xf32, #tpu.memory_space<hbm>>
      tpu.enqueue_indirect_dma source(%dma_start3A_297 : memref<10000x128xf32, #tpu.memory_space<hbm>>) target(%arg9 : memref<128x128xf32, #tpu.memory_space<vmem>>) offsets(%dma_start3A_294 : memref<128xi32, #tpu.memory_space<vmem>>) semaphore(%arg11 : memref<!tpu.dma_semaphore, #tpu.memory_space<semaphore_mem>>)
      %dma_wait3A_298 = arith.constant 9 : i32
      %dma_wait3A_299 = arith.constant 0 : i32
      %dma_wait3A_300 = tpu.memref_slice %arg7[%dma_wait3A_298, %dma_wait3A_299] : memref<16x128xi32, #tpu.memory_space<vmem>> -> memref<1x128xi32, #tpu.memory_space<vmem>>
      %dma_wait3A_301 = tpu.memref_squeeze %dma_wait3A_300 : memref<1x128xi32, #tpu.memory_space<vmem>> -> memref<128xi32, #tpu.memory_space<vmem>>
      %dma_wait3A_302 = arith.constant 0 : i32
      %dma_wait3A_303 = arith.constant 0 : i32
      %dma_wait3A_304 = tpu.memref_slice %arg2[%dma_wait3A_302, %dma_wait3A_303] : memref<10000x128xf32, #tpu.memory_space<hbm>> -> memref<10000x128xf32, #tpu.memory_space<hbm>>
      tpu.wait_indirect_dma semaphore(%arg11 : memref<!tpu.dma_semaphore, #tpu.memory_space<semaphore_mem>>) src(%dma_wait3A_304 : memref<10000x128xf32, #tpu.memory_space<hbm>>) dst(%arg10 : memref<128x128xf32, #tpu.memory_space<vmem>>)
      %dma_start3A_305 = arith.constant 9 : i32
      %dma_start3A_306 = arith.constant 0 : i32
      %dma_start3A_307 = tpu.memref_slice %arg8[%dma_start3A_305, %dma_start3A_306] : memref<16x128xi32, #tpu.memory_space<vmem>> -> memref<1x128xi32, #tpu.memory_space<vmem>>
      %dma_start3A_308 = tpu.memref_squeeze %dma_start3A_307 : memref<1x128xi32, #tpu.memory_space<vmem>> -> memref<128xi32, #tpu.memory_space<vmem>>
      %dma_start3A_309 = arith.constant 0 : i32
      %dma_start3A_310 = arith.constant 0 : i32
      %dma_start3A_311 = tpu.memref_slice %arg6[%dma_start3A_309, %dma_start3A_310] : memref<10240x128xf32, #tpu.memory_space<vmem_shared>> -> memref<10240x128xf32, #tpu.memory_space<vmem_shared>>
      tpu.enqueue_indirect_dma source(%arg10 : memref<128x128xf32, #tpu.memory_space<vmem>>) target(%dma_start3A_311 : memref<10240x128xf32, #tpu.memory_space<vmem_shared>>) offsets(%dma_start3A_308 : memref<128xi32, #tpu.memory_space<vmem>>) semaphore(%arg12 : memref<!tpu.dma_semaphore, #tpu.memory_space<semaphore_mem>>) {add = true}
      %dma_wait3A_312 = arith.constant 9 : i32
      %dma_wait3A_313 = arith.constant 0 : i32
      %dma_wait3A_314 = tpu.memref_slice %arg8[%dma_wait3A_312, %dma_wait3A_313] : memref<16x128xi32, #tpu.memory_space<vmem>> -> memref<1x128xi32, #tpu.memory_space<vmem>>
      %dma_wait3A_315 = tpu.memref_squeeze %dma_wait3A_314 : memref<1x128xi32, #tpu.memory_space<vmem>> -> memref<128xi32, #tpu.memory_space<vmem>>
      %dma_wait3A_316 = arith.constant 0 : i32
      %dma_wait3A_317 = arith.constant 0 : i32
      %dma_wait3A_318 = tpu.memref_slice %arg6[%dma_wait3A_316, %dma_wait3A_317] : memref<10240x128xf32, #tpu.memory_space<vmem_shared>> -> memref<10240x128xf32, #tpu.memory_space<vmem_shared>>
      tpu.wait_indirect_dma semaphore(%arg12 : memref<!tpu.dma_semaphore, #tpu.memory_space<semaphore_mem>>) src(%arg10 : memref<128x128xf32, #tpu.memory_space<vmem>>) dst(%dma_wait3A_318 : memref<10240x128xf32, #tpu.memory_space<vmem_shared>>)
      %dma_start3A_319 = arith.constant 11 : i32
      %dma_start3A_320 = arith.constant 0 : i32
      %dma_start3A_321 = tpu.memref_slice %arg7[%dma_start3A_319, %dma_start3A_320] : memref<16x128xi32, #tpu.memory_space<vmem>> -> memref<1x128xi32, #tpu.memory_space<vmem>>
      %dma_start3A_322 = tpu.memref_squeeze %dma_start3A_321 : memref<1x128xi32, #tpu.memory_space<vmem>> -> memref<128xi32, #tpu.memory_space<vmem>>
      %dma_start3A_323 = arith.constant 0 : i32
      %dma_start3A_324 = arith.constant 0 : i32
      %dma_start3A_325 = tpu.memref_slice %arg2[%dma_start3A_323, %dma_start3A_324] : memref<10000x128xf32, #tpu.memory_space<hbm>> -> memref<10000x128xf32, #tpu.memory_space<hbm>>
      tpu.enqueue_indirect_dma source(%dma_start3A_325 : memref<10000x128xf32, #tpu.memory_space<hbm>>) target(%arg10 : memref<128x128xf32, #tpu.memory_space<vmem>>) offsets(%dma_start3A_322 : memref<128xi32, #tpu.memory_space<vmem>>) semaphore(%arg11 : memref<!tpu.dma_semaphore, #tpu.memory_space<semaphore_mem>>)
      %dma_wait3A_326 = arith.constant 10 : i32
      %dma_wait3A_327 = arith.constant 0 : i32
      %dma_wait3A_328 = tpu.memref_slice %arg7[%dma_wait3A_326, %dma_wait3A_327] : memref<16x128xi32, #tpu.memory_space<vmem>> -> memref<1x128xi32, #tpu.memory_space<vmem>>
      %dma_wait3A_329 = tpu.memref_squeeze %dma_wait3A_328 : memref<1x128xi32, #tpu.memory_space<vmem>> -> memref<128xi32, #tpu.memory_space<vmem>>
      %dma_wait3A_330 = arith.constant 0 : i32
      %dma_wait3A_331 = arith.constant 0 : i32
      %dma_wait3A_332 = tpu.memref_slice %arg2[%dma_wait3A_330, %dma_wait3A_331] : memref<10000x128xf32, #tpu.memory_space<hbm>> -> memref<10000x128xf32, #tpu.memory_space<hbm>>
      tpu.wait_indirect_dma semaphore(%arg11 : memref<!tpu.dma_semaphore, #tpu.memory_space<semaphore_mem>>) src(%dma_wait3A_332 : memref<10000x128xf32, #tpu.memory_space<hbm>>) dst(%arg9 : memref<128x128xf32, #tpu.memory_space<vmem>>)
      %dma_start3A_333 = arith.constant 10 : i32
      %dma_start3A_334 = arith.constant 0 : i32
      %dma_start3A_335 = tpu.memref_slice %arg8[%dma_start3A_333, %dma_start3A_334] : memref<16x128xi32, #tpu.memory_space<vmem>> -> memref<1x128xi32, #tpu.memory_space<vmem>>
      %dma_start3A_336 = tpu.memref_squeeze %dma_start3A_335 : memref<1x128xi32, #tpu.memory_space<vmem>> -> memref<128xi32, #tpu.memory_space<vmem>>
      %dma_start3A_337 = arith.constant 0 : i32
      %dma_start3A_338 = arith.constant 0 : i32
      %dma_start3A_339 = tpu.memref_slice %arg6[%dma_start3A_337, %dma_start3A_338] : memref<10240x128xf32, #tpu.memory_space<vmem_shared>> -> memref<10240x128xf32, #tpu.memory_space<vmem_shared>>
      tpu.enqueue_indirect_dma source(%arg9 : memref<128x128xf32, #tpu.memory_space<vmem>>) target(%dma_start3A_339 : memref<10240x128xf32, #tpu.memory_space<vmem_shared>>) offsets(%dma_start3A_336 : memref<128xi32, #tpu.memory_space<vmem>>) semaphore(%arg12 : memref<!tpu.dma_semaphore, #tpu.memory_space<semaphore_mem>>) {add = true}
      %dma_wait3A_340 = arith.constant 10 : i32
      %dma_wait3A_341 = arith.constant 0 : i32
      %dma_wait3A_342 = tpu.memref_slice %arg8[%dma_wait3A_340, %dma_wait3A_341] : memref<16x128xi32, #tpu.memory_space<vmem>> -> memref<1x128xi32, #tpu.memory_space<vmem>>
      %dma_wait3A_343 = tpu.memref_squeeze %dma_wait3A_342 : memref<1x128xi32, #tpu.memory_space<vmem>> -> memref<128xi32, #tpu.memory_space<vmem>>
      %dma_wait3A_344 = arith.constant 0 : i32
      %dma_wait3A_345 = arith.constant 0 : i32
      %dma_wait3A_346 = tpu.memref_slice %arg6[%dma_wait3A_344, %dma_wait3A_345] : memref<10240x128xf32, #tpu.memory_space<vmem_shared>> -> memref<10240x128xf32, #tpu.memory_space<vmem_shared>>
      tpu.wait_indirect_dma semaphore(%arg12 : memref<!tpu.dma_semaphore, #tpu.memory_space<semaphore_mem>>) src(%arg9 : memref<128x128xf32, #tpu.memory_space<vmem>>) dst(%dma_wait3A_346 : memref<10240x128xf32, #tpu.memory_space<vmem_shared>>)
      %dma_start3A_347 = arith.constant 12 : i32
      %dma_start3A_348 = arith.constant 0 : i32
      %dma_start3A_349 = tpu.memref_slice %arg7[%dma_start3A_347, %dma_start3A_348] : memref<16x128xi32, #tpu.memory_space<vmem>> -> memref<1x128xi32, #tpu.memory_space<vmem>>
      %dma_start3A_350 = tpu.memref_squeeze %dma_start3A_349 : memref<1x128xi32, #tpu.memory_space<vmem>> -> memref<128xi32, #tpu.memory_space<vmem>>
      %dma_start3A_351 = arith.constant 0 : i32
      %dma_start3A_352 = arith.constant 0 : i32
      %dma_start3A_353 = tpu.memref_slice %arg2[%dma_start3A_351, %dma_start3A_352] : memref<10000x128xf32, #tpu.memory_space<hbm>> -> memref<10000x128xf32, #tpu.memory_space<hbm>>
      tpu.enqueue_indirect_dma source(%dma_start3A_353 : memref<10000x128xf32, #tpu.memory_space<hbm>>) target(%arg9 : memref<128x128xf32, #tpu.memory_space<vmem>>) offsets(%dma_start3A_350 : memref<128xi32, #tpu.memory_space<vmem>>) semaphore(%arg11 : memref<!tpu.dma_semaphore, #tpu.memory_space<semaphore_mem>>)
      %dma_wait3A_354 = arith.constant 11 : i32
      %dma_wait3A_355 = arith.constant 0 : i32
      %dma_wait3A_356 = tpu.memref_slice %arg7[%dma_wait3A_354, %dma_wait3A_355] : memref<16x128xi32, #tpu.memory_space<vmem>> -> memref<1x128xi32, #tpu.memory_space<vmem>>
      %dma_wait3A_357 = tpu.memref_squeeze %dma_wait3A_356 : memref<1x128xi32, #tpu.memory_space<vmem>> -> memref<128xi32, #tpu.memory_space<vmem>>
      %dma_wait3A_358 = arith.constant 0 : i32
      %dma_wait3A_359 = arith.constant 0 : i32
      %dma_wait3A_360 = tpu.memref_slice %arg2[%dma_wait3A_358, %dma_wait3A_359] : memref<10000x128xf32, #tpu.memory_space<hbm>> -> memref<10000x128xf32, #tpu.memory_space<hbm>>
      tpu.wait_indirect_dma semaphore(%arg11 : memref<!tpu.dma_semaphore, #tpu.memory_space<semaphore_mem>>) src(%dma_wait3A_360 : memref<10000x128xf32, #tpu.memory_space<hbm>>) dst(%arg10 : memref<128x128xf32, #tpu.memory_space<vmem>>)
      %dma_start3A_361 = arith.constant 11 : i32
      %dma_start3A_362 = arith.constant 0 : i32
      %dma_start3A_363 = tpu.memref_slice %arg8[%dma_start3A_361, %dma_start3A_362] : memref<16x128xi32, #tpu.memory_space<vmem>> -> memref<1x128xi32, #tpu.memory_space<vmem>>
      %dma_start3A_364 = tpu.memref_squeeze %dma_start3A_363 : memref<1x128xi32, #tpu.memory_space<vmem>> -> memref<128xi32, #tpu.memory_space<vmem>>
      %dma_start3A_365 = arith.constant 0 : i32
      %dma_start3A_366 = arith.constant 0 : i32
      %dma_start3A_367 = tpu.memref_slice %arg6[%dma_start3A_365, %dma_start3A_366] : memref<10240x128xf32, #tpu.memory_space<vmem_shared>> -> memref<10240x128xf32, #tpu.memory_space<vmem_shared>>
      tpu.enqueue_indirect_dma source(%arg10 : memref<128x128xf32, #tpu.memory_space<vmem>>) target(%dma_start3A_367 : memref<10240x128xf32, #tpu.memory_space<vmem_shared>>) offsets(%dma_start3A_364 : memref<128xi32, #tpu.memory_space<vmem>>) semaphore(%arg12 : memref<!tpu.dma_semaphore, #tpu.memory_space<semaphore_mem>>) {add = true}
      %dma_wait3A_368 = arith.constant 11 : i32
      %dma_wait3A_369 = arith.constant 0 : i32
      %dma_wait3A_370 = tpu.memref_slice %arg8[%dma_wait3A_368, %dma_wait3A_369] : memref<16x128xi32, #tpu.memory_space<vmem>> -> memref<1x128xi32, #tpu.memory_space<vmem>>
      %dma_wait3A_371 = tpu.memref_squeeze %dma_wait3A_370 : memref<1x128xi32, #tpu.memory_space<vmem>> -> memref<128xi32, #tpu.memory_space<vmem>>
      %dma_wait3A_372 = arith.constant 0 : i32
      %dma_wait3A_373 = arith.constant 0 : i32
      %dma_wait3A_374 = tpu.memref_slice %arg6[%dma_wait3A_372, %dma_wait3A_373] : memref<10240x128xf32, #tpu.memory_space<vmem_shared>> -> memref<10240x128xf32, #tpu.memory_space<vmem_shared>>
      tpu.wait_indirect_dma semaphore(%arg12 : memref<!tpu.dma_semaphore, #tpu.memory_space<semaphore_mem>>) src(%arg10 : memref<128x128xf32, #tpu.memory_space<vmem>>) dst(%dma_wait3A_374 : memref<10240x128xf32, #tpu.memory_space<vmem_shared>>)
      %dma_start3A_375 = arith.constant 13 : i32
      %dma_start3A_376 = arith.constant 0 : i32
      %dma_start3A_377 = tpu.memref_slice %arg7[%dma_start3A_375, %dma_start3A_376] : memref<16x128xi32, #tpu.memory_space<vmem>> -> memref<1x128xi32, #tpu.memory_space<vmem>>
      %dma_start3A_378 = tpu.memref_squeeze %dma_start3A_377 : memref<1x128xi32, #tpu.memory_space<vmem>> -> memref<128xi32, #tpu.memory_space<vmem>>
      %dma_start3A_379 = arith.constant 0 : i32
      %dma_start3A_380 = arith.constant 0 : i32
      %dma_start3A_381 = tpu.memref_slice %arg2[%dma_start3A_379, %dma_start3A_380] : memref<10000x128xf32, #tpu.memory_space<hbm>> -> memref<10000x128xf32, #tpu.memory_space<hbm>>
      tpu.enqueue_indirect_dma source(%dma_start3A_381 : memref<10000x128xf32, #tpu.memory_space<hbm>>) target(%arg10 : memref<128x128xf32, #tpu.memory_space<vmem>>) offsets(%dma_start3A_378 : memref<128xi32, #tpu.memory_space<vmem>>) semaphore(%arg11 : memref<!tpu.dma_semaphore, #tpu.memory_space<semaphore_mem>>)
      %dma_wait3A_382 = arith.constant 12 : i32
      %dma_wait3A_383 = arith.constant 0 : i32
      %dma_wait3A_384 = tpu.memref_slice %arg7[%dma_wait3A_382, %dma_wait3A_383] : memref<16x128xi32, #tpu.memory_space<vmem>> -> memref<1x128xi32, #tpu.memory_space<vmem>>
      %dma_wait3A_385 = tpu.memref_squeeze %dma_wait3A_384 : memref<1x128xi32, #tpu.memory_space<vmem>> -> memref<128xi32, #tpu.memory_space<vmem>>
      %dma_wait3A_386 = arith.constant 0 : i32
      %dma_wait3A_387 = arith.constant 0 : i32
      %dma_wait3A_388 = tpu.memref_slice %arg2[%dma_wait3A_386, %dma_wait3A_387] : memref<10000x128xf32, #tpu.memory_space<hbm>> -> memref<10000x128xf32, #tpu.memory_space<hbm>>
      tpu.wait_indirect_dma semaphore(%arg11 : memref<!tpu.dma_semaphore, #tpu.memory_space<semaphore_mem>>) src(%dma_wait3A_388 : memref<10000x128xf32, #tpu.memory_space<hbm>>) dst(%arg9 : memref<128x128xf32, #tpu.memory_space<vmem>>)
      %dma_start3A_389 = arith.constant 12 : i32
      %dma_start3A_390 = arith.constant 0 : i32
      %dma_start3A_391 = tpu.memref_slice %arg8[%dma_start3A_389, %dma_start3A_390] : memref<16x128xi32, #tpu.memory_space<vmem>> -> memref<1x128xi32, #tpu.memory_space<vmem>>
      %dma_start3A_392 = tpu.memref_squeeze %dma_start3A_391 : memref<1x128xi32, #tpu.memory_space<vmem>> -> memref<128xi32, #tpu.memory_space<vmem>>
      %dma_start3A_393 = arith.constant 0 : i32
      %dma_start3A_394 = arith.constant 0 : i32
      %dma_start3A_395 = tpu.memref_slice %arg6[%dma_start3A_393, %dma_start3A_394] : memref<10240x128xf32, #tpu.memory_space<vmem_shared>> -> memref<10240x128xf32, #tpu.memory_space<vmem_shared>>
      tpu.enqueue_indirect_dma source(%arg9 : memref<128x128xf32, #tpu.memory_space<vmem>>) target(%dma_start3A_395 : memref<10240x128xf32, #tpu.memory_space<vmem_shared>>) offsets(%dma_start3A_392 : memref<128xi32, #tpu.memory_space<vmem>>) semaphore(%arg12 : memref<!tpu.dma_semaphore, #tpu.memory_space<semaphore_mem>>) {add = true}
      %dma_wait3A_396 = arith.constant 12 : i32
      %dma_wait3A_397 = arith.constant 0 : i32
      %dma_wait3A_398 = tpu.memref_slice %arg8[%dma_wait3A_396, %dma_wait3A_397] : memref<16x128xi32, #tpu.memory_space<vmem>> -> memref<1x128xi32, #tpu.memory_space<vmem>>
      %dma_wait3A_399 = tpu.memref_squeeze %dma_wait3A_398 : memref<1x128xi32, #tpu.memory_space<vmem>> -> memref<128xi32, #tpu.memory_space<vmem>>
      %dma_wait3A_400 = arith.constant 0 : i32
      %dma_wait3A_401 = arith.constant 0 : i32
      %dma_wait3A_402 = tpu.memref_slice %arg6[%dma_wait3A_400, %dma_wait3A_401] : memref<10240x128xf32, #tpu.memory_space<vmem_shared>> -> memref<10240x128xf32, #tpu.memory_space<vmem_shared>>
      tpu.wait_indirect_dma semaphore(%arg12 : memref<!tpu.dma_semaphore, #tpu.memory_space<semaphore_mem>>) src(%arg9 : memref<128x128xf32, #tpu.memory_space<vmem>>) dst(%dma_wait3A_402 : memref<10240x128xf32, #tpu.memory_space<vmem_shared>>)
      %dma_start3A_403 = arith.constant 14 : i32
      %dma_start3A_404 = arith.constant 0 : i32
      %dma_start3A_405 = tpu.memref_slice %arg7[%dma_start3A_403, %dma_start3A_404] : memref<16x128xi32, #tpu.memory_space<vmem>> -> memref<1x128xi32, #tpu.memory_space<vmem>>
      %dma_start3A_406 = tpu.memref_squeeze %dma_start3A_405 : memref<1x128xi32, #tpu.memory_space<vmem>> -> memref<128xi32, #tpu.memory_space<vmem>>
      %dma_start3A_407 = arith.constant 0 : i32
      %dma_start3A_408 = arith.constant 0 : i32
      %dma_start3A_409 = tpu.memref_slice %arg2[%dma_start3A_407, %dma_start3A_408] : memref<10000x128xf32, #tpu.memory_space<hbm>> -> memref<10000x128xf32, #tpu.memory_space<hbm>>
      tpu.enqueue_indirect_dma source(%dma_start3A_409 : memref<10000x128xf32, #tpu.memory_space<hbm>>) target(%arg9 : memref<128x128xf32, #tpu.memory_space<vmem>>) offsets(%dma_start3A_406 : memref<128xi32, #tpu.memory_space<vmem>>) semaphore(%arg11 : memref<!tpu.dma_semaphore, #tpu.memory_space<semaphore_mem>>)
      %dma_wait3A_410 = arith.constant 13 : i32
      %dma_wait3A_411 = arith.constant 0 : i32
      %dma_wait3A_412 = tpu.memref_slice %arg7[%dma_wait3A_410, %dma_wait3A_411] : memref<16x128xi32, #tpu.memory_space<vmem>> -> memref<1x128xi32, #tpu.memory_space<vmem>>
      %dma_wait3A_413 = tpu.memref_squeeze %dma_wait3A_412 : memref<1x128xi32, #tpu.memory_space<vmem>> -> memref<128xi32, #tpu.memory_space<vmem>>
      %dma_wait3A_414 = arith.constant 0 : i32
      %dma_wait3A_415 = arith.constant 0 : i32
      %dma_wait3A_416 = tpu.memref_slice %arg2[%dma_wait3A_414, %dma_wait3A_415] : memref<10000x128xf32, #tpu.memory_space<hbm>> -> memref<10000x128xf32, #tpu.memory_space<hbm>>
      tpu.wait_indirect_dma semaphore(%arg11 : memref<!tpu.dma_semaphore, #tpu.memory_space<semaphore_mem>>) src(%dma_wait3A_416 : memref<10000x128xf32, #tpu.memory_space<hbm>>) dst(%arg10 : memref<128x128xf32, #tpu.memory_space<vmem>>)
      %dma_start3A_417 = arith.constant 13 : i32
      %dma_start3A_418 = arith.constant 0 : i32
      %dma_start3A_419 = tpu.memref_slice %arg8[%dma_start3A_417, %dma_start3A_418] : memref<16x128xi32, #tpu.memory_space<vmem>> -> memref<1x128xi32, #tpu.memory_space<vmem>>
      %dma_start3A_420 = tpu.memref_squeeze %dma_start3A_419 : memref<1x128xi32, #tpu.memory_space<vmem>> -> memref<128xi32, #tpu.memory_space<vmem>>
      %dma_start3A_421 = arith.constant 0 : i32
      %dma_start3A_422 = arith.constant 0 : i32
      %dma_start3A_423 = tpu.memref_slice %arg6[%dma_start3A_421, %dma_start3A_422] : memref<10240x128xf32, #tpu.memory_space<vmem_shared>> -> memref<10240x128xf32, #tpu.memory_space<vmem_shared>>
      tpu.enqueue_indirect_dma source(%arg10 : memref<128x128xf32, #tpu.memory_space<vmem>>) target(%dma_start3A_423 : memref<10240x128xf32, #tpu.memory_space<vmem_shared>>) offsets(%dma_start3A_420 : memref<128xi32, #tpu.memory_space<vmem>>) semaphore(%arg12 : memref<!tpu.dma_semaphore, #tpu.memory_space<semaphore_mem>>) {add = true}
      %dma_wait3A_424 = arith.constant 13 : i32
      %dma_wait3A_425 = arith.constant 0 : i32
      %dma_wait3A_426 = tpu.memref_slice %arg8[%dma_wait3A_424, %dma_wait3A_425] : memref<16x128xi32, #tpu.memory_space<vmem>> -> memref<1x128xi32, #tpu.memory_space<vmem>>
      %dma_wait3A_427 = tpu.memref_squeeze %dma_wait3A_426 : memref<1x128xi32, #tpu.memory_space<vmem>> -> memref<128xi32, #tpu.memory_space<vmem>>
      %dma_wait3A_428 = arith.constant 0 : i32
      %dma_wait3A_429 = arith.constant 0 : i32
      %dma_wait3A_430 = tpu.memref_slice %arg6[%dma_wait3A_428, %dma_wait3A_429] : memref<10240x128xf32, #tpu.memory_space<vmem_shared>> -> memref<10240x128xf32, #tpu.memory_space<vmem_shared>>
      tpu.wait_indirect_dma semaphore(%arg12 : memref<!tpu.dma_semaphore, #tpu.memory_space<semaphore_mem>>) src(%arg10 : memref<128x128xf32, #tpu.memory_space<vmem>>) dst(%dma_wait3A_430 : memref<10240x128xf32, #tpu.memory_space<vmem_shared>>)
      %dma_start3A_431 = arith.constant 15 : i32
      %dma_start3A_432 = arith.constant 0 : i32
      %dma_start3A_433 = tpu.memref_slice %arg7[%dma_start3A_431, %dma_start3A_432] : memref<16x128xi32, #tpu.memory_space<vmem>> -> memref<1x128xi32, #tpu.memory_space<vmem>>
      %dma_start3A_434 = tpu.memref_squeeze %dma_start3A_433 : memref<1x128xi32, #tpu.memory_space<vmem>> -> memref<128xi32, #tpu.memory_space<vmem>>
      %dma_start3A_435 = arith.constant 0 : i32
      %dma_start3A_436 = arith.constant 0 : i32
      %dma_start3A_437 = tpu.memref_slice %arg2[%dma_start3A_435, %dma_start3A_436] : memref<10000x128xf32, #tpu.memory_space<hbm>> -> memref<10000x128xf32, #tpu.memory_space<hbm>>
      tpu.enqueue_indirect_dma source(%dma_start3A_437 : memref<10000x128xf32, #tpu.memory_space<hbm>>) target(%arg10 : memref<128x128xf32, #tpu.memory_space<vmem>>) offsets(%dma_start3A_434 : memref<128xi32, #tpu.memory_space<vmem>>) semaphore(%arg11 : memref<!tpu.dma_semaphore, #tpu.memory_space<semaphore_mem>>)
      %dma_wait3A_438 = arith.constant 14 : i32
      %dma_wait3A_439 = arith.constant 0 : i32
      %dma_wait3A_440 = tpu.memref_slice %arg7[%dma_wait3A_438, %dma_wait3A_439] : memref<16x128xi32, #tpu.memory_space<vmem>> -> memref<1x128xi32, #tpu.memory_space<vmem>>
      %dma_wait3A_441 = tpu.memref_squeeze %dma_wait3A_440 : memref<1x128xi32, #tpu.memory_space<vmem>> -> memref<128xi32, #tpu.memory_space<vmem>>
      %dma_wait3A_442 = arith.constant 0 : i32
      %dma_wait3A_443 = arith.constant 0 : i32
      %dma_wait3A_444 = tpu.memref_slice %arg2[%dma_wait3A_442, %dma_wait3A_443] : memref<10000x128xf32, #tpu.memory_space<hbm>> -> memref<10000x128xf32, #tpu.memory_space<hbm>>
      tpu.wait_indirect_dma semaphore(%arg11 : memref<!tpu.dma_semaphore, #tpu.memory_space<semaphore_mem>>) src(%dma_wait3A_444 : memref<10000x128xf32, #tpu.memory_space<hbm>>) dst(%arg9 : memref<128x128xf32, #tpu.memory_space<vmem>>)
      %dma_start3A_445 = arith.constant 14 : i32
      %dma_start3A_446 = arith.constant 0 : i32
      %dma_start3A_447 = tpu.memref_slice %arg8[%dma_start3A_445, %dma_start3A_446] : memref<16x128xi32, #tpu.memory_space<vmem>> -> memref<1x128xi32, #tpu.memory_space<vmem>>
      %dma_start3A_448 = tpu.memref_squeeze %dma_start3A_447 : memref<1x128xi32, #tpu.memory_space<vmem>> -> memref<128xi32, #tpu.memory_space<vmem>>
      %dma_start3A_449 = arith.constant 0 : i32
      %dma_start3A_450 = arith.constant 0 : i32
      %dma_start3A_451 = tpu.memref_slice %arg6[%dma_start3A_449, %dma_start3A_450] : memref<10240x128xf32, #tpu.memory_space<vmem_shared>> -> memref<10240x128xf32, #tpu.memory_space<vmem_shared>>
      tpu.enqueue_indirect_dma source(%arg9 : memref<128x128xf32, #tpu.memory_space<vmem>>) target(%dma_start3A_451 : memref<10240x128xf32, #tpu.memory_space<vmem_shared>>) offsets(%dma_start3A_448 : memref<128xi32, #tpu.memory_space<vmem>>) semaphore(%arg12 : memref<!tpu.dma_semaphore, #tpu.memory_space<semaphore_mem>>) {add = true}
      %dma_wait3A_452 = arith.constant 15 : i32
      %dma_wait3A_453 = arith.constant 0 : i32
      %dma_wait3A_454 = tpu.memref_slice %arg7[%dma_wait3A_452, %dma_wait3A_453] : memref<16x128xi32, #tpu.memory_space<vmem>> -> memref<1x128xi32, #tpu.memory_space<vmem>>
      %dma_wait3A_455 = tpu.memref_squeeze %dma_wait3A_454 : memref<1x128xi32, #tpu.memory_space<vmem>> -> memref<128xi32, #tpu.memory_space<vmem>>
      %dma_wait3A_456 = arith.constant 0 : i32
      %dma_wait3A_457 = arith.constant 0 : i32
      %dma_wait3A_458 = tpu.memref_slice %arg2[%dma_wait3A_456, %dma_wait3A_457] : memref<10000x128xf32, #tpu.memory_space<hbm>> -> memref<10000x128xf32, #tpu.memory_space<hbm>>
      tpu.wait_indirect_dma semaphore(%arg11 : memref<!tpu.dma_semaphore, #tpu.memory_space<semaphore_mem>>) src(%dma_wait3A_458 : memref<10000x128xf32, #tpu.memory_space<hbm>>) dst(%arg10 : memref<128x128xf32, #tpu.memory_space<vmem>>)
      %dma_start3A_459 = arith.constant 15 : i32
      %dma_start3A_460 = arith.constant 0 : i32
      %dma_start3A_461 = tpu.memref_slice %arg8[%dma_start3A_459, %dma_start3A_460] : memref<16x128xi32, #tpu.memory_space<vmem>> -> memref<1x128xi32, #tpu.memory_space<vmem>>
      %dma_start3A_462 = tpu.memref_squeeze %dma_start3A_461 : memref<1x128xi32, #tpu.memory_space<vmem>> -> memref<128xi32, #tpu.memory_space<vmem>>
      %dma_start3A_463 = arith.constant 0 : i32
      %dma_start3A_464 = arith.constant 0 : i32
      %dma_start3A_465 = tpu.memref_slice %arg6[%dma_start3A_463, %dma_start3A_464] : memref<10240x128xf32, #tpu.memory_space<vmem_shared>> -> memref<10240x128xf32, #tpu.memory_space<vmem_shared>>
      tpu.enqueue_indirect_dma source(%arg10 : memref<128x128xf32, #tpu.memory_space<vmem>>) target(%dma_start3A_465 : memref<10240x128xf32, #tpu.memory_space<vmem_shared>>) offsets(%dma_start3A_462 : memref<128xi32, #tpu.memory_space<vmem>>) semaphore(%arg12 : memref<!tpu.dma_semaphore, #tpu.memory_space<semaphore_mem>>) {add = true}
      %dma_wait3A_466 = arith.constant 14 : i32
      %dma_wait3A_467 = arith.constant 0 : i32
      %dma_wait3A_468 = tpu.memref_slice %arg8[%dma_wait3A_466, %dma_wait3A_467] : memref<16x128xi32, #tpu.memory_space<vmem>> -> memref<1x128xi32, #tpu.memory_space<vmem>>
      %dma_wait3A_469 = tpu.memref_squeeze %dma_wait3A_468 : memref<1x128xi32, #tpu.memory_space<vmem>> -> memref<128xi32, #tpu.memory_space<vmem>>
      %dma_wait3A_470 = arith.constant 0 : i32
      %dma_wait3A_471 = arith.constant 0 : i32
      %dma_wait3A_472 = tpu.memref_slice %arg6[%dma_wait3A_470, %dma_wait3A_471] : memref<10240x128xf32, #tpu.memory_space<vmem_shared>> -> memref<10240x128xf32, #tpu.memory_space<vmem_shared>>
      tpu.wait_indirect_dma semaphore(%arg12 : memref<!tpu.dma_semaphore, #tpu.memory_space<semaphore_mem>>) src(%arg9 : memref<128x128xf32, #tpu.memory_space<vmem>>) dst(%dma_wait3A_472 : memref<10240x128xf32, #tpu.memory_space<vmem_shared>>)
      %dma_wait3A_473 = arith.constant 15 : i32
      %dma_wait3A_474 = arith.constant 0 : i32
      %dma_wait3A_475 = tpu.memref_slice %arg8[%dma_wait3A_473, %dma_wait3A_474] : memref<16x128xi32, #tpu.memory_space<vmem>> -> memref<1x128xi32, #tpu.memory_space<vmem>>
      %dma_wait3A_476 = tpu.memref_squeeze %dma_wait3A_475 : memref<1x128xi32, #tpu.memory_space<vmem>> -> memref<128xi32, #tpu.memory_space<vmem>>
      %dma_wait3A_477 = arith.constant 0 : i32
      %dma_wait3A_478 = arith.constant 0 : i32
      %dma_wait3A_479 = tpu.memref_slice %arg6[%dma_wait3A_477, %dma_wait3A_478] : memref<10240x128xf32, #tpu.memory_space<vmem_shared>> -> memref<10240x128xf32, #tpu.memory_space<vmem_shared>>
      tpu.wait_indirect_dma semaphore(%arg12 : memref<!tpu.dma_semaphore, #tpu.memory_space<semaphore_mem>>) src(%arg10 : memref<128x128xf32, #tpu.memory_space<vmem>>) dst(%dma_wait3A_479 : memref<10240x128xf32, #tpu.memory_space<vmem_shared>>)
      %scan3A_480 = arith.constant 0 : i32
      scf.yield %scan3A_480 : i32
    }
    %scan3A_22 = arith.constant 5 : i32
    %barrier3A_23 = arith.constant 0 : index
    tpu.barrier barrier_id(%barrier3A_23)
    "tpu.region"() ({
      %run_scoped3A = tpu.sem_alloc : memref<!tpu.dma_semaphore, #tpu.memory_space<semaphore_mem>>
      %dma_start3A = arith.constant 0 : i32
      %dma_start3A_24 = tpu.memref_slice %arg5[%arg0, %mul3A_0, %dma_start3A] : memref<2x10240x128xf32, #tpu.memory_space<hbm>> -> memref<1x640x128xf32, #tpu.memory_space<hbm>>
      %dma_start3A_25 = tpu.memref_squeeze %dma_start3A_24 : memref<1x640x128xf32, #tpu.memory_space<hbm>> -> memref<640x128xf32, #tpu.memory_space<hbm>>
      %dma_start3A_26 = arith.constant 0 : i32
      %dma_start3A_27 = tpu.memref_slice %arg6[%mul3A_0, %dma_start3A_26] : memref<10240x128xf32, #tpu.memory_space<vmem_shared>> -> memref<640x128xf32, #tpu.memory_space<vmem_shared>>
      tpu.enqueue_dma source(%dma_start3A_27 : memref<640x128xf32, #tpu.memory_space<vmem_shared>>) target(%dma_start3A_25 : memref<640x128xf32, #tpu.memory_space<hbm>>) target_semaphore(%run_scoped3A : memref<!tpu.dma_semaphore, #tpu.memory_space<semaphore_mem>>)
      %dma_wait3A = arith.constant 0 : i32
      %dma_wait3A_28 = tpu.memref_slice %arg5[%arg0, %mul3A_0, %dma_wait3A] : memref<2x10240x128xf32, #tpu.memory_space<hbm>> -> memref<1x640x128xf32, #tpu.memory_space<hbm>>
      %dma_wait3A_29 = tpu.memref_squeeze %dma_wait3A_28 : memref<1x640x128xf32, #tpu.memory_space<hbm>> -> memref<640x128xf32, #tpu.memory_space<hbm>>
      %dma_wait3A_30 = arith.constant 0 : i32
      %dma_wait3A_31 = tpu.memref_slice %arg6[%mul3A_0, %dma_wait3A_30] : memref<10240x128xf32, #tpu.memory_space<vmem_shared>> -> memref<640x128xf32, #tpu.memory_space<vmem_shared>>
      tpu.wait_dma2 semaphore(%run_scoped3A : memref<!tpu.dma_semaphore, #tpu.memory_space<semaphore_mem>>) src(%dma_wait3A_31 : memref<640x128xf32, #tpu.memory_space<vmem_shared>>) dst(%dma_wait3A_29 : memref<640x128xf32, #tpu.memory_space<hbm>>)
      tpu.yield
    }) : () -> ()
    return
  }
}

#map = affine_map<(d0, d1) -> (0, 0)>
#map1 = affine_map<(d0, d1) -> (0, 0, 0)>
module attributes {stable_mosaic.version = 14 : i64} {
  func.func @_sc_scatter_body(%arg0: i32, %arg1: i32, %arg2: memref<10000x128xf32, #tpu.memory_space<hbm>>, %arg3: memref<2560x128xi32, #tpu.memory_space<hbm>>, %arg4: memref<2560x128xi32, #tpu.memory_space<hbm>>, %arg5: memref<2x10240x128xf32, #tpu.memory_space<hbm>>, %arg6: memref<10240x128xf32, #tpu.memory_space<vmem_shared>>, %arg7: memref<16x128xi32, #tpu.memory_space<vmem>>, %arg8: memref<16x128xi32, #tpu.memory_space<vmem>>, %arg9: memref<128x128xf32, #tpu.memory_space<vmem>>, %arg10: memref<128x128xf32, #tpu.memory_space<vmem>>, %arg11: memref<!tpu.dma_semaphore, #tpu.memory_space<semaphore_mem>>, %arg12: memref<!tpu.dma_semaphore, #tpu.memory_space<semaphore_mem>>) attributes {dimension_semantics = [#tpu.dimension_semantics<core_parallel>, #tpu.dimension_semantics<subcore_parallel>], iteration_bounds = array<i64: 2, 16>, scalar_prefetch = 0 : i64, scratch_operands = 7 : i64, tpu.core_type = #tpu.core_type<sc_vector_subcore>, window_params = [{transform_indices = #map}, {transform_indices = #map}, {transform_indices = #map}, {transform_indices = #map1}]} {
    %mul3A = arith.constant 640 : i32
    %mul3A_0 = arith.muli %arg1, %mul3A : i32
    %scan3A = arith.constant 0 : i32
    %scan3A_1 = arith.constant 0 : i32
    %scan3A_2 = arith.constant 128 : i32
    %scan3A_3 = arith.addi %scan3A_1, %scan3A_2 : i32
    %scan3A_4 = arith.constant 1 : i32
    %scan3A_5 = scf.for %scan3A_24 = %scan3A_1 to %scan3A_3 step %scan3A_4 iter_args(%scan3A_25 = %scan3A) -> (i32)  : i32 {
      %broadcast_in_dim3A = arith.constant 0.000000e+00 : f32
      %broadcast_in_dim3A_26 = vector.broadcast %broadcast_in_dim3A : f32 to vector<16xf32>
      %swap3A = arith.index_cast %scan3A_24 : i32 to index
      %swap3A_27 = arith.constant 0 : index
      %swap3A_28 = tpu.vector_load %arg9[%swap3A, %swap3A_27] {strides = array<i32>} : memref<128x128xf32, #tpu.memory_space<vmem>>, vector<1x16xf32>,
      %swap3A_29 = vector.shape_cast %swap3A_28 : vector<1x16xf32> to vector<16xf32>
      %swap3A_30 = vector.shape_cast %broadcast_in_dim3A_26 : vector<16xf32> to vector<1x16xf32>
      tpu.vector_store %arg9[%swap3A, %swap3A_27], %swap3A_30 {strides = array<i32>} : memref<128x128xf32, #tpu.memory_space<vmem>>, vector<1x16xf32>,
      %broadcast_in_dim3A_31 = arith.constant 0.000000e+00 : f32
      %broadcast_in_dim3A_32 = vector.broadcast %broadcast_in_dim3A_31 : f32 to vector<16xf32>
      %swap3A_33 = arith.index_cast %scan3A_24 : i32 to index
      %swap3A_34 = arith.constant 16 : index
      %swap3A_35 = tpu.vector_load %arg9[%swap3A_33, %swap3A_34] {strides = array<i32>} : memref<128x128xf32, #tpu.memory_space<vmem>>, vector<1x16xf32>,
      %swap3A_36 = vector.shape_cast %swap3A_35 : vector<1x16xf32> to vector<16xf32>
      %swap3A_37 = vector.shape_cast %broadcast_in_dim3A_32 : vector<16xf32> to vector<1x16xf32>
      tpu.vector_store %arg9[%swap3A_33, %swap3A_34], %swap3A_37 {strides = array<i32>} : memref<128x128xf32, #tpu.memory_space<vmem>>, vector<1x16xf32>,
      %broadcast_in_dim3A_38 = arith.constant 0.000000e+00 : f32
      %broadcast_in_dim3A_39 = vector.broadcast %broadcast_in_dim3A_38 : f32 to vector<16xf32>
      %swap3A_40 = arith.index_cast %scan3A_24 : i32 to index
      %swap3A_41 = arith.constant 32 : index
      %swap3A_42 = tpu.vector_load %arg9[%swap3A_40, %swap3A_41] {strides = array<i32>} : memref<128x128xf32, #tpu.memory_space<vmem>>, vector<1x16xf32>,
      %swap3A_43 = vector.shape_cast %swap3A_42 : vector<1x16xf32> to vector<16xf32>
      %swap3A_44 = vector.shape_cast %broadcast_in_dim3A_39 : vector<16xf32> to vector<1x16xf32>
      tpu.vector_store %arg9[%swap3A_40, %swap3A_41], %swap3A_44 {strides = array<i32>} : memref<128x128xf32, #tpu.memory_space<vmem>>, vector<1x16xf32>,
      %broadcast_in_dim3A_45 = arith.constant 0.000000e+00 : f32
      %broadcast_in_dim3A_46 = vector.broadcast %broadcast_in_dim3A_45 : f32 to vector<16xf32>
      %swap3A_47 = arith.index_cast %scan3A_24 : i32 to index
      %swap3A_48 = arith.constant 48 : index
      %swap3A_49 = tpu.vector_load %arg9[%swap3A_47, %swap3A_48] {strides = array<i32>} : memref<128x128xf32, #tpu.memory_space<vmem>>, vector<1x16xf32>,
      %swap3A_50 = vector.shape_cast %swap3A_49 : vector<1x16xf32> to vector<16xf32>
      %swap3A_51 = vector.shape_cast %broadcast_in_dim3A_46 : vector<16xf32> to vector<1x16xf32>
      tpu.vector_store %arg9[%swap3A_47, %swap3A_48], %swap3A_51 {strides = array<i32>} : memref<128x128xf32, #tpu.memory_space<vmem>>, vector<1x16xf32>,
      %broadcast_in_dim3A_52 = arith.constant 0.000000e+00 : f32
      %broadcast_in_dim3A_53 = vector.broadcast %broadcast_in_dim3A_52 : f32 to vector<16xf32>
      %swap3A_54 = arith.index_cast %scan3A_24 : i32 to index
      %swap3A_55 = arith.constant 64 : index
      %swap3A_56 = tpu.vector_load %arg9[%swap3A_54, %swap3A_55] {strides = array<i32>} : memref<128x128xf32, #tpu.memory_space<vmem>>, vector<1x16xf32>,
      %swap3A_57 = vector.shape_cast %swap3A_56 : vector<1x16xf32> to vector<16xf32>
      %swap3A_58 = vector.shape_cast %broadcast_in_dim3A_53 : vector<16xf32> to vector<1x16xf32>
      tpu.vector_store %arg9[%swap3A_54, %swap3A_55], %swap3A_58 {strides = array<i32>} : memref<128x128xf32, #tpu.memory_space<vmem>>, vector<1x16xf32>,
      %broadcast_in_dim3A_59 = arith.constant 0.000000e+00 : f32
      %broadcast_in_dim3A_60 = vector.broadcast %broadcast_in_dim3A_59 : f32 to vector<16xf32>
      %swap3A_61 = arith.index_cast %scan3A_24 : i32 to index
      %swap3A_62 = arith.constant 80 : index
      %swap3A_63 = tpu.vector_load %arg9[%swap3A_61, %swap3A_62] {strides = array<i32>} : memref<128x128xf32, #tpu.memory_space<vmem>>, vector<1x16xf32>,
      %swap3A_64 = vector.shape_cast %swap3A_63 : vector<1x16xf32> to vector<16xf32>
      %swap3A_65 = vector.shape_cast %broadcast_in_dim3A_60 : vector<16xf32> to vector<1x16xf32>
      tpu.vector_store %arg9[%swap3A_61, %swap3A_62], %swap3A_65 {strides = array<i32>} : memref<128x128xf32, #tpu.memory_space<vmem>>, vector<1x16xf32>,
      %broadcast_in_dim3A_66 = arith.constant 0.000000e+00 : f32
      %broadcast_in_dim3A_67 = vector.broadcast %broadcast_in_dim3A_66 : f32 to vector<16xf32>
      %swap3A_68 = arith.index_cast %scan3A_24 : i32 to index
      %swap3A_69 = arith.constant 96 : index
      %swap3A_70 = tpu.vector_load %arg9[%swap3A_68, %swap3A_69] {strides = array<i32>} : memref<128x128xf32, #tpu.memory_space<vmem>>, vector<1x16xf32>,
      %swap3A_71 = vector.shape_cast %swap3A_70 : vector<1x16xf32> to vector<16xf32>
      %swap3A_72 = vector.shape_cast %broadcast_in_dim3A_67 : vector<16xf32> to vector<1x16xf32>
      tpu.vector_store %arg9[%swap3A_68, %swap3A_69], %swap3A_72 {strides = array<i32>} : memref<128x128xf32, #tpu.memory_space<vmem>>, vector<1x16xf32>,
      %broadcast_in_dim3A_73 = arith.constant 0.000000e+00 : f32
      %broadcast_in_dim3A_74 = vector.broadcast %broadcast_in_dim3A_73 : f32 to vector<16xf32>
      %swap3A_75 = arith.index_cast %scan3A_24 : i32 to index
      %swap3A_76 = arith.constant 112 : index
      %swap3A_77 = tpu.vector_load %arg9[%swap3A_75, %swap3A_76] {strides = array<i32>} : memref<128x128xf32, #tpu.memory_space<vmem>>, vector<1x16xf32>,
      %swap3A_78 = vector.shape_cast %swap3A_77 : vector<1x16xf32> to vector<16xf32>
      %swap3A_79 = vector.shape_cast %broadcast_in_dim3A_74 : vector<16xf32> to vector<1x16xf32>
      tpu.vector_store %arg9[%swap3A_75, %swap3A_76], %swap3A_79 {strides = array<i32>} : memref<128x128xf32, #tpu.memory_space<vmem>>, vector<1x16xf32>,
      %scan3A_80 = arith.constant 0 : i32
      scf.yield %scan3A_80 : i32
    }
    %scan3A_6 = arith.constant 128 : i32
    %add3A = arith.constant 0 : i32
    %add3A_7 = arith.addi %mul3A_0, %add3A : i32
    "tpu.region"() ({
      %run_scoped3A = tpu.sem_alloc : memref<!tpu.dma_semaphore, #tpu.memory_space<semaphore_mem>>
      %dma_start3A = arith.constant 0 : i32
      %dma_start3A_24 = tpu.memref_slice %arg6[%add3A_7, %dma_start3A] : memref<10240x128xf32, #tpu.memory_space<vmem_shared>> -> memref<128x128xf32, #tpu.memory_space<vmem_shared>>
      %dma_start3A_25 = arith.constant 0 : i32
      %dma_start3A_26 = tpu.memref_slice %arg6[%add3A_7, %dma_start3A_25] : memref<10240x128xf32, #tpu.memory_space<vmem_shared>> -> memref<128x128xf32, #tpu.memory_space<vmem_shared>>
      tpu.enqueue_dma source(%arg9 : memref<128x128xf32, #tpu.memory_space<vmem>>) target(%dma_start3A_26 : memref<128x128xf32, #tpu.memory_space<vmem_shared>>) target_semaphore(%run_scoped3A : memref<!tpu.dma_semaphore, #tpu.memory_space<semaphore_mem>>)
      %dma_wait3A = arith.constant 0 : i32
      %dma_wait3A_27 = tpu.memref_slice %arg6[%add3A_7, %dma_wait3A] : memref<10240x128xf32, #tpu.memory_space<vmem_shared>> -> memref<128x128xf32, #tpu.memory_space<vmem_shared>>
      %dma_wait3A_28 = arith.constant 0 : i32
      %dma_wait3A_29 = tpu.memref_slice %arg6[%add3A_7, %dma_wait3A_28] : memref<10240x128xf32, #tpu.memory_space<vmem_shared>> -> memref<128x128xf32, #tpu.memory_space<vmem_shared>>
      tpu.wait_dma2 semaphore(%run_scoped3A : memref<!tpu.dma_semaphore, #tpu.memory_space<semaphore_mem>>) src(%arg9 : memref<128x128xf32, #tpu.memory_space<vmem>>) dst(%dma_wait3A_29 : memref<128x128xf32, #tpu.memory_space<vmem_shared>>)
      tpu.yield
    }) : () -> ()
    %add3A_8 = arith.constant 128 : i32
    %add3A_9 = arith.addi %mul3A_0, %add3A_8 : i32
    "tpu.region"() ({
      %run_scoped3A = tpu.sem_alloc : memref<!tpu.dma_semaphore, #tpu.memory_space<semaphore_mem>>
      %dma_start3A = arith.constant 0 : i32
      %dma_start3A_24 = tpu.memref_slice %arg6[%add3A_9, %dma_start3A] : memref<10240x128xf32, #tpu.memory_space<vmem_shared>> -> memref<128x128xf32, #tpu.memory_space<vmem_shared>>
      %dma_start3A_25 = arith.constant 0 : i32
      %dma_start3A_26 = tpu.memref_slice %arg6[%add3A_9, %dma_start3A_25] : memref<10240x128xf32, #tpu.memory_space<vmem_shared>> -> memref<128x128xf32, #tpu.memory_space<vmem_shared>>
      tpu.enqueue_dma source(%arg9 : memref<128x128xf32, #tpu.memory_space<vmem>>) target(%dma_start3A_26 : memref<128x128xf32, #tpu.memory_space<vmem_shared>>) target_semaphore(%run_scoped3A : memref<!tpu.dma_semaphore, #tpu.memory_space<semaphore_mem>>)
      %dma_wait3A = arith.constant 0 : i32
      %dma_wait3A_27 = tpu.memref_slice %arg6[%add3A_9, %dma_wait3A] : memref<10240x128xf32, #tpu.memory_space<vmem_shared>> -> memref<128x128xf32, #tpu.memory_space<vmem_shared>>
      %dma_wait3A_28 = arith.constant 0 : i32
      %dma_wait3A_29 = tpu.memref_slice %arg6[%add3A_9, %dma_wait3A_28] : memref<10240x128xf32, #tpu.memory_space<vmem_shared>> -> memref<128x128xf32, #tpu.memory_space<vmem_shared>>
      tpu.wait_dma2 semaphore(%run_scoped3A : memref<!tpu.dma_semaphore, #tpu.memory_space<semaphore_mem>>) src(%arg9 : memref<128x128xf32, #tpu.memory_space<vmem>>) dst(%dma_wait3A_29 : memref<128x128xf32, #tpu.memory_space<vmem_shared>>)
      tpu.yield
    }) : () -> ()
    %add3A_10 = arith.constant 256 : i32
    %add3A_11 = arith.addi %mul3A_0, %add3A_10 : i32
    "tpu.region"() ({
      %run_scoped3A = tpu.sem_alloc : memref<!tpu.dma_semaphore, #tpu.memory_space<semaphore_mem>>
      %dma_start3A = arith.constant 0 : i32
      %dma_start3A_24 = tpu.memref_slice %arg6[%add3A_11, %dma_start3A] : memref<10240x128xf32, #tpu.memory_space<vmem_shared>> -> memref<128x128xf32, #tpu.memory_space<vmem_shared>>
      %dma_start3A_25 = arith.constant 0 : i32
      %dma_start3A_26 = tpu.memref_slice %arg6[%add3A_11, %dma_start3A_25] : memref<10240x128xf32, #tpu.memory_space<vmem_shared>> -> memref<128x128xf32, #tpu.memory_space<vmem_shared>>
      tpu.enqueue_dma source(%arg9 : memref<128x128xf32, #tpu.memory_space<vmem>>) target(%dma_start3A_26 : memref<128x128xf32, #tpu.memory_space<vmem_shared>>) target_semaphore(%run_scoped3A : memref<!tpu.dma_semaphore, #tpu.memory_space<semaphore_mem>>)
      %dma_wait3A = arith.constant 0 : i32
      %dma_wait3A_27 = tpu.memref_slice %arg6[%add3A_11, %dma_wait3A] : memref<10240x128xf32, #tpu.memory_space<vmem_shared>> -> memref<128x128xf32, #tpu.memory_space<vmem_shared>>
      %dma_wait3A_28 = arith.constant 0 : i32
      %dma_wait3A_29 = tpu.memref_slice %arg6[%add3A_11, %dma_wait3A_28] : memref<10240x128xf32, #tpu.memory_space<vmem_shared>> -> memref<128x128xf32, #tpu.memory_space<vmem_shared>>
      tpu.wait_dma2 semaphore(%run_scoped3A : memref<!tpu.dma_semaphore, #tpu.memory_space<semaphore_mem>>) src(%arg9 : memref<128x128xf32, #tpu.memory_space<vmem>>) dst(%dma_wait3A_29 : memref<128x128xf32, #tpu.memory_space<vmem_shared>>)
      tpu.yield
    }) : () -> ()
    %add3A_12 = arith.constant 384 : i32
    %add3A_13 = arith.addi %mul3A_0, %add3A_12 : i32
    "tpu.region"() ({
      %run_scoped3A = tpu.sem_alloc : memref<!tpu.dma_semaphore, #tpu.memory_space<semaphore_mem>>
      %dma_start3A = arith.constant 0 : i32
      %dma_start3A_24 = tpu.memref_slice %arg6[%add3A_13, %dma_start3A] : memref<10240x128xf32, #tpu.memory_space<vmem_shared>> -> memref<128x128xf32, #tpu.memory_space<vmem_shared>>
      %dma_start3A_25 = arith.constant 0 : i32
      %dma_start3A_26 = tpu.memref_slice %arg6[%add3A_13, %dma_start3A_25] : memref<10240x128xf32, #tpu.memory_space<vmem_shared>> -> memref<128x128xf32, #tpu.memory_space<vmem_shared>>
      tpu.enqueue_dma source(%arg9 : memref<128x128xf32, #tpu.memory_space<vmem>>) target(%dma_start3A_26 : memref<128x128xf32, #tpu.memory_space<vmem_shared>>) target_semaphore(%run_scoped3A : memref<!tpu.dma_semaphore, #tpu.memory_space<semaphore_mem>>)
      %dma_wait3A = arith.constant 0 : i32
      %dma_wait3A_27 = tpu.memref_slice %arg6[%add3A_13, %dma_wait3A] : memref<10240x128xf32, #tpu.memory_space<vmem_shared>> -> memref<128x128xf32, #tpu.memory_space<vmem_shared>>
      %dma_wait3A_28 = arith.constant 0 : i32
      %dma_wait3A_29 = tpu.memref_slice %arg6[%add3A_13, %dma_wait3A_28] : memref<10240x128xf32, #tpu.memory_space<vmem_shared>> -> memref<128x128xf32, #tpu.memory_space<vmem_shared>>
      tpu.wait_dma2 semaphore(%run_scoped3A : memref<!tpu.dma_semaphore, #tpu.memory_space<semaphore_mem>>) src(%arg9 : memref<128x128xf32, #tpu.memory_space<vmem>>) dst(%dma_wait3A_29 : memref<128x128xf32, #tpu.memory_space<vmem_shared>>)
      tpu.yield
    }) : () -> ()
    %add3A_14 = arith.constant 512 : i32
    %add3A_15 = arith.addi %mul3A_0, %add3A_14 : i32
    "tpu.region"() ({
      %run_scoped3A = tpu.sem_alloc : memref<!tpu.dma_semaphore, #tpu.memory_space<semaphore_mem>>
      %dma_start3A = arith.constant 0 : i32
      %dma_start3A_24 = tpu.memref_slice %arg6[%add3A_15, %dma_start3A] : memref<10240x128xf32, #tpu.memory_space<vmem_shared>> -> memref<128x128xf32, #tpu.memory_space<vmem_shared>>
      %dma_start3A_25 = arith.constant 0 : i32
      %dma_start3A_26 = tpu.memref_slice %arg6[%add3A_15, %dma_start3A_25] : memref<10240x128xf32, #tpu.memory_space<vmem_shared>> -> memref<128x128xf32, #tpu.memory_space<vmem_shared>>
      tpu.enqueue_dma source(%arg9 : memref<128x128xf32, #tpu.memory_space<vmem>>) target(%dma_start3A_26 : memref<128x128xf32, #tpu.memory_space<vmem_shared>>) target_semaphore(%run_scoped3A : memref<!tpu.dma_semaphore, #tpu.memory_space<semaphore_mem>>)
      %dma_wait3A = arith.constant 0 : i32
      %dma_wait3A_27 = tpu.memref_slice %arg6[%add3A_15, %dma_wait3A] : memref<10240x128xf32, #tpu.memory_space<vmem_shared>> -> memref<128x128xf32, #tpu.memory_space<vmem_shared>>
      %dma_wait3A_28 = arith.constant 0 : i32
      %dma_wait3A_29 = tpu.memref_slice %arg6[%add3A_15, %dma_wait3A_28] : memref<10240x128xf32, #tpu.memory_space<vmem_shared>> -> memref<128x128xf32, #tpu.memory_space<vmem_shared>>
      tpu.wait_dma2 semaphore(%run_scoped3A : memref<!tpu.dma_semaphore, #tpu.memory_space<semaphore_mem>>) src(%arg9 : memref<128x128xf32, #tpu.memory_space<vmem>>) dst(%dma_wait3A_29 : memref<128x128xf32, #tpu.memory_space<vmem_shared>>)
      tpu.yield
    }) : () -> ()
    %barrier3A = arith.constant 0 : index
    tpu.barrier barrier_id(%barrier3A)
    %scan3A_16 = arith.constant 0 : i32
    %scan3A_17 = arith.constant 0 : i32
    %scan3A_18 = arith.constant 5 : i32
    %scan3A_19 = arith.addi %scan3A_17, %scan3A_18 : i32
    %scan3A_20 = arith.constant 1 : i32
    %scan3A_21 = scf.for %scan3A_24 = %scan3A_17 to %scan3A_19 step %scan3A_20 iter_args(%scan3A_25 = %scan3A_16) -> (i32)  : i32 {
      %mul3A_26 = arith.constant 1280 : i32
      %mul3A_27 = arith.muli %arg0, %mul3A_26 : i32
      %mul3A_28 = arith.constant 80 : i32
      %mul3A_29 = arith.muli %arg1, %mul3A_28 : i32
      %add3A_30 = arith.addi %mul3A_27, %mul3A_29 : i32
      %mul3A_31 = arith.constant 16 : i32
      %mul3A_32 = arith.muli %scan3A_24, %mul3A_31 : i32
      %add3A_33 = arith.addi %add3A_30, %mul3A_32 : i32
      "tpu.region"() ({
        %run_scoped3A = tpu.sem_alloc : memref<!tpu.dma_semaphore, #tpu.memory_space<semaphore_mem>>
        %dma_start3A_481 = arith.constant 0 : i32
        %dma_start3A_482 = tpu.memref_slice %arg3[%add3A_33, %dma_start3A_481] : memref<2560x128xi32, #tpu.memory_space<hbm>> -> memref<16x128xi32, #tpu.memory_space<hbm>>
        %dma_start3A_483 = arith.constant 0 : i32
        %dma_start3A_484 = tpu.memref_slice %arg3[%add3A_33, %dma_start3A_483] : memref<2560x128xi32, #tpu.memory_space<hbm>> -> memref<16x128xi32, #tpu.memory_space<hbm>>
        tpu.enqueue_dma source(%dma_start3A_484 : memref<16x128xi32, #tpu.memory_space<hbm>>) target(%arg7 : memref<16x128xi32, #tpu.memory_space<vmem>>) target_semaphore(%run_scoped3A : memref<!tpu.dma_semaphore, #tpu.memory_space<semaphore_mem>>)
        %dma_wait3A_485 = arith.constant 0 : i32
        %dma_wait3A_486 = tpu.memref_slice %arg3[%add3A_33, %dma_wait3A_485] : memref<2560x128xi32, #tpu.memory_space<hbm>> -> memref<16x128xi32, #tpu.memory_space<hbm>>
        %dma_wait3A_487 = arith.constant 0 : i32
        %dma_wait3A_488 = tpu.memref_slice %arg3[%add3A_33, %dma_wait3A_487] : memref<2560x128xi32, #tpu.memory_space<hbm>> -> memref<16x128xi32, #tpu.memory_space<hbm>>
        tpu.wait_dma2 semaphore(%run_scoped3A : memref<!tpu.dma_semaphore, #tpu.memory_space<semaphore_mem>>) src(%dma_wait3A_488 : memref<16x128xi32, #tpu.memory_space<hbm>>) dst(%arg7 : memref<16x128xi32, #tpu.memory_space<vmem>>)
        tpu.yield
      }) : () -> ()
      "tpu.region"() ({
        %run_scoped3A = tpu.sem_alloc : memref<!tpu.dma_semaphore, #tpu.memory_space<semaphore_mem>>
        %dma_start3A_481 = arith.constant 0 : i32
        %dma_start3A_482 = tpu.memref_slice %arg4[%add3A_33, %dma_start3A_481] : memref<2560x128xi32, #tpu.memory_space<hbm>> -> memref<16x128xi32, #tpu.memory_space<hbm>>
        %dma_start3A_483 = arith.constant 0 : i32
        %dma_start3A_484 = tpu.memref_slice %arg4[%add3A_33, %dma_start3A_483] : memref<2560x128xi32, #tpu.memory_space<hbm>> -> memref<16x128xi32, #tpu.memory_space<hbm>>
        tpu.enqueue_dma source(%dma_start3A_484 : memref<16x128xi32, #tpu.memory_space<hbm>>) target(%arg8 : memref<16x128xi32, #tpu.memory_space<vmem>>) target_semaphore(%run_scoped3A : memref<!tpu.dma_semaphore, #tpu.memory_space<semaphore_mem>>)
        %dma_wait3A_485 = arith.constant 0 : i32
        %dma_wait3A_486 = tpu.memref_slice %arg4[%add3A_33, %dma_wait3A_485] : memref<2560x128xi32, #tpu.memory_space<hbm>> -> memref<16x128xi32, #tpu.memory_space<hbm>>
        %dma_wait3A_487 = arith.constant 0 : i32
        %dma_wait3A_488 = tpu.memref_slice %arg4[%add3A_33, %dma_wait3A_487] : memref<2560x128xi32, #tpu.memory_space<hbm>> -> memref<16x128xi32, #tpu.memory_space<hbm>>
        tpu.wait_dma2 semaphore(%run_scoped3A : memref<!tpu.dma_semaphore, #tpu.memory_space<semaphore_mem>>) src(%dma_wait3A_488 : memref<16x128xi32, #tpu.memory_space<hbm>>) dst(%arg8 : memref<16x128xi32, #tpu.memory_space<vmem>>)
        tpu.yield
      }) : () -> ()
      %dma_start3A = arith.constant 0 : i32
      %dma_start3A_34 = arith.constant 0 : i32
      %dma_start3A_35 = tpu.memref_slice %arg7[%dma_start3A, %dma_start3A_34] : memref<16x128xi32, #tpu.memory_space<vmem>> -> memref<1x128xi32, #tpu.memory_space<vmem>>
      %dma_start3A_36 = tpu.memref_squeeze %dma_start3A_35 : memref<1x128xi32, #tpu.memory_space<vmem>> -> memref<128xi32, #tpu.memory_space<vmem>>
      %dma_start3A_37 = arith.constant 0 : i32
      %dma_start3A_38 = arith.constant 0 : i32
      %dma_start3A_39 = tpu.memref_slice %arg2[%dma_start3A_37, %dma_start3A_38] : memref<10000x128xf32, #tpu.memory_space<hbm>> -> memref<10000x128xf32, #tpu.memory_space<hbm>>
      tpu.enqueue_indirect_dma source(%dma_start3A_39 : memref<10000x128xf32, #tpu.memory_space<hbm>>) target(%arg9 : memref<128x128xf32, #tpu.memory_space<vmem>>) offsets(%dma_start3A_36 : memref<128xi32, #tpu.memory_space<vmem>>) semaphore(%arg11 : memref<!tpu.dma_semaphore, #tpu.memory_space<semaphore_mem>>)
      %dma_start3A_40 = arith.constant 1 : i32
      %dma_start3A_41 = arith.constant 0 : i32
      %dma_start3A_42 = tpu.memref_slice %arg7[%dma_start3A_40, %dma_start3A_41] : memref<16x128xi32, #tpu.memory_space<vmem>> -> memref<1x128xi32, #tpu.memory_space<vmem>>
      %dma_start3A_43 = tpu.memref_squeeze %dma_start3A_42 : memref<1x128xi32, #tpu.memory_space<vmem>> -> memref<128xi32, #tpu.memory_space<vmem>>
      %dma_start3A_44 = arith.constant 0 : i32
      %dma_start3A_45 = arith.constant 0 : i32
      %dma_start3A_46 = tpu.memref_slice %arg2[%dma_start3A_44, %dma_start3A_45] : memref<10000x128xf32, #tpu.memory_space<hbm>> -> memref<10000x128xf32, #tpu.memory_space<hbm>>
      tpu.enqueue_indirect_dma source(%dma_start3A_46 : memref<10000x128xf32, #tpu.memory_space<hbm>>) target(%arg10 : memref<128x128xf32, #tpu.memory_space<vmem>>) offsets(%dma_start3A_43 : memref<128xi32, #tpu.memory_space<vmem>>) semaphore(%arg11 : memref<!tpu.dma_semaphore, #tpu.memory_space<semaphore_mem>>)
      %dma_wait3A = arith.constant 0 : i32
      %dma_wait3A_47 = arith.constant 0 : i32
      %dma_wait3A_48 = tpu.memref_slice %arg7[%dma_wait3A, %dma_wait3A_47] : memref<16x128xi32, #tpu.memory_space<vmem>> -> memref<1x128xi32, #tpu.memory_space<vmem>>
      %dma_wait3A_49 = tpu.memref_squeeze %dma_wait3A_48 : memref<1x128xi32, #tpu.memory_space<vmem>> -> memref<128xi32, #tpu.memory_space<vmem>>
      %dma_wait3A_50 = arith.constant 0 : i32
      %dma_wait3A_51 = arith.constant 0 : i32
      %dma_wait3A_52 = tpu.memref_slice %arg2[%dma_wait3A_50, %dma_wait3A_51] : memref<10000x128xf32, #tpu.memory_space<hbm>> -> memref<10000x128xf32, #tpu.memory_space<hbm>>
      tpu.wait_indirect_dma semaphore(%arg11 : memref<!tpu.dma_semaphore, #tpu.memory_space<semaphore_mem>>) src(%dma_wait3A_52 : memref<10000x128xf32, #tpu.memory_space<hbm>>) dst(%arg9 : memref<128x128xf32, #tpu.memory_space<vmem>>)
      %dma_start3A_53 = arith.constant 0 : i32
      %dma_start3A_54 = arith.constant 0 : i32
      %dma_start3A_55 = tpu.memref_slice %arg8[%dma_start3A_53, %dma_start3A_54] : memref<16x128xi32, #tpu.memory_space<vmem>> -> memref<1x128xi32, #tpu.memory_space<vmem>>
      %dma_start3A_56 = tpu.memref_squeeze %dma_start3A_55 : memref<1x128xi32, #tpu.memory_space<vmem>> -> memref<128xi32, #tpu.memory_space<vmem>>
      %dma_start3A_57 = arith.constant 0 : i32
      %dma_start3A_58 = arith.constant 0 : i32
      %dma_start3A_59 = tpu.memref_slice %arg6[%dma_start3A_57, %dma_start3A_58] : memref<10240x128xf32, #tpu.memory_space<vmem_shared>> -> memref<10240x128xf32, #tpu.memory_space<vmem_shared>>
      tpu.enqueue_indirect_dma source(%arg9 : memref<128x128xf32, #tpu.memory_space<vmem>>) target(%dma_start3A_59 : memref<10240x128xf32, #tpu.memory_space<vmem_shared>>) offsets(%dma_start3A_56 : memref<128xi32, #tpu.memory_space<vmem>>) semaphore(%arg12 : memref<!tpu.dma_semaphore, #tpu.memory_space<semaphore_mem>>) {add = true}
      %dma_wait3A_60 = arith.constant 0 : i32
      %dma_wait3A_61 = arith.constant 0 : i32
      %dma_wait3A_62 = tpu.memref_slice %arg8[%dma_wait3A_60, %dma_wait3A_61] : memref<16x128xi32, #tpu.memory_space<vmem>> -> memref<1x128xi32, #tpu.memory_space<vmem>>
      %dma_wait3A_63 = tpu.memref_squeeze %dma_wait3A_62 : memref<1x128xi32, #tpu.memory_space<vmem>> -> memref<128xi32, #tpu.memory_space<vmem>>
      %dma_wait3A_64 = arith.constant 0 : i32
      %dma_wait3A_65 = arith.constant 0 : i32
      %dma_wait3A_66 = tpu.memref_slice %arg6[%dma_wait3A_64, %dma_wait3A_65] : memref<10240x128xf32, #tpu.memory_space<vmem_shared>> -> memref<10240x128xf32, #tpu.memory_space<vmem_shared>>
      tpu.wait_indirect_dma semaphore(%arg12 : memref<!tpu.dma_semaphore, #tpu.memory_space<semaphore_mem>>) src(%arg9 : memref<128x128xf32, #tpu.memory_space<vmem>>) dst(%dma_wait3A_66 : memref<10240x128xf32, #tpu.memory_space<vmem_shared>>)
      %dma_start3A_67 = arith.constant 2 : i32
      %dma_start3A_68 = arith.constant 0 : i32
      %dma_start3A_69 = tpu.memref_slice %arg7[%dma_start3A_67, %dma_start3A_68] : memref<16x128xi32, #tpu.memory_space<vmem>> -> memref<1x128xi32, #tpu.memory_space<vmem>>
      %dma_start3A_70 = tpu.memref_squeeze %dma_start3A_69 : memref<1x128xi32, #tpu.memory_space<vmem>> -> memref<128xi32, #tpu.memory_space<vmem>>
      %dma_start3A_71 = arith.constant 0 : i32
      %dma_start3A_72 = arith.constant 0 : i32
      %dma_start3A_73 = tpu.memref_slice %arg2[%dma_start3A_71, %dma_start3A_72] : memref<10000x128xf32, #tpu.memory_space<hbm>> -> memref<10000x128xf32, #tpu.memory_space<hbm>>
      tpu.enqueue_indirect_dma source(%dma_start3A_73 : memref<10000x128xf32, #tpu.memory_space<hbm>>) target(%arg9 : memref<128x128xf32, #tpu.memory_space<vmem>>) offsets(%dma_start3A_70 : memref<128xi32, #tpu.memory_space<vmem>>) semaphore(%arg11 : memref<!tpu.dma_semaphore, #tpu.memory_space<semaphore_mem>>)
      %dma_wait3A_74 = arith.constant 1 : i32
      %dma_wait3A_75 = arith.constant 0 : i32
      %dma_wait3A_76 = tpu.memref_slice %arg7[%dma_wait3A_74, %dma_wait3A_75] : memref<16x128xi32, #tpu.memory_space<vmem>> -> memref<1x128xi32, #tpu.memory_space<vmem>>
      %dma_wait3A_77 = tpu.memref_squeeze %dma_wait3A_76 : memref<1x128xi32, #tpu.memory_space<vmem>> -> memref<128xi32, #tpu.memory_space<vmem>>
      %dma_wait3A_78 = arith.constant 0 : i32
      %dma_wait3A_79 = arith.constant 0 : i32
      %dma_wait3A_80 = tpu.memref_slice %arg2[%dma_wait3A_78, %dma_wait3A_79] : memref<10000x128xf32, #tpu.memory_space<hbm>> -> memref<10000x128xf32, #tpu.memory_space<hbm>>
      tpu.wait_indirect_dma semaphore(%arg11 : memref<!tpu.dma_semaphore, #tpu.memory_space<semaphore_mem>>) src(%dma_wait3A_80 : memref<10000x128xf32, #tpu.memory_space<hbm>>) dst(%arg10 : memref<128x128xf32, #tpu.memory_space<vmem>>)
      %dma_start3A_81 = arith.constant 1 : i32
      %dma_start3A_82 = arith.constant 0 : i32
      %dma_start3A_83 = tpu.memref_slice %arg8[%dma_start3A_81, %dma_start3A_82] : memref<16x128xi32, #tpu.memory_space<vmem>> -> memref<1x128xi32, #tpu.memory_space<vmem>>
      %dma_start3A_84 = tpu.memref_squeeze %dma_start3A_83 : memref<1x128xi32, #tpu.memory_space<vmem>> -> memref<128xi32, #tpu.memory_space<vmem>>
      %dma_start3A_85 = arith.constant 0 : i32
      %dma_start3A_86 = arith.constant 0 : i32
      %dma_start3A_87 = tpu.memref_slice %arg6[%dma_start3A_85, %dma_start3A_86] : memref<10240x128xf32, #tpu.memory_space<vmem_shared>> -> memref<10240x128xf32, #tpu.memory_space<vmem_shared>>
      tpu.enqueue_indirect_dma source(%arg10 : memref<128x128xf32, #tpu.memory_space<vmem>>) target(%dma_start3A_87 : memref<10240x128xf32, #tpu.memory_space<vmem_shared>>) offsets(%dma_start3A_84 : memref<128xi32, #tpu.memory_space<vmem>>) semaphore(%arg12 : memref<!tpu.dma_semaphore, #tpu.memory_space<semaphore_mem>>) {add = true}
      %dma_wait3A_88 = arith.constant 1 : i32
      %dma_wait3A_89 = arith.constant 0 : i32
      %dma_wait3A_90 = tpu.memref_slice %arg8[%dma_wait3A_88, %dma_wait3A_89] : memref<16x128xi32, #tpu.memory_space<vmem>> -> memref<1x128xi32, #tpu.memory_space<vmem>>
      %dma_wait3A_91 = tpu.memref_squeeze %dma_wait3A_90 : memref<1x128xi32, #tpu.memory_space<vmem>> -> memref<128xi32, #tpu.memory_space<vmem>>
      %dma_wait3A_92 = arith.constant 0 : i32
      %dma_wait3A_93 = arith.constant 0 : i32
      %dma_wait3A_94 = tpu.memref_slice %arg6[%dma_wait3A_92, %dma_wait3A_93] : memref<10240x128xf32, #tpu.memory_space<vmem_shared>> -> memref<10240x128xf32, #tpu.memory_space<vmem_shared>>
      tpu.wait_indirect_dma semaphore(%arg12 : memref<!tpu.dma_semaphore, #tpu.memory_space<semaphore_mem>>) src(%arg10 : memref<128x128xf32, #tpu.memory_space<vmem>>) dst(%dma_wait3A_94 : memref<10240x128xf32, #tpu.memory_space<vmem_shared>>)
      %dma_start3A_95 = arith.constant 3 : i32
      %dma_start3A_96 = arith.constant 0 : i32
      %dma_start3A_97 = tpu.memref_slice %arg7[%dma_start3A_95, %dma_start3A_96] : memref<16x128xi32, #tpu.memory_space<vmem>> -> memref<1x128xi32, #tpu.memory_space<vmem>>
      %dma_start3A_98 = tpu.memref_squeeze %dma_start3A_97 : memref<1x128xi32, #tpu.memory_space<vmem>> -> memref<128xi32, #tpu.memory_space<vmem>>
      %dma_start3A_99 = arith.constant 0 : i32
      %dma_start3A_100 = arith.constant 0 : i32
      %dma_start3A_101 = tpu.memref_slice %arg2[%dma_start3A_99, %dma_start3A_100] : memref<10000x128xf32, #tpu.memory_space<hbm>> -> memref<10000x128xf32, #tpu.memory_space<hbm>>
      tpu.enqueue_indirect_dma source(%dma_start3A_101 : memref<10000x128xf32, #tpu.memory_space<hbm>>) target(%arg10 : memref<128x128xf32, #tpu.memory_space<vmem>>) offsets(%dma_start3A_98 : memref<128xi32, #tpu.memory_space<vmem>>) semaphore(%arg11 : memref<!tpu.dma_semaphore, #tpu.memory_space<semaphore_mem>>)
      %dma_wait3A_102 = arith.constant 2 : i32
      %dma_wait3A_103 = arith.constant 0 : i32
      %dma_wait3A_104 = tpu.memref_slice %arg7[%dma_wait3A_102, %dma_wait3A_103] : memref<16x128xi32, #tpu.memory_space<vmem>> -> memref<1x128xi32, #tpu.memory_space<vmem>>
      %dma_wait3A_105 = tpu.memref_squeeze %dma_wait3A_104 : memref<1x128xi32, #tpu.memory_space<vmem>> -> memref<128xi32, #tpu.memory_space<vmem>>
      %dma_wait3A_106 = arith.constant 0 : i32
      %dma_wait3A_107 = arith.constant 0 : i32
      %dma_wait3A_108 = tpu.memref_slice %arg2[%dma_wait3A_106, %dma_wait3A_107] : memref<10000x128xf32, #tpu.memory_space<hbm>> -> memref<10000x128xf32, #tpu.memory_space<hbm>>
      tpu.wait_indirect_dma semaphore(%arg11 : memref<!tpu.dma_semaphore, #tpu.memory_space<semaphore_mem>>) src(%dma_wait3A_108 : memref<10000x128xf32, #tpu.memory_space<hbm>>) dst(%arg9 : memref<128x128xf32, #tpu.memory_space<vmem>>)
      %dma_start3A_109 = arith.constant 2 : i32
      %dma_start3A_110 = arith.constant 0 : i32
      %dma_start3A_111 = tpu.memref_slice %arg8[%dma_start3A_109, %dma_start3A_110] : memref<16x128xi32, #tpu.memory_space<vmem>> -> memref<1x128xi32, #tpu.memory_space<vmem>>
      %dma_start3A_112 = tpu.memref_squeeze %dma_start3A_111 : memref<1x128xi32, #tpu.memory_space<vmem>> -> memref<128xi32, #tpu.memory_space<vmem>>
      %dma_start3A_113 = arith.constant 0 : i32
      %dma_start3A_114 = arith.constant 0 : i32
      %dma_start3A_115 = tpu.memref_slice %arg6[%dma_start3A_113, %dma_start3A_114] : memref<10240x128xf32, #tpu.memory_space<vmem_shared>> -> memref<10240x128xf32, #tpu.memory_space<vmem_shared>>
      tpu.enqueue_indirect_dma source(%arg9 : memref<128x128xf32, #tpu.memory_space<vmem>>) target(%dma_start3A_115 : memref<10240x128xf32, #tpu.memory_space<vmem_shared>>) offsets(%dma_start3A_112 : memref<128xi32, #tpu.memory_space<vmem>>) semaphore(%arg12 : memref<!tpu.dma_semaphore, #tpu.memory_space<semaphore_mem>>) {add = true}
      %dma_wait3A_116 = arith.constant 2 : i32
      %dma_wait3A_117 = arith.constant 0 : i32
      %dma_wait3A_118 = tpu.memref_slice %arg8[%dma_wait3A_116, %dma_wait3A_117] : memref<16x128xi32, #tpu.memory_space<vmem>> -> memref<1x128xi32, #tpu.memory_space<vmem>>
      %dma_wait3A_119 = tpu.memref_squeeze %dma_wait3A_118 : memref<1x128xi32, #tpu.memory_space<vmem>> -> memref<128xi32, #tpu.memory_space<vmem>>
      %dma_wait3A_120 = arith.constant 0 : i32
      %dma_wait3A_121 = arith.constant 0 : i32
      %dma_wait3A_122 = tpu.memref_slice %arg6[%dma_wait3A_120, %dma_wait3A_121] : memref<10240x128xf32, #tpu.memory_space<vmem_shared>> -> memref<10240x128xf32, #tpu.memory_space<vmem_shared>>
      tpu.wait_indirect_dma semaphore(%arg12 : memref<!tpu.dma_semaphore, #tpu.memory_space<semaphore_mem>>) src(%arg9 : memref<128x128xf32, #tpu.memory_space<vmem>>) dst(%dma_wait3A_122 : memref<10240x128xf32, #tpu.memory_space<vmem_shared>>)
      %dma_start3A_123 = arith.constant 4 : i32
      %dma_start3A_124 = arith.constant 0 : i32
      %dma_start3A_125 = tpu.memref_slice %arg7[%dma_start3A_123, %dma_start3A_124] : memref<16x128xi32, #tpu.memory_space<vmem>> -> memref<1x128xi32, #tpu.memory_space<vmem>>
      %dma_start3A_126 = tpu.memref_squeeze %dma_start3A_125 : memref<1x128xi32, #tpu.memory_space<vmem>> -> memref<128xi32, #tpu.memory_space<vmem>>
      %dma_start3A_127 = arith.constant 0 : i32
      %dma_start3A_128 = arith.constant 0 : i32
      %dma_start3A_129 = tpu.memref_slice %arg2[%dma_start3A_127, %dma_start3A_128] : memref<10000x128xf32, #tpu.memory_space<hbm>> -> memref<10000x128xf32, #tpu.memory_space<hbm>>
      tpu.enqueue_indirect_dma source(%dma_start3A_129 : memref<10000x128xf32, #tpu.memory_space<hbm>>) target(%arg9 : memref<128x128xf32, #tpu.memory_space<vmem>>) offsets(%dma_start3A_126 : memref<128xi32, #tpu.memory_space<vmem>>) semaphore(%arg11 : memref<!tpu.dma_semaphore, #tpu.memory_space<semaphore_mem>>)
      %dma_wait3A_130 = arith.constant 3 : i32
      %dma_wait3A_131 = arith.constant 0 : i32
      %dma_wait3A_132 = tpu.memref_slice %arg7[%dma_wait3A_130, %dma_wait3A_131] : memref<16x128xi32, #tpu.memory_space<vmem>> -> memref<1x128xi32, #tpu.memory_space<vmem>>
      %dma_wait3A_133 = tpu.memref_squeeze %dma_wait3A_132 : memref<1x128xi32, #tpu.memory_space<vmem>> -> memref<128xi32, #tpu.memory_space<vmem>>
      %dma_wait3A_134 = arith.constant 0 : i32
      %dma_wait3A_135 = arith.constant 0 : i32
      %dma_wait3A_136 = tpu.memref_slice %arg2[%dma_wait3A_134, %dma_wait3A_135] : memref<10000x128xf32, #tpu.memory_space<hbm>> -> memref<10000x128xf32, #tpu.memory_space<hbm>>
      tpu.wait_indirect_dma semaphore(%arg11 : memref<!tpu.dma_semaphore, #tpu.memory_space<semaphore_mem>>) src(%dma_wait3A_136 : memref<10000x128xf32, #tpu.memory_space<hbm>>) dst(%arg10 : memref<128x128xf32, #tpu.memory_space<vmem>>)
      %dma_start3A_137 = arith.constant 3 : i32
      %dma_start3A_138 = arith.constant 0 : i32
      %dma_start3A_139 = tpu.memref_slice %arg8[%dma_start3A_137, %dma_start3A_138] : memref<16x128xi32, #tpu.memory_space<vmem>> -> memref<1x128xi32, #tpu.memory_space<vmem>>
      %dma_start3A_140 = tpu.memref_squeeze %dma_start3A_139 : memref<1x128xi32, #tpu.memory_space<vmem>> -> memref<128xi32, #tpu.memory_space<vmem>>
      %dma_start3A_141 = arith.constant 0 : i32
      %dma_start3A_142 = arith.constant 0 : i32
      %dma_start3A_143 = tpu.memref_slice %arg6[%dma_start3A_141, %dma_start3A_142] : memref<10240x128xf32, #tpu.memory_space<vmem_shared>> -> memref<10240x128xf32, #tpu.memory_space<vmem_shared>>
      tpu.enqueue_indirect_dma source(%arg10 : memref<128x128xf32, #tpu.memory_space<vmem>>) target(%dma_start3A_143 : memref<10240x128xf32, #tpu.memory_space<vmem_shared>>) offsets(%dma_start3A_140 : memref<128xi32, #tpu.memory_space<vmem>>) semaphore(%arg12 : memref<!tpu.dma_semaphore, #tpu.memory_space<semaphore_mem>>) {add = true}
      %dma_wait3A_144 = arith.constant 3 : i32
      %dma_wait3A_145 = arith.constant 0 : i32
      %dma_wait3A_146 = tpu.memref_slice %arg8[%dma_wait3A_144, %dma_wait3A_145] : memref<16x128xi32, #tpu.memory_space<vmem>> -> memref<1x128xi32, #tpu.memory_space<vmem>>
      %dma_wait3A_147 = tpu.memref_squeeze %dma_wait3A_146 : memref<1x128xi32, #tpu.memory_space<vmem>> -> memref<128xi32, #tpu.memory_space<vmem>>
      %dma_wait3A_148 = arith.constant 0 : i32
      %dma_wait3A_149 = arith.constant 0 : i32
      %dma_wait3A_150 = tpu.memref_slice %arg6[%dma_wait3A_148, %dma_wait3A_149] : memref<10240x128xf32, #tpu.memory_space<vmem_shared>> -> memref<10240x128xf32, #tpu.memory_space<vmem_shared>>
      tpu.wait_indirect_dma semaphore(%arg12 : memref<!tpu.dma_semaphore, #tpu.memory_space<semaphore_mem>>) src(%arg10 : memref<128x128xf32, #tpu.memory_space<vmem>>) dst(%dma_wait3A_150 : memref<10240x128xf32, #tpu.memory_space<vmem_shared>>)
      %dma_start3A_151 = arith.constant 5 : i32
      %dma_start3A_152 = arith.constant 0 : i32
      %dma_start3A_153 = tpu.memref_slice %arg7[%dma_start3A_151, %dma_start3A_152] : memref<16x128xi32, #tpu.memory_space<vmem>> -> memref<1x128xi32, #tpu.memory_space<vmem>>
      %dma_start3A_154 = tpu.memref_squeeze %dma_start3A_153 : memref<1x128xi32, #tpu.memory_space<vmem>> -> memref<128xi32, #tpu.memory_space<vmem>>
      %dma_start3A_155 = arith.constant 0 : i32
      %dma_start3A_156 = arith.constant 0 : i32
      %dma_start3A_157 = tpu.memref_slice %arg2[%dma_start3A_155, %dma_start3A_156] : memref<10000x128xf32, #tpu.memory_space<hbm>> -> memref<10000x128xf32, #tpu.memory_space<hbm>>
      tpu.enqueue_indirect_dma source(%dma_start3A_157 : memref<10000x128xf32, #tpu.memory_space<hbm>>) target(%arg10 : memref<128x128xf32, #tpu.memory_space<vmem>>) offsets(%dma_start3A_154 : memref<128xi32, #tpu.memory_space<vmem>>) semaphore(%arg11 : memref<!tpu.dma_semaphore, #tpu.memory_space<semaphore_mem>>)
      %dma_wait3A_158 = arith.constant 4 : i32
      %dma_wait3A_159 = arith.constant 0 : i32
      %dma_wait3A_160 = tpu.memref_slice %arg7[%dma_wait3A_158, %dma_wait3A_159] : memref<16x128xi32, #tpu.memory_space<vmem>> -> memref<1x128xi32, #tpu.memory_space<vmem>>
      %dma_wait3A_161 = tpu.memref_squeeze %dma_wait3A_160 : memref<1x128xi32, #tpu.memory_space<vmem>> -> memref<128xi32, #tpu.memory_space<vmem>>
      %dma_wait3A_162 = arith.constant 0 : i32
      %dma_wait3A_163 = arith.constant 0 : i32
      %dma_wait3A_164 = tpu.memref_slice %arg2[%dma_wait3A_162, %dma_wait3A_163] : memref<10000x128xf32, #tpu.memory_space<hbm>> -> memref<10000x128xf32, #tpu.memory_space<hbm>>
      tpu.wait_indirect_dma semaphore(%arg11 : memref<!tpu.dma_semaphore, #tpu.memory_space<semaphore_mem>>) src(%dma_wait3A_164 : memref<10000x128xf32, #tpu.memory_space<hbm>>) dst(%arg9 : memref<128x128xf32, #tpu.memory_space<vmem>>)
      %dma_start3A_165 = arith.constant 4 : i32
      %dma_start3A_166 = arith.constant 0 : i32
      %dma_start3A_167 = tpu.memref_slice %arg8[%dma_start3A_165, %dma_start3A_166] : memref<16x128xi32, #tpu.memory_space<vmem>> -> memref<1x128xi32, #tpu.memory_space<vmem>>
      %dma_start3A_168 = tpu.memref_squeeze %dma_start3A_167 : memref<1x128xi32, #tpu.memory_space<vmem>> -> memref<128xi32, #tpu.memory_space<vmem>>
      %dma_start3A_169 = arith.constant 0 : i32
      %dma_start3A_170 = arith.constant 0 : i32
      %dma_start3A_171 = tpu.memref_slice %arg6[%dma_start3A_169, %dma_start3A_170] : memref<10240x128xf32, #tpu.memory_space<vmem_shared>> -> memref<10240x128xf32, #tpu.memory_space<vmem_shared>>
      tpu.enqueue_indirect_dma source(%arg9 : memref<128x128xf32, #tpu.memory_space<vmem>>) target(%dma_start3A_171 : memref<10240x128xf32, #tpu.memory_space<vmem_shared>>) offsets(%dma_start3A_168 : memref<128xi32, #tpu.memory_space<vmem>>) semaphore(%arg12 : memref<!tpu.dma_semaphore, #tpu.memory_space<semaphore_mem>>) {add = true}
      %dma_wait3A_172 = arith.constant 4 : i32
      %dma_wait3A_173 = arith.constant 0 : i32
      %dma_wait3A_174 = tpu.memref_slice %arg8[%dma_wait3A_172, %dma_wait3A_173] : memref<16x128xi32, #tpu.memory_space<vmem>> -> memref<1x128xi32, #tpu.memory_space<vmem>>
      %dma_wait3A_175 = tpu.memref_squeeze %dma_wait3A_174 : memref<1x128xi32, #tpu.memory_space<vmem>> -> memref<128xi32, #tpu.memory_space<vmem>>
      %dma_wait3A_176 = arith.constant 0 : i32
      %dma_wait3A_177 = arith.constant 0 : i32
      %dma_wait3A_178 = tpu.memref_slice %arg6[%dma_wait3A_176, %dma_wait3A_177] : memref<10240x128xf32, #tpu.memory_space<vmem_shared>> -> memref<10240x128xf32, #tpu.memory_space<vmem_shared>>
      tpu.wait_indirect_dma semaphore(%arg12 : memref<!tpu.dma_semaphore, #tpu.memory_space<semaphore_mem>>) src(%arg9 : memref<128x128xf32, #tpu.memory_space<vmem>>) dst(%dma_wait3A_178 : memref<10240x128xf32, #tpu.memory_space<vmem_shared>>)
      %dma_start3A_179 = arith.constant 6 : i32
      %dma_start3A_180 = arith.constant 0 : i32
      %dma_start3A_181 = tpu.memref_slice %arg7[%dma_start3A_179, %dma_start3A_180] : memref<16x128xi32, #tpu.memory_space<vmem>> -> memref<1x128xi32, #tpu.memory_space<vmem>>
      %dma_start3A_182 = tpu.memref_squeeze %dma_start3A_181 : memref<1x128xi32, #tpu.memory_space<vmem>> -> memref<128xi32, #tpu.memory_space<vmem>>
      %dma_start3A_183 = arith.constant 0 : i32
      %dma_start3A_184 = arith.constant 0 : i32
      %dma_start3A_185 = tpu.memref_slice %arg2[%dma_start3A_183, %dma_start3A_184] : memref<10000x128xf32, #tpu.memory_space<hbm>> -> memref<10000x128xf32, #tpu.memory_space<hbm>>
      tpu.enqueue_indirect_dma source(%dma_start3A_185 : memref<10000x128xf32, #tpu.memory_space<hbm>>) target(%arg9 : memref<128x128xf32, #tpu.memory_space<vmem>>) offsets(%dma_start3A_182 : memref<128xi32, #tpu.memory_space<vmem>>) semaphore(%arg11 : memref<!tpu.dma_semaphore, #tpu.memory_space<semaphore_mem>>)
      %dma_wait3A_186 = arith.constant 5 : i32
      %dma_wait3A_187 = arith.constant 0 : i32
      %dma_wait3A_188 = tpu.memref_slice %arg7[%dma_wait3A_186, %dma_wait3A_187] : memref<16x128xi32, #tpu.memory_space<vmem>> -> memref<1x128xi32, #tpu.memory_space<vmem>>
      %dma_wait3A_189 = tpu.memref_squeeze %dma_wait3A_188 : memref<1x128xi32, #tpu.memory_space<vmem>> -> memref<128xi32, #tpu.memory_space<vmem>>
      %dma_wait3A_190 = arith.constant 0 : i32
      %dma_wait3A_191 = arith.constant 0 : i32
      %dma_wait3A_192 = tpu.memref_slice %arg2[%dma_wait3A_190, %dma_wait3A_191] : memref<10000x128xf32, #tpu.memory_space<hbm>> -> memref<10000x128xf32, #tpu.memory_space<hbm>>
      tpu.wait_indirect_dma semaphore(%arg11 : memref<!tpu.dma_semaphore, #tpu.memory_space<semaphore_mem>>) src(%dma_wait3A_192 : memref<10000x128xf32, #tpu.memory_space<hbm>>) dst(%arg10 : memref<128x128xf32, #tpu.memory_space<vmem>>)
      %dma_start3A_193 = arith.constant 5 : i32
      %dma_start3A_194 = arith.constant 0 : i32
      %dma_start3A_195 = tpu.memref_slice %arg8[%dma_start3A_193, %dma_start3A_194] : memref<16x128xi32, #tpu.memory_space<vmem>> -> memref<1x128xi32, #tpu.memory_space<vmem>>
      %dma_start3A_196 = tpu.memref_squeeze %dma_start3A_195 : memref<1x128xi32, #tpu.memory_space<vmem>> -> memref<128xi32, #tpu.memory_space<vmem>>
      %dma_start3A_197 = arith.constant 0 : i32
      %dma_start3A_198 = arith.constant 0 : i32
      %dma_start3A_199 = tpu.memref_slice %arg6[%dma_start3A_197, %dma_start3A_198] : memref<10240x128xf32, #tpu.memory_space<vmem_shared>> -> memref<10240x128xf32, #tpu.memory_space<vmem_shared>>
      tpu.enqueue_indirect_dma source(%arg10 : memref<128x128xf32, #tpu.memory_space<vmem>>) target(%dma_start3A_199 : memref<10240x128xf32, #tpu.memory_space<vmem_shared>>) offsets(%dma_start3A_196 : memref<128xi32, #tpu.memory_space<vmem>>) semaphore(%arg12 : memref<!tpu.dma_semaphore, #tpu.memory_space<semaphore_mem>>) {add = true}
      %dma_wait3A_200 = arith.constant 5 : i32
      %dma_wait3A_201 = arith.constant 0 : i32
      %dma_wait3A_202 = tpu.memref_slice %arg8[%dma_wait3A_200, %dma_wait3A_201] : memref<16x128xi32, #tpu.memory_space<vmem>> -> memref<1x128xi32, #tpu.memory_space<vmem>>
      %dma_wait3A_203 = tpu.memref_squeeze %dma_wait3A_202 : memref<1x128xi32, #tpu.memory_space<vmem>> -> memref<128xi32, #tpu.memory_space<vmem>>
      %dma_wait3A_204 = arith.constant 0 : i32
      %dma_wait3A_205 = arith.constant 0 : i32
      %dma_wait3A_206 = tpu.memref_slice %arg6[%dma_wait3A_204, %dma_wait3A_205] : memref<10240x128xf32, #tpu.memory_space<vmem_shared>> -> memref<10240x128xf32, #tpu.memory_space<vmem_shared>>
      tpu.wait_indirect_dma semaphore(%arg12 : memref<!tpu.dma_semaphore, #tpu.memory_space<semaphore_mem>>) src(%arg10 : memref<128x128xf32, #tpu.memory_space<vmem>>) dst(%dma_wait3A_206 : memref<10240x128xf32, #tpu.memory_space<vmem_shared>>)
      %dma_start3A_207 = arith.constant 7 : i32
      %dma_start3A_208 = arith.constant 0 : i32
      %dma_start3A_209 = tpu.memref_slice %arg7[%dma_start3A_207, %dma_start3A_208] : memref<16x128xi32, #tpu.memory_space<vmem>> -> memref<1x128xi32, #tpu.memory_space<vmem>>
      %dma_start3A_210 = tpu.memref_squeeze %dma_start3A_209 : memref<1x128xi32, #tpu.memory_space<vmem>> -> memref<128xi32, #tpu.memory_space<vmem>>
      %dma_start3A_211 = arith.constant 0 : i32
      %dma_start3A_212 = arith.constant 0 : i32
      %dma_start3A_213 = tpu.memref_slice %arg2[%dma_start3A_211, %dma_start3A_212] : memref<10000x128xf32, #tpu.memory_space<hbm>> -> memref<10000x128xf32, #tpu.memory_space<hbm>>
      tpu.enqueue_indirect_dma source(%dma_start3A_213 : memref<10000x128xf32, #tpu.memory_space<hbm>>) target(%arg10 : memref<128x128xf32, #tpu.memory_space<vmem>>) offsets(%dma_start3A_210 : memref<128xi32, #tpu.memory_space<vmem>>) semaphore(%arg11 : memref<!tpu.dma_semaphore, #tpu.memory_space<semaphore_mem>>)
      %dma_wait3A_214 = arith.constant 6 : i32
      %dma_wait3A_215 = arith.constant 0 : i32
      %dma_wait3A_216 = tpu.memref_slice %arg7[%dma_wait3A_214, %dma_wait3A_215] : memref<16x128xi32, #tpu.memory_space<vmem>> -> memref<1x128xi32, #tpu.memory_space<vmem>>
      %dma_wait3A_217 = tpu.memref_squeeze %dma_wait3A_216 : memref<1x128xi32, #tpu.memory_space<vmem>> -> memref<128xi32, #tpu.memory_space<vmem>>
      %dma_wait3A_218 = arith.constant 0 : i32
      %dma_wait3A_219 = arith.constant 0 : i32
      %dma_wait3A_220 = tpu.memref_slice %arg2[%dma_wait3A_218, %dma_wait3A_219] : memref<10000x128xf32, #tpu.memory_space<hbm>> -> memref<10000x128xf32, #tpu.memory_space<hbm>>
      tpu.wait_indirect_dma semaphore(%arg11 : memref<!tpu.dma_semaphore, #tpu.memory_space<semaphore_mem>>) src(%dma_wait3A_220 : memref<10000x128xf32, #tpu.memory_space<hbm>>) dst(%arg9 : memref<128x128xf32, #tpu.memory_space<vmem>>)
      %dma_start3A_221 = arith.constant 6 : i32
      %dma_start3A_222 = arith.constant 0 : i32
      %dma_start3A_223 = tpu.memref_slice %arg8[%dma_start3A_221, %dma_start3A_222] : memref<16x128xi32, #tpu.memory_space<vmem>> -> memref<1x128xi32, #tpu.memory_space<vmem>>
      %dma_start3A_224 = tpu.memref_squeeze %dma_start3A_223 : memref<1x128xi32, #tpu.memory_space<vmem>> -> memref<128xi32, #tpu.memory_space<vmem>>
      %dma_start3A_225 = arith.constant 0 : i32
      %dma_start3A_226 = arith.constant 0 : i32
      %dma_start3A_227 = tpu.memref_slice %arg6[%dma_start3A_225, %dma_start3A_226] : memref<10240x128xf32, #tpu.memory_space<vmem_shared>> -> memref<10240x128xf32, #tpu.memory_space<vmem_shared>>
      tpu.enqueue_indirect_dma source(%arg9 : memref<128x128xf32, #tpu.memory_space<vmem>>) target(%dma_start3A_227 : memref<10240x128xf32, #tpu.memory_space<vmem_shared>>) offsets(%dma_start3A_224 : memref<128xi32, #tpu.memory_space<vmem>>) semaphore(%arg12 : memref<!tpu.dma_semaphore, #tpu.memory_space<semaphore_mem>>) {add = true}
      %dma_wait3A_228 = arith.constant 6 : i32
      %dma_wait3A_229 = arith.constant 0 : i32
      %dma_wait3A_230 = tpu.memref_slice %arg8[%dma_wait3A_228, %dma_wait3A_229] : memref<16x128xi32, #tpu.memory_space<vmem>> -> memref<1x128xi32, #tpu.memory_space<vmem>>
      %dma_wait3A_231 = tpu.memref_squeeze %dma_wait3A_230 : memref<1x128xi32, #tpu.memory_space<vmem>> -> memref<128xi32, #tpu.memory_space<vmem>>
      %dma_wait3A_232 = arith.constant 0 : i32
      %dma_wait3A_233 = arith.constant 0 : i32
      %dma_wait3A_234 = tpu.memref_slice %arg6[%dma_wait3A_232, %dma_wait3A_233] : memref<10240x128xf32, #tpu.memory_space<vmem_shared>> -> memref<10240x128xf32, #tpu.memory_space<vmem_shared>>
      tpu.wait_indirect_dma semaphore(%arg12 : memref<!tpu.dma_semaphore, #tpu.memory_space<semaphore_mem>>) src(%arg9 : memref<128x128xf32, #tpu.memory_space<vmem>>) dst(%dma_wait3A_234 : memref<10240x128xf32, #tpu.memory_space<vmem_shared>>)
      %dma_start3A_235 = arith.constant 8 : i32
      %dma_start3A_236 = arith.constant 0 : i32
      %dma_start3A_237 = tpu.memref_slice %arg7[%dma_start3A_235, %dma_start3A_236] : memref<16x128xi32, #tpu.memory_space<vmem>> -> memref<1x128xi32, #tpu.memory_space<vmem>>
      %dma_start3A_238 = tpu.memref_squeeze %dma_start3A_237 : memref<1x128xi32, #tpu.memory_space<vmem>> -> memref<128xi32, #tpu.memory_space<vmem>>
      %dma_start3A_239 = arith.constant 0 : i32
      %dma_start3A_240 = arith.constant 0 : i32
      %dma_start3A_241 = tpu.memref_slice %arg2[%dma_start3A_239, %dma_start3A_240] : memref<10000x128xf32, #tpu.memory_space<hbm>> -> memref<10000x128xf32, #tpu.memory_space<hbm>>
      tpu.enqueue_indirect_dma source(%dma_start3A_241 : memref<10000x128xf32, #tpu.memory_space<hbm>>) target(%arg9 : memref<128x128xf32, #tpu.memory_space<vmem>>) offsets(%dma_start3A_238 : memref<128xi32, #tpu.memory_space<vmem>>) semaphore(%arg11 : memref<!tpu.dma_semaphore, #tpu.memory_space<semaphore_mem>>)
      %dma_wait3A_242 = arith.constant 7 : i32
      %dma_wait3A_243 = arith.constant 0 : i32
      %dma_wait3A_244 = tpu.memref_slice %arg7[%dma_wait3A_242, %dma_wait3A_243] : memref<16x128xi32, #tpu.memory_space<vmem>> -> memref<1x128xi32, #tpu.memory_space<vmem>>
      %dma_wait3A_245 = tpu.memref_squeeze %dma_wait3A_244 : memref<1x128xi32, #tpu.memory_space<vmem>> -> memref<128xi32, #tpu.memory_space<vmem>>
      %dma_wait3A_246 = arith.constant 0 : i32
      %dma_wait3A_247 = arith.constant 0 : i32
      %dma_wait3A_248 = tpu.memref_slice %arg2[%dma_wait3A_246, %dma_wait3A_247] : memref<10000x128xf32, #tpu.memory_space<hbm>> -> memref<10000x128xf32, #tpu.memory_space<hbm>>
      tpu.wait_indirect_dma semaphore(%arg11 : memref<!tpu.dma_semaphore, #tpu.memory_space<semaphore_mem>>) src(%dma_wait3A_248 : memref<10000x128xf32, #tpu.memory_space<hbm>>) dst(%arg10 : memref<128x128xf32, #tpu.memory_space<vmem>>)
      %dma_start3A_249 = arith.constant 7 : i32
      %dma_start3A_250 = arith.constant 0 : i32
      %dma_start3A_251 = tpu.memref_slice %arg8[%dma_start3A_249, %dma_start3A_250] : memref<16x128xi32, #tpu.memory_space<vmem>> -> memref<1x128xi32, #tpu.memory_space<vmem>>
      %dma_start3A_252 = tpu.memref_squeeze %dma_start3A_251 : memref<1x128xi32, #tpu.memory_space<vmem>> -> memref<128xi32, #tpu.memory_space<vmem>>
      %dma_start3A_253 = arith.constant 0 : i32
      %dma_start3A_254 = arith.constant 0 : i32
      %dma_start3A_255 = tpu.memref_slice %arg6[%dma_start3A_253, %dma_start3A_254] : memref<10240x128xf32, #tpu.memory_space<vmem_shared>> -> memref<10240x128xf32, #tpu.memory_space<vmem_shared>>
      tpu.enqueue_indirect_dma source(%arg10 : memref<128x128xf32, #tpu.memory_space<vmem>>) target(%dma_start3A_255 : memref<10240x128xf32, #tpu.memory_space<vmem_shared>>) offsets(%dma_start3A_252 : memref<128xi32, #tpu.memory_space<vmem>>) semaphore(%arg12 : memref<!tpu.dma_semaphore, #tpu.memory_space<semaphore_mem>>) {add = true}
      %dma_wait3A_256 = arith.constant 7 : i32
      %dma_wait3A_257 = arith.constant 0 : i32
      %dma_wait3A_258 = tpu.memref_slice %arg8[%dma_wait3A_256, %dma_wait3A_257] : memref<16x128xi32, #tpu.memory_space<vmem>> -> memref<1x128xi32, #tpu.memory_space<vmem>>
      %dma_wait3A_259 = tpu.memref_squeeze %dma_wait3A_258 : memref<1x128xi32, #tpu.memory_space<vmem>> -> memref<128xi32, #tpu.memory_space<vmem>>
      %dma_wait3A_260 = arith.constant 0 : i32
      %dma_wait3A_261 = arith.constant 0 : i32
      %dma_wait3A_262 = tpu.memref_slice %arg6[%dma_wait3A_260, %dma_wait3A_261] : memref<10240x128xf32, #tpu.memory_space<vmem_shared>> -> memref<10240x128xf32, #tpu.memory_space<vmem_shared>>
      tpu.wait_indirect_dma semaphore(%arg12 : memref<!tpu.dma_semaphore, #tpu.memory_space<semaphore_mem>>) src(%arg10 : memref<128x128xf32, #tpu.memory_space<vmem>>) dst(%dma_wait3A_262 : memref<10240x128xf32, #tpu.memory_space<vmem_shared>>)
      %dma_start3A_263 = arith.constant 9 : i32
      %dma_start3A_264 = arith.constant 0 : i32
      %dma_start3A_265 = tpu.memref_slice %arg7[%dma_start3A_263, %dma_start3A_264] : memref<16x128xi32, #tpu.memory_space<vmem>> -> memref<1x128xi32, #tpu.memory_space<vmem>>
      %dma_start3A_266 = tpu.memref_squeeze %dma_start3A_265 : memref<1x128xi32, #tpu.memory_space<vmem>> -> memref<128xi32, #tpu.memory_space<vmem>>
      %dma_start3A_267 = arith.constant 0 : i32
      %dma_start3A_268 = arith.constant 0 : i32
      %dma_start3A_269 = tpu.memref_slice %arg2[%dma_start3A_267, %dma_start3A_268] : memref<10000x128xf32, #tpu.memory_space<hbm>> -> memref<10000x128xf32, #tpu.memory_space<hbm>>
      tpu.enqueue_indirect_dma source(%dma_start3A_269 : memref<10000x128xf32, #tpu.memory_space<hbm>>) target(%arg10 : memref<128x128xf32, #tpu.memory_space<vmem>>) offsets(%dma_start3A_266 : memref<128xi32, #tpu.memory_space<vmem>>) semaphore(%arg11 : memref<!tpu.dma_semaphore, #tpu.memory_space<semaphore_mem>>)
      %dma_wait3A_270 = arith.constant 8 : i32
      %dma_wait3A_271 = arith.constant 0 : i32
      %dma_wait3A_272 = tpu.memref_slice %arg7[%dma_wait3A_270, %dma_wait3A_271] : memref<16x128xi32, #tpu.memory_space<vmem>> -> memref<1x128xi32, #tpu.memory_space<vmem>>
      %dma_wait3A_273 = tpu.memref_squeeze %dma_wait3A_272 : memref<1x128xi32, #tpu.memory_space<vmem>> -> memref<128xi32, #tpu.memory_space<vmem>>
      %dma_wait3A_274 = arith.constant 0 : i32
      %dma_wait3A_275 = arith.constant 0 : i32
      %dma_wait3A_276 = tpu.memref_slice %arg2[%dma_wait3A_274, %dma_wait3A_275] : memref<10000x128xf32, #tpu.memory_space<hbm>> -> memref<10000x128xf32, #tpu.memory_space<hbm>>
      tpu.wait_indirect_dma semaphore(%arg11 : memref<!tpu.dma_semaphore, #tpu.memory_space<semaphore_mem>>) src(%dma_wait3A_276 : memref<10000x128xf32, #tpu.memory_space<hbm>>) dst(%arg9 : memref<128x128xf32, #tpu.memory_space<vmem>>)
      %dma_start3A_277 = arith.constant 8 : i32
      %dma_start3A_278 = arith.constant 0 : i32
      %dma_start3A_279 = tpu.memref_slice %arg8[%dma_start3A_277, %dma_start3A_278] : memref<16x128xi32, #tpu.memory_space<vmem>> -> memref<1x128xi32, #tpu.memory_space<vmem>>
      %dma_start3A_280 = tpu.memref_squeeze %dma_start3A_279 : memref<1x128xi32, #tpu.memory_space<vmem>> -> memref<128xi32, #tpu.memory_space<vmem>>
      %dma_start3A_281 = arith.constant 0 : i32
      %dma_start3A_282 = arith.constant 0 : i32
      %dma_start3A_283 = tpu.memref_slice %arg6[%dma_start3A_281, %dma_start3A_282] : memref<10240x128xf32, #tpu.memory_space<vmem_shared>> -> memref<10240x128xf32, #tpu.memory_space<vmem_shared>>
      tpu.enqueue_indirect_dma source(%arg9 : memref<128x128xf32, #tpu.memory_space<vmem>>) target(%dma_start3A_283 : memref<10240x128xf32, #tpu.memory_space<vmem_shared>>) offsets(%dma_start3A_280 : memref<128xi32, #tpu.memory_space<vmem>>) semaphore(%arg12 : memref<!tpu.dma_semaphore, #tpu.memory_space<semaphore_mem>>) {add = true}
      %dma_wait3A_284 = arith.constant 8 : i32
      %dma_wait3A_285 = arith.constant 0 : i32
      %dma_wait3A_286 = tpu.memref_slice %arg8[%dma_wait3A_284, %dma_wait3A_285] : memref<16x128xi32, #tpu.memory_space<vmem>> -> memref<1x128xi32, #tpu.memory_space<vmem>>
      %dma_wait3A_287 = tpu.memref_squeeze %dma_wait3A_286 : memref<1x128xi32, #tpu.memory_space<vmem>> -> memref<128xi32, #tpu.memory_space<vmem>>
      %dma_wait3A_288 = arith.constant 0 : i32
      %dma_wait3A_289 = arith.constant 0 : i32
      %dma_wait3A_290 = tpu.memref_slice %arg6[%dma_wait3A_288, %dma_wait3A_289] : memref<10240x128xf32, #tpu.memory_space<vmem_shared>> -> memref<10240x128xf32, #tpu.memory_space<vmem_shared>>
      tpu.wait_indirect_dma semaphore(%arg12 : memref<!tpu.dma_semaphore, #tpu.memory_space<semaphore_mem>>) src(%arg9 : memref<128x128xf32, #tpu.memory_space<vmem>>) dst(%dma_wait3A_290 : memref<10240x128xf32, #tpu.memory_space<vmem_shared>>)
      %dma_start3A_291 = arith.constant 10 : i32
      %dma_start3A_292 = arith.constant 0 : i32
      %dma_start3A_293 = tpu.memref_slice %arg7[%dma_start3A_291, %dma_start3A_292] : memref<16x128xi32, #tpu.memory_space<vmem>> -> memref<1x128xi32, #tpu.memory_space<vmem>>
      %dma_start3A_294 = tpu.memref_squeeze %dma_start3A_293 : memref<1x128xi32, #tpu.memory_space<vmem>> -> memref<128xi32, #tpu.memory_space<vmem>>
      %dma_start3A_295 = arith.constant 0 : i32
      %dma_start3A_296 = arith.constant 0 : i32
      %dma_start3A_297 = tpu.memref_slice %arg2[%dma_start3A_295, %dma_start3A_296] : memref<10000x128xf32, #tpu.memory_space<hbm>> -> memref<10000x128xf32, #tpu.memory_space<hbm>>
      tpu.enqueue_indirect_dma source(%dma_start3A_297 : memref<10000x128xf32, #tpu.memory_space<hbm>>) target(%arg9 : memref<128x128xf32, #tpu.memory_space<vmem>>) offsets(%dma_start3A_294 : memref<128xi32, #tpu.memory_space<vmem>>) semaphore(%arg11 : memref<!tpu.dma_semaphore, #tpu.memory_space<semaphore_mem>>)
      %dma_wait3A_298 = arith.constant 9 : i32
      %dma_wait3A_299 = arith.constant 0 : i32
      %dma_wait3A_300 = tpu.memref_slice %arg7[%dma_wait3A_298, %dma_wait3A_299] : memref<16x128xi32, #tpu.memory_space<vmem>> -> memref<1x128xi32, #tpu.memory_space<vmem>>
      %dma_wait3A_301 = tpu.memref_squeeze %dma_wait3A_300 : memref<1x128xi32, #tpu.memory_space<vmem>> -> memref<128xi32, #tpu.memory_space<vmem>>
      %dma_wait3A_302 = arith.constant 0 : i32
      %dma_wait3A_303 = arith.constant 0 : i32
      %dma_wait3A_304 = tpu.memref_slice %arg2[%dma_wait3A_302, %dma_wait3A_303] : memref<10000x128xf32, #tpu.memory_space<hbm>> -> memref<10000x128xf32, #tpu.memory_space<hbm>>
      tpu.wait_indirect_dma semaphore(%arg11 : memref<!tpu.dma_semaphore, #tpu.memory_space<semaphore_mem>>) src(%dma_wait3A_304 : memref<10000x128xf32, #tpu.memory_space<hbm>>) dst(%arg10 : memref<128x128xf32, #tpu.memory_space<vmem>>)
      %dma_start3A_305 = arith.constant 9 : i32
      %dma_start3A_306 = arith.constant 0 : i32
      %dma_start3A_307 = tpu.memref_slice %arg8[%dma_start3A_305, %dma_start3A_306] : memref<16x128xi32, #tpu.memory_space<vmem>> -> memref<1x128xi32, #tpu.memory_space<vmem>>
      %dma_start3A_308 = tpu.memref_squeeze %dma_start3A_307 : memref<1x128xi32, #tpu.memory_space<vmem>> -> memref<128xi32, #tpu.memory_space<vmem>>
      %dma_start3A_309 = arith.constant 0 : i32
      %dma_start3A_310 = arith.constant 0 : i32
      %dma_start3A_311 = tpu.memref_slice %arg6[%dma_start3A_309, %dma_start3A_310] : memref<10240x128xf32, #tpu.memory_space<vmem_shared>> -> memref<10240x128xf32, #tpu.memory_space<vmem_shared>>
      tpu.enqueue_indirect_dma source(%arg10 : memref<128x128xf32, #tpu.memory_space<vmem>>) target(%dma_start3A_311 : memref<10240x128xf32, #tpu.memory_space<vmem_shared>>) offsets(%dma_start3A_308 : memref<128xi32, #tpu.memory_space<vmem>>) semaphore(%arg12 : memref<!tpu.dma_semaphore, #tpu.memory_space<semaphore_mem>>) {add = true}
      %dma_wait3A_312 = arith.constant 9 : i32
      %dma_wait3A_313 = arith.constant 0 : i32
      %dma_wait3A_314 = tpu.memref_slice %arg8[%dma_wait3A_312, %dma_wait3A_313] : memref<16x128xi32, #tpu.memory_space<vmem>> -> memref<1x128xi32, #tpu.memory_space<vmem>>
      %dma_wait3A_315 = tpu.memref_squeeze %dma_wait3A_314 : memref<1x128xi32, #tpu.memory_space<vmem>> -> memref<128xi32, #tpu.memory_space<vmem>>
      %dma_wait3A_316 = arith.constant 0 : i32
      %dma_wait3A_317 = arith.constant 0 : i32
      %dma_wait3A_318 = tpu.memref_slice %arg6[%dma_wait3A_316, %dma_wait3A_317] : memref<10240x128xf32, #tpu.memory_space<vmem_shared>> -> memref<10240x128xf32, #tpu.memory_space<vmem_shared>>
      tpu.wait_indirect_dma semaphore(%arg12 : memref<!tpu.dma_semaphore, #tpu.memory_space<semaphore_mem>>) src(%arg10 : memref<128x128xf32, #tpu.memory_space<vmem>>) dst(%dma_wait3A_318 : memref<10240x128xf32, #tpu.memory_space<vmem_shared>>)
      %dma_start3A_319 = arith.constant 11 : i32
      %dma_start3A_320 = arith.constant 0 : i32
      %dma_start3A_321 = tpu.memref_slice %arg7[%dma_start3A_319, %dma_start3A_320] : memref<16x128xi32, #tpu.memory_space<vmem>> -> memref<1x128xi32, #tpu.memory_space<vmem>>
      %dma_start3A_322 = tpu.memref_squeeze %dma_start3A_321 : memref<1x128xi32, #tpu.memory_space<vmem>> -> memref<128xi32, #tpu.memory_space<vmem>>
      %dma_start3A_323 = arith.constant 0 : i32
      %dma_start3A_324 = arith.constant 0 : i32
      %dma_start3A_325 = tpu.memref_slice %arg2[%dma_start3A_323, %dma_start3A_324] : memref<10000x128xf32, #tpu.memory_space<hbm>> -> memref<10000x128xf32, #tpu.memory_space<hbm>>
      tpu.enqueue_indirect_dma source(%dma_start3A_325 : memref<10000x128xf32, #tpu.memory_space<hbm>>) target(%arg10 : memref<128x128xf32, #tpu.memory_space<vmem>>) offsets(%dma_start3A_322 : memref<128xi32, #tpu.memory_space<vmem>>) semaphore(%arg11 : memref<!tpu.dma_semaphore, #tpu.memory_space<semaphore_mem>>)
      %dma_wait3A_326 = arith.constant 10 : i32
      %dma_wait3A_327 = arith.constant 0 : i32
      %dma_wait3A_328 = tpu.memref_slice %arg7[%dma_wait3A_326, %dma_wait3A_327] : memref<16x128xi32, #tpu.memory_space<vmem>> -> memref<1x128xi32, #tpu.memory_space<vmem>>
      %dma_wait3A_329 = tpu.memref_squeeze %dma_wait3A_328 : memref<1x128xi32, #tpu.memory_space<vmem>> -> memref<128xi32, #tpu.memory_space<vmem>>
      %dma_wait3A_330 = arith.constant 0 : i32
      %dma_wait3A_331 = arith.constant 0 : i32
      %dma_wait3A_332 = tpu.memref_slice %arg2[%dma_wait3A_330, %dma_wait3A_331] : memref<10000x128xf32, #tpu.memory_space<hbm>> -> memref<10000x128xf32, #tpu.memory_space<hbm>>
      tpu.wait_indirect_dma semaphore(%arg11 : memref<!tpu.dma_semaphore, #tpu.memory_space<semaphore_mem>>) src(%dma_wait3A_332 : memref<10000x128xf32, #tpu.memory_space<hbm>>) dst(%arg9 : memref<128x128xf32, #tpu.memory_space<vmem>>)
      %dma_start3A_333 = arith.constant 10 : i32
      %dma_start3A_334 = arith.constant 0 : i32
      %dma_start3A_335 = tpu.memref_slice %arg8[%dma_start3A_333, %dma_start3A_334] : memref<16x128xi32, #tpu.memory_space<vmem>> -> memref<1x128xi32, #tpu.memory_space<vmem>>
      %dma_start3A_336 = tpu.memref_squeeze %dma_start3A_335 : memref<1x128xi32, #tpu.memory_space<vmem>> -> memref<128xi32, #tpu.memory_space<vmem>>
      %dma_start3A_337 = arith.constant 0 : i32
      %dma_start3A_338 = arith.constant 0 : i32
      %dma_start3A_339 = tpu.memref_slice %arg6[%dma_start3A_337, %dma_start3A_338] : memref<10240x128xf32, #tpu.memory_space<vmem_shared>> -> memref<10240x128xf32, #tpu.memory_space<vmem_shared>>
      tpu.enqueue_indirect_dma source(%arg9 : memref<128x128xf32, #tpu.memory_space<vmem>>) target(%dma_start3A_339 : memref<10240x128xf32, #tpu.memory_space<vmem_shared>>) offsets(%dma_start3A_336 : memref<128xi32, #tpu.memory_space<vmem>>) semaphore(%arg12 : memref<!tpu.dma_semaphore, #tpu.memory_space<semaphore_mem>>) {add = true}
      %dma_wait3A_340 = arith.constant 10 : i32
      %dma_wait3A_341 = arith.constant 0 : i32
      %dma_wait3A_342 = tpu.memref_slice %arg8[%dma_wait3A_340, %dma_wait3A_341] : memref<16x128xi32, #tpu.memory_space<vmem>> -> memref<1x128xi32, #tpu.memory_space<vmem>>
      %dma_wait3A_343 = tpu.memref_squeeze %dma_wait3A_342 : memref<1x128xi32, #tpu.memory_space<vmem>> -> memref<128xi32, #tpu.memory_space<vmem>>
      %dma_wait3A_344 = arith.constant 0 : i32
      %dma_wait3A_345 = arith.constant 0 : i32
      %dma_wait3A_346 = tpu.memref_slice %arg6[%dma_wait3A_344, %dma_wait3A_345] : memref<10240x128xf32, #tpu.memory_space<vmem_shared>> -> memref<10240x128xf32, #tpu.memory_space<vmem_shared>>
      tpu.wait_indirect_dma semaphore(%arg12 : memref<!tpu.dma_semaphore, #tpu.memory_space<semaphore_mem>>) src(%arg9 : memref<128x128xf32, #tpu.memory_space<vmem>>) dst(%dma_wait3A_346 : memref<10240x128xf32, #tpu.memory_space<vmem_shared>>)
      %dma_start3A_347 = arith.constant 12 : i32
      %dma_start3A_348 = arith.constant 0 : i32
      %dma_start3A_349 = tpu.memref_slice %arg7[%dma_start3A_347, %dma_start3A_348] : memref<16x128xi32, #tpu.memory_space<vmem>> -> memref<1x128xi32, #tpu.memory_space<vmem>>
      %dma_start3A_350 = tpu.memref_squeeze %dma_start3A_349 : memref<1x128xi32, #tpu.memory_space<vmem>> -> memref<128xi32, #tpu.memory_space<vmem>>
      %dma_start3A_351 = arith.constant 0 : i32
      %dma_start3A_352 = arith.constant 0 : i32
      %dma_start3A_353 = tpu.memref_slice %arg2[%dma_start3A_351, %dma_start3A_352] : memref<10000x128xf32, #tpu.memory_space<hbm>> -> memref<10000x128xf32, #tpu.memory_space<hbm>>
      tpu.enqueue_indirect_dma source(%dma_start3A_353 : memref<10000x128xf32, #tpu.memory_space<hbm>>) target(%arg9 : memref<128x128xf32, #tpu.memory_space<vmem>>) offsets(%dma_start3A_350 : memref<128xi32, #tpu.memory_space<vmem>>) semaphore(%arg11 : memref<!tpu.dma_semaphore, #tpu.memory_space<semaphore_mem>>)
      %dma_wait3A_354 = arith.constant 11 : i32
      %dma_wait3A_355 = arith.constant 0 : i32
      %dma_wait3A_356 = tpu.memref_slice %arg7[%dma_wait3A_354, %dma_wait3A_355] : memref<16x128xi32, #tpu.memory_space<vmem>> -> memref<1x128xi32, #tpu.memory_space<vmem>>
      %dma_wait3A_357 = tpu.memref_squeeze %dma_wait3A_356 : memref<1x128xi32, #tpu.memory_space<vmem>> -> memref<128xi32, #tpu.memory_space<vmem>>
      %dma_wait3A_358 = arith.constant 0 : i32
      %dma_wait3A_359 = arith.constant 0 : i32
      %dma_wait3A_360 = tpu.memref_slice %arg2[%dma_wait3A_358, %dma_wait3A_359] : memref<10000x128xf32, #tpu.memory_space<hbm>> -> memref<10000x128xf32, #tpu.memory_space<hbm>>
      tpu.wait_indirect_dma semaphore(%arg11 : memref<!tpu.dma_semaphore, #tpu.memory_space<semaphore_mem>>) src(%dma_wait3A_360 : memref<10000x128xf32, #tpu.memory_space<hbm>>) dst(%arg10 : memref<128x128xf32, #tpu.memory_space<vmem>>)
      %dma_start3A_361 = arith.constant 11 : i32
      %dma_start3A_362 = arith.constant 0 : i32
      %dma_start3A_363 = tpu.memref_slice %arg8[%dma_start3A_361, %dma_start3A_362] : memref<16x128xi32, #tpu.memory_space<vmem>> -> memref<1x128xi32, #tpu.memory_space<vmem>>
      %dma_start3A_364 = tpu.memref_squeeze %dma_start3A_363 : memref<1x128xi32, #tpu.memory_space<vmem>> -> memref<128xi32, #tpu.memory_space<vmem>>
      %dma_start3A_365 = arith.constant 0 : i32
      %dma_start3A_366 = arith.constant 0 : i32
      %dma_start3A_367 = tpu.memref_slice %arg6[%dma_start3A_365, %dma_start3A_366] : memref<10240x128xf32, #tpu.memory_space<vmem_shared>> -> memref<10240x128xf32, #tpu.memory_space<vmem_shared>>
      tpu.enqueue_indirect_dma source(%arg10 : memref<128x128xf32, #tpu.memory_space<vmem>>) target(%dma_start3A_367 : memref<10240x128xf32, #tpu.memory_space<vmem_shared>>) offsets(%dma_start3A_364 : memref<128xi32, #tpu.memory_space<vmem>>) semaphore(%arg12 : memref<!tpu.dma_semaphore, #tpu.memory_space<semaphore_mem>>) {add = true}
      %dma_wait3A_368 = arith.constant 11 : i32
      %dma_wait3A_369 = arith.constant 0 : i32
      %dma_wait3A_370 = tpu.memref_slice %arg8[%dma_wait3A_368, %dma_wait3A_369] : memref<16x128xi32, #tpu.memory_space<vmem>> -> memref<1x128xi32, #tpu.memory_space<vmem>>
      %dma_wait3A_371 = tpu.memref_squeeze %dma_wait3A_370 : memref<1x128xi32, #tpu.memory_space<vmem>> -> memref<128xi32, #tpu.memory_space<vmem>>
      %dma_wait3A_372 = arith.constant 0 : i32
      %dma_wait3A_373 = arith.constant 0 : i32
      %dma_wait3A_374 = tpu.memref_slice %arg6[%dma_wait3A_372, %dma_wait3A_373] : memref<10240x128xf32, #tpu.memory_space<vmem_shared>> -> memref<10240x128xf32, #tpu.memory_space<vmem_shared>>
      tpu.wait_indirect_dma semaphore(%arg12 : memref<!tpu.dma_semaphore, #tpu.memory_space<semaphore_mem>>) src(%arg10 : memref<128x128xf32, #tpu.memory_space<vmem>>) dst(%dma_wait3A_374 : memref<10240x128xf32, #tpu.memory_space<vmem_shared>>)
      %dma_start3A_375 = arith.constant 13 : i32
      %dma_start3A_376 = arith.constant 0 : i32
      %dma_start3A_377 = tpu.memref_slice %arg7[%dma_start3A_375, %dma_start3A_376] : memref<16x128xi32, #tpu.memory_space<vmem>> -> memref<1x128xi32, #tpu.memory_space<vmem>>
      %dma_start3A_378 = tpu.memref_squeeze %dma_start3A_377 : memref<1x128xi32, #tpu.memory_space<vmem>> -> memref<128xi32, #tpu.memory_space<vmem>>
      %dma_start3A_379 = arith.constant 0 : i32
      %dma_start3A_380 = arith.constant 0 : i32
      %dma_start3A_381 = tpu.memref_slice %arg2[%dma_start3A_379, %dma_start3A_380] : memref<10000x128xf32, #tpu.memory_space<hbm>> -> memref<10000x128xf32, #tpu.memory_space<hbm>>
      tpu.enqueue_indirect_dma source(%dma_start3A_381 : memref<10000x128xf32, #tpu.memory_space<hbm>>) target(%arg10 : memref<128x128xf32, #tpu.memory_space<vmem>>) offsets(%dma_start3A_378 : memref<128xi32, #tpu.memory_space<vmem>>) semaphore(%arg11 : memref<!tpu.dma_semaphore, #tpu.memory_space<semaphore_mem>>)
      %dma_wait3A_382 = arith.constant 12 : i32
      %dma_wait3A_383 = arith.constant 0 : i32
      %dma_wait3A_384 = tpu.memref_slice %arg7[%dma_wait3A_382, %dma_wait3A_383] : memref<16x128xi32, #tpu.memory_space<vmem>> -> memref<1x128xi32, #tpu.memory_space<vmem>>
      %dma_wait3A_385 = tpu.memref_squeeze %dma_wait3A_384 : memref<1x128xi32, #tpu.memory_space<vmem>> -> memref<128xi32, #tpu.memory_space<vmem>>
      %dma_wait3A_386 = arith.constant 0 : i32
      %dma_wait3A_387 = arith.constant 0 : i32
      %dma_wait3A_388 = tpu.memref_slice %arg2[%dma_wait3A_386, %dma_wait3A_387] : memref<10000x128xf32, #tpu.memory_space<hbm>> -> memref<10000x128xf32, #tpu.memory_space<hbm>>
      tpu.wait_indirect_dma semaphore(%arg11 : memref<!tpu.dma_semaphore, #tpu.memory_space<semaphore_mem>>) src(%dma_wait3A_388 : memref<10000x128xf32, #tpu.memory_space<hbm>>) dst(%arg9 : memref<128x128xf32, #tpu.memory_space<vmem>>)
      %dma_start3A_389 = arith.constant 12 : i32
      %dma_start3A_390 = arith.constant 0 : i32
      %dma_start3A_391 = tpu.memref_slice %arg8[%dma_start3A_389, %dma_start3A_390] : memref<16x128xi32, #tpu.memory_space<vmem>> -> memref<1x128xi32, #tpu.memory_space<vmem>>
      %dma_start3A_392 = tpu.memref_squeeze %dma_start3A_391 : memref<1x128xi32, #tpu.memory_space<vmem>> -> memref<128xi32, #tpu.memory_space<vmem>>
      %dma_start3A_393 = arith.constant 0 : i32
      %dma_start3A_394 = arith.constant 0 : i32
      %dma_start3A_395 = tpu.memref_slice %arg6[%dma_start3A_393, %dma_start3A_394] : memref<10240x128xf32, #tpu.memory_space<vmem_shared>> -> memref<10240x128xf32, #tpu.memory_space<vmem_shared>>
      tpu.enqueue_indirect_dma source(%arg9 : memref<128x128xf32, #tpu.memory_space<vmem>>) target(%dma_start3A_395 : memref<10240x128xf32, #tpu.memory_space<vmem_shared>>) offsets(%dma_start3A_392 : memref<128xi32, #tpu.memory_space<vmem>>) semaphore(%arg12 : memref<!tpu.dma_semaphore, #tpu.memory_space<semaphore_mem>>) {add = true}
      %dma_wait3A_396 = arith.constant 12 : i32
      %dma_wait3A_397 = arith.constant 0 : i32
      %dma_wait3A_398 = tpu.memref_slice %arg8[%dma_wait3A_396, %dma_wait3A_397] : memref<16x128xi32, #tpu.memory_space<vmem>> -> memref<1x128xi32, #tpu.memory_space<vmem>>
      %dma_wait3A_399 = tpu.memref_squeeze %dma_wait3A_398 : memref<1x128xi32, #tpu.memory_space<vmem>> -> memref<128xi32, #tpu.memory_space<vmem>>
      %dma_wait3A_400 = arith.constant 0 : i32
      %dma_wait3A_401 = arith.constant 0 : i32
      %dma_wait3A_402 = tpu.memref_slice %arg6[%dma_wait3A_400, %dma_wait3A_401] : memref<10240x128xf32, #tpu.memory_space<vmem_shared>> -> memref<10240x128xf32, #tpu.memory_space<vmem_shared>>
      tpu.wait_indirect_dma semaphore(%arg12 : memref<!tpu.dma_semaphore, #tpu.memory_space<semaphore_mem>>) src(%arg9 : memref<128x128xf32, #tpu.memory_space<vmem>>) dst(%dma_wait3A_402 : memref<10240x128xf32, #tpu.memory_space<vmem_shared>>)
      %dma_start3A_403 = arith.constant 14 : i32
      %dma_start3A_404 = arith.constant 0 : i32
      %dma_start3A_405 = tpu.memref_slice %arg7[%dma_start3A_403, %dma_start3A_404] : memref<16x128xi32, #tpu.memory_space<vmem>> -> memref<1x128xi32, #tpu.memory_space<vmem>>
      %dma_start3A_406 = tpu.memref_squeeze %dma_start3A_405 : memref<1x128xi32, #tpu.memory_space<vmem>> -> memref<128xi32, #tpu.memory_space<vmem>>
      %dma_start3A_407 = arith.constant 0 : i32
      %dma_start3A_408 = arith.constant 0 : i32
      %dma_start3A_409 = tpu.memref_slice %arg2[%dma_start3A_407, %dma_start3A_408] : memref<10000x128xf32, #tpu.memory_space<hbm>> -> memref<10000x128xf32, #tpu.memory_space<hbm>>
      tpu.enqueue_indirect_dma source(%dma_start3A_409 : memref<10000x128xf32, #tpu.memory_space<hbm>>) target(%arg9 : memref<128x128xf32, #tpu.memory_space<vmem>>) offsets(%dma_start3A_406 : memref<128xi32, #tpu.memory_space<vmem>>) semaphore(%arg11 : memref<!tpu.dma_semaphore, #tpu.memory_space<semaphore_mem>>)
      %dma_wait3A_410 = arith.constant 13 : i32
      %dma_wait3A_411 = arith.constant 0 : i32
      %dma_wait3A_412 = tpu.memref_slice %arg7[%dma_wait3A_410, %dma_wait3A_411] : memref<16x128xi32, #tpu.memory_space<vmem>> -> memref<1x128xi32, #tpu.memory_space<vmem>>
      %dma_wait3A_413 = tpu.memref_squeeze %dma_wait3A_412 : memref<1x128xi32, #tpu.memory_space<vmem>> -> memref<128xi32, #tpu.memory_space<vmem>>
      %dma_wait3A_414 = arith.constant 0 : i32
      %dma_wait3A_415 = arith.constant 0 : i32
      %dma_wait3A_416 = tpu.memref_slice %arg2[%dma_wait3A_414, %dma_wait3A_415] : memref<10000x128xf32, #tpu.memory_space<hbm>> -> memref<10000x128xf32, #tpu.memory_space<hbm>>
      tpu.wait_indirect_dma semaphore(%arg11 : memref<!tpu.dma_semaphore, #tpu.memory_space<semaphore_mem>>) src(%dma_wait3A_416 : memref<10000x128xf32, #tpu.memory_space<hbm>>) dst(%arg10 : memref<128x128xf32, #tpu.memory_space<vmem>>)
      %dma_start3A_417 = arith.constant 13 : i32
      %dma_start3A_418 = arith.constant 0 : i32
      %dma_start3A_419 = tpu.memref_slice %arg8[%dma_start3A_417, %dma_start3A_418] : memref<16x128xi32, #tpu.memory_space<vmem>> -> memref<1x128xi32, #tpu.memory_space<vmem>>
      %dma_start3A_420 = tpu.memref_squeeze %dma_start3A_419 : memref<1x128xi32, #tpu.memory_space<vmem>> -> memref<128xi32, #tpu.memory_space<vmem>>
      %dma_start3A_421 = arith.constant 0 : i32
      %dma_start3A_422 = arith.constant 0 : i32
      %dma_start3A_423 = tpu.memref_slice %arg6[%dma_start3A_421, %dma_start3A_422] : memref<10240x128xf32, #tpu.memory_space<vmem_shared>> -> memref<10240x128xf32, #tpu.memory_space<vmem_shared>>
      tpu.enqueue_indirect_dma source(%arg10 : memref<128x128xf32, #tpu.memory_space<vmem>>) target(%dma_start3A_423 : memref<10240x128xf32, #tpu.memory_space<vmem_shared>>) offsets(%dma_start3A_420 : memref<128xi32, #tpu.memory_space<vmem>>) semaphore(%arg12 : memref<!tpu.dma_semaphore, #tpu.memory_space<semaphore_mem>>) {add = true}
      %dma_wait3A_424 = arith.constant 13 : i32
      %dma_wait3A_425 = arith.constant 0 : i32
      %dma_wait3A_426 = tpu.memref_slice %arg8[%dma_wait3A_424, %dma_wait3A_425] : memref<16x128xi32, #tpu.memory_space<vmem>> -> memref<1x128xi32, #tpu.memory_space<vmem>>
      %dma_wait3A_427 = tpu.memref_squeeze %dma_wait3A_426 : memref<1x128xi32, #tpu.memory_space<vmem>> -> memref<128xi32, #tpu.memory_space<vmem>>
      %dma_wait3A_428 = arith.constant 0 : i32
      %dma_wait3A_429 = arith.constant 0 : i32
      %dma_wait3A_430 = tpu.memref_slice %arg6[%dma_wait3A_428, %dma_wait3A_429] : memref<10240x128xf32, #tpu.memory_space<vmem_shared>> -> memref<10240x128xf32, #tpu.memory_space<vmem_shared>>
      tpu.wait_indirect_dma semaphore(%arg12 : memref<!tpu.dma_semaphore, #tpu.memory_space<semaphore_mem>>) src(%arg10 : memref<128x128xf32, #tpu.memory_space<vmem>>) dst(%dma_wait3A_430 : memref<10240x128xf32, #tpu.memory_space<vmem_shared>>)
      %dma_start3A_431 = arith.constant 15 : i32
      %dma_start3A_432 = arith.constant 0 : i32
      %dma_start3A_433 = tpu.memref_slice %arg7[%dma_start3A_431, %dma_start3A_432] : memref<16x128xi32, #tpu.memory_space<vmem>> -> memref<1x128xi32, #tpu.memory_space<vmem>>
      %dma_start3A_434 = tpu.memref_squeeze %dma_start3A_433 : memref<1x128xi32, #tpu.memory_space<vmem>> -> memref<128xi32, #tpu.memory_space<vmem>>
      %dma_start3A_435 = arith.constant 0 : i32
      %dma_start3A_436 = arith.constant 0 : i32
      %dma_start3A_437 = tpu.memref_slice %arg2[%dma_start3A_435, %dma_start3A_436] : memref<10000x128xf32, #tpu.memory_space<hbm>> -> memref<10000x128xf32, #tpu.memory_space<hbm>>
      tpu.enqueue_indirect_dma source(%dma_start3A_437 : memref<10000x128xf32, #tpu.memory_space<hbm>>) target(%arg10 : memref<128x128xf32, #tpu.memory_space<vmem>>) offsets(%dma_start3A_434 : memref<128xi32, #tpu.memory_space<vmem>>) semaphore(%arg11 : memref<!tpu.dma_semaphore, #tpu.memory_space<semaphore_mem>>)
      %dma_wait3A_438 = arith.constant 14 : i32
      %dma_wait3A_439 = arith.constant 0 : i32
      %dma_wait3A_440 = tpu.memref_slice %arg7[%dma_wait3A_438, %dma_wait3A_439] : memref<16x128xi32, #tpu.memory_space<vmem>> -> memref<1x128xi32, #tpu.memory_space<vmem>>
      %dma_wait3A_441 = tpu.memref_squeeze %dma_wait3A_440 : memref<1x128xi32, #tpu.memory_space<vmem>> -> memref<128xi32, #tpu.memory_space<vmem>>
      %dma_wait3A_442 = arith.constant 0 : i32
      %dma_wait3A_443 = arith.constant 0 : i32
      %dma_wait3A_444 = tpu.memref_slice %arg2[%dma_wait3A_442, %dma_wait3A_443] : memref<10000x128xf32, #tpu.memory_space<hbm>> -> memref<10000x128xf32, #tpu.memory_space<hbm>>
      tpu.wait_indirect_dma semaphore(%arg11 : memref<!tpu.dma_semaphore, #tpu.memory_space<semaphore_mem>>) src(%dma_wait3A_444 : memref<10000x128xf32, #tpu.memory_space<hbm>>) dst(%arg9 : memref<128x128xf32, #tpu.memory_space<vmem>>)
      %dma_start3A_445 = arith.constant 14 : i32
      %dma_start3A_446 = arith.constant 0 : i32
      %dma_start3A_447 = tpu.memref_slice %arg8[%dma_start3A_445, %dma_start3A_446] : memref<16x128xi32, #tpu.memory_space<vmem>> -> memref<1x128xi32, #tpu.memory_space<vmem>>
      %dma_start3A_448 = tpu.memref_squeeze %dma_start3A_447 : memref<1x128xi32, #tpu.memory_space<vmem>> -> memref<128xi32, #tpu.memory_space<vmem>>
      %dma_start3A_449 = arith.constant 0 : i32
      %dma_start3A_450 = arith.constant 0 : i32
      %dma_start3A_451 = tpu.memref_slice %arg6[%dma_start3A_449, %dma_start3A_450] : memref<10240x128xf32, #tpu.memory_space<vmem_shared>> -> memref<10240x128xf32, #tpu.memory_space<vmem_shared>>
      tpu.enqueue_indirect_dma source(%arg9 : memref<128x128xf32, #tpu.memory_space<vmem>>) target(%dma_start3A_451 : memref<10240x128xf32, #tpu.memory_space<vmem_shared>>) offsets(%dma_start3A_448 : memref<128xi32, #tpu.memory_space<vmem>>) semaphore(%arg12 : memref<!tpu.dma_semaphore, #tpu.memory_space<semaphore_mem>>) {add = true}
      %dma_wait3A_452 = arith.constant 15 : i32
      %dma_wait3A_453 = arith.constant 0 : i32
      %dma_wait3A_454 = tpu.memref_slice %arg7[%dma_wait3A_452, %dma_wait3A_453] : memref<16x128xi32, #tpu.memory_space<vmem>> -> memref<1x128xi32, #tpu.memory_space<vmem>>
      %dma_wait3A_455 = tpu.memref_squeeze %dma_wait3A_454 : memref<1x128xi32, #tpu.memory_space<vmem>> -> memref<128xi32, #tpu.memory_space<vmem>>
      %dma_wait3A_456 = arith.constant 0 : i32
      %dma_wait3A_457 = arith.constant 0 : i32
      %dma_wait3A_458 = tpu.memref_slice %arg2[%dma_wait3A_456, %dma_wait3A_457] : memref<10000x128xf32, #tpu.memory_space<hbm>> -> memref<10000x128xf32, #tpu.memory_space<hbm>>
      tpu.wait_indirect_dma semaphore(%arg11 : memref<!tpu.dma_semaphore, #tpu.memory_space<semaphore_mem>>) src(%dma_wait3A_458 : memref<10000x128xf32, #tpu.memory_space<hbm>>) dst(%arg10 : memref<128x128xf32, #tpu.memory_space<vmem>>)
      %dma_start3A_459 = arith.constant 15 : i32
      %dma_start3A_460 = arith.constant 0 : i32
      %dma_start3A_461 = tpu.memref_slice %arg8[%dma_start3A_459, %dma_start3A_460] : memref<16x128xi32, #tpu.memory_space<vmem>> -> memref<1x128xi32, #tpu.memory_space<vmem>>
      %dma_start3A_462 = tpu.memref_squeeze %dma_start3A_461 : memref<1x128xi32, #tpu.memory_space<vmem>> -> memref<128xi32, #tpu.memory_space<vmem>>
      %dma_start3A_463 = arith.constant 0 : i32
      %dma_start3A_464 = arith.constant 0 : i32
      %dma_start3A_465 = tpu.memref_slice %arg6[%dma_start3A_463, %dma_start3A_464] : memref<10240x128xf32, #tpu.memory_space<vmem_shared>> -> memref<10240x128xf32, #tpu.memory_space<vmem_shared>>
      tpu.enqueue_indirect_dma source(%arg10 : memref<128x128xf32, #tpu.memory_space<vmem>>) target(%dma_start3A_465 : memref<10240x128xf32, #tpu.memory_space<vmem_shared>>) offsets(%dma_start3A_462 : memref<128xi32, #tpu.memory_space<vmem>>) semaphore(%arg12 : memref<!tpu.dma_semaphore, #tpu.memory_space<semaphore_mem>>) {add = true}
      %dma_wait3A_466 = arith.constant 14 : i32
      %dma_wait3A_467 = arith.constant 0 : i32
      %dma_wait3A_468 = tpu.memref_slice %arg8[%dma_wait3A_466, %dma_wait3A_467] : memref<16x128xi32, #tpu.memory_space<vmem>> -> memref<1x128xi32, #tpu.memory_space<vmem>>
      %dma_wait3A_469 = tpu.memref_squeeze %dma_wait3A_468 : memref<1x128xi32, #tpu.memory_space<vmem>> -> memref<128xi32, #tpu.memory_space<vmem>>
      %dma_wait3A_470 = arith.constant 0 : i32
      %dma_wait3A_471 = arith.constant 0 : i32
      %dma_wait3A_472 = tpu.memref_slice %arg6[%dma_wait3A_470, %dma_wait3A_471] : memref<10240x128xf32, #tpu.memory_space<vmem_shared>> -> memref<10240x128xf32, #tpu.memory_space<vmem_shared>>
      tpu.wait_indirect_dma semaphore(%arg12 : memref<!tpu.dma_semaphore, #tpu.memory_space<semaphore_mem>>) src(%arg9 : memref<128x128xf32, #tpu.memory_space<vmem>>) dst(%dma_wait3A_472 : memref<10240x128xf32, #tpu.memory_space<vmem_shared>>)
      %dma_wait3A_473 = arith.constant 15 : i32
      %dma_wait3A_474 = arith.constant 0 : i32
      %dma_wait3A_475 = tpu.memref_slice %arg8[%dma_wait3A_473, %dma_wait3A_474] : memref<16x128xi32, #tpu.memory_space<vmem>> -> memref<1x128xi32, #tpu.memory_space<vmem>>
      %dma_wait3A_476 = tpu.memref_squeeze %dma_wait3A_475 : memref<1x128xi32, #tpu.memory_space<vmem>> -> memref<128xi32, #tpu.memory_space<vmem>>
      %dma_wait3A_477 = arith.constant 0 : i32
      %dma_wait3A_478 = arith.constant 0 : i32
      %dma_wait3A_479 = tpu.memref_slice %arg6[%dma_wait3A_477, %dma_wait3A_478] : memref<10240x128xf32, #tpu.memory_space<vmem_shared>> -> memref<10240x128xf32, #tpu.memory_space<vmem_shared>>
      tpu.wait_indirect_dma semaphore(%arg12 : memref<!tpu.dma_semaphore, #tpu.memory_space<semaphore_mem>>) src(%arg10 : memref<128x128xf32, #tpu.memory_space<vmem>>) dst(%dma_wait3A_479 : memref<10240x128xf32, #tpu.memory_space<vmem_shared>>)
      %scan3A_480 = arith.constant 0 : i32
      scf.yield %scan3A_480 : i32
    }
    %scan3A_22 = arith.constant 5 : i32
    %barrier3A_23 = arith.constant 0 : index
    tpu.barrier barrier_id(%barrier3A_23)
    "tpu.region"() ({
      %run_scoped3A = tpu.sem_alloc : memref<!tpu.dma_semaphore, #tpu.memory_space<semaphore_mem>>
      %dma_start3A = arith.constant 0 : i32
      %dma_start3A_24 = tpu.memref_slice %arg5[%arg0, %mul3A_0, %dma_start3A] : memref<2x10240x128xf32, #tpu.memory_space<hbm>> -> memref<1x640x128xf32, #tpu.memory_space<hbm>>
      %dma_start3A_25 = tpu.memref_squeeze %dma_start3A_24 : memref<1x640x128xf32, #tpu.memory_space<hbm>> -> memref<640x128xf32, #tpu.memory_space<hbm>>
      %dma_start3A_26 = arith.constant 0 : i32
      %dma_start3A_27 = tpu.memref_slice %arg6[%mul3A_0, %dma_start3A_26] : memref<10240x128xf32, #tpu.memory_space<vmem_shared>> -> memref<640x128xf32, #tpu.memory_space<vmem_shared>>
      tpu.enqueue_dma source(%dma_start3A_27 : memref<640x128xf32, #tpu.memory_space<vmem_shared>>) target(%dma_start3A_25 : memref<640x128xf32, #tpu.memory_space<hbm>>) target_semaphore(%run_scoped3A : memref<!tpu.dma_semaphore, #tpu.memory_space<semaphore_mem>>)
      %dma_wait3A = arith.constant 0 : i32
      %dma_wait3A_28 = tpu.memref_slice %arg5[%arg0, %mul3A_0, %dma_wait3A] : memref<2x10240x128xf32, #tpu.memory_space<hbm>> -> memref<1x640x128xf32, #tpu.memory_space<hbm>>
      %dma_wait3A_29 = tpu.memref_squeeze %dma_wait3A_28 : memref<1x640x128xf32, #tpu.memory_space<hbm>> -> memref<640x128xf32, #tpu.memory_space<hbm>>
      %dma_wait3A_30 = arith.constant 0 : i32
      %dma_wait3A_31 = tpu.memref_slice %arg6[%mul3A_0, %dma_wait3A_30] : memref<10240x128xf32, #tpu.memory_space<vmem_shared>> -> memref<640x128xf32, #tpu.memory_space<vmem_shared>>
      tpu.wait_dma2 semaphore(%run_scoped3A : memref<!tpu.dma_semaphore, #tpu.memory_space<semaphore_mem>>) src(%dma_wait3A_31 : memref<640x128xf32, #tpu.memory_space<vmem_shared>>) dst(%dma_wait3A_29 : memref<640x128xf32, #tpu.memory_space<hbm>>)
      tpu.yield
    }) : () -> ()
    return
  }
}

#map = affine_map<(d0, d1) -> (0, 0)>
#map1 = affine_map<(d0, d1) -> (0, 0, 0)>
module attributes {stable_mosaic.version = 14 : i64} {
  func.func @_sc_scatter_body(%arg0: i32, %arg1: i32, %arg2: memref<10000x128xf32, #tpu.memory_space<hbm>>, %arg3: memref<2560x128xi32, #tpu.memory_space<hbm>>, %arg4: memref<2560x128xi32, #tpu.memory_space<hbm>>, %arg5: memref<2x10240x128xf32, #tpu.memory_space<hbm>>, %arg6: memref<10240x128xf32, #tpu.memory_space<vmem_shared>>, %arg7: memref<16x128xi32, #tpu.memory_space<vmem>>, %arg8: memref<16x128xi32, #tpu.memory_space<vmem>>, %arg9: memref<128x128xf32, #tpu.memory_space<vmem>>, %arg10: memref<128x128xf32, #tpu.memory_space<vmem>>, %arg11: memref<!tpu.dma_semaphore, #tpu.memory_space<semaphore_mem>>, %arg12: memref<!tpu.dma_semaphore, #tpu.memory_space<semaphore_mem>>) attributes {dimension_semantics = [#tpu.dimension_semantics<core_parallel>, #tpu.dimension_semantics<subcore_parallel>], iteration_bounds = array<i64: 2, 16>, scalar_prefetch = 0 : i64, scratch_operands = 7 : i64, tpu.core_type = #tpu.core_type<sc_vector_subcore>, window_params = [{transform_indices = #map}, {transform_indices = #map}, {transform_indices = #map}, {transform_indices = #map1}]} {
    %mul3A = arith.constant 640 : i32
    %mul3A_0 = arith.muli %arg1, %mul3A : i32
    %scan3A = arith.constant 0 : i32
    %scan3A_1 = arith.constant 0 : i32
    %scan3A_2 = arith.constant 128 : i32
    %scan3A_3 = arith.addi %scan3A_1, %scan3A_2 : i32
    %scan3A_4 = arith.constant 1 : i32
    %scan3A_5 = scf.for %scan3A_24 = %scan3A_1 to %scan3A_3 step %scan3A_4 iter_args(%scan3A_25 = %scan3A) -> (i32)  : i32 {
      %broadcast_in_dim3A = arith.constant 0.000000e+00 : f32
      %broadcast_in_dim3A_26 = vector.broadcast %broadcast_in_dim3A : f32 to vector<16xf32>
      %swap3A = arith.index_cast %scan3A_24 : i32 to index
      %swap3A_27 = arith.constant 0 : index
      %swap3A_28 = tpu.vector_load %arg9[%swap3A, %swap3A_27] {strides = array<i32>} : memref<128x128xf32, #tpu.memory_space<vmem>>, vector<1x16xf32>,
      %swap3A_29 = vector.shape_cast %swap3A_28 : vector<1x16xf32> to vector<16xf32>
      %swap3A_30 = vector.shape_cast %broadcast_in_dim3A_26 : vector<16xf32> to vector<1x16xf32>
      tpu.vector_store %arg9[%swap3A, %swap3A_27], %swap3A_30 {strides = array<i32>} : memref<128x128xf32, #tpu.memory_space<vmem>>, vector<1x16xf32>,
      %broadcast_in_dim3A_31 = arith.constant 0.000000e+00 : f32
      %broadcast_in_dim3A_32 = vector.broadcast %broadcast_in_dim3A_31 : f32 to vector<16xf32>
      %swap3A_33 = arith.index_cast %scan3A_24 : i32 to index
      %swap3A_34 = arith.constant 16 : index
      %swap3A_35 = tpu.vector_load %arg9[%swap3A_33, %swap3A_34] {strides = array<i32>} : memref<128x128xf32, #tpu.memory_space<vmem>>, vector<1x16xf32>,
      %swap3A_36 = vector.shape_cast %swap3A_35 : vector<1x16xf32> to vector<16xf32>
      %swap3A_37 = vector.shape_cast %broadcast_in_dim3A_32 : vector<16xf32> to vector<1x16xf32>
      tpu.vector_store %arg9[%swap3A_33, %swap3A_34], %swap3A_37 {strides = array<i32>} : memref<128x128xf32, #tpu.memory_space<vmem>>, vector<1x16xf32>,
      %broadcast_in_dim3A_38 = arith.constant 0.000000e+00 : f32
      %broadcast_in_dim3A_39 = vector.broadcast %broadcast_in_dim3A_38 : f32 to vector<16xf32>
      %swap3A_40 = arith.index_cast %scan3A_24 : i32 to index
      %swap3A_41 = arith.constant 32 : index
      %swap3A_42 = tpu.vector_load %arg9[%swap3A_40, %swap3A_41] {strides = array<i32>} : memref<128x128xf32, #tpu.memory_space<vmem>>, vector<1x16xf32>,
      %swap3A_43 = vector.shape_cast %swap3A_42 : vector<1x16xf32> to vector<16xf32>
      %swap3A_44 = vector.shape_cast %broadcast_in_dim3A_39 : vector<16xf32> to vector<1x16xf32>
      tpu.vector_store %arg9[%swap3A_40, %swap3A_41], %swap3A_44 {strides = array<i32>} : memref<128x128xf32, #tpu.memory_space<vmem>>, vector<1x16xf32>,
      %broadcast_in_dim3A_45 = arith.constant 0.000000e+00 : f32
      %broadcast_in_dim3A_46 = vector.broadcast %broadcast_in_dim3A_45 : f32 to vector<16xf32>
      %swap3A_47 = arith.index_cast %scan3A_24 : i32 to index
      %swap3A_48 = arith.constant 48 : index
      %swap3A_49 = tpu.vector_load %arg9[%swap3A_47, %swap3A_48] {strides = array<i32>} : memref<128x128xf32, #tpu.memory_space<vmem>>, vector<1x16xf32>,
      %swap3A_50 = vector.shape_cast %swap3A_49 : vector<1x16xf32> to vector<16xf32>
      %swap3A_51 = vector.shape_cast %broadcast_in_dim3A_46 : vector<16xf32> to vector<1x16xf32>
      tpu.vector_store %arg9[%swap3A_47, %swap3A_48], %swap3A_51 {strides = array<i32>} : memref<128x128xf32, #tpu.memory_space<vmem>>, vector<1x16xf32>,
      %broadcast_in_dim3A_52 = arith.constant 0.000000e+00 : f32
      %broadcast_in_dim3A_53 = vector.broadcast %broadcast_in_dim3A_52 : f32 to vector<16xf32>
      %swap3A_54 = arith.index_cast %scan3A_24 : i32 to index
      %swap3A_55 = arith.constant 64 : index
      %swap3A_56 = tpu.vector_load %arg9[%swap3A_54, %swap3A_55] {strides = array<i32>} : memref<128x128xf32, #tpu.memory_space<vmem>>, vector<1x16xf32>,
      %swap3A_57 = vector.shape_cast %swap3A_56 : vector<1x16xf32> to vector<16xf32>
      %swap3A_58 = vector.shape_cast %broadcast_in_dim3A_53 : vector<16xf32> to vector<1x16xf32>
      tpu.vector_store %arg9[%swap3A_54, %swap3A_55], %swap3A_58 {strides = array<i32>} : memref<128x128xf32, #tpu.memory_space<vmem>>, vector<1x16xf32>,
      %broadcast_in_dim3A_59 = arith.constant 0.000000e+00 : f32
      %broadcast_in_dim3A_60 = vector.broadcast %broadcast_in_dim3A_59 : f32 to vector<16xf32>
      %swap3A_61 = arith.index_cast %scan3A_24 : i32 to index
      %swap3A_62 = arith.constant 80 : index
      %swap3A_63 = tpu.vector_load %arg9[%swap3A_61, %swap3A_62] {strides = array<i32>} : memref<128x128xf32, #tpu.memory_space<vmem>>, vector<1x16xf32>,
      %swap3A_64 = vector.shape_cast %swap3A_63 : vector<1x16xf32> to vector<16xf32>
      %swap3A_65 = vector.shape_cast %broadcast_in_dim3A_60 : vector<16xf32> to vector<1x16xf32>
      tpu.vector_store %arg9[%swap3A_61, %swap3A_62], %swap3A_65 {strides = array<i32>} : memref<128x128xf32, #tpu.memory_space<vmem>>, vector<1x16xf32>,
      %broadcast_in_dim3A_66 = arith.constant 0.000000e+00 : f32
      %broadcast_in_dim3A_67 = vector.broadcast %broadcast_in_dim3A_66 : f32 to vector<16xf32>
      %swap3A_68 = arith.index_cast %scan3A_24 : i32 to index
      %swap3A_69 = arith.constant 96 : index
      %swap3A_70 = tpu.vector_load %arg9[%swap3A_68, %swap3A_69] {strides = array<i32>} : memref<128x128xf32, #tpu.memory_space<vmem>>, vector<1x16xf32>,
      %swap3A_71 = vector.shape_cast %swap3A_70 : vector<1x16xf32> to vector<16xf32>
      %swap3A_72 = vector.shape_cast %broadcast_in_dim3A_67 : vector<16xf32> to vector<1x16xf32>
      tpu.vector_store %arg9[%swap3A_68, %swap3A_69], %swap3A_72 {strides = array<i32>} : memref<128x128xf32, #tpu.memory_space<vmem>>, vector<1x16xf32>,
      %broadcast_in_dim3A_73 = arith.constant 0.000000e+00 : f32
      %broadcast_in_dim3A_74 = vector.broadcast %broadcast_in_dim3A_73 : f32 to vector<16xf32>
      %swap3A_75 = arith.index_cast %scan3A_24 : i32 to index
      %swap3A_76 = arith.constant 112 : index
      %swap3A_77 = tpu.vector_load %arg9[%swap3A_75, %swap3A_76] {strides = array<i32>} : memref<128x128xf32, #tpu.memory_space<vmem>>, vector<1x16xf32>,
      %swap3A_78 = vector.shape_cast %swap3A_77 : vector<1x16xf32> to vector<16xf32>
      %swap3A_79 = vector.shape_cast %broadcast_in_dim3A_74 : vector<16xf32> to vector<1x16xf32>
      tpu.vector_store %arg9[%swap3A_75, %swap3A_76], %swap3A_79 {strides = array<i32>} : memref<128x128xf32, #tpu.memory_space<vmem>>, vector<1x16xf32>,
      %scan3A_80 = arith.constant 0 : i32
      scf.yield %scan3A_80 : i32
    }
    %scan3A_6 = arith.constant 128 : i32
    %add3A = arith.constant 0 : i32
    %add3A_7 = arith.addi %mul3A_0, %add3A : i32
    "tpu.region"() ({
      %run_scoped3A = tpu.sem_alloc : memref<!tpu.dma_semaphore, #tpu.memory_space<semaphore_mem>>
      %dma_start3A = arith.constant 0 : i32
      %dma_start3A_24 = tpu.memref_slice %arg6[%add3A_7, %dma_start3A] : memref<10240x128xf32, #tpu.memory_space<vmem_shared>> -> memref<128x128xf32, #tpu.memory_space<vmem_shared>>
      %dma_start3A_25 = arith.constant 0 : i32
      %dma_start3A_26 = tpu.memref_slice %arg6[%add3A_7, %dma_start3A_25] : memref<10240x128xf32, #tpu.memory_space<vmem_shared>> -> memref<128x128xf32, #tpu.memory_space<vmem_shared>>
      tpu.enqueue_dma source(%arg9 : memref<128x128xf32, #tpu.memory_space<vmem>>) target(%dma_start3A_26 : memref<128x128xf32, #tpu.memory_space<vmem_shared>>) target_semaphore(%run_scoped3A : memref<!tpu.dma_semaphore, #tpu.memory_space<semaphore_mem>>)
      %dma_wait3A = arith.constant 0 : i32
      %dma_wait3A_27 = tpu.memref_slice %arg6[%add3A_7, %dma_wait3A] : memref<10240x128xf32, #tpu.memory_space<vmem_shared>> -> memref<128x128xf32, #tpu.memory_space<vmem_shared>>
      %dma_wait3A_28 = arith.constant 0 : i32
      %dma_wait3A_29 = tpu.memref_slice %arg6[%add3A_7, %dma_wait3A_28] : memref<10240x128xf32, #tpu.memory_space<vmem_shared>> -> memref<128x128xf32, #tpu.memory_space<vmem_shared>>
      tpu.wait_dma2 semaphore(%run_scoped3A : memref<!tpu.dma_semaphore, #tpu.memory_space<semaphore_mem>>) src(%arg9 : memref<128x128xf32, #tpu.memory_space<vmem>>) dst(%dma_wait3A_29 : memref<128x128xf32, #tpu.memory_space<vmem_shared>>)
      tpu.yield
    }) : () -> ()
    %add3A_8 = arith.constant 128 : i32
    %add3A_9 = arith.addi %mul3A_0, %add3A_8 : i32
    "tpu.region"() ({
      %run_scoped3A = tpu.sem_alloc : memref<!tpu.dma_semaphore, #tpu.memory_space<semaphore_mem>>
      %dma_start3A = arith.constant 0 : i32
      %dma_start3A_24 = tpu.memref_slice %arg6[%add3A_9, %dma_start3A] : memref<10240x128xf32, #tpu.memory_space<vmem_shared>> -> memref<128x128xf32, #tpu.memory_space<vmem_shared>>
      %dma_start3A_25 = arith.constant 0 : i32
      %dma_start3A_26 = tpu.memref_slice %arg6[%add3A_9, %dma_start3A_25] : memref<10240x128xf32, #tpu.memory_space<vmem_shared>> -> memref<128x128xf32, #tpu.memory_space<vmem_shared>>
      tpu.enqueue_dma source(%arg9 : memref<128x128xf32, #tpu.memory_space<vmem>>) target(%dma_start3A_26 : memref<128x128xf32, #tpu.memory_space<vmem_shared>>) target_semaphore(%run_scoped3A : memref<!tpu.dma_semaphore, #tpu.memory_space<semaphore_mem>>)
      %dma_wait3A = arith.constant 0 : i32
      %dma_wait3A_27 = tpu.memref_slice %arg6[%add3A_9, %dma_wait3A] : memref<10240x128xf32, #tpu.memory_space<vmem_shared>> -> memref<128x128xf32, #tpu.memory_space<vmem_shared>>
      %dma_wait3A_28 = arith.constant 0 : i32
      %dma_wait3A_29 = tpu.memref_slice %arg6[%add3A_9, %dma_wait3A_28] : memref<10240x128xf32, #tpu.memory_space<vmem_shared>> -> memref<128x128xf32, #tpu.memory_space<vmem_shared>>
      tpu.wait_dma2 semaphore(%run_scoped3A : memref<!tpu.dma_semaphore, #tpu.memory_space<semaphore_mem>>) src(%arg9 : memref<128x128xf32, #tpu.memory_space<vmem>>) dst(%dma_wait3A_29 : memref<128x128xf32, #tpu.memory_space<vmem_shared>>)
      tpu.yield
    }) : () -> ()
    %add3A_10 = arith.constant 256 : i32
    %add3A_11 = arith.addi %mul3A_0, %add3A_10 : i32
    "tpu.region"() ({
      %run_scoped3A = tpu.sem_alloc : memref<!tpu.dma_semaphore, #tpu.memory_space<semaphore_mem>>
      %dma_start3A = arith.constant 0 : i32
      %dma_start3A_24 = tpu.memref_slice %arg6[%add3A_11, %dma_start3A] : memref<10240x128xf32, #tpu.memory_space<vmem_shared>> -> memref<128x128xf32, #tpu.memory_space<vmem_shared>>
      %dma_start3A_25 = arith.constant 0 : i32
      %dma_start3A_26 = tpu.memref_slice %arg6[%add3A_11, %dma_start3A_25] : memref<10240x128xf32, #tpu.memory_space<vmem_shared>> -> memref<128x128xf32, #tpu.memory_space<vmem_shared>>
      tpu.enqueue_dma source(%arg9 : memref<128x128xf32, #tpu.memory_space<vmem>>) target(%dma_start3A_26 : memref<128x128xf32, #tpu.memory_space<vmem_shared>>) target_semaphore(%run_scoped3A : memref<!tpu.dma_semaphore, #tpu.memory_space<semaphore_mem>>)
      %dma_wait3A = arith.constant 0 : i32
      %dma_wait3A_27 = tpu.memref_slice %arg6[%add3A_11, %dma_wait3A] : memref<10240x128xf32, #tpu.memory_space<vmem_shared>> -> memref<128x128xf32, #tpu.memory_space<vmem_shared>>
      %dma_wait3A_28 = arith.constant 0 : i32
      %dma_wait3A_29 = tpu.memref_slice %arg6[%add3A_11, %dma_wait3A_28] : memref<10240x128xf32, #tpu.memory_space<vmem_shared>> -> memref<128x128xf32, #tpu.memory_space<vmem_shared>>
      tpu.wait_dma2 semaphore(%run_scoped3A : memref<!tpu.dma_semaphore, #tpu.memory_space<semaphore_mem>>) src(%arg9 : memref<128x128xf32, #tpu.memory_space<vmem>>) dst(%dma_wait3A_29 : memref<128x128xf32, #tpu.memory_space<vmem_shared>>)
      tpu.yield
    }) : () -> ()
    %add3A_12 = arith.constant 384 : i32
    %add3A_13 = arith.addi %mul3A_0, %add3A_12 : i32
    "tpu.region"() ({
      %run_scoped3A = tpu.sem_alloc : memref<!tpu.dma_semaphore, #tpu.memory_space<semaphore_mem>>
      %dma_start3A = arith.constant 0 : i32
      %dma_start3A_24 = tpu.memref_slice %arg6[%add3A_13, %dma_start3A] : memref<10240x128xf32, #tpu.memory_space<vmem_shared>> -> memref<128x128xf32, #tpu.memory_space<vmem_shared>>
      %dma_start3A_25 = arith.constant 0 : i32
      %dma_start3A_26 = tpu.memref_slice %arg6[%add3A_13, %dma_start3A_25] : memref<10240x128xf32, #tpu.memory_space<vmem_shared>> -> memref<128x128xf32, #tpu.memory_space<vmem_shared>>
      tpu.enqueue_dma source(%arg9 : memref<128x128xf32, #tpu.memory_space<vmem>>) target(%dma_start3A_26 : memref<128x128xf32, #tpu.memory_space<vmem_shared>>) target_semaphore(%run_scoped3A : memref<!tpu.dma_semaphore, #tpu.memory_space<semaphore_mem>>)
      %dma_wait3A = arith.constant 0 : i32
      %dma_wait3A_27 = tpu.memref_slice %arg6[%add3A_13, %dma_wait3A] : memref<10240x128xf32, #tpu.memory_space<vmem_shared>> -> memref<128x128xf32, #tpu.memory_space<vmem_shared>>
      %dma_wait3A_28 = arith.constant 0 : i32
      %dma_wait3A_29 = tpu.memref_slice %arg6[%add3A_13, %dma_wait3A_28] : memref<10240x128xf32, #tpu.memory_space<vmem_shared>> -> memref<128x128xf32, #tpu.memory_space<vmem_shared>>
      tpu.wait_dma2 semaphore(%run_scoped3A : memref<!tpu.dma_semaphore, #tpu.memory_space<semaphore_mem>>) src(%arg9 : memref<128x128xf32, #tpu.memory_space<vmem>>) dst(%dma_wait3A_29 : memref<128x128xf32, #tpu.memory_space<vmem_shared>>)
      tpu.yield
    }) : () -> ()
    %add3A_14 = arith.constant 512 : i32
    %add3A_15 = arith.addi %mul3A_0, %add3A_14 : i32
    "tpu.region"() ({
      %run_scoped3A = tpu.sem_alloc : memref<!tpu.dma_semaphore, #tpu.memory_space<semaphore_mem>>
      %dma_start3A = arith.constant 0 : i32
      %dma_start3A_24 = tpu.memref_slice %arg6[%add3A_15, %dma_start3A] : memref<10240x128xf32, #tpu.memory_space<vmem_shared>> -> memref<128x128xf32, #tpu.memory_space<vmem_shared>>
      %dma_start3A_25 = arith.constant 0 : i32
      %dma_start3A_26 = tpu.memref_slice %arg6[%add3A_15, %dma_start3A_25] : memref<10240x128xf32, #tpu.memory_space<vmem_shared>> -> memref<128x128xf32, #tpu.memory_space<vmem_shared>>
      tpu.enqueue_dma source(%arg9 : memref<128x128xf32, #tpu.memory_space<vmem>>) target(%dma_start3A_26 : memref<128x128xf32, #tpu.memory_space<vmem_shared>>) target_semaphore(%run_scoped3A : memref<!tpu.dma_semaphore, #tpu.memory_space<semaphore_mem>>)
      %dma_wait3A = arith.constant 0 : i32
      %dma_wait3A_27 = tpu.memref_slice %arg6[%add3A_15, %dma_wait3A] : memref<10240x128xf32, #tpu.memory_space<vmem_shared>> -> memref<128x128xf32, #tpu.memory_space<vmem_shared>>
      %dma_wait3A_28 = arith.constant 0 : i32
      %dma_wait3A_29 = tpu.memref_slice %arg6[%add3A_15, %dma_wait3A_28] : memref<10240x128xf32, #tpu.memory_space<vmem_shared>> -> memref<128x128xf32, #tpu.memory_space<vmem_shared>>
      tpu.wait_dma2 semaphore(%run_scoped3A : memref<!tpu.dma_semaphore, #tpu.memory_space<semaphore_mem>>) src(%arg9 : memref<128x128xf32, #tpu.memory_space<vmem>>) dst(%dma_wait3A_29 : memref<128x128xf32, #tpu.memory_space<vmem_shared>>)
      tpu.yield
    }) : () -> ()
    %barrier3A = arith.constant 0 : index
    tpu.barrier barrier_id(%barrier3A)
    %scan3A_16 = arith.constant 0 : i32
    %scan3A_17 = arith.constant 0 : i32
    %scan3A_18 = arith.constant 5 : i32
    %scan3A_19 = arith.addi %scan3A_17, %scan3A_18 : i32
    %scan3A_20 = arith.constant 1 : i32
    %scan3A_21 = scf.for %scan3A_24 = %scan3A_17 to %scan3A_19 step %scan3A_20 iter_args(%scan3A_25 = %scan3A_16) -> (i32)  : i32 {
      %mul3A_26 = arith.constant 1280 : i32
      %mul3A_27 = arith.muli %arg0, %mul3A_26 : i32
      %mul3A_28 = arith.constant 80 : i32
      %mul3A_29 = arith.muli %arg1, %mul3A_28 : i32
      %add3A_30 = arith.addi %mul3A_27, %mul3A_29 : i32
      %mul3A_31 = arith.constant 16 : i32
      %mul3A_32 = arith.muli %scan3A_24, %mul3A_31 : i32
      %add3A_33 = arith.addi %add3A_30, %mul3A_32 : i32
      "tpu.region"() ({
        %run_scoped3A = tpu.sem_alloc : memref<!tpu.dma_semaphore, #tpu.memory_space<semaphore_mem>>
        %dma_start3A_481 = arith.constant 0 : i32
        %dma_start3A_482 = tpu.memref_slice %arg3[%add3A_33, %dma_start3A_481] : memref<2560x128xi32, #tpu.memory_space<hbm>> -> memref<16x128xi32, #tpu.memory_space<hbm>>
        %dma_start3A_483 = arith.constant 0 : i32
        %dma_start3A_484 = tpu.memref_slice %arg3[%add3A_33, %dma_start3A_483] : memref<2560x128xi32, #tpu.memory_space<hbm>> -> memref<16x128xi32, #tpu.memory_space<hbm>>
        tpu.enqueue_dma source(%dma_start3A_484 : memref<16x128xi32, #tpu.memory_space<hbm>>) target(%arg7 : memref<16x128xi32, #tpu.memory_space<vmem>>) target_semaphore(%run_scoped3A : memref<!tpu.dma_semaphore, #tpu.memory_space<semaphore_mem>>)
        %dma_wait3A_485 = arith.constant 0 : i32
        %dma_wait3A_486 = tpu.memref_slice %arg3[%add3A_33, %dma_wait3A_485] : memref<2560x128xi32, #tpu.memory_space<hbm>> -> memref<16x128xi32, #tpu.memory_space<hbm>>
        %dma_wait3A_487 = arith.constant 0 : i32
        %dma_wait3A_488 = tpu.memref_slice %arg3[%add3A_33, %dma_wait3A_487] : memref<2560x128xi32, #tpu.memory_space<hbm>> -> memref<16x128xi32, #tpu.memory_space<hbm>>
        tpu.wait_dma2 semaphore(%run_scoped3A : memref<!tpu.dma_semaphore, #tpu.memory_space<semaphore_mem>>) src(%dma_wait3A_488 : memref<16x128xi32, #tpu.memory_space<hbm>>) dst(%arg7 : memref<16x128xi32, #tpu.memory_space<vmem>>)
        tpu.yield
      }) : () -> ()
      "tpu.region"() ({
        %run_scoped3A = tpu.sem_alloc : memref<!tpu.dma_semaphore, #tpu.memory_space<semaphore_mem>>
        %dma_start3A_481 = arith.constant 0 : i32
        %dma_start3A_482 = tpu.memref_slice %arg4[%add3A_33, %dma_start3A_481] : memref<2560x128xi32, #tpu.memory_space<hbm>> -> memref<16x128xi32, #tpu.memory_space<hbm>>
        %dma_start3A_483 = arith.constant 0 : i32
        %dma_start3A_484 = tpu.memref_slice %arg4[%add3A_33, %dma_start3A_483] : memref<2560x128xi32, #tpu.memory_space<hbm>> -> memref<16x128xi32, #tpu.memory_space<hbm>>
        tpu.enqueue_dma source(%dma_start3A_484 : memref<16x128xi32, #tpu.memory_space<hbm>>) target(%arg8 : memref<16x128xi32, #tpu.memory_space<vmem>>) target_semaphore(%run_scoped3A : memref<!tpu.dma_semaphore, #tpu.memory_space<semaphore_mem>>)
        %dma_wait3A_485 = arith.constant 0 : i32
        %dma_wait3A_486 = tpu.memref_slice %arg4[%add3A_33, %dma_wait3A_485] : memref<2560x128xi32, #tpu.memory_space<hbm>> -> memref<16x128xi32, #tpu.memory_space<hbm>>
        %dma_wait3A_487 = arith.constant 0 : i32
        %dma_wait3A_488 = tpu.memref_slice %arg4[%add3A_33, %dma_wait3A_487] : memref<2560x128xi32, #tpu.memory_space<hbm>> -> memref<16x128xi32, #tpu.memory_space<hbm>>
        tpu.wait_dma2 semaphore(%run_scoped3A : memref<!tpu.dma_semaphore, #tpu.memory_space<semaphore_mem>>) src(%dma_wait3A_488 : memref<16x128xi32, #tpu.memory_space<hbm>>) dst(%arg8 : memref<16x128xi32, #tpu.memory_space<vmem>>)
        tpu.yield
      }) : () -> ()
      %dma_start3A = arith.constant 0 : i32
      %dma_start3A_34 = arith.constant 0 : i32
      %dma_start3A_35 = tpu.memref_slice %arg7[%dma_start3A, %dma_start3A_34] : memref<16x128xi32, #tpu.memory_space<vmem>> -> memref<1x128xi32, #tpu.memory_space<vmem>>
      %dma_start3A_36 = tpu.memref_squeeze %dma_start3A_35 : memref<1x128xi32, #tpu.memory_space<vmem>> -> memref<128xi32, #tpu.memory_space<vmem>>
      %dma_start3A_37 = arith.constant 0 : i32
      %dma_start3A_38 = arith.constant 0 : i32
      %dma_start3A_39 = tpu.memref_slice %arg2[%dma_start3A_37, %dma_start3A_38] : memref<10000x128xf32, #tpu.memory_space<hbm>> -> memref<10000x128xf32, #tpu.memory_space<hbm>>
      tpu.enqueue_indirect_dma source(%dma_start3A_39 : memref<10000x128xf32, #tpu.memory_space<hbm>>) target(%arg9 : memref<128x128xf32, #tpu.memory_space<vmem>>) offsets(%dma_start3A_36 : memref<128xi32, #tpu.memory_space<vmem>>) semaphore(%arg11 : memref<!tpu.dma_semaphore, #tpu.memory_space<semaphore_mem>>)
      %dma_start3A_40 = arith.constant 1 : i32
      %dma_start3A_41 = arith.constant 0 : i32
      %dma_start3A_42 = tpu.memref_slice %arg7[%dma_start3A_40, %dma_start3A_41] : memref<16x128xi32, #tpu.memory_space<vmem>> -> memref<1x128xi32, #tpu.memory_space<vmem>>
      %dma_start3A_43 = tpu.memref_squeeze %dma_start3A_42 : memref<1x128xi32, #tpu.memory_space<vmem>> -> memref<128xi32, #tpu.memory_space<vmem>>
      %dma_start3A_44 = arith.constant 0 : i32
      %dma_start3A_45 = arith.constant 0 : i32
      %dma_start3A_46 = tpu.memref_slice %arg2[%dma_start3A_44, %dma_start3A_45] : memref<10000x128xf32, #tpu.memory_space<hbm>> -> memref<10000x128xf32, #tpu.memory_space<hbm>>
      tpu.enqueue_indirect_dma source(%dma_start3A_46 : memref<10000x128xf32, #tpu.memory_space<hbm>>) target(%arg10 : memref<128x128xf32, #tpu.memory_space<vmem>>) offsets(%dma_start3A_43 : memref<128xi32, #tpu.memory_space<vmem>>) semaphore(%arg11 : memref<!tpu.dma_semaphore, #tpu.memory_space<semaphore_mem>>)
      %dma_wait3A = arith.constant 0 : i32
      %dma_wait3A_47 = arith.constant 0 : i32
      %dma_wait3A_48 = tpu.memref_slice %arg7[%dma_wait3A, %dma_wait3A_47] : memref<16x128xi32, #tpu.memory_space<vmem>> -> memref<1x128xi32, #tpu.memory_space<vmem>>
      %dma_wait3A_49 = tpu.memref_squeeze %dma_wait3A_48 : memref<1x128xi32, #tpu.memory_space<vmem>> -> memref<128xi32, #tpu.memory_space<vmem>>
      %dma_wait3A_50 = arith.constant 0 : i32
      %dma_wait3A_51 = arith.constant 0 : i32
      %dma_wait3A_52 = tpu.memref_slice %arg2[%dma_wait3A_50, %dma_wait3A_51] : memref<10000x128xf32, #tpu.memory_space<hbm>> -> memref<10000x128xf32, #tpu.memory_space<hbm>>
      tpu.wait_indirect_dma semaphore(%arg11 : memref<!tpu.dma_semaphore, #tpu.memory_space<semaphore_mem>>) src(%dma_wait3A_52 : memref<10000x128xf32, #tpu.memory_space<hbm>>) dst(%arg9 : memref<128x128xf32, #tpu.memory_space<vmem>>)
      %dma_start3A_53 = arith.constant 0 : i32
      %dma_start3A_54 = arith.constant 0 : i32
      %dma_start3A_55 = tpu.memref_slice %arg8[%dma_start3A_53, %dma_start3A_54] : memref<16x128xi32, #tpu.memory_space<vmem>> -> memref<1x128xi32, #tpu.memory_space<vmem>>
      %dma_start3A_56 = tpu.memref_squeeze %dma_start3A_55 : memref<1x128xi32, #tpu.memory_space<vmem>> -> memref<128xi32, #tpu.memory_space<vmem>>
      %dma_start3A_57 = arith.constant 0 : i32
      %dma_start3A_58 = arith.constant 0 : i32
      %dma_start3A_59 = tpu.memref_slice %arg6[%dma_start3A_57, %dma_start3A_58] : memref<10240x128xf32, #tpu.memory_space<vmem_shared>> -> memref<10240x128xf32, #tpu.memory_space<vmem_shared>>
      tpu.enqueue_indirect_dma source(%arg9 : memref<128x128xf32, #tpu.memory_space<vmem>>) target(%dma_start3A_59 : memref<10240x128xf32, #tpu.memory_space<vmem_shared>>) offsets(%dma_start3A_56 : memref<128xi32, #tpu.memory_space<vmem>>) semaphore(%arg12 : memref<!tpu.dma_semaphore, #tpu.memory_space<semaphore_mem>>) {add = true}
      %dma_wait3A_60 = arith.constant 0 : i32
      %dma_wait3A_61 = arith.constant 0 : i32
      %dma_wait3A_62 = tpu.memref_slice %arg8[%dma_wait3A_60, %dma_wait3A_61] : memref<16x128xi32, #tpu.memory_space<vmem>> -> memref<1x128xi32, #tpu.memory_space<vmem>>
      %dma_wait3A_63 = tpu.memref_squeeze %dma_wait3A_62 : memref<1x128xi32, #tpu.memory_space<vmem>> -> memref<128xi32, #tpu.memory_space<vmem>>
      %dma_wait3A_64 = arith.constant 0 : i32
      %dma_wait3A_65 = arith.constant 0 : i32
      %dma_wait3A_66 = tpu.memref_slice %arg6[%dma_wait3A_64, %dma_wait3A_65] : memref<10240x128xf32, #tpu.memory_space<vmem_shared>> -> memref<10240x128xf32, #tpu.memory_space<vmem_shared>>
      tpu.wait_indirect_dma semaphore(%arg12 : memref<!tpu.dma_semaphore, #tpu.memory_space<semaphore_mem>>) src(%arg9 : memref<128x128xf32, #tpu.memory_space<vmem>>) dst(%dma_wait3A_66 : memref<10240x128xf32, #tpu.memory_space<vmem_shared>>)
      %dma_start3A_67 = arith.constant 2 : i32
      %dma_start3A_68 = arith.constant 0 : i32
      %dma_start3A_69 = tpu.memref_slice %arg7[%dma_start3A_67, %dma_start3A_68] : memref<16x128xi32, #tpu.memory_space<vmem>> -> memref<1x128xi32, #tpu.memory_space<vmem>>
      %dma_start3A_70 = tpu.memref_squeeze %dma_start3A_69 : memref<1x128xi32, #tpu.memory_space<vmem>> -> memref<128xi32, #tpu.memory_space<vmem>>
      %dma_start3A_71 = arith.constant 0 : i32
      %dma_start3A_72 = arith.constant 0 : i32
      %dma_start3A_73 = tpu.memref_slice %arg2[%dma_start3A_71, %dma_start3A_72] : memref<10000x128xf32, #tpu.memory_space<hbm>> -> memref<10000x128xf32, #tpu.memory_space<hbm>>
      tpu.enqueue_indirect_dma source(%dma_start3A_73 : memref<10000x128xf32, #tpu.memory_space<hbm>>) target(%arg9 : memref<128x128xf32, #tpu.memory_space<vmem>>) offsets(%dma_start3A_70 : memref<128xi32, #tpu.memory_space<vmem>>) semaphore(%arg11 : memref<!tpu.dma_semaphore, #tpu.memory_space<semaphore_mem>>)
      %dma_wait3A_74 = arith.constant 1 : i32
      %dma_wait3A_75 = arith.constant 0 : i32
      %dma_wait3A_76 = tpu.memref_slice %arg7[%dma_wait3A_74, %dma_wait3A_75] : memref<16x128xi32, #tpu.memory_space<vmem>> -> memref<1x128xi32, #tpu.memory_space<vmem>>
      %dma_wait3A_77 = tpu.memref_squeeze %dma_wait3A_76 : memref<1x128xi32, #tpu.memory_space<vmem>> -> memref<128xi32, #tpu.memory_space<vmem>>
      %dma_wait3A_78 = arith.constant 0 : i32
      %dma_wait3A_79 = arith.constant 0 : i32
      %dma_wait3A_80 = tpu.memref_slice %arg2[%dma_wait3A_78, %dma_wait3A_79] : memref<10000x128xf32, #tpu.memory_space<hbm>> -> memref<10000x128xf32, #tpu.memory_space<hbm>>
      tpu.wait_indirect_dma semaphore(%arg11 : memref<!tpu.dma_semaphore, #tpu.memory_space<semaphore_mem>>) src(%dma_wait3A_80 : memref<10000x128xf32, #tpu.memory_space<hbm>>) dst(%arg10 : memref<128x128xf32, #tpu.memory_space<vmem>>)
      %dma_start3A_81 = arith.constant 1 : i32
      %dma_start3A_82 = arith.constant 0 : i32
      %dma_start3A_83 = tpu.memref_slice %arg8[%dma_start3A_81, %dma_start3A_82] : memref<16x128xi32, #tpu.memory_space<vmem>> -> memref<1x128xi32, #tpu.memory_space<vmem>>
      %dma_start3A_84 = tpu.memref_squeeze %dma_start3A_83 : memref<1x128xi32, #tpu.memory_space<vmem>> -> memref<128xi32, #tpu.memory_space<vmem>>
      %dma_start3A_85 = arith.constant 0 : i32
      %dma_start3A_86 = arith.constant 0 : i32
      %dma_start3A_87 = tpu.memref_slice %arg6[%dma_start3A_85, %dma_start3A_86] : memref<10240x128xf32, #tpu.memory_space<vmem_shared>> -> memref<10240x128xf32, #tpu.memory_space<vmem_shared>>
      tpu.enqueue_indirect_dma source(%arg10 : memref<128x128xf32, #tpu.memory_space<vmem>>) target(%dma_start3A_87 : memref<10240x128xf32, #tpu.memory_space<vmem_shared>>) offsets(%dma_start3A_84 : memref<128xi32, #tpu.memory_space<vmem>>) semaphore(%arg12 : memref<!tpu.dma_semaphore, #tpu.memory_space<semaphore_mem>>) {add = true}
      %dma_wait3A_88 = arith.constant 1 : i32
      %dma_wait3A_89 = arith.constant 0 : i32
      %dma_wait3A_90 = tpu.memref_slice %arg8[%dma_wait3A_88, %dma_wait3A_89] : memref<16x128xi32, #tpu.memory_space<vmem>> -> memref<1x128xi32, #tpu.memory_space<vmem>>
      %dma_wait3A_91 = tpu.memref_squeeze %dma_wait3A_90 : memref<1x128xi32, #tpu.memory_space<vmem>> -> memref<128xi32, #tpu.memory_space<vmem>>
      %dma_wait3A_92 = arith.constant 0 : i32
      %dma_wait3A_93 = arith.constant 0 : i32
      %dma_wait3A_94 = tpu.memref_slice %arg6[%dma_wait3A_92, %dma_wait3A_93] : memref<10240x128xf32, #tpu.memory_space<vmem_shared>> -> memref<10240x128xf32, #tpu.memory_space<vmem_shared>>
      tpu.wait_indirect_dma semaphore(%arg12 : memref<!tpu.dma_semaphore, #tpu.memory_space<semaphore_mem>>) src(%arg10 : memref<128x128xf32, #tpu.memory_space<vmem>>) dst(%dma_wait3A_94 : memref<10240x128xf32, #tpu.memory_space<vmem_shared>>)
      %dma_start3A_95 = arith.constant 3 : i32
      %dma_start3A_96 = arith.constant 0 : i32
      %dma_start3A_97 = tpu.memref_slice %arg7[%dma_start3A_95, %dma_start3A_96] : memref<16x128xi32, #tpu.memory_space<vmem>> -> memref<1x128xi32, #tpu.memory_space<vmem>>
      %dma_start3A_98 = tpu.memref_squeeze %dma_start3A_97 : memref<1x128xi32, #tpu.memory_space<vmem>> -> memref<128xi32, #tpu.memory_space<vmem>>
      %dma_start3A_99 = arith.constant 0 : i32
      %dma_start3A_100 = arith.constant 0 : i32
      %dma_start3A_101 = tpu.memref_slice %arg2[%dma_start3A_99, %dma_start3A_100] : memref<10000x128xf32, #tpu.memory_space<hbm>> -> memref<10000x128xf32, #tpu.memory_space<hbm>>
      tpu.enqueue_indirect_dma source(%dma_start3A_101 : memref<10000x128xf32, #tpu.memory_space<hbm>>) target(%arg10 : memref<128x128xf32, #tpu.memory_space<vmem>>) offsets(%dma_start3A_98 : memref<128xi32, #tpu.memory_space<vmem>>) semaphore(%arg11 : memref<!tpu.dma_semaphore, #tpu.memory_space<semaphore_mem>>)
      %dma_wait3A_102 = arith.constant 2 : i32
      %dma_wait3A_103 = arith.constant 0 : i32
      %dma_wait3A_104 = tpu.memref_slice %arg7[%dma_wait3A_102, %dma_wait3A_103] : memref<16x128xi32, #tpu.memory_space<vmem>> -> memref<1x128xi32, #tpu.memory_space<vmem>>
      %dma_wait3A_105 = tpu.memref_squeeze %dma_wait3A_104 : memref<1x128xi32, #tpu.memory_space<vmem>> -> memref<128xi32, #tpu.memory_space<vmem>>
      %dma_wait3A_106 = arith.constant 0 : i32
      %dma_wait3A_107 = arith.constant 0 : i32
      %dma_wait3A_108 = tpu.memref_slice %arg2[%dma_wait3A_106, %dma_wait3A_107] : memref<10000x128xf32, #tpu.memory_space<hbm>> -> memref<10000x128xf32, #tpu.memory_space<hbm>>
      tpu.wait_indirect_dma semaphore(%arg11 : memref<!tpu.dma_semaphore, #tpu.memory_space<semaphore_mem>>) src(%dma_wait3A_108 : memref<10000x128xf32, #tpu.memory_space<hbm>>) dst(%arg9 : memref<128x128xf32, #tpu.memory_space<vmem>>)
      %dma_start3A_109 = arith.constant 2 : i32
      %dma_start3A_110 = arith.constant 0 : i32
      %dma_start3A_111 = tpu.memref_slice %arg8[%dma_start3A_109, %dma_start3A_110] : memref<16x128xi32, #tpu.memory_space<vmem>> -> memref<1x128xi32, #tpu.memory_space<vmem>>
      %dma_start3A_112 = tpu.memref_squeeze %dma_start3A_111 : memref<1x128xi32, #tpu.memory_space<vmem>> -> memref<128xi32, #tpu.memory_space<vmem>>
      %dma_start3A_113 = arith.constant 0 : i32
      %dma_start3A_114 = arith.constant 0 : i32
      %dma_start3A_115 = tpu.memref_slice %arg6[%dma_start3A_113, %dma_start3A_114] : memref<10240x128xf32, #tpu.memory_space<vmem_shared>> -> memref<10240x128xf32, #tpu.memory_space<vmem_shared>>
      tpu.enqueue_indirect_dma source(%arg9 : memref<128x128xf32, #tpu.memory_space<vmem>>) target(%dma_start3A_115 : memref<10240x128xf32, #tpu.memory_space<vmem_shared>>) offsets(%dma_start3A_112 : memref<128xi32, #tpu.memory_space<vmem>>) semaphore(%arg12 : memref<!tpu.dma_semaphore, #tpu.memory_space<semaphore_mem>>) {add = true}
      %dma_wait3A_116 = arith.constant 2 : i32
      %dma_wait3A_117 = arith.constant 0 : i32
      %dma_wait3A_118 = tpu.memref_slice %arg8[%dma_wait3A_116, %dma_wait3A_117] : memref<16x128xi32, #tpu.memory_space<vmem>> -> memref<1x128xi32, #tpu.memory_space<vmem>>
      %dma_wait3A_119 = tpu.memref_squeeze %dma_wait3A_118 : memref<1x128xi32, #tpu.memory_space<vmem>> -> memref<128xi32, #tpu.memory_space<vmem>>
      %dma_wait3A_120 = arith.constant 0 : i32
      %dma_wait3A_121 = arith.constant 0 : i32
      %dma_wait3A_122 = tpu.memref_slice %arg6[%dma_wait3A_120, %dma_wait3A_121] : memref<10240x128xf32, #tpu.memory_space<vmem_shared>> -> memref<10240x128xf32, #tpu.memory_space<vmem_shared>>
      tpu.wait_indirect_dma semaphore(%arg12 : memref<!tpu.dma_semaphore, #tpu.memory_space<semaphore_mem>>) src(%arg9 : memref<128x128xf32, #tpu.memory_space<vmem>>) dst(%dma_wait3A_122 : memref<10240x128xf32, #tpu.memory_space<vmem_shared>>)
      %dma_start3A_123 = arith.constant 4 : i32
      %dma_start3A_124 = arith.constant 0 : i32
      %dma_start3A_125 = tpu.memref_slice %arg7[%dma_start3A_123, %dma_start3A_124] : memref<16x128xi32, #tpu.memory_space<vmem>> -> memref<1x128xi32, #tpu.memory_space<vmem>>
      %dma_start3A_126 = tpu.memref_squeeze %dma_start3A_125 : memref<1x128xi32, #tpu.memory_space<vmem>> -> memref<128xi32, #tpu.memory_space<vmem>>
      %dma_start3A_127 = arith.constant 0 : i32
      %dma_start3A_128 = arith.constant 0 : i32
      %dma_start3A_129 = tpu.memref_slice %arg2[%dma_start3A_127, %dma_start3A_128] : memref<10000x128xf32, #tpu.memory_space<hbm>> -> memref<10000x128xf32, #tpu.memory_space<hbm>>
      tpu.enqueue_indirect_dma source(%dma_start3A_129 : memref<10000x128xf32, #tpu.memory_space<hbm>>) target(%arg9 : memref<128x128xf32, #tpu.memory_space<vmem>>) offsets(%dma_start3A_126 : memref<128xi32, #tpu.memory_space<vmem>>) semaphore(%arg11 : memref<!tpu.dma_semaphore, #tpu.memory_space<semaphore_mem>>)
      %dma_wait3A_130 = arith.constant 3 : i32
      %dma_wait3A_131 = arith.constant 0 : i32
      %dma_wait3A_132 = tpu.memref_slice %arg7[%dma_wait3A_130, %dma_wait3A_131] : memref<16x128xi32, #tpu.memory_space<vmem>> -> memref<1x128xi32, #tpu.memory_space<vmem>>
      %dma_wait3A_133 = tpu.memref_squeeze %dma_wait3A_132 : memref<1x128xi32, #tpu.memory_space<vmem>> -> memref<128xi32, #tpu.memory_space<vmem>>
      %dma_wait3A_134 = arith.constant 0 : i32
      %dma_wait3A_135 = arith.constant 0 : i32
      %dma_wait3A_136 = tpu.memref_slice %arg2[%dma_wait3A_134, %dma_wait3A_135] : memref<10000x128xf32, #tpu.memory_space<hbm>> -> memref<10000x128xf32, #tpu.memory_space<hbm>>
      tpu.wait_indirect_dma semaphore(%arg11 : memref<!tpu.dma_semaphore, #tpu.memory_space<semaphore_mem>>) src(%dma_wait3A_136 : memref<10000x128xf32, #tpu.memory_space<hbm>>) dst(%arg10 : memref<128x128xf32, #tpu.memory_space<vmem>>)
      %dma_start3A_137 = arith.constant 3 : i32
      %dma_start3A_138 = arith.constant 0 : i32
      %dma_start3A_139 = tpu.memref_slice %arg8[%dma_start3A_137, %dma_start3A_138] : memref<16x128xi32, #tpu.memory_space<vmem>> -> memref<1x128xi32, #tpu.memory_space<vmem>>
      %dma_start3A_140 = tpu.memref_squeeze %dma_start3A_139 : memref<1x128xi32, #tpu.memory_space<vmem>> -> memref<128xi32, #tpu.memory_space<vmem>>
      %dma_start3A_141 = arith.constant 0 : i32
      %dma_start3A_142 = arith.constant 0 : i32
      %dma_start3A_143 = tpu.memref_slice %arg6[%dma_start3A_141, %dma_start3A_142] : memref<10240x128xf32, #tpu.memory_space<vmem_shared>> -> memref<10240x128xf32, #tpu.memory_space<vmem_shared>>
      tpu.enqueue_indirect_dma source(%arg10 : memref<128x128xf32, #tpu.memory_space<vmem>>) target(%dma_start3A_143 : memref<10240x128xf32, #tpu.memory_space<vmem_shared>>) offsets(%dma_start3A_140 : memref<128xi32, #tpu.memory_space<vmem>>) semaphore(%arg12 : memref<!tpu.dma_semaphore, #tpu.memory_space<semaphore_mem>>) {add = true}
      %dma_wait3A_144 = arith.constant 3 : i32
      %dma_wait3A_145 = arith.constant 0 : i32
      %dma_wait3A_146 = tpu.memref_slice %arg8[%dma_wait3A_144, %dma_wait3A_145] : memref<16x128xi32, #tpu.memory_space<vmem>> -> memref<1x128xi32, #tpu.memory_space<vmem>>
      %dma_wait3A_147 = tpu.memref_squeeze %dma_wait3A_146 : memref<1x128xi32, #tpu.memory_space<vmem>> -> memref<128xi32, #tpu.memory_space<vmem>>
      %dma_wait3A_148 = arith.constant 0 : i32
      %dma_wait3A_149 = arith.constant 0 : i32
      %dma_wait3A_150 = tpu.memref_slice %arg6[%dma_wait3A_148, %dma_wait3A_149] : memref<10240x128xf32, #tpu.memory_space<vmem_shared>> -> memref<10240x128xf32, #tpu.memory_space<vmem_shared>>
      tpu.wait_indirect_dma semaphore(%arg12 : memref<!tpu.dma_semaphore, #tpu.memory_space<semaphore_mem>>) src(%arg10 : memref<128x128xf32, #tpu.memory_space<vmem>>) dst(%dma_wait3A_150 : memref<10240x128xf32, #tpu.memory_space<vmem_shared>>)
      %dma_start3A_151 = arith.constant 5 : i32
      %dma_start3A_152 = arith.constant 0 : i32
      %dma_start3A_153 = tpu.memref_slice %arg7[%dma_start3A_151, %dma_start3A_152] : memref<16x128xi32, #tpu.memory_space<vmem>> -> memref<1x128xi32, #tpu.memory_space<vmem>>
      %dma_start3A_154 = tpu.memref_squeeze %dma_start3A_153 : memref<1x128xi32, #tpu.memory_space<vmem>> -> memref<128xi32, #tpu.memory_space<vmem>>
      %dma_start3A_155 = arith.constant 0 : i32
      %dma_start3A_156 = arith.constant 0 : i32
      %dma_start3A_157 = tpu.memref_slice %arg2[%dma_start3A_155, %dma_start3A_156] : memref<10000x128xf32, #tpu.memory_space<hbm>> -> memref<10000x128xf32, #tpu.memory_space<hbm>>
      tpu.enqueue_indirect_dma source(%dma_start3A_157 : memref<10000x128xf32, #tpu.memory_space<hbm>>) target(%arg10 : memref<128x128xf32, #tpu.memory_space<vmem>>) offsets(%dma_start3A_154 : memref<128xi32, #tpu.memory_space<vmem>>) semaphore(%arg11 : memref<!tpu.dma_semaphore, #tpu.memory_space<semaphore_mem>>)
      %dma_wait3A_158 = arith.constant 4 : i32
      %dma_wait3A_159 = arith.constant 0 : i32
      %dma_wait3A_160 = tpu.memref_slice %arg7[%dma_wait3A_158, %dma_wait3A_159] : memref<16x128xi32, #tpu.memory_space<vmem>> -> memref<1x128xi32, #tpu.memory_space<vmem>>
      %dma_wait3A_161 = tpu.memref_squeeze %dma_wait3A_160 : memref<1x128xi32, #tpu.memory_space<vmem>> -> memref<128xi32, #tpu.memory_space<vmem>>
      %dma_wait3A_162 = arith.constant 0 : i32
      %dma_wait3A_163 = arith.constant 0 : i32
      %dma_wait3A_164 = tpu.memref_slice %arg2[%dma_wait3A_162, %dma_wait3A_163] : memref<10000x128xf32, #tpu.memory_space<hbm>> -> memref<10000x128xf32, #tpu.memory_space<hbm>>
      tpu.wait_indirect_dma semaphore(%arg11 : memref<!tpu.dma_semaphore, #tpu.memory_space<semaphore_mem>>) src(%dma_wait3A_164 : memref<10000x128xf32, #tpu.memory_space<hbm>>) dst(%arg9 : memref<128x128xf32, #tpu.memory_space<vmem>>)
      %dma_start3A_165 = arith.constant 4 : i32
      %dma_start3A_166 = arith.constant 0 : i32
      %dma_start3A_167 = tpu.memref_slice %arg8[%dma_start3A_165, %dma_start3A_166] : memref<16x128xi32, #tpu.memory_space<vmem>> -> memref<1x128xi32, #tpu.memory_space<vmem>>
      %dma_start3A_168 = tpu.memref_squeeze %dma_start3A_167 : memref<1x128xi32, #tpu.memory_space<vmem>> -> memref<128xi32, #tpu.memory_space<vmem>>
      %dma_start3A_169 = arith.constant 0 : i32
      %dma_start3A_170 = arith.constant 0 : i32
      %dma_start3A_171 = tpu.memref_slice %arg6[%dma_start3A_169, %dma_start3A_170] : memref<10240x128xf32, #tpu.memory_space<vmem_shared>> -> memref<10240x128xf32, #tpu.memory_space<vmem_shared>>
      tpu.enqueue_indirect_dma source(%arg9 : memref<128x128xf32, #tpu.memory_space<vmem>>) target(%dma_start3A_171 : memref<10240x128xf32, #tpu.memory_space<vmem_shared>>) offsets(%dma_start3A_168 : memref<128xi32, #tpu.memory_space<vmem>>) semaphore(%arg12 : memref<!tpu.dma_semaphore, #tpu.memory_space<semaphore_mem>>) {add = true}
      %dma_wait3A_172 = arith.constant 4 : i32
      %dma_wait3A_173 = arith.constant 0 : i32
      %dma_wait3A_174 = tpu.memref_slice %arg8[%dma_wait3A_172, %dma_wait3A_173] : memref<16x128xi32, #tpu.memory_space<vmem>> -> memref<1x128xi32, #tpu.memory_space<vmem>>
      %dma_wait3A_175 = tpu.memref_squeeze %dma_wait3A_174 : memref<1x128xi32, #tpu.memory_space<vmem>> -> memref<128xi32, #tpu.memory_space<vmem>>
      %dma_wait3A_176 = arith.constant 0 : i32
      %dma_wait3A_177 = arith.constant 0 : i32
      %dma_wait3A_178 = tpu.memref_slice %arg6[%dma_wait3A_176, %dma_wait3A_177] : memref<10240x128xf32, #tpu.memory_space<vmem_shared>> -> memref<10240x128xf32, #tpu.memory_space<vmem_shared>>
      tpu.wait_indirect_dma semaphore(%arg12 : memref<!tpu.dma_semaphore, #tpu.memory_space<semaphore_mem>>) src(%arg9 : memref<128x128xf32, #tpu.memory_space<vmem>>) dst(%dma_wait3A_178 : memref<10240x128xf32, #tpu.memory_space<vmem_shared>>)
      %dma_start3A_179 = arith.constant 6 : i32
      %dma_start3A_180 = arith.constant 0 : i32
      %dma_start3A_181 = tpu.memref_slice %arg7[%dma_start3A_179, %dma_start3A_180] : memref<16x128xi32, #tpu.memory_space<vmem>> -> memref<1x128xi32, #tpu.memory_space<vmem>>
      %dma_start3A_182 = tpu.memref_squeeze %dma_start3A_181 : memref<1x128xi32, #tpu.memory_space<vmem>> -> memref<128xi32, #tpu.memory_space<vmem>>
      %dma_start3A_183 = arith.constant 0 : i32
      %dma_start3A_184 = arith.constant 0 : i32
      %dma_start3A_185 = tpu.memref_slice %arg2[%dma_start3A_183, %dma_start3A_184] : memref<10000x128xf32, #tpu.memory_space<hbm>> -> memref<10000x128xf32, #tpu.memory_space<hbm>>
      tpu.enqueue_indirect_dma source(%dma_start3A_185 : memref<10000x128xf32, #tpu.memory_space<hbm>>) target(%arg9 : memref<128x128xf32, #tpu.memory_space<vmem>>) offsets(%dma_start3A_182 : memref<128xi32, #tpu.memory_space<vmem>>) semaphore(%arg11 : memref<!tpu.dma_semaphore, #tpu.memory_space<semaphore_mem>>)
      %dma_wait3A_186 = arith.constant 5 : i32
      %dma_wait3A_187 = arith.constant 0 : i32
      %dma_wait3A_188 = tpu.memref_slice %arg7[%dma_wait3A_186, %dma_wait3A_187] : memref<16x128xi32, #tpu.memory_space<vmem>> -> memref<1x128xi32, #tpu.memory_space<vmem>>
      %dma_wait3A_189 = tpu.memref_squeeze %dma_wait3A_188 : memref<1x128xi32, #tpu.memory_space<vmem>> -> memref<128xi32, #tpu.memory_space<vmem>>
      %dma_wait3A_190 = arith.constant 0 : i32
      %dma_wait3A_191 = arith.constant 0 : i32
      %dma_wait3A_192 = tpu.memref_slice %arg2[%dma_wait3A_190, %dma_wait3A_191] : memref<10000x128xf32, #tpu.memory_space<hbm>> -> memref<10000x128xf32, #tpu.memory_space<hbm>>
      tpu.wait_indirect_dma semaphore(%arg11 : memref<!tpu.dma_semaphore, #tpu.memory_space<semaphore_mem>>) src(%dma_wait3A_192 : memref<10000x128xf32, #tpu.memory_space<hbm>>) dst(%arg10 : memref<128x128xf32, #tpu.memory_space<vmem>>)
      %dma_start3A_193 = arith.constant 5 : i32
      %dma_start3A_194 = arith.constant 0 : i32
      %dma_start3A_195 = tpu.memref_slice %arg8[%dma_start3A_193, %dma_start3A_194] : memref<16x128xi32, #tpu.memory_space<vmem>> -> memref<1x128xi32, #tpu.memory_space<vmem>>
      %dma_start3A_196 = tpu.memref_squeeze %dma_start3A_195 : memref<1x128xi32, #tpu.memory_space<vmem>> -> memref<128xi32, #tpu.memory_space<vmem>>
      %dma_start3A_197 = arith.constant 0 : i32
      %dma_start3A_198 = arith.constant 0 : i32
      %dma_start3A_199 = tpu.memref_slice %arg6[%dma_start3A_197, %dma_start3A_198] : memref<10240x128xf32, #tpu.memory_space<vmem_shared>> -> memref<10240x128xf32, #tpu.memory_space<vmem_shared>>
      tpu.enqueue_indirect_dma source(%arg10 : memref<128x128xf32, #tpu.memory_space<vmem>>) target(%dma_start3A_199 : memref<10240x128xf32, #tpu.memory_space<vmem_shared>>) offsets(%dma_start3A_196 : memref<128xi32, #tpu.memory_space<vmem>>) semaphore(%arg12 : memref<!tpu.dma_semaphore, #tpu.memory_space<semaphore_mem>>) {add = true}
      %dma_wait3A_200 = arith.constant 5 : i32
      %dma_wait3A_201 = arith.constant 0 : i32
      %dma_wait3A_202 = tpu.memref_slice %arg8[%dma_wait3A_200, %dma_wait3A_201] : memref<16x128xi32, #tpu.memory_space<vmem>> -> memref<1x128xi32, #tpu.memory_space<vmem>>
      %dma_wait3A_203 = tpu.memref_squeeze %dma_wait3A_202 : memref<1x128xi32, #tpu.memory_space<vmem>> -> memref<128xi32, #tpu.memory_space<vmem>>
      %dma_wait3A_204 = arith.constant 0 : i32
      %dma_wait3A_205 = arith.constant 0 : i32
      %dma_wait3A_206 = tpu.memref_slice %arg6[%dma_wait3A_204, %dma_wait3A_205] : memref<10240x128xf32, #tpu.memory_space<vmem_shared>> -> memref<10240x128xf32, #tpu.memory_space<vmem_shared>>
      tpu.wait_indirect_dma semaphore(%arg12 : memref<!tpu.dma_semaphore, #tpu.memory_space<semaphore_mem>>) src(%arg10 : memref<128x128xf32, #tpu.memory_space<vmem>>) dst(%dma_wait3A_206 : memref<10240x128xf32, #tpu.memory_space<vmem_shared>>)
      %dma_start3A_207 = arith.constant 7 : i32
      %dma_start3A_208 = arith.constant 0 : i32
      %dma_start3A_209 = tpu.memref_slice %arg7[%dma_start3A_207, %dma_start3A_208] : memref<16x128xi32, #tpu.memory_space<vmem>> -> memref<1x128xi32, #tpu.memory_space<vmem>>
      %dma_start3A_210 = tpu.memref_squeeze %dma_start3A_209 : memref<1x128xi32, #tpu.memory_space<vmem>> -> memref<128xi32, #tpu.memory_space<vmem>>
      %dma_start3A_211 = arith.constant 0 : i32
      %dma_start3A_212 = arith.constant 0 : i32
      %dma_start3A_213 = tpu.memref_slice %arg2[%dma_start3A_211, %dma_start3A_212] : memref<10000x128xf32, #tpu.memory_space<hbm>> -> memref<10000x128xf32, #tpu.memory_space<hbm>>
      tpu.enqueue_indirect_dma source(%dma_start3A_213 : memref<10000x128xf32, #tpu.memory_space<hbm>>) target(%arg10 : memref<128x128xf32, #tpu.memory_space<vmem>>) offsets(%dma_start3A_210 : memref<128xi32, #tpu.memory_space<vmem>>) semaphore(%arg11 : memref<!tpu.dma_semaphore, #tpu.memory_space<semaphore_mem>>)
      %dma_wait3A_214 = arith.constant 6 : i32
      %dma_wait3A_215 = arith.constant 0 : i32
      %dma_wait3A_216 = tpu.memref_slice %arg7[%dma_wait3A_214, %dma_wait3A_215] : memref<16x128xi32, #tpu.memory_space<vmem>> -> memref<1x128xi32, #tpu.memory_space<vmem>>
      %dma_wait3A_217 = tpu.memref_squeeze %dma_wait3A_216 : memref<1x128xi32, #tpu.memory_space<vmem>> -> memref<128xi32, #tpu.memory_space<vmem>>
      %dma_wait3A_218 = arith.constant 0 : i32
      %dma_wait3A_219 = arith.constant 0 : i32
      %dma_wait3A_220 = tpu.memref_slice %arg2[%dma_wait3A_218, %dma_wait3A_219] : memref<10000x128xf32, #tpu.memory_space<hbm>> -> memref<10000x128xf32, #tpu.memory_space<hbm>>
      tpu.wait_indirect_dma semaphore(%arg11 : memref<!tpu.dma_semaphore, #tpu.memory_space<semaphore_mem>>) src(%dma_wait3A_220 : memref<10000x128xf32, #tpu.memory_space<hbm>>) dst(%arg9 : memref<128x128xf32, #tpu.memory_space<vmem>>)
      %dma_start3A_221 = arith.constant 6 : i32
      %dma_start3A_222 = arith.constant 0 : i32
      %dma_start3A_223 = tpu.memref_slice %arg8[%dma_start3A_221, %dma_start3A_222] : memref<16x128xi32, #tpu.memory_space<vmem>> -> memref<1x128xi32, #tpu.memory_space<vmem>>
      %dma_start3A_224 = tpu.memref_squeeze %dma_start3A_223 : memref<1x128xi32, #tpu.memory_space<vmem>> -> memref<128xi32, #tpu.memory_space<vmem>>
      %dma_start3A_225 = arith.constant 0 : i32
      %dma_start3A_226 = arith.constant 0 : i32
      %dma_start3A_227 = tpu.memref_slice %arg6[%dma_start3A_225, %dma_start3A_226] : memref<10240x128xf32, #tpu.memory_space<vmem_shared>> -> memref<10240x128xf32, #tpu.memory_space<vmem_shared>>
      tpu.enqueue_indirect_dma source(%arg9 : memref<128x128xf32, #tpu.memory_space<vmem>>) target(%dma_start3A_227 : memref<10240x128xf32, #tpu.memory_space<vmem_shared>>) offsets(%dma_start3A_224 : memref<128xi32, #tpu.memory_space<vmem>>) semaphore(%arg12 : memref<!tpu.dma_semaphore, #tpu.memory_space<semaphore_mem>>) {add = true}
      %dma_wait3A_228 = arith.constant 6 : i32
      %dma_wait3A_229 = arith.constant 0 : i32
      %dma_wait3A_230 = tpu.memref_slice %arg8[%dma_wait3A_228, %dma_wait3A_229] : memref<16x128xi32, #tpu.memory_space<vmem>> -> memref<1x128xi32, #tpu.memory_space<vmem>>
      %dma_wait3A_231 = tpu.memref_squeeze %dma_wait3A_230 : memref<1x128xi32, #tpu.memory_space<vmem>> -> memref<128xi32, #tpu.memory_space<vmem>>
      %dma_wait3A_232 = arith.constant 0 : i32
      %dma_wait3A_233 = arith.constant 0 : i32
      %dma_wait3A_234 = tpu.memref_slice %arg6[%dma_wait3A_232, %dma_wait3A_233] : memref<10240x128xf32, #tpu.memory_space<vmem_shared>> -> memref<10240x128xf32, #tpu.memory_space<vmem_shared>>
      tpu.wait_indirect_dma semaphore(%arg12 : memref<!tpu.dma_semaphore, #tpu.memory_space<semaphore_mem>>) src(%arg9 : memref<128x128xf32, #tpu.memory_space<vmem>>) dst(%dma_wait3A_234 : memref<10240x128xf32, #tpu.memory_space<vmem_shared>>)
      %dma_start3A_235 = arith.constant 8 : i32
      %dma_start3A_236 = arith.constant 0 : i32
      %dma_start3A_237 = tpu.memref_slice %arg7[%dma_start3A_235, %dma_start3A_236] : memref<16x128xi32, #tpu.memory_space<vmem>> -> memref<1x128xi32, #tpu.memory_space<vmem>>
      %dma_start3A_238 = tpu.memref_squeeze %dma_start3A_237 : memref<1x128xi32, #tpu.memory_space<vmem>> -> memref<128xi32, #tpu.memory_space<vmem>>
      %dma_start3A_239 = arith.constant 0 : i32
      %dma_start3A_240 = arith.constant 0 : i32
      %dma_start3A_241 = tpu.memref_slice %arg2[%dma_start3A_239, %dma_start3A_240] : memref<10000x128xf32, #tpu.memory_space<hbm>> -> memref<10000x128xf32, #tpu.memory_space<hbm>>
      tpu.enqueue_indirect_dma source(%dma_start3A_241 : memref<10000x128xf32, #tpu.memory_space<hbm>>) target(%arg9 : memref<128x128xf32, #tpu.memory_space<vmem>>) offsets(%dma_start3A_238 : memref<128xi32, #tpu.memory_space<vmem>>) semaphore(%arg11 : memref<!tpu.dma_semaphore, #tpu.memory_space<semaphore_mem>>)
      %dma_wait3A_242 = arith.constant 7 : i32
      %dma_wait3A_243 = arith.constant 0 : i32
      %dma_wait3A_244 = tpu.memref_slice %arg7[%dma_wait3A_242, %dma_wait3A_243] : memref<16x128xi32, #tpu.memory_space<vmem>> -> memref<1x128xi32, #tpu.memory_space<vmem>>
      %dma_wait3A_245 = tpu.memref_squeeze %dma_wait3A_244 : memref<1x128xi32, #tpu.memory_space<vmem>> -> memref<128xi32, #tpu.memory_space<vmem>>
      %dma_wait3A_246 = arith.constant 0 : i32
      %dma_wait3A_247 = arith.constant 0 : i32
      %dma_wait3A_248 = tpu.memref_slice %arg2[%dma_wait3A_246, %dma_wait3A_247] : memref<10000x128xf32, #tpu.memory_space<hbm>> -> memref<10000x128xf32, #tpu.memory_space<hbm>>
      tpu.wait_indirect_dma semaphore(%arg11 : memref<!tpu.dma_semaphore, #tpu.memory_space<semaphore_mem>>) src(%dma_wait3A_248 : memref<10000x128xf32, #tpu.memory_space<hbm>>) dst(%arg10 : memref<128x128xf32, #tpu.memory_space<vmem>>)
      %dma_start3A_249 = arith.constant 7 : i32
      %dma_start3A_250 = arith.constant 0 : i32
      %dma_start3A_251 = tpu.memref_slice %arg8[%dma_start3A_249, %dma_start3A_250] : memref<16x128xi32, #tpu.memory_space<vmem>> -> memref<1x128xi32, #tpu.memory_space<vmem>>
      %dma_start3A_252 = tpu.memref_squeeze %dma_start3A_251 : memref<1x128xi32, #tpu.memory_space<vmem>> -> memref<128xi32, #tpu.memory_space<vmem>>
      %dma_start3A_253 = arith.constant 0 : i32
      %dma_start3A_254 = arith.constant 0 : i32
      %dma_start3A_255 = tpu.memref_slice %arg6[%dma_start3A_253, %dma_start3A_254] : memref<10240x128xf32, #tpu.memory_space<vmem_shared>> -> memref<10240x128xf32, #tpu.memory_space<vmem_shared>>
      tpu.enqueue_indirect_dma source(%arg10 : memref<128x128xf32, #tpu.memory_space<vmem>>) target(%dma_start3A_255 : memref<10240x128xf32, #tpu.memory_space<vmem_shared>>) offsets(%dma_start3A_252 : memref<128xi32, #tpu.memory_space<vmem>>) semaphore(%arg12 : memref<!tpu.dma_semaphore, #tpu.memory_space<semaphore_mem>>) {add = true}
      %dma_wait3A_256 = arith.constant 7 : i32
      %dma_wait3A_257 = arith.constant 0 : i32
      %dma_wait3A_258 = tpu.memref_slice %arg8[%dma_wait3A_256, %dma_wait3A_257] : memref<16x128xi32, #tpu.memory_space<vmem>> -> memref<1x128xi32, #tpu.memory_space<vmem>>
      %dma_wait3A_259 = tpu.memref_squeeze %dma_wait3A_258 : memref<1x128xi32, #tpu.memory_space<vmem>> -> memref<128xi32, #tpu.memory_space<vmem>>
      %dma_wait3A_260 = arith.constant 0 : i32
      %dma_wait3A_261 = arith.constant 0 : i32
      %dma_wait3A_262 = tpu.memref_slice %arg6[%dma_wait3A_260, %dma_wait3A_261] : memref<10240x128xf32, #tpu.memory_space<vmem_shared>> -> memref<10240x128xf32, #tpu.memory_space<vmem_shared>>
      tpu.wait_indirect_dma semaphore(%arg12 : memref<!tpu.dma_semaphore, #tpu.memory_space<semaphore_mem>>) src(%arg10 : memref<128x128xf32, #tpu.memory_space<vmem>>) dst(%dma_wait3A_262 : memref<10240x128xf32, #tpu.memory_space<vmem_shared>>)
      %dma_start3A_263 = arith.constant 9 : i32
      %dma_start3A_264 = arith.constant 0 : i32
      %dma_start3A_265 = tpu.memref_slice %arg7[%dma_start3A_263, %dma_start3A_264] : memref<16x128xi32, #tpu.memory_space<vmem>> -> memref<1x128xi32, #tpu.memory_space<vmem>>
      %dma_start3A_266 = tpu.memref_squeeze %dma_start3A_265 : memref<1x128xi32, #tpu.memory_space<vmem>> -> memref<128xi32, #tpu.memory_space<vmem>>
      %dma_start3A_267 = arith.constant 0 : i32
      %dma_start3A_268 = arith.constant 0 : i32
      %dma_start3A_269 = tpu.memref_slice %arg2[%dma_start3A_267, %dma_start3A_268] : memref<10000x128xf32, #tpu.memory_space<hbm>> -> memref<10000x128xf32, #tpu.memory_space<hbm>>
      tpu.enqueue_indirect_dma source(%dma_start3A_269 : memref<10000x128xf32, #tpu.memory_space<hbm>>) target(%arg10 : memref<128x128xf32, #tpu.memory_space<vmem>>) offsets(%dma_start3A_266 : memref<128xi32, #tpu.memory_space<vmem>>) semaphore(%arg11 : memref<!tpu.dma_semaphore, #tpu.memory_space<semaphore_mem>>)
      %dma_wait3A_270 = arith.constant 8 : i32
      %dma_wait3A_271 = arith.constant 0 : i32
      %dma_wait3A_272 = tpu.memref_slice %arg7[%dma_wait3A_270, %dma_wait3A_271] : memref<16x128xi32, #tpu.memory_space<vmem>> -> memref<1x128xi32, #tpu.memory_space<vmem>>
      %dma_wait3A_273 = tpu.memref_squeeze %dma_wait3A_272 : memref<1x128xi32, #tpu.memory_space<vmem>> -> memref<128xi32, #tpu.memory_space<vmem>>
      %dma_wait3A_274 = arith.constant 0 : i32
      %dma_wait3A_275 = arith.constant 0 : i32
      %dma_wait3A_276 = tpu.memref_slice %arg2[%dma_wait3A_274, %dma_wait3A_275] : memref<10000x128xf32, #tpu.memory_space<hbm>> -> memref<10000x128xf32, #tpu.memory_space<hbm>>
      tpu.wait_indirect_dma semaphore(%arg11 : memref<!tpu.dma_semaphore, #tpu.memory_space<semaphore_mem>>) src(%dma_wait3A_276 : memref<10000x128xf32, #tpu.memory_space<hbm>>) dst(%arg9 : memref<128x128xf32, #tpu.memory_space<vmem>>)
      %dma_start3A_277 = arith.constant 8 : i32
      %dma_start3A_278 = arith.constant 0 : i32
      %dma_start3A_279 = tpu.memref_slice %arg8[%dma_start3A_277, %dma_start3A_278] : memref<16x128xi32, #tpu.memory_space<vmem>> -> memref<1x128xi32, #tpu.memory_space<vmem>>
      %dma_start3A_280 = tpu.memref_squeeze %dma_start3A_279 : memref<1x128xi32, #tpu.memory_space<vmem>> -> memref<128xi32, #tpu.memory_space<vmem>>
      %dma_start3A_281 = arith.constant 0 : i32
      %dma_start3A_282 = arith.constant 0 : i32
      %dma_start3A_283 = tpu.memref_slice %arg6[%dma_start3A_281, %dma_start3A_282] : memref<10240x128xf32, #tpu.memory_space<vmem_shared>> -> memref<10240x128xf32, #tpu.memory_space<vmem_shared>>
      tpu.enqueue_indirect_dma source(%arg9 : memref<128x128xf32, #tpu.memory_space<vmem>>) target(%dma_start3A_283 : memref<10240x128xf32, #tpu.memory_space<vmem_shared>>) offsets(%dma_start3A_280 : memref<128xi32, #tpu.memory_space<vmem>>) semaphore(%arg12 : memref<!tpu.dma_semaphore, #tpu.memory_space<semaphore_mem>>) {add = true}
      %dma_wait3A_284 = arith.constant 8 : i32
      %dma_wait3A_285 = arith.constant 0 : i32
      %dma_wait3A_286 = tpu.memref_slice %arg8[%dma_wait3A_284, %dma_wait3A_285] : memref<16x128xi32, #tpu.memory_space<vmem>> -> memref<1x128xi32, #tpu.memory_space<vmem>>
      %dma_wait3A_287 = tpu.memref_squeeze %dma_wait3A_286 : memref<1x128xi32, #tpu.memory_space<vmem>> -> memref<128xi32, #tpu.memory_space<vmem>>
      %dma_wait3A_288 = arith.constant 0 : i32
      %dma_wait3A_289 = arith.constant 0 : i32
      %dma_wait3A_290 = tpu.memref_slice %arg6[%dma_wait3A_288, %dma_wait3A_289] : memref<10240x128xf32, #tpu.memory_space<vmem_shared>> -> memref<10240x128xf32, #tpu.memory_space<vmem_shared>>
      tpu.wait_indirect_dma semaphore(%arg12 : memref<!tpu.dma_semaphore, #tpu.memory_space<semaphore_mem>>) src(%arg9 : memref<128x128xf32, #tpu.memory_space<vmem>>) dst(%dma_wait3A_290 : memref<10240x128xf32, #tpu.memory_space<vmem_shared>>)
      %dma_start3A_291 = arith.constant 10 : i32
      %dma_start3A_292 = arith.constant 0 : i32
      %dma_start3A_293 = tpu.memref_slice %arg7[%dma_start3A_291, %dma_start3A_292] : memref<16x128xi32, #tpu.memory_space<vmem>> -> memref<1x128xi32, #tpu.memory_space<vmem>>
      %dma_start3A_294 = tpu.memref_squeeze %dma_start3A_293 : memref<1x128xi32, #tpu.memory_space<vmem>> -> memref<128xi32, #tpu.memory_space<vmem>>
      %dma_start3A_295 = arith.constant 0 : i32
      %dma_start3A_296 = arith.constant 0 : i32
      %dma_start3A_297 = tpu.memref_slice %arg2[%dma_start3A_295, %dma_start3A_296] : memref<10000x128xf32, #tpu.memory_space<hbm>> -> memref<10000x128xf32, #tpu.memory_space<hbm>>
      tpu.enqueue_indirect_dma source(%dma_start3A_297 : memref<10000x128xf32, #tpu.memory_space<hbm>>) target(%arg9 : memref<128x128xf32, #tpu.memory_space<vmem>>) offsets(%dma_start3A_294 : memref<128xi32, #tpu.memory_space<vmem>>) semaphore(%arg11 : memref<!tpu.dma_semaphore, #tpu.memory_space<semaphore_mem>>)
      %dma_wait3A_298 = arith.constant 9 : i32
      %dma_wait3A_299 = arith.constant 0 : i32
      %dma_wait3A_300 = tpu.memref_slice %arg7[%dma_wait3A_298, %dma_wait3A_299] : memref<16x128xi32, #tpu.memory_space<vmem>> -> memref<1x128xi32, #tpu.memory_space<vmem>>
      %dma_wait3A_301 = tpu.memref_squeeze %dma_wait3A_300 : memref<1x128xi32, #tpu.memory_space<vmem>> -> memref<128xi32, #tpu.memory_space<vmem>>
      %dma_wait3A_302 = arith.constant 0 : i32
      %dma_wait3A_303 = arith.constant 0 : i32
      %dma_wait3A_304 = tpu.memref_slice %arg2[%dma_wait3A_302, %dma_wait3A_303] : memref<10000x128xf32, #tpu.memory_space<hbm>> -> memref<10000x128xf32, #tpu.memory_space<hbm>>
      tpu.wait_indirect_dma semaphore(%arg11 : memref<!tpu.dma_semaphore, #tpu.memory_space<semaphore_mem>>) src(%dma_wait3A_304 : memref<10000x128xf32, #tpu.memory_space<hbm>>) dst(%arg10 : memref<128x128xf32, #tpu.memory_space<vmem>>)
      %dma_start3A_305 = arith.constant 9 : i32
      %dma_start3A_306 = arith.constant 0 : i32
      %dma_start3A_307 = tpu.memref_slice %arg8[%dma_start3A_305, %dma_start3A_306] : memref<16x128xi32, #tpu.memory_space<vmem>> -> memref<1x128xi32, #tpu.memory_space<vmem>>
      %dma_start3A_308 = tpu.memref_squeeze %dma_start3A_307 : memref<1x128xi32, #tpu.memory_space<vmem>> -> memref<128xi32, #tpu.memory_space<vmem>>
      %dma_start3A_309 = arith.constant 0 : i32
      %dma_start3A_310 = arith.constant 0 : i32
      %dma_start3A_311 = tpu.memref_slice %arg6[%dma_start3A_309, %dma_start3A_310] : memref<10240x128xf32, #tpu.memory_space<vmem_shared>> -> memref<10240x128xf32, #tpu.memory_space<vmem_shared>>
      tpu.enqueue_indirect_dma source(%arg10 : memref<128x128xf32, #tpu.memory_space<vmem>>) target(%dma_start3A_311 : memref<10240x128xf32, #tpu.memory_space<vmem_shared>>) offsets(%dma_start3A_308 : memref<128xi32, #tpu.memory_space<vmem>>) semaphore(%arg12 : memref<!tpu.dma_semaphore, #tpu.memory_space<semaphore_mem>>) {add = true}
      %dma_wait3A_312 = arith.constant 9 : i32
      %dma_wait3A_313 = arith.constant 0 : i32
      %dma_wait3A_314 = tpu.memref_slice %arg8[%dma_wait3A_312, %dma_wait3A_313] : memref<16x128xi32, #tpu.memory_space<vmem>> -> memref<1x128xi32, #tpu.memory_space<vmem>>
      %dma_wait3A_315 = tpu.memref_squeeze %dma_wait3A_314 : memref<1x128xi32, #tpu.memory_space<vmem>> -> memref<128xi32, #tpu.memory_space<vmem>>
      %dma_wait3A_316 = arith.constant 0 : i32
      %dma_wait3A_317 = arith.constant 0 : i32
      %dma_wait3A_318 = tpu.memref_slice %arg6[%dma_wait3A_316, %dma_wait3A_317] : memref<10240x128xf32, #tpu.memory_space<vmem_shared>> -> memref<10240x128xf32, #tpu.memory_space<vmem_shared>>
      tpu.wait_indirect_dma semaphore(%arg12 : memref<!tpu.dma_semaphore, #tpu.memory_space<semaphore_mem>>) src(%arg10 : memref<128x128xf32, #tpu.memory_space<vmem>>) dst(%dma_wait3A_318 : memref<10240x128xf32, #tpu.memory_space<vmem_shared>>)
      %dma_start3A_319 = arith.constant 11 : i32
      %dma_start3A_320 = arith.constant 0 : i32
      %dma_start3A_321 = tpu.memref_slice %arg7[%dma_start3A_319, %dma_start3A_320] : memref<16x128xi32, #tpu.memory_space<vmem>> -> memref<1x128xi32, #tpu.memory_space<vmem>>
      %dma_start3A_322 = tpu.memref_squeeze %dma_start3A_321 : memref<1x128xi32, #tpu.memory_space<vmem>> -> memref<128xi32, #tpu.memory_space<vmem>>
      %dma_start3A_323 = arith.constant 0 : i32
      %dma_start3A_324 = arith.constant 0 : i32
      %dma_start3A_325 = tpu.memref_slice %arg2[%dma_start3A_323, %dma_start3A_324] : memref<10000x128xf32, #tpu.memory_space<hbm>> -> memref<10000x128xf32, #tpu.memory_space<hbm>>
      tpu.enqueue_indirect_dma source(%dma_start3A_325 : memref<10000x128xf32, #tpu.memory_space<hbm>>) target(%arg10 : memref<128x128xf32, #tpu.memory_space<vmem>>) offsets(%dma_start3A_322 : memref<128xi32, #tpu.memory_space<vmem>>) semaphore(%arg11 : memref<!tpu.dma_semaphore, #tpu.memory_space<semaphore_mem>>)
      %dma_wait3A_326 = arith.constant 10 : i32
      %dma_wait3A_327 = arith.constant 0 : i32
      %dma_wait3A_328 = tpu.memref_slice %arg7[%dma_wait3A_326, %dma_wait3A_327] : memref<16x128xi32, #tpu.memory_space<vmem>> -> memref<1x128xi32, #tpu.memory_space<vmem>>
      %dma_wait3A_329 = tpu.memref_squeeze %dma_wait3A_328 : memref<1x128xi32, #tpu.memory_space<vmem>> -> memref<128xi32, #tpu.memory_space<vmem>>
      %dma_wait3A_330 = arith.constant 0 : i32
      %dma_wait3A_331 = arith.constant 0 : i32
      %dma_wait3A_332 = tpu.memref_slice %arg2[%dma_wait3A_330, %dma_wait3A_331] : memref<10000x128xf32, #tpu.memory_space<hbm>> -> memref<10000x128xf32, #tpu.memory_space<hbm>>
      tpu.wait_indirect_dma semaphore(%arg11 : memref<!tpu.dma_semaphore, #tpu.memory_space<semaphore_mem>>) src(%dma_wait3A_332 : memref<10000x128xf32, #tpu.memory_space<hbm>>) dst(%arg9 : memref<128x128xf32, #tpu.memory_space<vmem>>)
      %dma_start3A_333 = arith.constant 10 : i32
      %dma_start3A_334 = arith.constant 0 : i32
      %dma_start3A_335 = tpu.memref_slice %arg8[%dma_start3A_333, %dma_start3A_334] : memref<16x128xi32, #tpu.memory_space<vmem>> -> memref<1x128xi32, #tpu.memory_space<vmem>>
      %dma_start3A_336 = tpu.memref_squeeze %dma_start3A_335 : memref<1x128xi32, #tpu.memory_space<vmem>> -> memref<128xi32, #tpu.memory_space<vmem>>
      %dma_start3A_337 = arith.constant 0 : i32
      %dma_start3A_338 = arith.constant 0 : i32
      %dma_start3A_339 = tpu.memref_slice %arg6[%dma_start3A_337, %dma_start3A_338] : memref<10240x128xf32, #tpu.memory_space<vmem_shared>> -> memref<10240x128xf32, #tpu.memory_space<vmem_shared>>
      tpu.enqueue_indirect_dma source(%arg9 : memref<128x128xf32, #tpu.memory_space<vmem>>) target(%dma_start3A_339 : memref<10240x128xf32, #tpu.memory_space<vmem_shared>>) offsets(%dma_start3A_336 : memref<128xi32, #tpu.memory_space<vmem>>) semaphore(%arg12 : memref<!tpu.dma_semaphore, #tpu.memory_space<semaphore_mem>>) {add = true}
      %dma_wait3A_340 = arith.constant 10 : i32
      %dma_wait3A_341 = arith.constant 0 : i32
      %dma_wait3A_342 = tpu.memref_slice %arg8[%dma_wait3A_340, %dma_wait3A_341] : memref<16x128xi32, #tpu.memory_space<vmem>> -> memref<1x128xi32, #tpu.memory_space<vmem>>
      %dma_wait3A_343 = tpu.memref_squeeze %dma_wait3A_342 : memref<1x128xi32, #tpu.memory_space<vmem>> -> memref<128xi32, #tpu.memory_space<vmem>>
      %dma_wait3A_344 = arith.constant 0 : i32
      %dma_wait3A_345 = arith.constant 0 : i32
      %dma_wait3A_346 = tpu.memref_slice %arg6[%dma_wait3A_344, %dma_wait3A_345] : memref<10240x128xf32, #tpu.memory_space<vmem_shared>> -> memref<10240x128xf32, #tpu.memory_space<vmem_shared>>
      tpu.wait_indirect_dma semaphore(%arg12 : memref<!tpu.dma_semaphore, #tpu.memory_space<semaphore_mem>>) src(%arg9 : memref<128x128xf32, #tpu.memory_space<vmem>>) dst(%dma_wait3A_346 : memref<10240x128xf32, #tpu.memory_space<vmem_shared>>)
      %dma_start3A_347 = arith.constant 12 : i32
      %dma_start3A_348 = arith.constant 0 : i32
      %dma_start3A_349 = tpu.memref_slice %arg7[%dma_start3A_347, %dma_start3A_348] : memref<16x128xi32, #tpu.memory_space<vmem>> -> memref<1x128xi32, #tpu.memory_space<vmem>>
      %dma_start3A_350 = tpu.memref_squeeze %dma_start3A_349 : memref<1x128xi32, #tpu.memory_space<vmem>> -> memref<128xi32, #tpu.memory_space<vmem>>
      %dma_start3A_351 = arith.constant 0 : i32
      %dma_start3A_352 = arith.constant 0 : i32
      %dma_start3A_353 = tpu.memref_slice %arg2[%dma_start3A_351, %dma_start3A_352] : memref<10000x128xf32, #tpu.memory_space<hbm>> -> memref<10000x128xf32, #tpu.memory_space<hbm>>
      tpu.enqueue_indirect_dma source(%dma_start3A_353 : memref<10000x128xf32, #tpu.memory_space<hbm>>) target(%arg9 : memref<128x128xf32, #tpu.memory_space<vmem>>) offsets(%dma_start3A_350 : memref<128xi32, #tpu.memory_space<vmem>>) semaphore(%arg11 : memref<!tpu.dma_semaphore, #tpu.memory_space<semaphore_mem>>)
      %dma_wait3A_354 = arith.constant 11 : i32
      %dma_wait3A_355 = arith.constant 0 : i32
      %dma_wait3A_356 = tpu.memref_slice %arg7[%dma_wait3A_354, %dma_wait3A_355] : memref<16x128xi32, #tpu.memory_space<vmem>> -> memref<1x128xi32, #tpu.memory_space<vmem>>
      %dma_wait3A_357 = tpu.memref_squeeze %dma_wait3A_356 : memref<1x128xi32, #tpu.memory_space<vmem>> -> memref<128xi32, #tpu.memory_space<vmem>>
      %dma_wait3A_358 = arith.constant 0 : i32
      %dma_wait3A_359 = arith.constant 0 : i32
      %dma_wait3A_360 = tpu.memref_slice %arg2[%dma_wait3A_358, %dma_wait3A_359] : memref<10000x128xf32, #tpu.memory_space<hbm>> -> memref<10000x128xf32, #tpu.memory_space<hbm>>
      tpu.wait_indirect_dma semaphore(%arg11 : memref<!tpu.dma_semaphore, #tpu.memory_space<semaphore_mem>>) src(%dma_wait3A_360 : memref<10000x128xf32, #tpu.memory_space<hbm>>) dst(%arg10 : memref<128x128xf32, #tpu.memory_space<vmem>>)
      %dma_start3A_361 = arith.constant 11 : i32
      %dma_start3A_362 = arith.constant 0 : i32
      %dma_start3A_363 = tpu.memref_slice %arg8[%dma_start3A_361, %dma_start3A_362] : memref<16x128xi32, #tpu.memory_space<vmem>> -> memref<1x128xi32, #tpu.memory_space<vmem>>
      %dma_start3A_364 = tpu.memref_squeeze %dma_start3A_363 : memref<1x128xi32, #tpu.memory_space<vmem>> -> memref<128xi32, #tpu.memory_space<vmem>>
      %dma_start3A_365 = arith.constant 0 : i32
      %dma_start3A_366 = arith.constant 0 : i32
      %dma_start3A_367 = tpu.memref_slice %arg6[%dma_start3A_365, %dma_start3A_366] : memref<10240x128xf32, #tpu.memory_space<vmem_shared>> -> memref<10240x128xf32, #tpu.memory_space<vmem_shared>>
      tpu.enqueue_indirect_dma source(%arg10 : memref<128x128xf32, #tpu.memory_space<vmem>>) target(%dma_start3A_367 : memref<10240x128xf32, #tpu.memory_space<vmem_shared>>) offsets(%dma_start3A_364 : memref<128xi32, #tpu.memory_space<vmem>>) semaphore(%arg12 : memref<!tpu.dma_semaphore, #tpu.memory_space<semaphore_mem>>) {add = true}
      %dma_wait3A_368 = arith.constant 11 : i32
      %dma_wait3A_369 = arith.constant 0 : i32
      %dma_wait3A_370 = tpu.memref_slice %arg8[%dma_wait3A_368, %dma_wait3A_369] : memref<16x128xi32, #tpu.memory_space<vmem>> -> memref<1x128xi32, #tpu.memory_space<vmem>>
      %dma_wait3A_371 = tpu.memref_squeeze %dma_wait3A_370 : memref<1x128xi32, #tpu.memory_space<vmem>> -> memref<128xi32, #tpu.memory_space<vmem>>
      %dma_wait3A_372 = arith.constant 0 : i32
      %dma_wait3A_373 = arith.constant 0 : i32
      %dma_wait3A_374 = tpu.memref_slice %arg6[%dma_wait3A_372, %dma_wait3A_373] : memref<10240x128xf32, #tpu.memory_space<vmem_shared>> -> memref<10240x128xf32, #tpu.memory_space<vmem_shared>>
      tpu.wait_indirect_dma semaphore(%arg12 : memref<!tpu.dma_semaphore, #tpu.memory_space<semaphore_mem>>) src(%arg10 : memref<128x128xf32, #tpu.memory_space<vmem>>) dst(%dma_wait3A_374 : memref<10240x128xf32, #tpu.memory_space<vmem_shared>>)
      %dma_start3A_375 = arith.constant 13 : i32
      %dma_start3A_376 = arith.constant 0 : i32
      %dma_start3A_377 = tpu.memref_slice %arg7[%dma_start3A_375, %dma_start3A_376] : memref<16x128xi32, #tpu.memory_space<vmem>> -> memref<1x128xi32, #tpu.memory_space<vmem>>
      %dma_start3A_378 = tpu.memref_squeeze %dma_start3A_377 : memref<1x128xi32, #tpu.memory_space<vmem>> -> memref<128xi32, #tpu.memory_space<vmem>>
      %dma_start3A_379 = arith.constant 0 : i32
      %dma_start3A_380 = arith.constant 0 : i32
      %dma_start3A_381 = tpu.memref_slice %arg2[%dma_start3A_379, %dma_start3A_380] : memref<10000x128xf32, #tpu.memory_space<hbm>> -> memref<10000x128xf32, #tpu.memory_space<hbm>>
      tpu.enqueue_indirect_dma source(%dma_start3A_381 : memref<10000x128xf32, #tpu.memory_space<hbm>>) target(%arg10 : memref<128x128xf32, #tpu.memory_space<vmem>>) offsets(%dma_start3A_378 : memref<128xi32, #tpu.memory_space<vmem>>) semaphore(%arg11 : memref<!tpu.dma_semaphore, #tpu.memory_space<semaphore_mem>>)
      %dma_wait3A_382 = arith.constant 12 : i32
      %dma_wait3A_383 = arith.constant 0 : i32
      %dma_wait3A_384 = tpu.memref_slice %arg7[%dma_wait3A_382, %dma_wait3A_383] : memref<16x128xi32, #tpu.memory_space<vmem>> -> memref<1x128xi32, #tpu.memory_space<vmem>>
      %dma_wait3A_385 = tpu.memref_squeeze %dma_wait3A_384 : memref<1x128xi32, #tpu.memory_space<vmem>> -> memref<128xi32, #tpu.memory_space<vmem>>
      %dma_wait3A_386 = arith.constant 0 : i32
      %dma_wait3A_387 = arith.constant 0 : i32
      %dma_wait3A_388 = tpu.memref_slice %arg2[%dma_wait3A_386, %dma_wait3A_387] : memref<10000x128xf32, #tpu.memory_space<hbm>> -> memref<10000x128xf32, #tpu.memory_space<hbm>>
      tpu.wait_indirect_dma semaphore(%arg11 : memref<!tpu.dma_semaphore, #tpu.memory_space<semaphore_mem>>) src(%dma_wait3A_388 : memref<10000x128xf32, #tpu.memory_space<hbm>>) dst(%arg9 : memref<128x128xf32, #tpu.memory_space<vmem>>)
      %dma_start3A_389 = arith.constant 12 : i32
      %dma_start3A_390 = arith.constant 0 : i32
      %dma_start3A_391 = tpu.memref_slice %arg8[%dma_start3A_389, %dma_start3A_390] : memref<16x128xi32, #tpu.memory_space<vmem>> -> memref<1x128xi32, #tpu.memory_space<vmem>>
      %dma_start3A_392 = tpu.memref_squeeze %dma_start3A_391 : memref<1x128xi32, #tpu.memory_space<vmem>> -> memref<128xi32, #tpu.memory_space<vmem>>
      %dma_start3A_393 = arith.constant 0 : i32
      %dma_start3A_394 = arith.constant 0 : i32
      %dma_start3A_395 = tpu.memref_slice %arg6[%dma_start3A_393, %dma_start3A_394] : memref<10240x128xf32, #tpu.memory_space<vmem_shared>> -> memref<10240x128xf32, #tpu.memory_space<vmem_shared>>
      tpu.enqueue_indirect_dma source(%arg9 : memref<128x128xf32, #tpu.memory_space<vmem>>) target(%dma_start3A_395 : memref<10240x128xf32, #tpu.memory_space<vmem_shared>>) offsets(%dma_start3A_392 : memref<128xi32, #tpu.memory_space<vmem>>) semaphore(%arg12 : memref<!tpu.dma_semaphore, #tpu.memory_space<semaphore_mem>>) {add = true}
      %dma_wait3A_396 = arith.constant 12 : i32
      %dma_wait3A_397 = arith.constant 0 : i32
      %dma_wait3A_398 = tpu.memref_slice %arg8[%dma_wait3A_396, %dma_wait3A_397] : memref<16x128xi32, #tpu.memory_space<vmem>> -> memref<1x128xi32, #tpu.memory_space<vmem>>
      %dma_wait3A_399 = tpu.memref_squeeze %dma_wait3A_398 : memref<1x128xi32, #tpu.memory_space<vmem>> -> memref<128xi32, #tpu.memory_space<vmem>>
      %dma_wait3A_400 = arith.constant 0 : i32
      %dma_wait3A_401 = arith.constant 0 : i32
      %dma_wait3A_402 = tpu.memref_slice %arg6[%dma_wait3A_400, %dma_wait3A_401] : memref<10240x128xf32, #tpu.memory_space<vmem_shared>> -> memref<10240x128xf32, #tpu.memory_space<vmem_shared>>
      tpu.wait_indirect_dma semaphore(%arg12 : memref<!tpu.dma_semaphore, #tpu.memory_space<semaphore_mem>>) src(%arg9 : memref<128x128xf32, #tpu.memory_space<vmem>>) dst(%dma_wait3A_402 : memref<10240x128xf32, #tpu.memory_space<vmem_shared>>)
      %dma_start3A_403 = arith.constant 14 : i32
      %dma_start3A_404 = arith.constant 0 : i32
      %dma_start3A_405 = tpu.memref_slice %arg7[%dma_start3A_403, %dma_start3A_404] : memref<16x128xi32, #tpu.memory_space<vmem>> -> memref<1x128xi32, #tpu.memory_space<vmem>>
      %dma_start3A_406 = tpu.memref_squeeze %dma_start3A_405 : memref<1x128xi32, #tpu.memory_space<vmem>> -> memref<128xi32, #tpu.memory_space<vmem>>
      %dma_start3A_407 = arith.constant 0 : i32
      %dma_start3A_408 = arith.constant 0 : i32
      %dma_start3A_409 = tpu.memref_slice %arg2[%dma_start3A_407, %dma_start3A_408] : memref<10000x128xf32, #tpu.memory_space<hbm>> -> memref<10000x128xf32, #tpu.memory_space<hbm>>
      tpu.enqueue_indirect_dma source(%dma_start3A_409 : memref<10000x128xf32, #tpu.memory_space<hbm>>) target(%arg9 : memref<128x128xf32, #tpu.memory_space<vmem>>) offsets(%dma_start3A_406 : memref<128xi32, #tpu.memory_space<vmem>>) semaphore(%arg11 : memref<!tpu.dma_semaphore, #tpu.memory_space<semaphore_mem>>)
      %dma_wait3A_410 = arith.constant 13 : i32
      %dma_wait3A_411 = arith.constant 0 : i32
      %dma_wait3A_412 = tpu.memref_slice %arg7[%dma_wait3A_410, %dma_wait3A_411] : memref<16x128xi32, #tpu.memory_space<vmem>> -> memref<1x128xi32, #tpu.memory_space<vmem>>
      %dma_wait3A_413 = tpu.memref_squeeze %dma_wait3A_412 : memref<1x128xi32, #tpu.memory_space<vmem>> -> memref<128xi32, #tpu.memory_space<vmem>>
      %dma_wait3A_414 = arith.constant 0 : i32
      %dma_wait3A_415 = arith.constant 0 : i32
      %dma_wait3A_416 = tpu.memref_slice %arg2[%dma_wait3A_414, %dma_wait3A_415] : memref<10000x128xf32, #tpu.memory_space<hbm>> -> memref<10000x128xf32, #tpu.memory_space<hbm>>
      tpu.wait_indirect_dma semaphore(%arg11 : memref<!tpu.dma_semaphore, #tpu.memory_space<semaphore_mem>>) src(%dma_wait3A_416 : memref<10000x128xf32, #tpu.memory_space<hbm>>) dst(%arg10 : memref<128x128xf32, #tpu.memory_space<vmem>>)
      %dma_start3A_417 = arith.constant 13 : i32
      %dma_start3A_418 = arith.constant 0 : i32
      %dma_start3A_419 = tpu.memref_slice %arg8[%dma_start3A_417, %dma_start3A_418] : memref<16x128xi32, #tpu.memory_space<vmem>> -> memref<1x128xi32, #tpu.memory_space<vmem>>
      %dma_start3A_420 = tpu.memref_squeeze %dma_start3A_419 : memref<1x128xi32, #tpu.memory_space<vmem>> -> memref<128xi32, #tpu.memory_space<vmem>>
      %dma_start3A_421 = arith.constant 0 : i32
      %dma_start3A_422 = arith.constant 0 : i32
      %dma_start3A_423 = tpu.memref_slice %arg6[%dma_start3A_421, %dma_start3A_422] : memref<10240x128xf32, #tpu.memory_space<vmem_shared>> -> memref<10240x128xf32, #tpu.memory_space<vmem_shared>>
      tpu.enqueue_indirect_dma source(%arg10 : memref<128x128xf32, #tpu.memory_space<vmem>>) target(%dma_start3A_423 : memref<10240x128xf32, #tpu.memory_space<vmem_shared>>) offsets(%dma_start3A_420 : memref<128xi32, #tpu.memory_space<vmem>>) semaphore(%arg12 : memref<!tpu.dma_semaphore, #tpu.memory_space<semaphore_mem>>) {add = true}
      %dma_wait3A_424 = arith.constant 13 : i32
      %dma_wait3A_425 = arith.constant 0 : i32
      %dma_wait3A_426 = tpu.memref_slice %arg8[%dma_wait3A_424, %dma_wait3A_425] : memref<16x128xi32, #tpu.memory_space<vmem>> -> memref<1x128xi32, #tpu.memory_space<vmem>>
      %dma_wait3A_427 = tpu.memref_squeeze %dma_wait3A_426 : memref<1x128xi32, #tpu.memory_space<vmem>> -> memref<128xi32, #tpu.memory_space<vmem>>
      %dma_wait3A_428 = arith.constant 0 : i32
      %dma_wait3A_429 = arith.constant 0 : i32
      %dma_wait3A_430 = tpu.memref_slice %arg6[%dma_wait3A_428, %dma_wait3A_429] : memref<10240x128xf32, #tpu.memory_space<vmem_shared>> -> memref<10240x128xf32, #tpu.memory_space<vmem_shared>>
      tpu.wait_indirect_dma semaphore(%arg12 : memref<!tpu.dma_semaphore, #tpu.memory_space<semaphore_mem>>) src(%arg10 : memref<128x128xf32, #tpu.memory_space<vmem>>) dst(%dma_wait3A_430 : memref<10240x128xf32, #tpu.memory_space<vmem_shared>>)
      %dma_start3A_431 = arith.constant 15 : i32
      %dma_start3A_432 = arith.constant 0 : i32
      %dma_start3A_433 = tpu.memref_slice %arg7[%dma_start3A_431, %dma_start3A_432] : memref<16x128xi32, #tpu.memory_space<vmem>> -> memref<1x128xi32, #tpu.memory_space<vmem>>
      %dma_start3A_434 = tpu.memref_squeeze %dma_start3A_433 : memref<1x128xi32, #tpu.memory_space<vmem>> -> memref<128xi32, #tpu.memory_space<vmem>>
      %dma_start3A_435 = arith.constant 0 : i32
      %dma_start3A_436 = arith.constant 0 : i32
      %dma_start3A_437 = tpu.memref_slice %arg2[%dma_start3A_435, %dma_start3A_436] : memref<10000x128xf32, #tpu.memory_space<hbm>> -> memref<10000x128xf32, #tpu.memory_space<hbm>>
      tpu.enqueue_indirect_dma source(%dma_start3A_437 : memref<10000x128xf32, #tpu.memory_space<hbm>>) target(%arg10 : memref<128x128xf32, #tpu.memory_space<vmem>>) offsets(%dma_start3A_434 : memref<128xi32, #tpu.memory_space<vmem>>) semaphore(%arg11 : memref<!tpu.dma_semaphore, #tpu.memory_space<semaphore_mem>>)
      %dma_wait3A_438 = arith.constant 14 : i32
      %dma_wait3A_439 = arith.constant 0 : i32
      %dma_wait3A_440 = tpu.memref_slice %arg7[%dma_wait3A_438, %dma_wait3A_439] : memref<16x128xi32, #tpu.memory_space<vmem>> -> memref<1x128xi32, #tpu.memory_space<vmem>>
      %dma_wait3A_441 = tpu.memref_squeeze %dma_wait3A_440 : memref<1x128xi32, #tpu.memory_space<vmem>> -> memref<128xi32, #tpu.memory_space<vmem>>
      %dma_wait3A_442 = arith.constant 0 : i32
      %dma_wait3A_443 = arith.constant 0 : i32
      %dma_wait3A_444 = tpu.memref_slice %arg2[%dma_wait3A_442, %dma_wait3A_443] : memref<10000x128xf32, #tpu.memory_space<hbm>> -> memref<10000x128xf32, #tpu.memory_space<hbm>>
      tpu.wait_indirect_dma semaphore(%arg11 : memref<!tpu.dma_semaphore, #tpu.memory_space<semaphore_mem>>) src(%dma_wait3A_444 : memref<10000x128xf32, #tpu.memory_space<hbm>>) dst(%arg9 : memref<128x128xf32, #tpu.memory_space<vmem>>)
      %dma_start3A_445 = arith.constant 14 : i32
      %dma_start3A_446 = arith.constant 0 : i32
      %dma_start3A_447 = tpu.memref_slice %arg8[%dma_start3A_445, %dma_start3A_446] : memref<16x128xi32, #tpu.memory_space<vmem>> -> memref<1x128xi32, #tpu.memory_space<vmem>>
      %dma_start3A_448 = tpu.memref_squeeze %dma_start3A_447 : memref<1x128xi32, #tpu.memory_space<vmem>> -> memref<128xi32, #tpu.memory_space<vmem>>
      %dma_start3A_449 = arith.constant 0 : i32
      %dma_start3A_450 = arith.constant 0 : i32
      %dma_start3A_451 = tpu.memref_slice %arg6[%dma_start3A_449, %dma_start3A_450] : memref<10240x128xf32, #tpu.memory_space<vmem_shared>> -> memref<10240x128xf32, #tpu.memory_space<vmem_shared>>
      tpu.enqueue_indirect_dma source(%arg9 : memref<128x128xf32, #tpu.memory_space<vmem>>) target(%dma_start3A_451 : memref<10240x128xf32, #tpu.memory_space<vmem_shared>>) offsets(%dma_start3A_448 : memref<128xi32, #tpu.memory_space<vmem>>) semaphore(%arg12 : memref<!tpu.dma_semaphore, #tpu.memory_space<semaphore_mem>>) {add = true}
      %dma_wait3A_452 = arith.constant 15 : i32
      %dma_wait3A_453 = arith.constant 0 : i32
      %dma_wait3A_454 = tpu.memref_slice %arg7[%dma_wait3A_452, %dma_wait3A_453] : memref<16x128xi32, #tpu.memory_space<vmem>> -> memref<1x128xi32, #tpu.memory_space<vmem>>
      %dma_wait3A_455 = tpu.memref_squeeze %dma_wait3A_454 : memref<1x128xi32, #tpu.memory_space<vmem>> -> memref<128xi32, #tpu.memory_space<vmem>>
      %dma_wait3A_456 = arith.constant 0 : i32
      %dma_wait3A_457 = arith.constant 0 : i32
      %dma_wait3A_458 = tpu.memref_slice %arg2[%dma_wait3A_456, %dma_wait3A_457] : memref<10000x128xf32, #tpu.memory_space<hbm>> -> memref<10000x128xf32, #tpu.memory_space<hbm>>
      tpu.wait_indirect_dma semaphore(%arg11 : memref<!tpu.dma_semaphore, #tpu.memory_space<semaphore_mem>>) src(%dma_wait3A_458 : memref<10000x128xf32, #tpu.memory_space<hbm>>) dst(%arg10 : memref<128x128xf32, #tpu.memory_space<vmem>>)
      %dma_start3A_459 = arith.constant 15 : i32
      %dma_start3A_460 = arith.constant 0 : i32
      %dma_start3A_461 = tpu.memref_slice %arg8[%dma_start3A_459, %dma_start3A_460] : memref<16x128xi32, #tpu.memory_space<vmem>> -> memref<1x128xi32, #tpu.memory_space<vmem>>
      %dma_start3A_462 = tpu.memref_squeeze %dma_start3A_461 : memref<1x128xi32, #tpu.memory_space<vmem>> -> memref<128xi32, #tpu.memory_space<vmem>>
      %dma_start3A_463 = arith.constant 0 : i32
      %dma_start3A_464 = arith.constant 0 : i32
      %dma_start3A_465 = tpu.memref_slice %arg6[%dma_start3A_463, %dma_start3A_464] : memref<10240x128xf32, #tpu.memory_space<vmem_shared>> -> memref<10240x128xf32, #tpu.memory_space<vmem_shared>>
      tpu.enqueue_indirect_dma source(%arg10 : memref<128x128xf32, #tpu.memory_space<vmem>>) target(%dma_start3A_465 : memref<10240x128xf32, #tpu.memory_space<vmem_shared>>) offsets(%dma_start3A_462 : memref<128xi32, #tpu.memory_space<vmem>>) semaphore(%arg12 : memref<!tpu.dma_semaphore, #tpu.memory_space<semaphore_mem>>) {add = true}
      %dma_wait3A_466 = arith.constant 14 : i32
      %dma_wait3A_467 = arith.constant 0 : i32
      %dma_wait3A_468 = tpu.memref_slice %arg8[%dma_wait3A_466, %dma_wait3A_467] : memref<16x128xi32, #tpu.memory_space<vmem>> -> memref<1x128xi32, #tpu.memory_space<vmem>>
      %dma_wait3A_469 = tpu.memref_squeeze %dma_wait3A_468 : memref<1x128xi32, #tpu.memory_space<vmem>> -> memref<128xi32, #tpu.memory_space<vmem>>
      %dma_wait3A_470 = arith.constant 0 : i32
      %dma_wait3A_471 = arith.constant 0 : i32
      %dma_wait3A_472 = tpu.memref_slice %arg6[%dma_wait3A_470, %dma_wait3A_471] : memref<10240x128xf32, #tpu.memory_space<vmem_shared>> -> memref<10240x128xf32, #tpu.memory_space<vmem_shared>>
      tpu.wait_indirect_dma semaphore(%arg12 : memref<!tpu.dma_semaphore, #tpu.memory_space<semaphore_mem>>) src(%arg9 : memref<128x128xf32, #tpu.memory_space<vmem>>) dst(%dma_wait3A_472 : memref<10240x128xf32, #tpu.memory_space<vmem_shared>>)
      %dma_wait3A_473 = arith.constant 15 : i32
      %dma_wait3A_474 = arith.constant 0 : i32
      %dma_wait3A_475 = tpu.memref_slice %arg8[%dma_wait3A_473, %dma_wait3A_474] : memref<16x128xi32, #tpu.memory_space<vmem>> -> memref<1x128xi32, #tpu.memory_space<vmem>>
      %dma_wait3A_476 = tpu.memref_squeeze %dma_wait3A_475 : memref<1x128xi32, #tpu.memory_space<vmem>> -> memref<128xi32, #tpu.memory_space<vmem>>
      %dma_wait3A_477 = arith.constant 0 : i32
      %dma_wait3A_478 = arith.constant 0 : i32
      %dma_wait3A_479 = tpu.memref_slice %arg6[%dma_wait3A_477, %dma_wait3A_478] : memref<10240x128xf32, #tpu.memory_space<vmem_shared>> -> memref<10240x128xf32, #tpu.memory_space<vmem_shared>>
      tpu.wait_indirect_dma semaphore(%arg12 : memref<!tpu.dma_semaphore, #tpu.memory_space<semaphore_mem>>) src(%arg10 : memref<128x128xf32, #tpu.memory_space<vmem>>) dst(%dma_wait3A_479 : memref<10240x128xf32, #tpu.memory_space<vmem_shared>>)
      %scan3A_480 = arith.constant 0 : i32
      scf.yield %scan3A_480 : i32
    }
    %scan3A_22 = arith.constant 5 : i32
    %barrier3A_23 = arith.constant 0 : index
    tpu.barrier barrier_id(%barrier3A_23)
    "tpu.region"() ({
      %run_scoped3A = tpu.sem_alloc : memref<!tpu.dma_semaphore, #tpu.memory_space<semaphore_mem>>
      %dma_start3A = arith.constant 0 : i32
      %dma_start3A_24 = tpu.memref_slice %arg5[%arg0, %mul3A_0, %dma_start3A] : memref<2x10240x128xf32, #tpu.memory_space<hbm>> -> memref<1x640x128xf32, #tpu.memory_space<hbm>>
      %dma_start3A_25 = tpu.memref_squeeze %dma_start3A_24 : memref<1x640x128xf32, #tpu.memory_space<hbm>> -> memref<640x128xf32, #tpu.memory_space<hbm>>
      %dma_start3A_26 = arith.constant 0 : i32
      %dma_start3A_27 = tpu.memref_slice %arg6[%mul3A_0, %dma_start3A_26] : memref<10240x128xf32, #tpu.memory_space<vmem_shared>> -> memref<640x128xf32, #tpu.memory_space<vmem_shared>>
      tpu.enqueue_dma source(%dma_start3A_27 : memref<640x128xf32, #tpu.memory_space<vmem_shared>>) target(%dma_start3A_25 : memref<640x128xf32, #tpu.memory_space<hbm>>) target_semaphore(%run_scoped3A : memref<!tpu.dma_semaphore, #tpu.memory_space<semaphore_mem>>)
      %dma_wait3A = arith.constant 0 : i32
      %dma_wait3A_28 = tpu.memref_slice %arg5[%arg0, %mul3A_0, %dma_wait3A] : memref<2x10240x128xf32, #tpu.memory_space<hbm>> -> memref<1x640x128xf32, #tpu.memory_space<hbm>>
      %dma_wait3A_29 = tpu.memref_squeeze %dma_wait3A_28 : memref<1x640x128xf32, #tpu.memory_space<hbm>> -> memref<640x128xf32, #tpu.memory_space<hbm>>
      %dma_wait3A_30 = arith.constant 0 : i32
      %dma_wait3A_31 = tpu.memref_slice %arg6[%mul3A_0, %dma_wait3A_30] : memref<10240x128xf32, #tpu.memory_space<vmem_shared>> -> memref<640x128xf32, #tpu.memory_space<vmem_shared>>
      tpu.wait_dma2 semaphore(%run_scoped3A : memref<!tpu.dma_semaphore, #tpu.memory_space<semaphore_mem>>) src(%dma_wait3A_31 : memref<640x128xf32, #tpu.memory_space<vmem_shared>>) dst(%dma_wait3A_29 : memref<640x128xf32, #tpu.memory_space<hbm>>)
      tpu.yield
    }) : () -> ()
    return
  }
}

module attributes {stable_mosaic.version = 14 : i64} {
  func.func @_msg_body(%arg0: i32, %arg1: memref<1000x128xf32, #tpu.memory_space<vmem>>, %arg2: memref<128x128xf32, #tpu.memory_space<vmem>>, %arg3: memref<1x128xf32, #tpu.memory_space<vmem>>, %arg4: memref<1000x128xf32, #tpu.memory_space<vmem>>) attributes {dimension_semantics = [#tpu.dimension_semantics<arbitrary>], iteration_bounds = array<i64: 10>, scalar_prefetch = 0 : i64, scratch_operands = 0 : i64, tpu.core_type = #tpu.core_type<tc>, window_params = [{transform_indices = @transform_0, window_bounds = array<i64: 1000, 128>}, {pipeline_mode = #tpu.pipeline_mode<synchronous>, transform_indices = @transform_1, window_bounds = array<i64: 128, 128>}, {pipeline_mode = #tpu.pipeline_mode<synchronous>, transform_indices = @transform_2, window_bounds = array<i64: 1, 128>}, {transform_indices = @transform_3, window_bounds = array<i64: 1000, 128>}]} {
    %get3A = arith.constant 0 : index
    %get3A_0 = arith.constant 0 : index
    %get3A_1 = vector.load %arg1[%get3A, %get3A_0] : memref<1000x128xf32, #tpu.memory_space<vmem>>, vector<1000x128xf32>
    %get3A_2 = arith.constant 0 : index
    %get3A_3 = arith.constant 0 : index
    %get3A_4 = vector.load %arg2[%get3A_2, %get3A_3] : memref<128x128xf32, #tpu.memory_space<vmem>>, vector<128x128xf32>
    %dot_general3A = arith.constant dense<0.000000e+00> : vector<1000x128xf32>
    %dot_general3A_5 = tpu.matmul %get3A_1, %get3A_4, %dot_general3A {dimension_numbers = #tpu.dot_dimension_numbers<[1], [0], [0], [1], [0, 0, 1, 1], [], []>, transpose_lhs_hint = false} : vector<1000x128xf32>, vector<128x128xf32>, vector<1000x128xf32> -> vector<1000x128xf32>
    %get3A_6 = arith.constant 0 : index
    %get3A_7 = arith.constant 0 : index
    %get3A_8 = vector.load %arg3[%get3A_6, %get3A_7] : memref<1x128xf32, #tpu.memory_space<vmem>>, vector<1x128xf32>
    %add3A = vector.broadcast %get3A_8 : vector<1x128xf32> to vector<1000x128xf32>
    %add3A_9 = arith.addf %dot_general3A_5, %add3A : vector<1000x128xf32>
    %swap3A = arith.constant 0 : index
    %swap3A_10 = arith.constant 0 : index
    %swap3A_11 = vector.load %arg4[%swap3A, %swap3A_10] : memref<1000x128xf32, #tpu.memory_space<vmem>>, vector<1000x128xf32>
    tpu.vector_store %arg4[%swap3A, %swap3A_10], %add3A_9 {strides = array<i32>} : memref<1000x128xf32, #tpu.memory_space<vmem>>, vector<1000x128xf32>,
    return
  }
  func.func @transform_0(%arg0: i32) -> (i32, i32) {
    %c0_i32 = arith.constant 0 : i32
    %c0_i32_0 = arith.constant 0 : i32
    return %arg0, %c0_i32 : i32, i32
  }
  func.func @transform_1(%arg0: i32) -> (i32, i32) {
    %c0_i32 = arith.constant 0 : i32
    %c0_i32_0 = arith.constant 0 : i32
    %c0_i32_1 = arith.constant 0 : i32
    return %c0_i32, %c0_i32_0 : i32, i32
  }
  func.func @transform_2(%arg0: i32) -> (i32, i32) {
    %c0_i32 = arith.constant 0 : i32
    %c0_i32_0 = arith.constant 0 : i32
    %c0_i32_1 = arith.constant 0 : i32
    return %c0_i32, %c0_i32_0 : i32, i32
  }
  func.func @transform_3(%arg0: i32) -> (i32, i32) {
    %c0_i32 = arith.constant 0 : i32
    %c0_i32_0 = arith.constant 0 : i32
    return %arg0, %c0_i32 : i32, i32
  }
}

module attributes {stable_mosaic.version = 14 : i64} {
  func.func @_gru_msg_body(%arg0: i32, %arg1: memref<2x1000x128xf32, #tpu.memory_space<vmem>>, %arg2: memref<1000x128xf32, #tpu.memory_space<vmem>>, %arg3: memref<128x384xf32, #tpu.memory_space<vmem>>, %arg4: memref<1x384xf32, #tpu.memory_space<vmem>>, %arg5: memref<128x384xf32, #tpu.memory_space<vmem>>, %arg6: memref<1x384xf32, #tpu.memory_space<vmem>>, %arg7: memref<128x128xf32, #tpu.memory_space<vmem>>, %arg8: memref<1x128xf32, #tpu.memory_space<vmem>>, %arg9: memref<1000x128xf32, #tpu.memory_space<vmem>>, %arg10: memref<1000x128xf32, #tpu.memory_space<vmem>>) attributes {dimension_semantics = [#tpu.dimension_semantics<arbitrary>], iteration_bounds = array<i64: 10>, scalar_prefetch = 0 : i64, scratch_operands = 0 : i64, tpu.core_type = #tpu.core_type<tc>, window_params = [{transform_indices = @transform_0, window_bounds = array<i64: 2, 1000, 128>}, {transform_indices = @transform_1, window_bounds = array<i64: 1000, 128>}, {pipeline_mode = #tpu.pipeline_mode<synchronous>, transform_indices = @transform_2, window_bounds = array<i64: 128, 384>}, {pipeline_mode = #tpu.pipeline_mode<synchronous>, transform_indices = @transform_3, window_bounds = array<i64: 1, 384>}, {pipeline_mode = #tpu.pipeline_mode<synchronous>, transform_indices = @transform_4, window_bounds = array<i64: 128, 384>}, {pipeline_mode = #tpu.pipeline_mode<synchronous>, transform_indices = @transform_5, window_bounds = array<i64: 1, 384>}, {pipeline_mode = #tpu.pipeline_mode<synchronous>, transform_indices = @transform_6, window_bounds = array<i64: 128, 128>}, {pipeline_mode = #tpu.pipeline_mode<synchronous>, transform_indices = @transform_7, window_bounds = array<i64: 1, 128>}, {transform_indices = @transform_8, window_bounds = array<i64: 1000, 128>}, {transform_indices = @transform_9, window_bounds = array<i64: 1000, 128>}]} {
    %get3A = arith.constant 0 : index
    %get3A_0 = arith.constant 0 : index
    %get3A_1 = arith.constant 0 : index
    %get3A_2 = vector.load %arg1[%get3A, %get3A_0, %get3A_1] : memref<2x1000x128xf32, #tpu.memory_space<vmem>>, vector<1x1000x128xf32>
    %get3A_3 = vector.shape_cast %get3A_2 : vector<1x1000x128xf32> to vector<1000x128xf32>
    %get3A_4 = arith.constant 1 : index
    %get3A_5 = arith.constant 0 : index
    %get3A_6 = arith.constant 0 : index
    %get3A_7 = vector.load %arg1[%get3A_4, %get3A_5, %get3A_6] : memref<2x1000x128xf32, #tpu.memory_space<vmem>>, vector<1x1000x128xf32>
    %get3A_8 = vector.shape_cast %get3A_7 : vector<1x1000x128xf32> to vector<1000x128xf32>
    %add3A = arith.addf %get3A_3, %get3A_8 : vector<1000x128xf32>
    %get3A_9 = arith.constant 0 : index
    %get3A_10 = arith.constant 0 : index
    %get3A_11 = vector.load %arg2[%get3A_9, %get3A_10] : memref<1000x128xf32, #tpu.memory_space<vmem>>, vector<1000x128xf32>
    %get3A_12 = arith.constant 0 : index
    %get3A_13 = arith.constant 0 : index
    %get3A_14 = vector.load %arg3[%get3A_12, %get3A_13] : memref<128x384xf32, #tpu.memory_space<vmem>>, vector<128x384xf32>
    %dot_general3A = arith.constant dense<0.000000e+00> : vector<1000x384xf32>
    %dot_general3A_15 = tpu.matmul %add3A, %get3A_14, %dot_general3A {dimension_numbers = #tpu.dot_dimension_numbers<[1], [0], [0], [1], [0, 0, 1, 1], [], []>, transpose_lhs_hint = false} : vector<1000x128xf32>, vector<128x384xf32>, vector<1000x384xf32> -> vector<1000x384xf32>
    %get3A_16 = arith.constant 0 : index
    %get3A_17 = arith.constant 0 : index
    %get3A_18 = vector.load %arg4[%get3A_16, %get3A_17] : memref<1x384xf32, #tpu.memory_space<vmem>>, vector<1x384xf32>
    %add3A_19 = vector.broadcast %get3A_18 : vector<1x384xf32> to vector<1000x384xf32>
    %add3A_20 = arith.addf %dot_general3A_15, %add3A_19 : vector<1000x384xf32>
    %get3A_21 = arith.constant 0 : index
    %get3A_22 = arith.constant 0 : index
    %get3A_23 = vector.load %arg5[%get3A_21, %get3A_22] : memref<128x384xf32, #tpu.memory_space<vmem>>, vector<128x384xf32>
    %dot_general3A_24 = arith.constant dense<0.000000e+00> : vector<1000x384xf32>
    %dot_general3A_25 = tpu.matmul %get3A_11, %get3A_23, %dot_general3A_24 {dimension_numbers = #tpu.dot_dimension_numbers<[1], [0], [0], [1], [0, 0, 1, 1], [], []>, transpose_lhs_hint = false} : vector<1000x128xf32>, vector<128x384xf32>, vector<1000x384xf32> -> vector<1000x384xf32>
    %get3A_26 = arith.constant 0 : index
    %get3A_27 = arith.constant 0 : index
    %get3A_28 = vector.load %arg6[%get3A_26, %get3A_27] : memref<1x384xf32, #tpu.memory_space<vmem>>, vector<1x384xf32>
    %add3A_29 = vector.broadcast %get3A_28 : vector<1x384xf32> to vector<1000x384xf32>
    %add3A_30 = arith.addf %dot_general3A_25, %add3A_29 : vector<1000x384xf32>
    %slice3A = vector.extract_strided_slice %add3A_20 {offsets = [0, 0], sizes = [1000, 128], strides = [1, 1]} : vector<1000x384xf32> to vector<1000x128xf32>
    %slice3A_31 = vector.extract_strided_slice %add3A_30 {offsets = [0, 0], sizes = [1000, 128], strides = [1, 1]} : vector<1000x384xf32> to vector<1000x128xf32>
    %add3A_32 = arith.addf %slice3A, %slice3A_31 : vector<1000x128xf32>
    %neg3A = arith.constant 0.000000e+00 : f32
    %neg3A_33 = vector.broadcast %neg3A : f32 to vector<1000x128xf32>
    %neg3A_34 = arith.subf %neg3A_33, %add3A_32 : vector<1000x128xf32>
    %exp3A = math.exp %neg3A_34 : vector<1000x128xf32>
    %add3A_35 = arith.constant 1.000000e+00 : f32
    %add3A_36 = vector.broadcast %add3A_35 : f32 to vector<1000x128xf32>
    %add3A_37 = arith.addf %add3A_36, %exp3A : vector<1000x128xf32>
    %div3A = arith.constant 1.000000e+00 : f32
    %div3A_38 = vector.broadcast %div3A : f32 to vector<1000x128xf32>
    %div3A_39 = arith.divf %div3A_38, %add3A_37 : vector<1000x128xf32>
    %slice3A_40 = vector.extract_strided_slice %add3A_20 {offsets = [0, 128], sizes = [1000, 128], strides = [1, 1]} : vector<1000x384xf32> to vector<1000x128xf32>
    %slice3A_41 = vector.extract_strided_slice %add3A_30 {offsets = [0, 128], sizes = [1000, 128], strides = [1, 1]} : vector<1000x384xf32> to vector<1000x128xf32>
    %add3A_42 = arith.addf %slice3A_40, %slice3A_41 : vector<1000x128xf32>
    %neg3A_43 = arith.constant 0.000000e+00 : f32
    %neg3A_44 = vector.broadcast %neg3A_43 : f32 to vector<1000x128xf32>
    %neg3A_45 = arith.subf %neg3A_44, %add3A_42 : vector<1000x128xf32>
    %exp3A_46 = math.exp %neg3A_45 : vector<1000x128xf32>
    %add3A_47 = arith.constant 1.000000e+00 : f32
    %add3A_48 = vector.broadcast %add3A_47 : f32 to vector<1000x128xf32>
    %add3A_49 = arith.addf %add3A_48, %exp3A_46 : vector<1000x128xf32>
    %div3A_50 = arith.constant 1.000000e+00 : f32
    %div3A_51 = vector.broadcast %div3A_50 : f32 to vector<1000x128xf32>
    %div3A_52 = arith.divf %div3A_51, %add3A_49 : vector<1000x128xf32>
    %slice3A_53 = vector.extract_strided_slice %add3A_20 {offsets = [0, 256], sizes = [1000, 128], strides = [1, 1]} : vector<1000x384xf32> to vector<1000x128xf32>
    %slice3A_54 = vector.extract_strided_slice %add3A_30 {offsets = [0, 256], sizes = [1000, 128], strides = [1, 1]} : vector<1000x384xf32> to vector<1000x128xf32>
    %mul3A = arith.mulf %div3A_39, %slice3A_54 : vector<1000x128xf32>
    %add3A_55 = arith.addf %slice3A_53, %mul3A : vector<1000x128xf32>
    %tanh3A = math.tanh %add3A_55 : vector<1000x128xf32>
    %sub3A = arith.constant 1.000000e+00 : f32
    %sub3A_56 = vector.broadcast %sub3A : f32 to vector<1000x128xf32>
    %sub3A_57 = arith.subf %sub3A_56, %div3A_52 : vector<1000x128xf32>
    %mul3A_58 = arith.mulf %sub3A_57, %tanh3A : vector<1000x128xf32>
    %mul3A_59 = arith.mulf %div3A_52, %get3A_11 : vector<1000x128xf32>
    %add3A_60 = arith.addf %mul3A_58, %mul3A_59 : vector<1000x128xf32>
    %swap3A = arith.constant 0 : index
    %swap3A_61 = arith.constant 0 : index
    %swap3A_62 = vector.load %arg9[%swap3A, %swap3A_61] : memref<1000x128xf32, #tpu.memory_space<vmem>>, vector<1000x128xf32>
    tpu.vector_store %arg9[%swap3A, %swap3A_61], %add3A_60 {strides = array<i32>} : memref<1000x128xf32, #tpu.memory_space<vmem>>, vector<1000x128xf32>,
    %get3A_63 = arith.constant 0 : index
    %get3A_64 = arith.constant 0 : index
    %get3A_65 = vector.load %arg7[%get3A_63, %get3A_64] : memref<128x128xf32, #tpu.memory_space<vmem>>, vector<128x128xf32>
    %dot_general3A_66 = arith.constant dense<0.000000e+00> : vector<1000x128xf32>
    %dot_general3A_67 = tpu.matmul %add3A_60, %get3A_65, %dot_general3A_66 {dimension_numbers = #tpu.dot_dimension_numbers<[1], [0], [0], [1], [0, 0, 1, 1], [], []>, transpose_lhs_hint = false} : vector<1000x128xf32>, vector<128x128xf32>, vector<1000x128xf32> -> vector<1000x128xf32>
    %get3A_68 = arith.constant 0 : index
    %get3A_69 = arith.constant 0 : index
    %get3A_70 = vector.load %arg8[%get3A_68, %get3A_69] : memref<1x128xf32, #tpu.memory_space<vmem>>, vector<1x128xf32>
    %add3A_71 = vector.broadcast %get3A_70 : vector<1x128xf32> to vector<1000x128xf32>
    %add3A_72 = arith.addf %dot_general3A_67, %add3A_71 : vector<1000x128xf32>
    %swap3A_73 = arith.constant 0 : index
    %swap3A_74 = arith.constant 0 : index
    %swap3A_75 = vector.load %arg10[%swap3A_73, %swap3A_74] : memref<1000x128xf32, #tpu.memory_space<vmem>>, vector<1000x128xf32>
    tpu.vector_store %arg10[%swap3A_73, %swap3A_74], %add3A_72 {strides = array<i32>} : memref<1000x128xf32, #tpu.memory_space<vmem>>, vector<1000x128xf32>,
    return
  }
  func.func @transform_0(%arg0: i32) -> (i32, i32, i32) {
    %c0_i32 = arith.constant 0 : i32
    %c0_i32_0 = arith.constant 0 : i32
    %c0_i32_1 = arith.constant 0 : i32
    return %c0_i32, %arg0, %c0_i32_0 : i32, i32, i32
  }
  func.func @transform_1(%arg0: i32) -> (i32, i32) {
    %c0_i32 = arith.constant 0 : i32
    %c0_i32_0 = arith.constant 0 : i32
    return %arg0, %c0_i32 : i32, i32
  }
  func.func @transform_2(%arg0: i32) -> (i32, i32) {
    %c0_i32 = arith.constant 0 : i32
    %c0_i32_0 = arith.constant 0 : i32
    %c0_i32_1 = arith.constant 0 : i32
    return %c0_i32, %c0_i32_0 : i32, i32
  }
  func.func @transform_3(%arg0: i32) -> (i32, i32) {
    %c0_i32 = arith.constant 0 : i32
    %c0_i32_0 = arith.constant 0 : i32
    %c0_i32_1 = arith.constant 0 : i32
    return %c0_i32, %c0_i32_0 : i32, i32
  }
  func.func @transform_4(%arg0: i32) -> (i32, i32) {
    %c0_i32 = arith.constant 0 : i32
    %c0_i32_0 = arith.constant 0 : i32
    %c0_i32_1 = arith.constant 0 : i32
    return %c0_i32, %c0_i32_0 : i32, i32
  }
  func.func @transform_5(%arg0: i32) -> (i32, i32) {
    %c0_i32 = arith.constant 0 : i32
    %c0_i32_0 = arith.constant 0 : i32
    %c0_i32_1 = arith.constant 0 : i32
    return %c0_i32, %c0_i32_0 : i32, i32
  }
  func.func @transform_6(%arg0: i32) -> (i32, i32) {
    %c0_i32 = arith.constant 0 : i32
    %c0_i32_0 = arith.constant 0 : i32
    %c0_i32_1 = arith.constant 0 : i32
    return %c0_i32, %c0_i32_0 : i32, i32
  }
  func.func @transform_7(%arg0: i32) -> (i32, i32) {
    %c0_i32 = arith.constant 0 : i32
    %c0_i32_0 = arith.constant 0 : i32
    %c0_i32_1 = arith.constant 0 : i32
    return %c0_i32, %c0_i32_0 : i32, i32
  }
  func.func @transform_8(%arg0: i32) -> (i32, i32) {
    %c0_i32 = arith.constant 0 : i32
    %c0_i32_0 = arith.constant 0 : i32
    return %arg0, %c0_i32 : i32, i32
  }
  func.func @transform_9(%arg0: i32) -> (i32, i32) {
    %c0_i32 = arith.constant 0 : i32
    %c0_i32_0 = arith.constant 0 : i32
    return %arg0, %c0_i32 : i32, i32
  }
}

module attributes {stable_mosaic.version = 14 : i64} {
  func.func @_gru_read_body(%arg0: i32, %arg1: memref<2x1000x128xf32, #tpu.memory_space<vmem>>, %arg2: memref<1000x128xf32, #tpu.memory_space<vmem>>, %arg3: memref<128x384xf32, #tpu.memory_space<vmem>>, %arg4: memref<1x384xf32, #tpu.memory_space<vmem>>, %arg5: memref<128x384xf32, #tpu.memory_space<vmem>>, %arg6: memref<1x384xf32, #tpu.memory_space<vmem>>, %arg7: memref<128x128xf32, #tpu.memory_space<vmem>>, %arg8: memref<1x128xf32, #tpu.memory_space<vmem>>, %arg9: memref<1x128xf32, #tpu.memory_space<vmem>>, %arg10: memref<1x128xf32, #tpu.memory_space<vmem>>) attributes {dimension_semantics = [#tpu.dimension_semantics<arbitrary>], iteration_bounds = array<i64: 10>, scalar_prefetch = 0 : i64, scratch_operands = 1 : i64, tpu.core_type = #tpu.core_type<tc>, window_params = [{transform_indices = @transform_0, window_bounds = array<i64: 2, 1000, 128>}, {transform_indices = @transform_1, window_bounds = array<i64: 1000, 128>}, {pipeline_mode = #tpu.pipeline_mode<synchronous>, transform_indices = @transform_2, window_bounds = array<i64: 128, 384>}, {pipeline_mode = #tpu.pipeline_mode<synchronous>, transform_indices = @transform_3, window_bounds = array<i64: 1, 384>}, {pipeline_mode = #tpu.pipeline_mode<synchronous>, transform_indices = @transform_4, window_bounds = array<i64: 128, 384>}, {pipeline_mode = #tpu.pipeline_mode<synchronous>, transform_indices = @transform_5, window_bounds = array<i64: 1, 384>}, {pipeline_mode = #tpu.pipeline_mode<synchronous>, transform_indices = @transform_6, window_bounds = array<i64: 128, 128>}, {pipeline_mode = #tpu.pipeline_mode<synchronous>, transform_indices = @transform_7, window_bounds = array<i64: 1, 128>}, {pipeline_mode = #tpu.pipeline_mode<synchronous>, transform_indices = @transform_8, window_bounds = array<i64: 1, 128>}]} {
    %get3A = arith.constant 0 : index
    %get3A_0 = arith.constant 0 : index
    %get3A_1 = arith.constant 0 : index
    %get3A_2 = vector.load %arg1[%get3A, %get3A_0, %get3A_1] : memref<2x1000x128xf32, #tpu.memory_space<vmem>>, vector<1x1000x128xf32>
    %get3A_3 = vector.shape_cast %get3A_2 : vector<1x1000x128xf32> to vector<1000x128xf32>
    %get3A_4 = arith.constant 1 : index
    %get3A_5 = arith.constant 0 : index
    %get3A_6 = arith.constant 0 : index
    %get3A_7 = vector.load %arg1[%get3A_4, %get3A_5, %get3A_6] : memref<2x1000x128xf32, #tpu.memory_space<vmem>>, vector<1x1000x128xf32>
    %get3A_8 = vector.shape_cast %get3A_7 : vector<1x1000x128xf32> to vector<1000x128xf32>
    %add3A = arith.addf %get3A_3, %get3A_8 : vector<1000x128xf32>
    %get3A_9 = arith.constant 0 : index
    %get3A_10 = arith.constant 0 : index
    %get3A_11 = vector.load %arg2[%get3A_9, %get3A_10] : memref<1000x128xf32, #tpu.memory_space<vmem>>, vector<1000x128xf32>
    %get3A_12 = arith.constant 0 : index
    %get3A_13 = arith.constant 0 : index
    %get3A_14 = vector.load %arg3[%get3A_12, %get3A_13] : memref<128x384xf32, #tpu.memory_space<vmem>>, vector<128x384xf32>
    %dot_general3A = arith.constant dense<0.000000e+00> : vector<1000x384xf32>
    %dot_general3A_15 = tpu.matmul %add3A, %get3A_14, %dot_general3A {dimension_numbers = #tpu.dot_dimension_numbers<[1], [0], [0], [1], [0, 0, 1, 1], [], []>, transpose_lhs_hint = false} : vector<1000x128xf32>, vector<128x384xf32>, vector<1000x384xf32> -> vector<1000x384xf32>
    %get3A_16 = arith.constant 0 : index
    %get3A_17 = arith.constant 0 : index
    %get3A_18 = vector.load %arg4[%get3A_16, %get3A_17] : memref<1x384xf32, #tpu.memory_space<vmem>>, vector<1x384xf32>
    %add3A_19 = vector.broadcast %get3A_18 : vector<1x384xf32> to vector<1000x384xf32>
    %add3A_20 = arith.addf %dot_general3A_15, %add3A_19 : vector<1000x384xf32>
    %get3A_21 = arith.constant 0 : index
    %get3A_22 = arith.constant 0 : index
    %get3A_23 = vector.load %arg5[%get3A_21, %get3A_22] : memref<128x384xf32, #tpu.memory_space<vmem>>, vector<128x384xf32>
    %dot_general3A_24 = arith.constant dense<0.000000e+00> : vector<1000x384xf32>
    %dot_general3A_25 = tpu.matmul %get3A_11, %get3A_23, %dot_general3A_24 {dimension_numbers = #tpu.dot_dimension_numbers<[1], [0], [0], [1], [0, 0, 1, 1], [], []>, transpose_lhs_hint = false} : vector<1000x128xf32>, vector<128x384xf32>, vector<1000x384xf32> -> vector<1000x384xf32>
    %get3A_26 = arith.constant 0 : index
    %get3A_27 = arith.constant 0 : index
    %get3A_28 = vector.load %arg6[%get3A_26, %get3A_27] : memref<1x384xf32, #tpu.memory_space<vmem>>, vector<1x384xf32>
    %add3A_29 = vector.broadcast %get3A_28 : vector<1x384xf32> to vector<1000x384xf32>
    %add3A_30 = arith.addf %dot_general3A_25, %add3A_29 : vector<1000x384xf32>
    %slice3A = vector.extract_strided_slice %add3A_20 {offsets = [0, 0], sizes = [1000, 128], strides = [1, 1]} : vector<1000x384xf32> to vector<1000x128xf32>
    %slice3A_31 = vector.extract_strided_slice %add3A_30 {offsets = [0, 0], sizes = [1000, 128], strides = [1, 1]} : vector<1000x384xf32> to vector<1000x128xf32>
    %add3A_32 = arith.addf %slice3A, %slice3A_31 : vector<1000x128xf32>
    %neg3A = arith.constant 0.000000e+00 : f32
    %neg3A_33 = vector.broadcast %neg3A : f32 to vector<1000x128xf32>
    %neg3A_34 = arith.subf %neg3A_33, %add3A_32 : vector<1000x128xf32>
    %exp3A = math.exp %neg3A_34 : vector<1000x128xf32>
    %add3A_35 = arith.constant 1.000000e+00 : f32
    %add3A_36 = vector.broadcast %add3A_35 : f32 to vector<1000x128xf32>
    %add3A_37 = arith.addf %add3A_36, %exp3A : vector<1000x128xf32>
    %div3A = arith.constant 1.000000e+00 : f32
    %div3A_38 = vector.broadcast %div3A : f32 to vector<1000x128xf32>
    %div3A_39 = arith.divf %div3A_38, %add3A_37 : vector<1000x128xf32>
    %slice3A_40 = vector.extract_strided_slice %add3A_20 {offsets = [0, 128], sizes = [1000, 128], strides = [1, 1]} : vector<1000x384xf32> to vector<1000x128xf32>
    %slice3A_41 = vector.extract_strided_slice %add3A_30 {offsets = [0, 128], sizes = [1000, 128], strides = [1, 1]} : vector<1000x384xf32> to vector<1000x128xf32>
    %add3A_42 = arith.addf %slice3A_40, %slice3A_41 : vector<1000x128xf32>
    %neg3A_43 = arith.constant 0.000000e+00 : f32
    %neg3A_44 = vector.broadcast %neg3A_43 : f32 to vector<1000x128xf32>
    %neg3A_45 = arith.subf %neg3A_44, %add3A_42 : vector<1000x128xf32>
    %exp3A_46 = math.exp %neg3A_45 : vector<1000x128xf32>
    %add3A_47 = arith.constant 1.000000e+00 : f32
    %add3A_48 = vector.broadcast %add3A_47 : f32 to vector<1000x128xf32>
    %add3A_49 = arith.addf %add3A_48, %exp3A_46 : vector<1000x128xf32>
    %div3A_50 = arith.constant 1.000000e+00 : f32
    %div3A_51 = vector.broadcast %div3A_50 : f32 to vector<1000x128xf32>
    %div3A_52 = arith.divf %div3A_51, %add3A_49 : vector<1000x128xf32>
    %slice3A_53 = vector.extract_strided_slice %add3A_20 {offsets = [0, 256], sizes = [1000, 128], strides = [1, 1]} : vector<1000x384xf32> to vector<1000x128xf32>
    %slice3A_54 = vector.extract_strided_slice %add3A_30 {offsets = [0, 256], sizes = [1000, 128], strides = [1, 1]} : vector<1000x384xf32> to vector<1000x128xf32>
    %mul3A = arith.mulf %div3A_39, %slice3A_54 : vector<1000x128xf32>
    %add3A_55 = arith.addf %slice3A_53, %mul3A : vector<1000x128xf32>
    %tanh3A = math.tanh %add3A_55 : vector<1000x128xf32>
    %sub3A = arith.constant 1.000000e+00 : f32
    %sub3A_56 = vector.broadcast %sub3A : f32 to vector<1000x128xf32>
    %sub3A_57 = arith.subf %sub3A_56, %div3A_52 : vector<1000x128xf32>
    %mul3A_58 = arith.mulf %sub3A_57, %tanh3A : vector<1000x128xf32>
    %mul3A_59 = arith.mulf %div3A_52, %get3A_11 : vector<1000x128xf32>
    %add3A_60 = arith.addf %mul3A_58, %mul3A_59 : vector<1000x128xf32>
    %reduce_max3A = arith.constant dense<0xFF800000> : vector<128xf32>
    %reduce_max3A_61 = vector.multi_reduction <maximumf>, %add3A_60, %reduce_max3A [0] : vector<1000x128xf32> to vector<128xf32>
    %broadcast_in_dim3A = vector.shape_cast %reduce_max3A_61 : vector<128xf32> to vector<1x128xf32>
    %eq3A = arith.constant 0 : i32
    %eq3A_62 = arith.cmpi eq, %arg0, %eq3A : i32
    %convert_element_type3A = arith.extui %eq3A_62 : i1 to i32
    %cond3A = arith.constant 0 : i32
    %cond3A_63 = arith.cmpi ne, %convert_element_type3A, %cond3A : i32
    scf.if %cond3A_63 {
      %swap3A = arith.constant 0 : index
      %swap3A_73 = arith.constant 0 : index
      %swap3A_74 = vector.load %arg10[%swap3A, %swap3A_73] : memref<1x128xf32, #tpu.memory_space<vmem>>, vector<1x128xf32>
      tpu.vector_store %arg10[%swap3A, %swap3A_73], %broadcast_in_dim3A {strides = array<i32>} : memref<1x128xf32, #tpu.memory_space<vmem>>, vector<1x128xf32>,
    } else {
    }
    %gt3A = arith.constant 0 : i32
    %gt3A_64 = arith.cmpi sgt, %arg0, %gt3A : i32
    %convert_element_type3A_65 = arith.extui %gt3A_64 : i1 to i32
    %cond3A_66 = arith.constant 0 : i32
    %cond3A_67 = arith.cmpi ne, %convert_element_type3A_65, %cond3A_66 : i32
    scf.if %cond3A_67 {
      %get3A_73 = arith.constant 0 : index
      %get3A_74 = arith.constant 0 : index
      %get3A_75 = vector.load %arg10[%get3A_73, %get3A_74] : memref<1x128xf32, #tpu.memory_space<vmem>>, vector<1x128xf32>
      %max3A = arith.maximumf %get3A_75, %broadcast_in_dim3A : vector<1x128xf32>
      %swap3A = arith.constant 0 : index
      %swap3A_76 = arith.constant 0 : index
      %swap3A_77 = vector.load %arg10[%swap3A, %swap3A_76] : memref<1x128xf32, #tpu.memory_space<vmem>>, vector<1x128xf32>
      tpu.vector_store %arg10[%swap3A, %swap3A_76], %max3A {strides = array<i32>} : memref<1x128xf32, #tpu.memory_space<vmem>>, vector<1x128xf32>,
    } else {
    }
    %eq3A_68 = arith.constant 9 : i32
    %eq3A_69 = arith.cmpi eq, %arg0, %eq3A_68 : i32
    %convert_element_type3A_70 = arith.extui %eq3A_69 : i1 to i32
    %cond3A_71 = arith.constant 0 : i32
    %cond3A_72 = arith.cmpi ne, %convert_element_type3A_70, %cond3A_71 : i32
    scf.if %cond3A_72 {
      %get3A_73 = arith.constant 0 : index
      %get3A_74 = arith.constant 0 : index
      %get3A_75 = vector.load %arg10[%get3A_73, %get3A_74] : memref<1x128xf32, #tpu.memory_space<vmem>>, vector<1x128xf32>
      %get3A_76 = arith.constant 0 : index
      %get3A_77 = arith.constant 0 : index
      %get3A_78 = vector.load %arg7[%get3A_76, %get3A_77] : memref<128x128xf32, #tpu.memory_space<vmem>>, vector<128x128xf32>
      %dot_general3A_79 = arith.constant dense<0.000000e+00> : vector<1x128xf32>
      %dot_general3A_80 = tpu.matmul %get3A_75, %get3A_78, %dot_general3A_79 {dimension_numbers = #tpu.dot_dimension_numbers<[1], [0], [0], [1], [0, 0, 1, 1], [], []>, transpose_lhs_hint = false} : vector<1x128xf32>, vector<128x128xf32>, vector<1x128xf32> -> vector<1x128xf32>
      %get3A_81 = arith.constant 0 : index
      %get3A_82 = arith.constant 0 : index
      %get3A_83 = vector.load %arg8[%get3A_81, %get3A_82] : memref<1x128xf32, #tpu.memory_space<vmem>>, vector<1x128xf32>
      %add3A_84 = arith.addf %dot_general3A_80, %get3A_83 : vector<1x128xf32>
      %swap3A = arith.constant 0 : index
      %swap3A_85 = arith.constant 0 : index
      %swap3A_86 = vector.load %arg9[%swap3A, %swap3A_85] : memref<1x128xf32, #tpu.memory_space<vmem>>, vector<1x128xf32>
      tpu.vector_store %arg9[%swap3A, %swap3A_85], %add3A_84 {strides = array<i32>} : memref<1x128xf32, #tpu.memory_space<vmem>>, vector<1x128xf32>,
    } else {
    }
    return
  }
  func.func @transform_0(%arg0: i32) -> (i32, i32, i32) {
    %c0_i32 = arith.constant 0 : i32
    %c0_i32_0 = arith.constant 0 : i32
    %c0_i32_1 = arith.constant 0 : i32
    return %c0_i32, %arg0, %c0_i32_0 : i32, i32, i32
  }
  func.func @transform_1(%arg0: i32) -> (i32, i32) {
    %c0_i32 = arith.constant 0 : i32
    %c0_i32_0 = arith.constant 0 : i32
    return %arg0, %c0_i32 : i32, i32
  }
  func.func @transform_2(%arg0: i32) -> (i32, i32) {
    %c0_i32 = arith.constant 0 : i32
    %c0_i32_0 = arith.constant 0 : i32
    %c0_i32_1 = arith.constant 0 : i32
    return %c0_i32, %c0_i32_0 : i32, i32
  }
  func.func @transform_3(%arg0: i32) -> (i32, i32) {
    %c0_i32 = arith.constant 0 : i32
    %c0_i32_0 = arith.constant 0 : i32
    %c0_i32_1 = arith.constant 0 : i32
    return %c0_i32, %c0_i32_0 : i32, i32
  }
  func.func @transform_4(%arg0: i32) -> (i32, i32) {
    %c0_i32 = arith.constant 0 : i32
    %c0_i32_0 = arith.constant 0 : i32
    %c0_i32_1 = arith.constant 0 : i32
    return %c0_i32, %c0_i32_0 : i32, i32
  }
  func.func @transform_5(%arg0: i32) -> (i32, i32) {
    %c0_i32 = arith.constant 0 : i32
    %c0_i32_0 = arith.constant 0 : i32
    %c0_i32_1 = arith.constant 0 : i32
    return %c0_i32, %c0_i32_0 : i32, i32
  }
  func.func @transform_6(%arg0: i32) -> (i32, i32) {
    %c0_i32 = arith.constant 0 : i32
    %c0_i32_0 = arith.constant 0 : i32
    %c0_i32_1 = arith.constant 0 : i32
    return %c0_i32, %c0_i32_0 : i32, i32
  }
  func.func @transform_7(%arg0: i32) -> (i32, i32) {
    %c0_i32 = arith.constant 0 : i32
    %c0_i32_0 = arith.constant 0 : i32
    %c0_i32_1 = arith.constant 0 : i32
    return %c0_i32, %c0_i32_0 : i32, i32
  }
  func.func @transform_8(%arg0: i32) -> (i32, i32) {
    %c0_i32 = arith.constant 0 : i32
    %c0_i32_0 = arith.constant 0 : i32
    %c0_i32_1 = arith.constant 0 : i32
    return %c0_i32, %c0_i32_0 : i32, i32
  }
}

</mosaic_0001>

<sc_bundles>
// kernel: kernel.12.cloned.1.call-start
scs
__scs_entry_jumppad:
0x0: {  	(pc) =	sbr.rel $0x88, $3  }
0x1: {  	(tag) =	ssettag $0x0;
	lr =	simm.s32 $0x1  }
0x2: {  	[smem:$0x3F97] =	sst lr;
	_ =	strace $0xD0000000  }
0x3: {  	_ = 	snop  }
0x4: {  	_ = 	snop  }
0x5: {  	_ = 	snop  }
0x6: {  	_ = 	snop  }
0x7: {  	_ = 	snop  }
__scs_overlays_trampoline_lowered:
0x8: {  	[smem:$0x3FA6] =	sst s0  }
0x9: {  	[smem:$0x3FA7] =	sst s1  }
0xa: {  	[smem:$0x3FA8] =	sst s2  }
0xb: {  	[smem:$0x3FA9] =	sst s3  }
0xc: {  	[smem:$0x3FAA] =	sst s4  }
0xd: {  	[smem:$0x3FAB] =	sst s5  }
0xe: {  	[smem:$0x3FAC] =	sst s6  }
0xf: {  	[smem:$0x3FAD] =	sst s7  }
0x10: {  	[smem:$0x3FAE] =	sst s8  }
0x11: {  	[smem:$0x3FAF] =	sst s9;
	s0 =	simm.s32 @!p0 $0x0  }
0x12: {  	s1 =	sld [smem:$0x3F95];
	s0 =	simm.s32 @p0 $0x1  }
0x13: {  	[smem:$0x3FB0] =	sst s0;
	s0 =	simm.s32 @!p1 $0x0  }
0x14: {  	s2 =	sld [smem:$0x3F94];
	s0 =	simm.s32 @p1 $0x1  }
0x15: {  	[smem:$0x3FB1] =	sst s0;
	s0 =	simm.s32 @!p2 $0x0  }
0x16: {  	s3 =	sld [smem:$0x3FDB];
	s0 =	simm.s32 @p2 $0x1  }
0x17: {  	s4 =	simm.s32 $0x1BF5;
	[smem:$0x3FB3] =	sst s0  }
0x18: {  	s0 =	sld [smem:$0x3F96];
	_ =	swait.ge [sflag:s4], $0x0  }
0x19: {  	s7 =	sld [smem:$0x3F97]  }
0x1a: {  	s8 =	sadd.s32 $0xFFFFE003, lr  }
0x1b: {  	s9 =	sadd.s32 $0xFFFFFEF7, lr;
	s5 =	simm.s32 $0xFFFFFFFF;
	p2 =	slt.u32 s8, $0xFFFFF086  }
0x1c: {  	p1 =	slt.u32 s9, $0xF7A;
	s5 =	simm.s32 @!p2 $0x0  }
0x1d: {  	s5 =	simm.s32 @p1 $0x1;
	p0 =	seq.s32 s7, s2  }
0x1e: {  	s7 =	smul.u32 @!p0 $0xF7A, s2;
	p2 =	seq.s32 @!p0 s5, $0x0  }
0x1f: {  	s9 =	smul.u32 $0xF7A, s1;
	s8 =	simm.s32 @!p0 $0x1BF5;
	p2 =	por !p2, p0  }
0x20: {  	[sflag:s8] =	ssyncset.s32 @!p0 $0xFFFFF086;
	s6 =	sadd.s32 @!p0 s3, s7;
	s7 =	simm.s32 @!p0 $0x108  }
0x21: {  	s3 =	sadd.s32 s3, s9;
	s6 =	sadd.s32 @!p0 $0x88, s6;
	s7 =	simm.s32 @p2 $0x1082  }
0x22: {  	[simem:s7], [sflag:s8] =	dma.local @!p0 [hbm:s6], $0xF7A  }
0x23: {  	s9 =	sor.u32 $0xD0000000, s2;
	s6 =	simm.s32 $0x108;
	_ =	swait.ge @!p0 [sflag:s8], $0x0  }
0x24: {  	s3 =	sadd.s32 $0x88, s3;
	s6 =	simm.s32 @!p1 $0x1082;
	[sflag:s4] =	ssyncset.s32 $0xFFFFF086  }
0x25: {  	[simem:s6], [sflag:s4] =	dma.local [hbm:s3], $0xF7A  }
0x26: {  	[smem:$0x3F97] =	sst s1;
	(tag) =	ssettag s2;
	_ =	strace s9  }
0x27: {  	s1 =	sld [smem:$0x3FA7]  }
0x28: {  	s2 =	sld [smem:$0x3FA8]  }
0x29: {  	s4 =	sld [smem:$0x3FAA]  }
0x2a: {  	p0 =	seq.s32 s5, $0x0;
	s5 =	sld [smem:$0x3FAB]  }
0x2b: {  	s6 =	sld [smem:$0x3FAC]  }
0x2c: {  	s7 =	sld [smem:$0x3FAD]  }
0x2d: {  	s3 =	simm.s32 $0x108;
	s8 =	sld [smem:$0x3FAE]  }
0x2e: {  	s3 =	simm.s32 @!p0 $0x1082;
	s9 =	sld [smem:$0x3FAF]  }
0x2f: {  	lr =	sadd.s32 s0, s3;
	s0 =	sld [smem:$0x3FA6]  }
0x30: {  	s3 =	sld [smem:$0x3FA9]  }
0x31: {  	[smem:$0x3FB2] =	sst s10  }
0x32: {  	s10 =	sld [smem:$0x3FB0];
	_ =	sdelay $0x3  }
0x33: {  	p0 =	seq.s32 s10, $0x1;
	s10 =	sld [smem:$0x3FB2];
	_ =	sdelay $0x3  }
0x34: {  	[smem:$0x3FB2] =	sst s10  }
0x35: {  	s10 =	sld [smem:$0x3FB1];
	_ =	sdelay $0x3  }
0x36: {  	p1 =	seq.s32 s10, $0x1;
	s10 =	sld [smem:$0x3FB2];
	_ =	sdelay $0x3  }
0x37: {  	[smem:$0x3FB2] =	sst s10  }
0x38: {  	s10 =	sld [smem:$0x3FB3]  }
0x39: {  	_ = 	snop;
	(pc) =	sbr.ind lr, $3  }
0x3a: {  	_ = 	snop  }
0x3b: {  	_ = 	snop  }
0x3c: {  	p2 =	seq.s32 s10, $0x1;
	s10 =	sld [smem:$0x3FB2]  }
0x3d: {  	_ =	shalt  }
0x3e: {  	_ =	shalt  }
0x3f: {  	_ =	shalt  }
0x40: {  	_ =	shalt  }
0x41: {  	_ =	shalt  }
0x42: {  	_ =	shalt  }
0x43: {  	_ =	shalt  }
0x44: {  	_ =	shalt  }
0x45: {  	_ =	shalt  }
0x46: {  	_ =	shalt  }
0x47: {  	_ =	shalt  }
0x48: {  	_ =	shalt  }
0x49: {  	_ =	shalt  }
0x4a: {  	_ =	shalt  }
0x4b: {  	_ =	shalt  }
0x4c: {  	_ =	shalt  }
0x4d: {  	_ =	shalt  }
0x4e: {  	_ =	shalt  }
0x4f: {  	_ =	shalt  }
0x50: {  	_ =	shalt  }
0x51: {  	_ =	shalt  }
0x52: {  	_ =	shalt  }
0x53: {  	_ =	shalt  }
0x54: {  	_ =	shalt  }
0x55: {  	_ =	shalt  }
0x56: {  	_ =	shalt  }
0x57: {  	_ =	shalt  }
0x58: {  	_ =	shalt  }
0x59: {  	_ =	shalt  }
0x5a: {  	_ =	shalt  }
0x5b: {  	_ =	shalt  }
0x5c: {  	_ =	shalt  }
0x5d: {  	_ =	shalt  }
0x5e: {  	_ =	shalt  }
0x5f: {  	_ =	shalt  }
0x60: {  	_ =	shalt  }
0x61: {  	_ =	shalt  }
0x62: {  	_ =	shalt  }
0x63: {  	_ =	shalt  }
0x64: {  	_ =	shalt  }
0x65: {  	_ =	shalt  }
0x66: {  	_ =	shalt  }
0x67: {  	_ =	shalt  }
0x68: {  	_ =	shalt  }
0x69: {  	_ =	shalt  }
0x6a: {  	_ =	shalt  }
0x6b: {  	_ =	shalt  }
0x6c: {  	_ =	shalt  }
0x6d: {  	_ =	shalt  }
0x6e: {  	_ =	shalt  }
0x6f: {  	_ =	shalt  }
0x70: {  	_ =	shalt  }
0x71: {  	_ =	shalt  }
0x72: {  	_ =	shalt  }
0x73: {  	_ =	shalt  }
0x74: {  	_ =	shalt  }
0x75: {  	_ =	shalt  }
0x76: {  	_ =	shalt  }
0x77: {  	_ =	shalt  }
0x78: {  	_ =	shalt  }
0x79: {  	_ =	shalt  }
0x7a: {  	_ =	shalt  }
0x7b: {  	_ =	shalt  }
0x7c: {  	_ =	shalt  }
0x7d: {  	_ =	shalt  }
0x7e: {  	_ =	shalt  }
0x7f: {  	_ =	shalt  }
0x80: {  	_ =	shalt  }
0x81: {  	_ =	shalt  }
0x82: {  	_ =	shalt  }
0x83: {  	_ =	shalt  }
0x84: {  	_ =	shalt  }
0x85: {  	_ =	shalt  }
0x86: {  	_ =	shalt  }
0x87: {  	_ =	shalt  }
.Lfunc_end0:
.L_simem_size_0:
called_computation.1_lowered:
.L_overlay_start_0:
0x88: {  	s2 =	sld [smem:$0x3FD9]  }
0x89: {  	s3 =	sld [smem:$0x3FFE];
	_ =	sdelay $0x1  }
0x8a: {  	s1 =	srdreg.scid  }
0x8b: {  	s0 =	sand.u32 $0x1, s1  }
0x8c: {  	s16 =	sshll.u32 s0, $0xA;
	s2 =	sadd.s32 s3, s2  }
0x8d: {  	s2 =	sadd.s32 s2, s16  }
0x8e: {  	[smem:$0x3FBE] =	sst s2  }
0x8f: {  	_ = 	snop  }
0x90: {  	(tm) =	ssettm $0x1  }
0x91: {  	s17 =	sld [smem:$0x3FFB];
	_ =	sdelay $0x3  }
0x92: {  	_ =	strace s17  }
0x93: {  	s2 =	sld [smem:$0x3FFC];
	_ =	sdelay $0x3  }
0x94: {  	_ =	strace s2  }
0x95: {  	s2 =	sld [smem:$0x3FFD];
	_ =	sdelay $0x3  }
0x96: {  	_ =	strace s2  }
0x97: {  	_ =	strace $0x8FFFFFFF  }
0x98: {  	s18 =	sld [smem:$0x3FDB];
	_ =	sdelay $0x1  }
0x99: {  	s19 =	simm.s32 $_scs_section_size  }
0x9a: {  	s4 =	simm.s32 $_size__tile_overlayer_lowered;
	s5 =	simm.s32 $_tile_overlayer_lowered  }
0x9b: {  	s22 =	simm.s32 $0x1BFF;
	s21 =	sshll.u32 s5, $0x1;
	s2 =	sadd.s32 s19, s18  }
0x9c: {  	s6 =	simm.s32 $0x0;
	s20 =	sshll.u32 s4, $0x1;
	s4 =	sadd.s32 s21, s2  }
0x9d: {  	[timem:s6], [sflag:s22] =	dma.local [hbm:s4], s20  }
0x9e: {  	_ =	swait.ge [sflag:s22], s20  }
0x9f: {  	s3 =	ssub.s32 $0x0, s20;
	[sflag:s22] =	ssyncset.done $0x0  }
0xa0: {  	[sflag:s22] =	ssyncadd.s32 s3;
	_ =	sdelay $0x1  }
0xa1: {  	s23 =	simm.s32 $0x1B8B  }
0xa2: {  	_ =	swait.ge [sflag:s23], $0x1  }
0xa3: {  	[sflag:s23] =	ssyncset.done $0x0  }
0xa4: {  	s25 =	simm.s32 $0x1B8E;
	s24 =	sld [smem:$0x3FFE];
	[sflag:s23] =	ssyncadd.s32 $0xFFFFFFFF  }
0xa5: {  	s26 =	simm.s32 $execute0_lowered;
	[smem:$0x3FD2] =	sst s25  }
0xa6: {  	s4 =	sshll.u32 s26, $0x1;
	_ =	strace $0x80000049;
	[dreg:$0x1] =	wrdreg $0xFFFFFFFF  }
0xa7: {  	s28 =	simm.s32 $_size_execute0_lowered;
	s2 =	sadd.s32 s2, s4;
	[dreg:$0x0] =	wrdreg $0x0  }
0xa8: {  	s4 =	sshll.u32 s28, $0x1;
	[dreg:$0x2] =	wrdreg s2  }
0xa9: {  	[dreg:$0x3] =	wrdreg s4  }
0xaa: {  	[dreg:$0x4] =	wrdreg $0xC0  }
0xab: {  	_ =	task [dreg:s6], $0x5FFFF  }
0xac: {  	[dreg:$0x1] =	wrdreg $0xFFFFFFFF  }
0xad: {  	[dreg:$0x0] =	wrdreg $0x60  }
0xae: {  	[dreg:$0x2] =	wrdreg s24  }
0xaf: {  	[dreg:$0x3] =	wrdreg $0x0  }
0xb0: {  	[dreg:$0x4] =	wrdreg $0x9  }
0xb1: {  	_ =	task.clear_ibuf [dreg:s6], $0x5FFFF;
	_ =	strace $0x90000049  }
0xb2: {  	s29 =	simm.s32 $0x9;
	_ =	strace $0x8000004B  }
0xb3: {  	_ =	swait.ge [sflag:s29], $0x1  }
0xb4: {  	[sflag:s29] =	ssyncadd.s32 $0xFFFFFFFF  }
0xb5: {  	_ =	strace $0x9000004B  }
0xb6: {  	_ =	sfence  }
0xb7: {  	s30 =	sld [smem:$0x0];
	_ =	sdelay $0x2  }
0xb8: {  	s31 =	sshll.u32 s1, $0xD;
	s1 =	sshrl.u32 s1, $0x2  }
0xb9: {  	s3 =	sand.u32 $0x4000, s31;
	s1 =	sadd.s32 s1, s30  }
0xba: {  	s0 =	sor.u32 s3, s0;
	s1 =	sshll.u32 s1, $0x11  }
0xbb: {  	s0 =	sor.u32 s1, s0  }
0xbc: {  	s0 =	sadd.s32 $0x8F2B, s0  }
0xbd: {  	[sflag:s0] =	ssyncadd.remote.s32 $0x1  }
0xbe: {  	_ =	sfence.sel $0xFFFF  }
0xbf: {  	[dreg:$0x0] =	wrdreg $0xFFFFFFFF;
	(pc) =	sbr.abs _section_cstart, $3  }
0xc0: {  	[dreg:$0x1] =	wrdreg $0xFFFFFFFF  }
0xc1: {  	_ =	task.clear_ibuf [dreg:s6], $0x2FFFF;
	_ =	strace $0x9FFFFFFF  }
0xc2: {  	(tm) =	ssettm $0x7FFFFFFF  }
0xc3: {  	_ =	shalt  }
tec
execute0_lowered:
.L_overlay_start_1:
0x0: {  	(tag) =	ssettag $0x1  }
0x1: {  	s0 =	rddreg [dreg:$0x0]  }
0x2: {  	s2 =	srdreg.scid;
	s1 =	rddreg [dreg:$0x1];
	s3 =	simm.s32 $0x0  }
0x3: {  	s8 =	stileid.u32;
	s11 =	simm.s32 $0x14080;
	s13 =	simm.s32 $0x14100  }
0x4: {  	s15 =	simm.s32 $0x14880;
	s16 =	simm.s32 $0x14180;
	s17 =	simm.s32 $0x14900  }
0x5: {  	s18 =	simm.s32 $0x14200;
	s19 =	simm.s32 $0x14980;
	[smem:$0x7FF] =	sst s3  }
0x6: {  	s20 =	simm.s32 $0x14280;
	_ =	strace $0x8000004A;
	[dreg:$0x5] =	wrdreg s11  }
0x7: {  	s21 =	simm.s32 $0x14A00;
	s22 =	simm.s32 $0x14300;
	[dreg:$0x6] =	wrdreg s13  }
0x8: {  	s23 =	simm.s32 $0x14A80;
	s24 =	simm.s32 $0x14380;
	[dreg:$0x7] =	wrdreg s15  }
0x9: {  	s28 =	simm.s32 $0x14600;
	s29 =	simm.s32 $0x14D80;
	[dreg:$0x8] =	wrdreg s16  }
0xa: {  	s30 =	simm.s32 $0x14680;
	s7 =	smul.u32 $0x14000, s8;
	[dreg:$0x9] =	wrdreg s17  }
0xb: {  	s31 =	simm.s32 $0x14E00;
	s25 =	smul.u32 $0x500, s8;
	[dreg:$0xa] =	wrdreg s18  }
0xc: {  	s2 =	sand.u32 $0x1, s2;
	s8 =	smul.u32 $0x50000, s8;
	[dreg:$0xb] =	wrdreg s19  }
0xd: {  	s4 =	sadd.s32 $0x16400, s0;
	s5 =	smul.u32 $0x5000, s2;
	[dreg:$0xc] =	wrdreg s20  }
0xe: {  	s6 =	smul.u32 $0x140000, s2;
	s2 =	ssub.s32 $0x2, s2;
	[dreg:$0xd] =	wrdreg s21  }
0xf: {  	s13 =	simm.s32 $0x3;
	s15 =	simm.s32 $0x14800;
	[dreg:$0xe] =	wrdreg s22  }
0x10: {  	s16 =	simm.s32 $0x80;
	s17 =	simm.s32 $0x19000;
	[dreg:$0xf] =	wrdreg s23  }
0x11: {  	s18 =	simm.s32 $0x1;
	[dreg:$0x10] =	wrdreg s24;
	s19 =	simm.s32 $0x2  }
0x12: {  	s20 =	simm.s32 $0x14B80;
	s21 =	simm.s32 $0x14480;
	s22 =	simm.s32 $0x14C00  }
0x13: {  	s23 =	simm.s32 $0x14500;
	s24 =	simm.s32 $0x14C80;
	s26 =	sshrl.u32 s2, $0x1  }
0x14: {  	s9 =	sshrl.u32 s8, $0x2;
	s2 =	ssub.s32 s2, s26;
	s26 =	simm.s32 $0x14400  }
0x15: {  	s5 =	sadd.s32 s5, s0;
	s2 =	smax.u32 s2, $0x1;
	[dreg:$0x12] =	wrdreg s26  }
0x16: {  	s5 =	sadd.s32 s25, s5;
	s25 =	simm.s32 $0x14B00;
	[dreg:$0x19] =	wrdreg s2  }
0x17: {  	s6 =	sadd.s32 s7, s6;
	s7 =	sadd.s32 $0xC400, s5;
	[dreg:$0x11] =	wrdreg s25  }
0x18: {  	s6 =	sshrl.u32 s6, $0x3;
	s5 =	sadd.s32 $0x2400, s5;
	[dreg:$0x3] =	wrdreg s7  }
0x19: {  	s0 =	sadd.s32 s6, s0;
	s6 =	sadd.s32 s9, s1;
	[dreg:$0x4] =	wrdreg s5  }
0x1a: {  	s8 =	simm.s32 $0x14F80;
	s10 =	sadd.s32 $0x4000, s6;
	[dreg:$0x13] =	wrdreg s6  }
0x1b: {  	s26 =	simm.s32 $0x14D00;
	s12 =	sadd.s32 $0x8000, s6;
	[dreg:$0x14] =	wrdreg s10  }
0x1c: {  	s25 =	simm.s32 $0x14580;
	s14 =	sadd.s32 $0xC000, s6;
	[dreg:$0x15] =	wrdreg s12  }
0x1d: {  	s2 =	simm.s32 $0x14E80;
	s6 =	sadd.s32 $0x10000, s6;
	[dreg:$0x16] =	wrdreg s14  }
0x1e: {  	s9 =	simm.s32 $0x0;
	s0 =	sadd.s32 $0x3D600, s0;
	[dreg:$0x17] =	wrdreg s6  }
0x1f: {  	s7 =	simm.s32 $0x14F00;
	[dreg:$0x18] =	wrdreg s0;
	s12 =	simm.s32 $0x15000  }
0x20: {  	v0 =	vimm.f32 $0.0e+00;
	s14 =	simm.s32 $0x14000;
	s0 =	simm.s32 $0x14700;
	s6 =	simm.s32 $0x14780  }
.LBB2_1:
0x21: {  	s10 =	simm.s32 $0x0;
	s11 =	simm.s32 $0x200  }
.LBB2_2:
0x22: {  	p0 =	sne.s32 s11, $0xFE00;
	[tilespmem:s10+$0x15070] =	vst v0  }
0x23: {  	[tilespmem:s10+$0x15000] =	vst v0  }
0x24: {  	[tilespmem:s10+$0x15010] =	vst v0  }
.Ltmp0:
0x25: {  	[tilespmem:s10+$0x15020] =	vst v0;
	(pc) =	sbr.rel @p0 .LBB2_2-.Ltmp0, $4  }
0x26: {  	[tilespmem:s10+$0x15030] =	vst v0  }
0x27: {  	[tilespmem:s10+$0x15040] =	vst v0  }
0x28: {  	[tilespmem:s10+$0x15050] =	vst v0  }
0x29: {  	[tilespmem:s10+$0x15060] =	vst v0;
	s10 =	sshra.s32 s11, $0x2;
	s11 =	sadd.s32 $0x200, s11  }
0x2a: {  	[tilespmem:s10+$0x15070] =	vst v0  }
0x2b: {  	[tilespmem:s10+$0x15000] =	vst v0  }
0x2c: {  	[tilespmem:s10+$0x15010] =	vst v0  }
0x2d: {  	[tilespmem:s10+$0x15020] =	vst v0  }
0x2e: {  	[tilespmem:s10+$0x15030] =	vst v0  }
0x2f: {  	[tilespmem:s10+$0x15040] =	vst v0  }
0x30: {  	[dreg:$0x1a] =	wrdreg s9;
	[tilespmem:s10+$0x15050] =	vst v0  }
0x31: {  	[tilespmem:s10+$0x15060] =	vst v0;
	s5 =	rddreg [dreg:$0x13]  }
0x32: {  	[spmem:s5] =	stream.linear.scatter [tilespmem:s12], [sflag:$0x3], $0x4000, $0x38;
	[tilespmem:$0x1D000] =	vst v63  }
0x33: {  	_ =	swait.ge [sflag:s13], $0x4000  }
0x34: {  	[sflag:s13] =	ssyncset.done $0x0  }
0x35: {  	s10 =	rddreg [dreg:$0x14];
	[sflag:s13] =	ssyncadd.s32 $0xFFFFC000  }
0x36: {  	[spmem:s10] =	stream.linear.scatter [tilespmem:s12], [sflag:$0x3], $0x4000, $0x38;
	[tilespmem:$0x1D000] =	vst v63  }
0x37: {  	_ =	swait.ge [sflag:s13], $0x4000  }
0x38: {  	[sflag:s13] =	ssyncset.done $0x0  }
0x39: {  	s11 =	rddreg [dreg:$0x15];
	[sflag:s13] =	ssyncadd.s32 $0xFFFFC000  }
0x3a: {  	[spmem:s11] =	stream.linear.scatter [tilespmem:s12], [sflag:$0x3], $0x4000, $0x38;
	[tilespmem:$0x1D000] =	vst v63  }
0x3b: {  	_ =	swait.ge [sflag:s13], $0x4000  }
0x3c: {  	[sflag:s13] =	ssyncset.done $0x0  }
0x3d: {  	s9 =	rddreg [dreg:$0x16];
	[sflag:s13] =	ssyncadd.s32 $0xFFFFC000  }
0x3e: {  	[spmem:s9] =	stream.linear.scatter [tilespmem:s12], [sflag:$0x3], $0x4000, $0x38;
	[tilespmem:$0x1D000] =	vst v63  }
0x3f: {  	_ =	swait.ge [sflag:s13], $0x4000  }
0x40: {  	[sflag:s13] =	ssyncset.done $0x0  }
0x41: {  	s10 =	rddreg [dreg:$0x17];
	[sflag:s13] =	ssyncadd.s32 $0xFFFFC000  }
0x42: {  	[spmem:s10] =	stream.linear.scatter [tilespmem:s12], [sflag:$0x3], $0x4000, $0x38;
	[tilespmem:$0x1D000] =	vst v63  }
0x43: {  	_ =	swait.ge [sflag:s13], $0x4000  }
0x44: {  	[sflag:s13] =	ssyncset.done $0x0  }
0x45: {  	[sflag:s13] =	ssyncadd.s32 $0xFFFFC000  }
0x46: {  	[bflag:$0x0] =	sbarrier.arrive $0xFFFF  }
0x47: {  	s11 =	rddreg [dreg:$0x3]  }
0x48: {  	s5 =	sadd.s32 $0x0, s11  }
0x49: {  	[tilespmem:s14], [sflag:$0x3] =	stream.linear.gather [hbm4b:s5+s3], $0x800, $0x38;
	[tilespmem:$0x1D000] =	vst v63  }
0x4a: {  	_ =	swait.ge [sflag:s13], $0x800  }
0x4b: {  	s9 =	rddreg [dreg:$0x4];
	[sflag:s13] =	ssyncset.done $0x0  }
0x4c: {  	[sflag:s13] =	ssyncadd.s32 $0xFFFFF800;
	s5 =	sadd.s32 $0x0, s9  }
0x4d: {  	[tilespmem:s15], [sflag:$0x3] =	stream.linear.gather [hbm4b:s5+s3], $0x800, $0x38;
	[tilespmem:$0x1D000] =	vst v63  }
0x4e: {  	_ =	swait.ge [sflag:s13], $0x800  }
0x4f: {  	[sflag:s13] =	ssyncset.done $0x0  }
0x50: {  	[sflag:s13] =	ssyncadd.s32 $0xFFFFF800  }
0x51: {  	[tilespmem:s12], [sflag:$0x1] =	stream.indirect.gather [hbm4b:s4+s16], $0x80, s14, s16, $0xb8;
	[tilespmem:$0x1D000] =	vst v63  }
0x52: {  	s10 =	rddreg [dreg:$0x5]  }
0x53: {  	[tilespmem:s17], [sflag:$0x1] =	stream.indirect.gather [hbm4b:s4+s16], $0x80, s10, s16, $0xb8;
	[tilespmem:$0x1D000] =	vst v63  }
0x54: {  	_ =	swait.ge [sflag:s18], $0x4000  }
0x55: {  	[sflag:s18] =	ssyncset.done $0x0  }
0x56: {  	[sflag:s18] =	ssyncadd.s32 $0xFFFFC000  }
0x57: {  	[spmem:s1] =	stream.indirect.scatter.add.f32 [tilespmem:s12], [sflag:$0x2], $0x80, s15, s16, $0xb8;
	[tilespmem:$0x1D000] =	vst v63  }
0x58: {  	_ =	swait.ge [sflag:s19], $0x4000  }
0x59: {  	[sflag:s19] =	ssyncset.done $0x0  }
0x5a: {  	s11 =	rddreg [dreg:$0x6];
	[sflag:s19] =	ssyncadd.s32 $0xFFFFC000  }
0x5b: {  	[tilespmem:s12], [sflag:$0x1] =	stream.indirect.gather [hbm4b:s4+s16], $0x80, s11, s16, $0xb8;
	[tilespmem:$0x1D000] =	vst v63  }
0x5c: {  	_ =	swait.ge [sflag:s18], $0x4000  }
0x5d: {  	[sflag:s18] =	ssyncset.done $0x0  }
0x5e: {  	s9 =	rddreg [dreg:$0x7];
	[sflag:s18] =	ssyncadd.s32 $0xFFFFC000  }
0x5f: {  	[spmem:s1] =	stream.indirect.scatter.add.f32 [tilespmem:s17], [sflag:$0x2], $0x80, s9, s16, $0xb8;
	[tilespmem:$0x1D000] =	vst v63  }
0x60: {  	_ =	swait.ge [sflag:s19], $0x4000  }
0x61: {  	[sflag:s19] =	ssyncset.done $0x0  }
0x62: {  	s10 =	rddreg [dreg:$0x8];
	[sflag:s19] =	ssyncadd.s32 $0xFFFFC000  }
0x63: {  	[tilespmem:s17], [sflag:$0x1] =	stream.indirect.gather [hbm4b:s4+s16], $0x80, s10, s16, $0xb8;
	[tilespmem:$0x1D000] =	vst v63  }
0x64: {  	_ =	swait.ge [sflag:s18], $0x4000  }
0x65: {  	[sflag:s18] =	ssyncset.done $0x0  }
0x66: {  	s11 =	rddreg [dreg:$0x9];
	[sflag:s18] =	ssyncadd.s32 $0xFFFFC000  }
0x67: {  	[spmem:s1] =	stream.indirect.scatter.add.f32 [tilespmem:s12], [sflag:$0x2], $0x80, s11, s16, $0xb8;
	[tilespmem:$0x1D000] =	vst v63  }
0x68: {  	_ =	swait.ge [sflag:s19], $0x4000  }
0x69: {  	[sflag:s19] =	ssyncset.done $0x0  }
0x6a: {  	s9 =	rddreg [dreg:$0xa];
	[sflag:s19] =	ssyncadd.s32 $0xFFFFC000  }
0x6b: {  	[tilespmem:s12], [sflag:$0x1] =	stream.indirect.gather [hbm4b:s4+s16], $0x80, s9, s16, $0xb8;
	[tilespmem:$0x1D000] =	vst v63  }
0x6c: {  	_ =	swait.ge [sflag:s18], $0x4000  }
0x6d: {  	[sflag:s18] =	ssyncset.done $0x0  }
0x6e: {  	s10 =	rddreg [dreg:$0xb];
	[sflag:s18] =	ssyncadd.s32 $0xFFFFC000  }
0x6f: {  	[spmem:s1] =	stream.indirect.scatter.add.f32 [tilespmem:s17], [sflag:$0x2], $0x80, s10, s16, $0xb8;
	[tilespmem:$0x1D000] =	vst v63  }
0x70: {  	_ =	swait.ge [sflag:s19], $0x4000  }
0x71: {  	[sflag:s19] =	ssyncset.done $0x0  }
0x72: {  	s11 =	rddreg [dreg:$0xc];
	[sflag:s19] =	ssyncadd.s32 $0xFFFFC000  }
0x73: {  	[tilespmem:s17], [sflag:$0x1] =	stream.indirect.gather [hbm4b:s4+s16], $0x80, s11, s16, $0xb8;
	[tilespmem:$0x1D000] =	vst v63  }
0x74: {  	_ =	swait.ge [sflag:s18], $0x4000  }
0x75: {  	[sflag:s18] =	ssyncset.done $0x0  }
0x76: {  	s9 =	rddreg [dreg:$0xd];
	[sflag:s18] =	ssyncadd.s32 $0xFFFFC000  }
0x77: {  	[spmem:s1] =	stream.indirect.scatter.add.f32 [tilespmem:s12], [sflag:$0x2], $0x80, s9, s16, $0xb8;
	[tilespmem:$0x1D000] =	vst v63  }
0x78: {  	_ =	swait.ge [sflag:s19], $0x4000  }
0x79: {  	[sflag:s19] =	ssyncset.done $0x0  }
0x7a: {  	s10 =	rddreg [dreg:$0xe];
	[sflag:s19] =	ssyncadd.s32 $0xFFFFC000  }
0x7b: {  	[tilespmem:s12], [sflag:$0x1] =	stream.indirect.gather [hbm4b:s4+s16], $0x80, s10, s16, $0xb8;
	[tilespmem:$0x1D000] =	vst v63  }
0x7c: {  	_ =	swait.ge [sflag:s18], $0x4000  }
0x7d: {  	[sflag:s18] =	ssyncset.done $0x0  }
0x7e: {  	s11 =	rddreg [dreg:$0xf];
	[sflag:s18] =	ssyncadd.s32 $0xFFFFC000  }
0x7f: {  	[spmem:s1] =	stream.indirect.scatter.add.f32 [tilespmem:s17], [sflag:$0x2], $0x80, s11, s16, $0xb8;
	[tilespmem:$0x1D000] =	vst v63  }
0x80: {  	_ =	swait.ge [sflag:s19], $0x4000  }
0x81: {  	[sflag:s19] =	ssyncset.done $0x0  }
0x82: {  	s9 =	rddreg [dreg:$0x10];
	[sflag:s19] =	ssyncadd.s32 $0xFFFFC000  }
0x83: {  	[tilespmem:s17], [sflag:$0x1] =	stream.indirect.gather [hbm4b:s4+s16], $0x80, s9, s16, $0xb8;
	[tilespmem:$0x1D000] =	vst v63  }
0x84: {  	_ =	swait.ge [sflag:s18], $0x4000  }
0x85: {  	[sflag:s18] =	ssyncset.done $0x0  }
0x86: {  	s10 =	rddreg [dreg:$0x11];
	[sflag:s18] =	ssyncadd.s32 $0xFFFFC000  }
0x87: {  	[spmem:s1] =	stream.indirect.scatter.add.f32 [tilespmem:s12], [sflag:$0x2], $0x80, s10, s16, $0xb8;
	[tilespmem:$0x1D000] =	vst v63  }
0x88: {  	_ =	swait.ge [sflag:s19], $0x4000  }
0x89: {  	[sflag:s19] =	ssyncset.done $0x0  }
0x8a: {  	s11 =	rddreg [dreg:$0x12];
	[sflag:s19] =	ssyncadd.s32 $0xFFFFC000  }
0x8b: {  	[tilespmem:s12], [sflag:$0x1] =	stream.indirect.gather [hbm4b:s4+s16], $0x80, s11, s16, $0xb8;
	[tilespmem:$0x1D000] =	vst v63  }
0x8c: {  	_ =	swait.ge [sflag:s18], $0x4000  }
0x8d: {  	[sflag:s18] =	ssyncset.done $0x0  }
0x8e: {  	[sflag:s18] =	ssyncadd.s32 $0xFFFFC000  }
0x8f: {  	[spmem:s1] =	stream.indirect.scatter.add.f32 [tilespmem:s17], [sflag:$0x2], $0x80, s20, s16, $0xb8;
	[tilespmem:$0x1D000] =	vst v63  }
0x90: {  	_ =	swait.ge [sflag:s19], $0x4000  }
0x91: {  	[sflag:s19] =	ssyncset.done $0x0  }
0x92: {  	[sflag:s19] =	ssyncadd.s32 $0xFFFFC000  }
0x93: {  	[tilespmem:s17], [sflag:$0x1] =	stream.indirect.gather [hbm4b:s4+s16], $0x80, s21, s16, $0xb8;
	[tilespmem:$0x1D000] =	vst v63  }
0x94: {  	_ =	swait.ge [sflag:s18], $0x4000  }
0x95: {  	[sflag:s18] =	ssyncset.done $0x0  }
0x96: {  	[sflag:s18] =	ssyncadd.s32 $0xFFFFC000  }
0x97: {  	[spmem:s1] =	stream.indirect.scatter.add.f32 [tilespmem:s12], [sflag:$0x2], $0x80, s22, s16, $0xb8;
	[tilespmem:$0x1D000] =	vst v63  }
0x98: {  	_ =	swait.ge [sflag:s19], $0x4000  }
0x99: {  	[sflag:s19] =	ssyncset.done $0x0  }
0x9a: {  	[sflag:s19] =	ssyncadd.s32 $0xFFFFC000  }
0x9b: {  	[tilespmem:s12], [sflag:$0x1] =	stream.indirect.gather [hbm4b:s4+s16], $0x80, s23, s16, $0xb8;
	[tilespmem:$0x1D000] =	vst v63  }
0x9c: {  	_ =	swait.ge [sflag:s18], $0x4000  }
0x9d: {  	[sflag:s18] =	ssyncset.done $0x0  }
0x9e: {  	[sflag:s18] =	ssyncadd.s32 $0xFFFFC000  }
0x9f: {  	[spmem:s1] =	stream.indirect.scatter.add.f32 [tilespmem:s17], [sflag:$0x2], $0x80, s24, s16, $0xb8;
	[tilespmem:$0x1D000] =	vst v63  }
0xa0: {  	_ =	swait.ge [sflag:s19], $0x4000  }
0xa1: {  	[sflag:s19] =	ssyncset.done $0x0  }
0xa2: {  	[sflag:s19] =	ssyncadd.s32 $0xFFFFC000  }
0xa3: {  	[tilespmem:s17], [sflag:$0x1] =	stream.indirect.gather [hbm4b:s4+s16], $0x80, s25, s16, $0xb8;
	[tilespmem:$0x1D000] =	vst v63  }
0xa4: {  	_ =	swait.ge [sflag:s18], $0x4000  }
0xa5: {  	[sflag:s18] =	ssyncset.done $0x0  }
0xa6: {  	[sflag:s18] =	ssyncadd.s32 $0xFFFFC000  }
0xa7: {  	[spmem:s1] =	stream.indirect.scatter.add.f32 [tilespmem:s12], [sflag:$0x2], $0x80, s26, s16, $0xb8;
	[tilespmem:$0x1D000] =	vst v63  }
0xa8: {  	_ =	swait.ge [sflag:s19], $0x4000  }
0xa9: {  	[sflag:s19] =	ssyncset.done $0x0  }
0xaa: {  	[sflag:s19] =	ssyncadd.s32 $0xFFFFC000  }
0xab: {  	[tilespmem:s12], [sflag:$0x1] =	stream.indirect.gather [hbm4b:s4+s16], $0x80, s28, s16, $0xb8;
	[tilespmem:$0x1D000] =	vst v63  }
0xac: {  	_ =	swait.ge [sflag:s18], $0x4000  }
0xad: {  	[sflag:s18] =	ssyncset.done $0x0  }
0xae: {  	[sflag:s18] =	ssyncadd.s32 $0xFFFFC000  }
0xaf: {  	[spmem:s1] =	stream.indirect.scatter.add.f32 [tilespmem:s17], [sflag:$0x2], $0x80, s29, s16, $0xb8;
	[tilespmem:$0x1D000] =	vst v63  }
0xb0: {  	_ =	swait.ge [sflag:s19], $0x4000  }
0xb1: {  	[sflag:s19] =	ssyncset.done $0x0  }
0xb2: {  	[sflag:s19] =	ssyncadd.s32 $0xFFFFC000  }
0xb3: {  	[tilespmem:s17], [sflag:$0x1] =	stream.indirect.gather [hbm4b:s4+s16], $0x80, s30, s16, $0xb8;
	[tilespmem:$0x1D000] =	vst v63  }
0xb4: {  	_ =	swait.ge [sflag:s18], $0x4000  }
0xb5: {  	[sflag:s18] =	ssyncset.done $0x0  }
0xb6: {  	[sflag:s18] =	ssyncadd.s32 $0xFFFFC000  }
0xb7: {  	[spmem:s1] =	stream.indirect.scatter.add.f32 [tilespmem:s12], [sflag:$0x2], $0x80, s31, s16, $0xb8;
	[tilespmem:$0x1D000] =	vst v63  }
0xb8: {  	_ =	swait.ge [sflag:s19], $0x4000  }
0xb9: {  	[sflag:s19] =	ssyncset.done $0x0  }
0xba: {  	[sflag:s19] =	ssyncadd.s32 $0xFFFFC000  }
0xbb: {  	[tilespmem:s12], [sflag:$0x1] =	stream.indirect.gather [hbm4b:s4+s16], $0x80, s0, s16, $0xb8;
	[tilespmem:$0x1D000] =	vst v63  }
0xbc: {  	_ =	swait.ge [sflag:s18], $0x4000  }
0xbd: {  	[sflag:s18] =	ssyncset.done $0x0  }
0xbe: {  	[sflag:s18] =	ssyncadd.s32 $0xFFFFC000  }
0xbf: {  	[spmem:s1] =	stream.indirect.scatter.add.f32 [tilespmem:s17], [sflag:$0x2], $0x80, s2, s16, $0xb8;
	[tilespmem:$0x1D000] =	vst v63  }
0xc0: {  	_ =	swait.ge [sflag:s19], $0x4000  }
0xc1: {  	[sflag:s19] =	ssyncset.done $0x0  }
0xc2: {  	[sflag:s19] =	ssyncadd.s32 $0xFFFFC000  }
0xc3: {  	[tilespmem:s17], [sflag:$0x1] =	stream.indirect.gather [hbm4b:s4+s16], $0x80, s6, s16, $0xb8;
	[tilespmem:$0x1D000] =	vst v63  }
0xc4: {  	_ =	swait.ge [sflag:s18], $0x4000  }
0xc5: {  	[sflag:s18] =	ssyncset.done $0x0  }
0xc6: {  	[sflag:s18] =	ssyncadd.s32 $0xFFFFC000  }
0xc7: {  	[spmem:s1] =	stream.indirect.scatter.add.f32 [tilespmem:s12], [sflag:$0x2], $0x80, s7, s16, $0xb8;
	[tilespmem:$0x1D000] =	vst v63  }
0xc8: {  	_ =	swait.ge [sflag:s18], $0x4000  }
0xc9: {  	[sflag:s18] =	ssyncset.done $0x0  }
0xca: {  	[sflag:s18] =	ssyncadd.s32 $0xFFFFC000  }
0xcb: {  	[spmem:s1] =	stream.indirect.scatter.add.f32 [tilespmem:s17], [sflag:$0x2], $0x80, s8, s16, $0xb8;
	[tilespmem:$0x1D000] =	vst v63  }
0xcc: {  	_ =	swait.ge [sflag:s19], $0x4000  }
0xcd: {  	[sflag:s19] =	ssyncset.done $0x0  }
0xce: {  	[sflag:s19] =	ssyncadd.s32 $0xFFFFC000  }
0xcf: {  	s10 =	simm.s32 $0x100;
	_ =	swait.ge [sflag:s19], $0x4000  }
0xd0: {  	s11 =	simm.s32 $0x200;
	s5 =	rddreg [dreg:$0x3];
	[sflag:s19] =	ssyncset.done $0x0  }
.LBB2_4:
0xd1: {  	[sflag:s19] =	ssyncadd.s32 $0xFFFFC000;
	s5 =	sadd.s32 s10, s5  }
0xd2: {  	[tilespmem:s14], [sflag:$0x3] =	stream.linear.gather [hbm4b:s5+s3], $0x800, $0x38;
	[tilespmem:$0x1D000] =	vst v63  }
0xd3: {  	_ =	swait.ge [sflag:s13], $0x800  }
0xd4: {  	s5 =	rddreg [dreg:$0x4];
	[sflag:s13] =	ssyncset.done $0x0  }
0xd5: {  	[sflag:s13] =	ssyncadd.s32 $0xFFFFF800;
	s5 =	sadd.s32 s10, s5  }
0xd6: {  	[tilespmem:s15], [sflag:$0x3] =	stream.linear.gather [hbm4b:s5+s3], $0x800, $0x38;
	[tilespmem:$0x1D000] =	vst v63  }
0xd7: {  	_ =	swait.ge [sflag:s13], $0x800  }
0xd8: {  	[sflag:s13] =	ssyncset.done $0x0  }
0xd9: {  	s9 =	smov.u32 s11;
	[sflag:s13] =	ssyncadd.s32 $0xFFFFF800  }
0xda: {  	[tilespmem:s12], [sflag:$0x1] =	stream.indirect.gather [hbm4b:s4+s16], $0x80, s14, s16, $0xb8;
	[tilespmem:$0x1D000] =	vst v63  }
0xdb: {  	s10 =	smov.u32 s9;
	s9 =	rddreg [dreg:$0x5]  }
0xdc: {  	[tilespmem:s17], [sflag:$0x1] =	stream.indirect.gather [hbm4b:s4+s16], $0x80, s9, s16, $0xb8;
	[tilespmem:$0x1D000] =	vst v63  }
0xdd: {  	_ =	swait.ge [sflag:s18], $0x4000  }
0xde: {  	[sflag:s18] =	ssyncset.done $0x0  }
0xdf: {  	[sflag:s18] =	ssyncadd.s32 $0xFFFFC000  }
0xe0: {  	[spmem:s1] =	stream.indirect.scatter.add.f32 [tilespmem:s12], [sflag:$0x2], $0x80, s15, s16, $0xb8;
	[tilespmem:$0x1D000] =	vst v63  }
0xe1: {  	_ =	swait.ge [sflag:s19], $0x4000  }
0xe2: {  	[sflag:s19] =	ssyncset.done $0x0  }
0xe3: {  	s9 =	rddreg [dreg:$0x6];
	[sflag:s19] =	ssyncadd.s32 $0xFFFFC000  }
0xe4: {  	[tilespmem:s12], [sflag:$0x1] =	stream.indirect.gather [hbm4b:s4+s16], $0x80, s9, s16, $0xb8;
	[tilespmem:$0x1D000] =	vst v63  }
0xe5: {  	_ =	swait.ge [sflag:s18], $0x4000  }
0xe6: {  	[sflag:s18] =	ssyncset.done $0x0  }
0xe7: {  	s9 =	rddreg [dreg:$0x7];
	[sflag:s18] =	ssyncadd.s32 $0xFFFFC000  }
0xe8: {  	[spmem:s1] =	stream.indirect.scatter.add.f32 [tilespmem:s17], [sflag:$0x2], $0x80, s9, s16, $0xb8;
	[tilespmem:$0x1D000] =	vst v63  }
0xe9: {  	_ =	swait.ge [sflag:s19], $0x4000  }
0xea: {  	[sflag:s19] =	ssyncset.done $0x0  }
0xeb: {  	s9 =	rddreg [dreg:$0x8];
	[sflag:s19] =	ssyncadd.s32 $0xFFFFC000  }
0xec: {  	[tilespmem:s17], [sflag:$0x1] =	stream.indirect.gather [hbm4b:s4+s16], $0x80, s9, s16, $0xb8;
	[tilespmem:$0x1D000] =	vst v63  }
0xed: {  	_ =	swait.ge [sflag:s18], $0x4000  }
0xee: {  	[sflag:s18] =	ssyncset.done $0x0  }
0xef: {  	s9 =	rddreg [dreg:$0x9];
	[sflag:s18] =	ssyncadd.s32 $0xFFFFC000  }
0xf0: {  	[spmem:s1] =	stream.indirect.scatter.add.f32 [tilespmem:s12], [sflag:$0x2], $0x80, s9, s16, $0xb8;
	[tilespmem:$0x1D000] =	vst v63  }
0xf1: {  	_ =	swait.ge [sflag:s19], $0x4000  }
0xf2: {  	[sflag:s19] =	ssyncset.done $0x0  }
0xf3: {  	s9 =	rddreg [dreg:$0xa];
	[sflag:s19] =	ssyncadd.s32 $0xFFFFC000  }
0xf4: {  	[tilespmem:s12], [sflag:$0x1] =	stream.indirect.gather [hbm4b:s4+s16], $0x80, s9, s16, $0xb8;
	[tilespmem:$0x1D000] =	vst v63  }
0xf5: {  	_ =	swait.ge [sflag:s18], $0x4000  }
0xf6: {  	[sflag:s18] =	ssyncset.done $0x0  }
0xf7: {  	s9 =	rddreg [dreg:$0xb];
	[sflag:s18] =	ssyncadd.s32 $0xFFFFC000  }
0xf8: {  	[spmem:s1] =	stream.indirect.scatter.add.f32 [tilespmem:s17], [sflag:$0x2], $0x80, s9, s16, $0xb8;
	[tilespmem:$0x1D000] =	vst v63  }
0xf9: {  	_ =	swait.ge [sflag:s19], $0x4000  }
0xfa: {  	[sflag:s19] =	ssyncset.done $0x0  }
0xfb: {  	s9 =	rddreg [dreg:$0xc];
	[sflag:s19] =	ssyncadd.s32 $0xFFFFC000  }
0xfc: {  	[tilespmem:s17], [sflag:$0x1] =	stream.indirect.gather [hbm4b:s4+s16], $0x80, s9, s16, $0xb8;
	[tilespmem:$0x1D000] =	vst v63  }
0xfd: {  	_ =	swait.ge [sflag:s18], $0x4000  }
0xfe: {  	[sflag:s18] =	ssyncset.done $0x0  }
0xff: {  	s9 =	rddreg [dreg:$0xd];
	[sflag:s18] =	ssyncadd.s32 $0xFFFFC000  }
0x100: {  	[spmem:s1] =	stream.indirect.scatter.add.f32 [tilespmem:s12], [sflag:$0x2], $0x80, s9, s16, $0xb8;
	[tilespmem:$0x1D000] =	vst v63  }
0x101: {  	_ =	swait.ge [sflag:s19], $0x4000  }
0x102: {  	[sflag:s19] =	ssyncset.done $0x0  }
0x103: {  	s9 =	rddreg [dreg:$0xe];
	[sflag:s19] =	ssyncadd.s32 $0xFFFFC000  }
0x104: {  	[tilespmem:s12], [sflag:$0x1] =	stream.indirect.gather [hbm4b:s4+s16], $0x80, s9, s16, $0xb8;
	[tilespmem:$0x1D000] =	vst v63  }
0x105: {  	_ =	swait.ge [sflag:s18], $0x4000  }
0x106: {  	[sflag:s18] =	ssyncset.done $0x0  }
0x107: {  	s9 =	rddreg [dreg:$0xf];
	[sflag:s18] =	ssyncadd.s32 $0xFFFFC000  }
0x108: {  	[spmem:s1] =	stream.indirect.scatter.add.f32 [tilespmem:s17], [sflag:$0x2], $0x80, s9, s16, $0xb8;
	[tilespmem:$0x1D000] =	vst v63  }
0x109: {  	_ =	swait.ge [sflag:s19], $0x4000  }
0x10a: {  	[sflag:s19] =	ssyncset.done $0x0  }
0x10b: {  	s9 =	rddreg [dreg:$0x10];
	[sflag:s19] =	ssyncadd.s32 $0xFFFFC000  }
0x10c: {  	[tilespmem:s17], [sflag:$0x1] =	stream.indirect.gather [hbm4b:s4+s16], $0x80, s9, s16, $0xb8;
	[tilespmem:$0x1D000] =	vst v63  }
0x10d: {  	_ =	swait.ge [sflag:s18], $0x4000  }
0x10e: {  	[sflag:s18] =	ssyncset.done $0x0  }
0x10f: {  	s9 =	rddreg [dreg:$0x11];
	[sflag:s18] =	ssyncadd.s32 $0xFFFFC000  }
0x110: {  	[spmem:s1] =	stream.indirect.scatter.add.f32 [tilespmem:s12], [sflag:$0x2], $0x80, s9, s16, $0xb8;
	[tilespmem:$0x1D000] =	vst v63  }
0x111: {  	_ =	swait.ge [sflag:s19], $0x4000  }
0x112: {  	[sflag:s19] =	ssyncset.done $0x0  }
0x113: {  	s9 =	rddreg [dreg:$0x12];
	[sflag:s19] =	ssyncadd.s32 $0xFFFFC000  }
0x114: {  	[tilespmem:s12], [sflag:$0x1] =	stream.indirect.gather [hbm4b:s4+s16], $0x80, s9, s16, $0xb8;
	[tilespmem:$0x1D000] =	vst v63  }
0x115: {  	_ =	swait.ge [sflag:s18], $0x4000  }
0x116: {  	[sflag:s18] =	ssyncset.done $0x0  }
0x117: {  	[sflag:s18] =	ssyncadd.s32 $0xFFFFC000  }
0x118: {  	[spmem:s1] =	stream.indirect.scatter.add.f32 [tilespmem:s17], [sflag:$0x2], $0x80, s20, s16, $0xb8;
	[tilespmem:$0x1D000] =	vst v63  }
0x119: {  	_ =	swait.ge [sflag:s19], $0x4000  }
0x11a: {  	[sflag:s19] =	ssyncset.done $0x0  }
0x11b: {  	[sflag:s19] =	ssyncadd.s32 $0xFFFFC000  }
0x11c: {  	[tilespmem:s17], [sflag:$0x1] =	stream.indirect.gather [hbm4b:s4+s16], $0x80, s21, s16, $0xb8;
	[tilespmem:$0x1D000] =	vst v63  }
0x11d: {  	_ =	swait.ge [sflag:s18], $0x4000  }
0x11e: {  	[sflag:s18] =	ssyncset.done $0x0  }
0x11f: {  	[sflag:s18] =	ssyncadd.s32 $0xFFFFC000  }
0x120: {  	[spmem:s1] =	stream.indirect.scatter.add.f32 [tilespmem:s12], [sflag:$0x2], $0x80, s22, s16, $0xb8;
	[tilespmem:$0x1D000] =	vst v63  }
0x121: {  	_ =	swait.ge [sflag:s19], $0x4000  }
0x122: {  	[sflag:s19] =	ssyncset.done $0x0  }
0x123: {  	[sflag:s19] =	ssyncadd.s32 $0xFFFFC000  }
0x124: {  	[tilespmem:s12], [sflag:$0x1] =	stream.indirect.gather [hbm4b:s4+s16], $0x80, s23, s16, $0xb8;
	[tilespmem:$0x1D000] =	vst v63  }
0x125: {  	_ =	swait.ge [sflag:s18], $0x4000  }
0x126: {  	[sflag:s18] =	ssyncset.done $0x0  }
0x127: {  	[sflag:s18] =	ssyncadd.s32 $0xFFFFC000  }
0x128: {  	[spmem:s1] =	stream.indirect.scatter.add.f32 [tilespmem:s17], [sflag:$0x2], $0x80, s24, s16, $0xb8;
	[tilespmem:$0x1D000] =	vst v63  }
0x129: {  	_ =	swait.ge [sflag:s19], $0x4000  }
0x12a: {  	[sflag:s19] =	ssyncset.done $0x0  }
0x12b: {  	[sflag:s19] =	ssyncadd.s32 $0xFFFFC000  }
0x12c: {  	[tilespmem:s17], [sflag:$0x1] =	stream.indirect.gather [hbm4b:s4+s16], $0x80, s25, s16, $0xb8;
	[tilespmem:$0x1D000] =	vst v63  }
0x12d: {  	_ =	swait.ge [sflag:s18], $0x4000  }
0x12e: {  	[sflag:s18] =	ssyncset.done $0x0  }
0x12f: {  	[sflag:s18] =	ssyncadd.s32 $0xFFFFC000  }
0x130: {  	[spmem:s1] =	stream.indirect.scatter.add.f32 [tilespmem:s12], [sflag:$0x2], $0x80, s26, s16, $0xb8;
	[tilespmem:$0x1D000] =	vst v63  }
0x131: {  	_ =	swait.ge [sflag:s19], $0x4000  }
0x132: {  	[sflag:s19] =	ssyncset.done $0x0  }
0x133: {  	[sflag:s19] =	ssyncadd.s32 $0xFFFFC000  }
0x134: {  	[tilespmem:s12], [sflag:$0x1] =	stream.indirect.gather [hbm4b:s4+s16], $0x80, s28, s16, $0xb8;
	[tilespmem:$0x1D000] =	vst v63  }
0x135: {  	_ =	swait.ge [sflag:s18], $0x4000  }
0x136: {  	[sflag:s18] =	ssyncset.done $0x0  }
0x137: {  	[sflag:s18] =	ssyncadd.s32 $0xFFFFC000  }
0x138: {  	[spmem:s1] =	stream.indirect.scatter.add.f32 [tilespmem:s17], [sflag:$0x2], $0x80, s29, s16, $0xb8;
	[tilespmem:$0x1D000] =	vst v63  }
0x139: {  	_ =	swait.ge [sflag:s19], $0x4000  }
0x13a: {  	[sflag:s19] =	ssyncset.done $0x0  }
0x13b: {  	[sflag:s19] =	ssyncadd.s32 $0xFFFFC000  }
0x13c: {  	[tilespmem:s17], [sflag:$0x1] =	stream.indirect.gather [hbm4b:s4+s16], $0x80, s30, s16, $0xb8;
	[tilespmem:$0x1D000] =	vst v63  }
0x13d: {  	_ =	swait.ge [sflag:s18], $0x4000  }
0x13e: {  	[sflag:s18] =	ssyncset.done $0x0  }
0x13f: {  	[sflag:s18] =	ssyncadd.s32 $0xFFFFC000  }
0x140: {  	[spmem:s1] =	stream.indirect.scatter.add.f32 [tilespmem:s12], [sflag:$0x2], $0x80, s31, s16, $0xb8;
	[tilespmem:$0x1D000] =	vst v63  }
0x141: {  	_ =	swait.ge [sflag:s19], $0x4000  }
0x142: {  	[sflag:s19] =	ssyncset.done $0x0  }
0x143: {  	[sflag:s19] =	ssyncadd.s32 $0xFFFFC000  }
0x144: {  	[tilespmem:s12], [sflag:$0x1] =	stream.indirect.gather [hbm4b:s4+s16], $0x80, s0, s16, $0xb8;
	[tilespmem:$0x1D000] =	vst v63  }
0x145: {  	_ =	swait.ge [sflag:s18], $0x4000  }
0x146: {  	[sflag:s18] =	ssyncset.done $0x0  }
0x147: {  	[sflag:s18] =	ssyncadd.s32 $0xFFFFC000  }
0x148: {  	[spmem:s1] =	stream.indirect.scatter.add.f32 [tilespmem:s17], [sflag:$0x2], $0x80, s2, s16, $0xb8;
	[tilespmem:$0x1D000] =	vst v63  }
0x149: {  	_ =	swait.ge [sflag:s19], $0x4000  }
0x14a: {  	[sflag:s19] =	ssyncset.done $0x0  }
0x14b: {  	[sflag:s19] =	ssyncadd.s32 $0xFFFFC000  }
0x14c: {  	[tilespmem:s17], [sflag:$0x1] =	stream.indirect.gather [hbm4b:s4+s16], $0x80, s6, s16, $0xb8;
	[tilespmem:$0x1D000] =	vst v63  }
0x14d: {  	_ =	swait.ge [sflag:s18], $0x4000  }
0x14e: {  	[sflag:s18] =	ssyncset.done $0x0  }
0x14f: {  	[sflag:s18] =	ssyncadd.s32 $0xFFFFC000  }
0x150: {  	[spmem:s1] =	stream.indirect.scatter.add.f32 [tilespmem:s12], [sflag:$0x2], $0x80, s7, s16, $0xb8;
	[tilespmem:$0x1D000] =	vst v63  }
0x151: {  	_ =	swait.ge [sflag:s18], $0x4000  }
0x152: {  	[sflag:s18] =	ssyncset.done $0x0  }
0x153: {  	p0 =	sne.s32 s11, $0x400;
	[sflag:s18] =	ssyncadd.s32 $0xFFFFC000  }
0x154: {  	[spmem:s1] =	stream.indirect.scatter.add.f32 [tilespmem:s17], [sflag:$0x2], $0x80, s8, s16, $0xb8;
	[tilespmem:$0x1D000] =	vst v63  }
.Ltmp1:
0x155: {  	_ =	swait.ge [sflag:s19], $0x4000;
	(pc) =	sbr.rel @p0 .LBB2_4-.Ltmp1, $4  }
0x156: {  	[sflag:s19] =	ssyncset.done $0x0  }
0x157: {  	[sflag:s19] =	ssyncadd.s32 $0xFFFFC000  }
0x158: {  	_ =	swait.ge [sflag:s19], $0x4000  }
0x159: {  	s11 =	sadd.s32 $0x100, s11;
	s5 =	rddreg [dreg:$0x3];
	[sflag:s19] =	ssyncset.done $0x0  }
0x15a: {  	[sflag:s19] =	ssyncadd.s32 $0xFFFFC000;
	s5 =	sadd.s32 s10, s5  }
0x15b: {  	[tilespmem:s14], [sflag:$0x3] =	stream.linear.gather [hbm4b:s5+s3], $0x800, $0x38;
	[tilespmem:$0x1D000] =	vst v63  }
0x15c: {  	_ =	swait.ge [sflag:s13], $0x800  }
0x15d: {  	s9 =	rddreg [dreg:$0x4];
	[sflag:s13] =	ssyncset.done $0x0  }
0x15e: {  	[sflag:s13] =	ssyncadd.s32 $0xFFFFF800;
	s5 =	sadd.s32 s10, s9  }
0x15f: {  	[tilespmem:s15], [sflag:$0x3] =	stream.linear.gather [hbm4b:s5+s3], $0x800, $0x38;
	[tilespmem:$0x1D000] =	vst v63  }
0x160: {  	_ =	swait.ge [sflag:s13], $0x800  }
0x161: {  	[sflag:s13] =	ssyncset.done $0x0  }
0x162: {  	[sflag:s13] =	ssyncadd.s32 $0xFFFFF800  }
0x163: {  	[tilespmem:s12], [sflag:$0x1] =	stream.indirect.gather [hbm4b:s4+s16], $0x80, s14, s16, $0xb8;
	[tilespmem:$0x1D000] =	vst v63  }
0x164: {  	s11 =	rddreg [dreg:$0x5]  }
0x165: {  	[tilespmem:s17], [sflag:$0x1] =	stream.indirect.gather [hbm4b:s4+s16], $0x80, s11, s16, $0xb8;
	[tilespmem:$0x1D000] =	vst v63  }
0x166: {  	_ =	swait.ge [sflag:s18], $0x4000  }
0x167: {  	[sflag:s18] =	ssyncset.done $0x0  }
0x168: {  	[sflag:s18] =	ssyncadd.s32 $0xFFFFC000  }
0x169: {  	[spmem:s1] =	stream.indirect.scatter.add.f32 [tilespmem:s12], [sflag:$0x2], $0x80, s15, s16, $0xb8;
	[tilespmem:$0x1D000] =	vst v63  }
0x16a: {  	_ =	swait.ge [sflag:s19], $0x4000  }
0x16b: {  	[sflag:s19] =	ssyncset.done $0x0  }
0x16c: {  	s9 =	rddreg [dreg:$0x6];
	[sflag:s19] =	ssyncadd.s32 $0xFFFFC000  }
0x16d: {  	[tilespmem:s12], [sflag:$0x1] =	stream.indirect.gather [hbm4b:s4+s16], $0x80, s9, s16, $0xb8;
	[tilespmem:$0x1D000] =	vst v63  }
0x16e: {  	_ =	swait.ge [sflag:s18], $0x4000  }
0x16f: {  	[sflag:s18] =	ssyncset.done $0x0  }
0x170: {  	s10 =	rddreg [dreg:$0x7];
	[sflag:s18] =	ssyncadd.s32 $0xFFFFC000  }
0x171: {  	[spmem:s1] =	stream.indirect.scatter.add.f32 [tilespmem:s17], [sflag:$0x2], $0x80, s10, s16, $0xb8;
	[tilespmem:$0x1D000] =	vst v63  }
0x172: {  	_ =	swait.ge [sflag:s19], $0x4000  }
0x173: {  	[sflag:s19] =	ssyncset.done $0x0  }
0x174: {  	s11 =	rddreg [dreg:$0x8];
	[sflag:s19] =	ssyncadd.s32 $0xFFFFC000  }
0x175: {  	[tilespmem:s17], [sflag:$0x1] =	stream.indirect.gather [hbm4b:s4+s16], $0x80, s11, s16, $0xb8;
	[tilespmem:$0x1D000] =	vst v63  }
0x176: {  	_ =	swait.ge [sflag:s18], $0x4000  }
0x177: {  	[sflag:s18] =	ssyncset.done $0x0  }
0x178: {  	s9 =	rddreg [dreg:$0x9];
	[sflag:s18] =	ssyncadd.s32 $0xFFFFC000  }
0x179: {  	[spmem:s1] =	stream.indirect.scatter.add.f32 [tilespmem:s12], [sflag:$0x2], $0x80, s9, s16, $0xb8;
	[tilespmem:$0x1D000] =	vst v63  }
0x17a: {  	_ =	swait.ge [sflag:s19], $0x4000  }
0x17b: {  	[sflag:s19] =	ssyncset.done $0x0  }
0x17c: {  	s10 =	rddreg [dreg:$0xa];
	[sflag:s19] =	ssyncadd.s32 $0xFFFFC000  }
0x17d: {  	[tilespmem:s12], [sflag:$0x1] =	stream.indirect.gather [hbm4b:s4+s16], $0x80, s10, s16, $0xb8;
	[tilespmem:$0x1D000] =	vst v63  }
0x17e: {  	_ =	swait.ge [sflag:s18], $0x4000  }
0x17f: {  	[sflag:s18] =	ssyncset.done $0x0  }
0x180: {  	s11 =	rddreg [dreg:$0xb];
	[sflag:s18] =	ssyncadd.s32 $0xFFFFC000  }
0x181: {  	[spmem:s1] =	stream.indirect.scatter.add.f32 [tilespmem:s17], [sflag:$0x2], $0x80, s11, s16, $0xb8;
	[tilespmem:$0x1D000] =	vst v63  }
0x182: {  	_ =	swait.ge [sflag:s19], $0x4000  }
0x183: {  	[sflag:s19] =	ssyncset.done $0x0  }
0x184: {  	s9 =	rddreg [dreg:$0xc];
	[sflag:s19] =	ssyncadd.s32 $0xFFFFC000  }
0x185: {  	[tilespmem:s17], [sflag:$0x1] =	stream.indirect.gather [hbm4b:s4+s16], $0x80, s9, s16, $0xb8;
	[tilespmem:$0x1D000] =	vst v63  }
0x186: {  	_ =	swait.ge [sflag:s18], $0x4000  }
0x187: {  	[sflag:s18] =	ssyncset.done $0x0  }
0x188: {  	s10 =	rddreg [dreg:$0xd];
	[sflag:s18] =	ssyncadd.s32 $0xFFFFC000  }
0x189: {  	[spmem:s1] =	stream.indirect.scatter.add.f32 [tilespmem:s12], [sflag:$0x2], $0x80, s10, s16, $0xb8;
	[tilespmem:$0x1D000] =	vst v63  }
0x18a: {  	_ =	swait.ge [sflag:s19], $0x4000  }
0x18b: {  	[sflag:s19] =	ssyncset.done $0x0  }
0x18c: {  	s11 =	rddreg [dreg:$0xe];
	[sflag:s19] =	ssyncadd.s32 $0xFFFFC000  }
0x18d: {  	[tilespmem:s12], [sflag:$0x1] =	stream.indirect.gather [hbm4b:s4+s16], $0x80, s11, s16, $0xb8;
	[tilespmem:$0x1D000] =	vst v63  }
0x18e: {  	_ =	swait.ge [sflag:s18], $0x4000  }
0x18f: {  	[sflag:s18] =	ssyncset.done $0x0  }
0x190: {  	s9 =	rddreg [dreg:$0xf];
	[sflag:s18] =	ssyncadd.s32 $0xFFFFC000  }
0x191: {  	[spmem:s1] =	stream.indirect.scatter.add.f32 [tilespmem:s17], [sflag:$0x2], $0x80, s9, s16, $0xb8;
	[tilespmem:$0x1D000] =	vst v63  }
0x192: {  	_ =	swait.ge [sflag:s19], $0x4000  }
0x193: {  	[sflag:s19] =	ssyncset.done $0x0  }
0x194: {  	s10 =	rddreg [dreg:$0x10];
	[sflag:s19] =	ssyncadd.s32 $0xFFFFC000  }
0x195: {  	[tilespmem:s17], [sflag:$0x1] =	stream.indirect.gather [hbm4b:s4+s16], $0x80, s10, s16, $0xb8;
	[tilespmem:$0x1D000] =	vst v63  }
0x196: {  	_ =	swait.ge [sflag:s18], $0x4000  }
0x197: {  	[sflag:s18] =	ssyncset.done $0x0  }
0x198: {  	s11 =	rddreg [dreg:$0x11];
	[sflag:s18] =	ssyncadd.s32 $0xFFFFC000  }
0x199: {  	[spmem:s1] =	stream.indirect.scatter.add.f32 [tilespmem:s12], [sflag:$0x2], $0x80, s11, s16, $0xb8;
	[tilespmem:$0x1D000] =	vst v63  }
0x19a: {  	_ =	swait.ge [sflag:s19], $0x4000  }
0x19b: {  	[sflag:s19] =	ssyncset.done $0x0  }
0x19c: {  	s9 =	rddreg [dreg:$0x12];
	[sflag:s19] =	ssyncadd.s32 $0xFFFFC000  }
0x19d: {  	[tilespmem:s12], [sflag:$0x1] =	stream.indirect.gather [hbm4b:s4+s16], $0x80, s9, s16, $0xb8;
	[tilespmem:$0x1D000] =	vst v63  }
0x19e: {  	_ =	swait.ge [sflag:s18], $0x4000  }
0x19f: {  	[sflag:s18] =	ssyncset.done $0x0  }
0x1a0: {  	[sflag:s18] =	ssyncadd.s32 $0xFFFFC000  }
0x1a1: {  	[spmem:s1] =	stream.indirect.scatter.add.f32 [tilespmem:s17], [sflag:$0x2], $0x80, s20, s16, $0xb8;
	[tilespmem:$0x1D000] =	vst v63  }
0x1a2: {  	_ =	swait.ge [sflag:s19], $0x4000  }
0x1a3: {  	[sflag:s19] =	ssyncset.done $0x0  }
0x1a4: {  	[sflag:s19] =	ssyncadd.s32 $0xFFFFC000  }
0x1a5: {  	[tilespmem:s17], [sflag:$0x1] =	stream.indirect.gather [hbm4b:s4+s16], $0x80, s21, s16, $0xb8;
	[tilespmem:$0x1D000] =	vst v63  }
0x1a6: {  	_ =	swait.ge [sflag:s18], $0x4000  }
0x1a7: {  	[sflag:s18] =	ssyncset.done $0x0  }
0x1a8: {  	[sflag:s18] =	ssyncadd.s32 $0xFFFFC000  }
0x1a9: {  	[spmem:s1] =	stream.indirect.scatter.add.f32 [tilespmem:s12], [sflag:$0x2], $0x80, s22, s16, $0xb8;
	[tilespmem:$0x1D000] =	vst v63  }
0x1aa: {  	_ =	swait.ge [sflag:s19], $0x4000  }
0x1ab: {  	[sflag:s19] =	ssyncset.done $0x0  }
0x1ac: {  	[sflag:s19] =	ssyncadd.s32 $0xFFFFC000  }
0x1ad: {  	[tilespmem:s12], [sflag:$0x1] =	stream.indirect.gather [hbm4b:s4+s16], $0x80, s23, s16, $0xb8;
	[tilespmem:$0x1D000] =	vst v63  }
0x1ae: {  	_ =	swait.ge [sflag:s18], $0x4000  }
0x1af: {  	[sflag:s18] =	ssyncset.done $0x0  }
0x1b0: {  	[sflag:s18] =	ssyncadd.s32 $0xFFFFC000  }
0x1b1: {  	[spmem:s1] =	stream.indirect.scatter.add.f32 [tilespmem:s17], [sflag:$0x2], $0x80, s24, s16, $0xb8;
	[tilespmem:$0x1D000] =	vst v63  }
0x1b2: {  	_ =	swait.ge [sflag:s19], $0x4000  }
0x1b3: {  	[sflag:s19] =	ssyncset.done $0x0  }
0x1b4: {  	[sflag:s19] =	ssyncadd.s32 $0xFFFFC000  }
0x1b5: {  	[tilespmem:s17], [sflag:$0x1] =	stream.indirect.gather [hbm4b:s4+s16], $0x80, s25, s16, $0xb8;
	[tilespmem:$0x1D000] =	vst v63  }
0x1b6: {  	_ =	swait.ge [sflag:s18], $0x4000  }
0x1b7: {  	[sflag:s18] =	ssyncset.done $0x0  }
0x1b8: {  	[sflag:s18] =	ssyncadd.s32 $0xFFFFC000  }
0x1b9: {  	[spmem:s1] =	stream.indirect.scatter.add.f32 [tilespmem:s12], [sflag:$0x2], $0x80, s26, s16, $0xb8;
	[tilespmem:$0x1D000] =	vst v63  }
0x1ba: {  	_ =	swait.ge [sflag:s19], $0x4000  }
0x1bb: {  	[sflag:s19] =	ssyncset.done $0x0  }
0x1bc: {  	[sflag:s19] =	ssyncadd.s32 $0xFFFFC000  }
0x1bd: {  	[tilespmem:s12], [sflag:$0x1] =	stream.indirect.gather [hbm4b:s4+s16], $0x80, s28, s16, $0xb8;
	[tilespmem:$0x1D000] =	vst v63  }
0x1be: {  	_ =	swait.ge [sflag:s18], $0x4000  }
0x1bf: {  	[sflag:s18] =	ssyncset.done $0x0  }
0x1c0: {  	[sflag:s18] =	ssyncadd.s32 $0xFFFFC000  }
0x1c1: {  	[spmem:s1] =	stream.indirect.scatter.add.f32 [tilespmem:s17], [sflag:$0x2], $0x80, s29, s16, $0xb8;
	[tilespmem:$0x1D000] =	vst v63  }
0x1c2: {  	_ =	swait.ge [sflag:s19], $0x4000  }
0x1c3: {  	[sflag:s19] =	ssyncset.done $0x0  }
0x1c4: {  	[sflag:s19] =	ssyncadd.s32 $0xFFFFC000  }
0x1c5: {  	[tilespmem:s17], [sflag:$0x1] =	stream.indirect.gather [hbm4b:s4+s16], $0x80, s30, s16, $0xb8;
	[tilespmem:$0x1D000] =	vst v63  }
0x1c6: {  	_ =	swait.ge [sflag:s18], $0x4000  }
0x1c7: {  	[sflag:s18] =	ssyncset.done $0x0  }
0x1c8: {  	[sflag:s18] =	ssyncadd.s32 $0xFFFFC000  }
0x1c9: {  	[spmem:s1] =	stream.indirect.scatter.add.f32 [tilespmem:s12], [sflag:$0x2], $0x80, s31, s16, $0xb8;
	[tilespmem:$0x1D000] =	vst v63  }
0x1ca: {  	_ =	swait.ge [sflag:s19], $0x4000  }
0x1cb: {  	[sflag:s19] =	ssyncset.done $0x0  }
0x1cc: {  	[sflag:s19] =	ssyncadd.s32 $0xFFFFC000  }
0x1cd: {  	[tilespmem:s12], [sflag:$0x1] =	stream.indirect.gather [hbm4b:s4+s16], $0x80, s0, s16, $0xb8;
	[tilespmem:$0x1D000] =	vst v63  }
0x1ce: {  	_ =	swait.ge [sflag:s18], $0x4000  }
0x1cf: {  	[sflag:s18] =	ssyncset.done $0x0  }
0x1d0: {  	[sflag:s18] =	ssyncadd.s32 $0xFFFFC000  }
0x1d1: {  	[spmem:s1] =	stream.indirect.scatter.add.f32 [tilespmem:s17], [sflag:$0x2], $0x80, s2, s16, $0xb8;
	[tilespmem:$0x1D000] =	vst v63  }
0x1d2: {  	_ =	swait.ge [sflag:s19], $0x4000  }
0x1d3: {  	[sflag:s19] =	ssyncset.done $0x0  }
0x1d4: {  	[sflag:s19] =	ssyncadd.s32 $0xFFFFC000  }
0x1d5: {  	[tilespmem:s17], [sflag:$0x1] =	stream.indirect.gather [hbm4b:s4+s16], $0x80, s6, s16, $0xb8;
	[tilespmem:$0x1D000] =	vst v63  }
0x1d6: {  	_ =	swait.ge [sflag:s18], $0x4000  }
0x1d7: {  	[sflag:s18] =	ssyncset.done $0x0  }
0x1d8: {  	[sflag:s18] =	ssyncadd.s32 $0xFFFFC000  }
0x1d9: {  	[spmem:s1] =	stream.indirect.scatter.add.f32 [tilespmem:s12], [sflag:$0x2], $0x80, s7, s16, $0xb8;
	[tilespmem:$0x1D000] =	vst v63  }
0x1da: {  	_ =	swait.ge [sflag:s18], $0x4000  }
0x1db: {  	[sflag:s18] =	ssyncset.done $0x0  }
0x1dc: {  	[sflag:s18] =	ssyncadd.s32 $0xFFFFC000  }
0x1dd: {  	[spmem:s1] =	stream.indirect.scatter.add.f32 [tilespmem:s17], [sflag:$0x2], $0x80, s8, s16, $0xb8;
	[tilespmem:$0x1D000] =	vst v63  }
0x1de: {  	_ =	swait.ge [sflag:s19], $0x4000  }
0x1df: {  	[sflag:s19] =	ssyncset.done $0x0  }
0x1e0: {  	[sflag:s19] =	ssyncadd.s32 $0xFFFFC000  }
0x1e1: {  	_ =	swait.ge [sflag:s19], $0x4000  }
0x1e2: {  	[sflag:s19] =	ssyncset.done $0x0  }
0x1e3: {  	[sflag:s19] =	ssyncadd.s32 $0xFFFFC000  }
0x1e4: {  	s10 =	stileid.u32;
	[bflag:$0x0] =	sbarrier.arrive $0xFFFF  }
0x1e5: {  	s5 =	sshll.u32 s10, $0x6;
	s9 =	rddreg [dreg:$0x13]  }
0x1e6: {  	s5 =	sor.u32 $0x1C03, s5;
	s11 =	rddreg [dreg:$0x18];
	s9 =	sshrl.u32 s9, $0x3  }
0x1e7: {  	[hbm:s11], [sflag:s5] =	dma.local [spmem:s9], $0x2800  }
0x1e8: {  	_ =	swait.ge [sflag:s13], $0x2800  }
0x1e9: {  	s10 =	rddreg [dreg:$0x1a]  }
0x1ea: {  	s11 =	rddreg [dreg:$0x19];
	s9 =	sadd.s32 $0x1, s10  }
0x1eb: {  	p0 =	sne.s32 s9, s11  }
.Ltmp2:
0x1ec: {  	_ = 	snop;
	(pc) =	sbr.rel @p0 .LBB2_1-.Ltmp2, $3  }
0x1ed: {  	_ =	sdelay $0x1  }
0x1ee: {  	[sflag:s13] =	ssyncset.done $0x0  }
0x1ef: {  	[sflag:s13] =	ssyncadd.s32 $0xFFFFD800  }
0x1f0: {  	_ =	sfence.sel $0x180000  }
0x1f1: {  	[bflag:$0x0] =	sbarrier.arrive $0xFFFF  }
0x1f2: {  	_ =	strace $0x9000004A  }
0x1f3: {  	s0 =	stileid.u32;
	[bflag:$0x2] =	sbarrier.arrive $0xFFFF  }
0x1f4: {  	p0 =	sne.s32 s0, $0x0;
	s0 =	rddreg [dreg:$0x2]  }
0x1f5: {  	s0 =	sadd.s32 @!p0 $0x100000, s0  }
0x1f6: {  	[sflag:s0] =	ssyncadd.tile.s32 @!p0 $0x1;
	_ =	shalt  }
.Lfunc_end2:
_tile_overlayer_lowered:
.L_overlay_start_2:
0x1f7: {  	(tag) =	ssettag $0x2  }
0x1f8: {  	s0 =	rddreg [dreg:$0x0];
	s2 =	stileid.u32  }
0x1f9: {  	s1 =	rddreg [dreg:$0x1];
	p0 =	sne.s32 s2, $0x0  }
0x1fa: {  	s3 =	rddreg [dreg:$0x2];
	[bflag:$0x3] =	sbarrier.arrive $0xFFFF;
	s2 =	simm.s32 @!p0 $0x1C03  }
0x1fb: {  	[timem:s3], [sflag:s2] =	dma.local @!p0 [hbm:s0], s1  }
0x1fc: {  	s0 =	simm.s32 @!p0 $0x3  }
0x1fd: {  	_ =	swait.ge @!p0 [sflag:s0], s1  }
0x1fe: {  	s1 =	ssub.s32 @!p0 $0x0, s1;
	[sflag:s0] =	ssyncset.done @!p0 $0x0  }
0x1ff: {  	[sflag:s0] =	ssyncadd.s32 @!p0 s1  }
0x200: {  	[bflag:$0x3] =	sbarrier.arrive $0xFFFF  }
0x201: {  	_ =	shalt  }

// kernel: kernel.15.cloned.1.call-start
scs
__scs_entry_jumppad:
0x0: {  	(pc) =	sbr.rel $0x88, $3  }
0x1: {  	(tag) =	ssettag $0x0;
	lr =	simm.s32 $0x1  }
0x2: {  	[smem:$0x3F97] =	sst lr;
	_ =	strace $0xD0000000  }
0x3: {  	_ = 	snop  }
0x4: {  	_ = 	snop  }
0x5: {  	_ = 	snop  }
0x6: {  	_ = 	snop  }
0x7: {  	_ = 	snop  }
__scs_overlays_trampoline_lowered:
0x8: {  	[smem:$0x3FA6] =	sst s0  }
0x9: {  	[smem:$0x3FA7] =	sst s1  }
0xa: {  	[smem:$0x3FA8] =	sst s2  }
0xb: {  	[smem:$0x3FA9] =	sst s3  }
0xc: {  	[smem:$0x3FAA] =	sst s4  }
0xd: {  	[smem:$0x3FAB] =	sst s5  }
0xe: {  	[smem:$0x3FAC] =	sst s6  }
0xf: {  	[smem:$0x3FAD] =	sst s7  }
0x10: {  	[smem:$0x3FAE] =	sst s8  }
0x11: {  	[smem:$0x3FAF] =	sst s9;
	s0 =	simm.s32 @!p0 $0x0  }
0x12: {  	s1 =	sld [smem:$0x3F95];
	s0 =	simm.s32 @p0 $0x1  }
0x13: {  	[smem:$0x3FB0] =	sst s0;
	s0 =	simm.s32 @!p1 $0x0  }
0x14: {  	s2 =	sld [smem:$0x3F94];
	s0 =	simm.s32 @p1 $0x1  }
0x15: {  	[smem:$0x3FB1] =	sst s0;
	s0 =	simm.s32 @!p2 $0x0  }
0x16: {  	s3 =	sld [smem:$0x3FDB];
	s0 =	simm.s32 @p2 $0x1  }
0x17: {  	s4 =	simm.s32 $0x1BF5;
	[smem:$0x3FB3] =	sst s0  }
0x18: {  	s0 =	sld [smem:$0x3F96];
	_ =	swait.ge [sflag:s4], $0x0  }
0x19: {  	s7 =	sld [smem:$0x3F97]  }
0x1a: {  	s8 =	sadd.s32 $0xFFFFE003, lr  }
0x1b: {  	s9 =	sadd.s32 $0xFFFFFEF7, lr;
	s5 =	simm.s32 $0xFFFFFFFF;
	p2 =	slt.u32 s8, $0xFFFFF086  }
0x1c: {  	p1 =	slt.u32 s9, $0xF7A;
	s5 =	simm.s32 @!p2 $0x0  }
0x1d: {  	s5 =	simm.s32 @p1 $0x1;
	p0 =	seq.s32 s7, s2  }
0x1e: {  	s7 =	smul.u32 @!p0 $0xF7A, s2;
	p2 =	seq.s32 @!p0 s5, $0x0  }
0x1f: {  	s9 =	smul.u32 $0xF7A, s1;
	s8 =	simm.s32 @!p0 $0x1BF5;
	p2 =	por !p2, p0  }
0x20: {  	[sflag:s8] =	ssyncset.s32 @!p0 $0xFFFFF086;
	s6 =	sadd.s32 @!p0 s3, s7;
	s7 =	simm.s32 @!p0 $0x108  }
0x21: {  	s3 =	sadd.s32 s3, s9;
	s6 =	sadd.s32 @!p0 $0x88, s6;
	s7 =	simm.s32 @p2 $0x1082  }
0x22: {  	[simem:s7], [sflag:s8] =	dma.local @!p0 [hbm:s6], $0xF7A  }
0x23: {  	s9 =	sor.u32 $0xD0000000, s2;
	s6 =	simm.s32 $0x108;
	_ =	swait.ge @!p0 [sflag:s8], $0x0  }
0x24: {  	s3 =	sadd.s32 $0x88, s3;
	s6 =	simm.s32 @!p1 $0x1082;
	[sflag:s4] =	ssyncset.s32 $0xFFFFF086  }
0x25: {  	[simem:s6], [sflag:s4] =	dma.local [hbm:s3], $0xF7A  }
0x26: {  	[smem:$0x3F97] =	sst s1;
	(tag) =	ssettag s2;
	_ =	strace s9  }
0x27: {  	s1 =	sld [smem:$0x3FA7]  }
0x28: {  	s2 =	sld [smem:$0x3FA8]  }
0x29: {  	s4 =	sld [smem:$0x3FAA]  }
0x2a: {  	p0 =	seq.s32 s5, $0x0;
	s5 =	sld [smem:$0x3FAB]  }
0x2b: {  	s6 =	sld [smem:$0x3FAC]  }
0x2c: {  	s7 =	sld [smem:$0x3FAD]  }
0x2d: {  	s3 =	simm.s32 $0x108;
	s8 =	sld [smem:$0x3FAE]  }
0x2e: {  	s3 =	simm.s32 @!p0 $0x1082;
	s9 =	sld [smem:$0x3FAF]  }
0x2f: {  	lr =	sadd.s32 s0, s3;
	s0 =	sld [smem:$0x3FA6]  }
0x30: {  	s3 =	sld [smem:$0x3FA9]  }
0x31: {  	[smem:$0x3FB2] =	sst s10  }
0x32: {  	s10 =	sld [smem:$0x3FB0];
	_ =	sdelay $0x3  }
0x33: {  	p0 =	seq.s32 s10, $0x1;
	s10 =	sld [smem:$0x3FB2];
	_ =	sdelay $0x3  }
0x34: {  	[smem:$0x3FB2] =	sst s10  }
0x35: {  	s10 =	sld [smem:$0x3FB1];
	_ =	sdelay $0x3  }
0x36: {  	p1 =	seq.s32 s10, $0x1;
	s10 =	sld [smem:$0x3FB2];
	_ =	sdelay $0x3  }
0x37: {  	[smem:$0x3FB2] =	sst s10  }
0x38: {  	s10 =	sld [smem:$0x3FB3]  }
0x39: {  	_ = 	snop;
	(pc) =	sbr.ind lr, $3  }
0x3a: {  	_ = 	snop  }
0x3b: {  	_ = 	snop  }
0x3c: {  	p2 =	seq.s32 s10, $0x1;
	s10 =	sld [smem:$0x3FB2]  }
0x3d: {  	_ =	shalt  }
0x3e: {  	_ =	shalt  }
0x3f: {  	_ =	shalt  }
0x40: {  	_ =	shalt  }
0x41: {  	_ =	shalt  }
0x42: {  	_ =	shalt  }
0x43: {  	_ =	shalt  }
0x44: {  	_ =	shalt  }
0x45: {  	_ =	shalt  }
0x46: {  	_ =	shalt  }
0x47: {  	_ =	shalt  }
0x48: {  	_ =	shalt  }
0x49: {  	_ =	shalt  }
0x4a: {  	_ =	shalt  }
0x4b: {  	_ =	shalt  }
0x4c: {  	_ =	shalt  }
0x4d: {  	_ =	shalt  }
0x4e: {  	_ =	shalt  }
0x4f: {  	_ =	shalt  }
0x50: {  	_ =	shalt  }
0x51: {  	_ =	shalt  }
0x52: {  	_ =	shalt  }
0x53: {  	_ =	shalt  }
0x54: {  	_ =	shalt  }
0x55: {  	_ =	shalt  }
0x56: {  	_ =	shalt  }
0x57: {  	_ =	shalt  }
0x58: {  	_ =	shalt  }
0x59: {  	_ =	shalt  }
0x5a: {  	_ =	shalt  }
0x5b: {  	_ =	shalt  }
0x5c: {  	_ =	shalt  }
0x5d: {  	_ =	shalt  }
0x5e: {  	_ =	shalt  }
0x5f: {  	_ =	shalt  }
0x60: {  	_ =	shalt  }
0x61: {  	_ =	shalt  }
0x62: {  	_ =	shalt  }
0x63: {  	_ =	shalt  }
0x64: {  	_ =	shalt  }
0x65: {  	_ =	shalt  }
0x66: {  	_ =	shalt  }
0x67: {  	_ =	shalt  }
0x68: {  	_ =	shalt  }
0x69: {  	_ =	shalt  }
0x6a: {  	_ =	shalt  }
0x6b: {  	_ =	shalt  }
0x6c: {  	_ =	shalt  }
0x6d: {  	_ =	shalt  }
0x6e: {  	_ =	shalt  }
0x6f: {  	_ =	shalt  }
0x70: {  	_ =	shalt  }
0x71: {  	_ =	shalt  }
0x72: {  	_ =	shalt  }
0x73: {  	_ =	shalt  }
0x74: {  	_ =	shalt  }
0x75: {  	_ =	shalt  }
0x76: {  	_ =	shalt  }
0x77: {  	_ =	shalt  }
0x78: {  	_ =	shalt  }
0x79: {  	_ =	shalt  }
0x7a: {  	_ =	shalt  }
0x7b: {  	_ =	shalt  }
0x7c: {  	_ =	shalt  }
0x7d: {  	_ =	shalt  }
0x7e: {  	_ =	shalt  }
0x7f: {  	_ =	shalt  }
0x80: {  	_ =	shalt  }
0x81: {  	_ =	shalt  }
0x82: {  	_ =	shalt  }
0x83: {  	_ =	shalt  }
0x84: {  	_ =	shalt  }
0x85: {  	_ =	shalt  }
0x86: {  	_ =	shalt  }
0x87: {  	_ =	shalt  }
.Lfunc_end0:
.L_simem_size_0:
called_computation.2_lowered:
.L_overlay_start_0:
0x88: {  	s2 =	sld [smem:$0x3FD9]  }
0x89: {  	s3 =	sld [smem:$0x3FFE];
	_ =	sdelay $0x1  }
0x8a: {  	s1 =	srdreg.scid  }
0x8b: {  	s0 =	sand.u32 $0x1, s1  }
0x8c: {  	s16 =	sshll.u32 s0, $0xA;
	s2 =	sadd.s32 s3, s2  }
0x8d: {  	s2 =	sadd.s32 s2, s16  }
0x8e: {  	[smem:$0x3FBE] =	sst s2  }
0x8f: {  	_ = 	snop  }
0x90: {  	(tm) =	ssettm $0x1  }
0x91: {  	s17 =	sld [smem:$0x3FFB];
	_ =	sdelay $0x3  }
0x92: {  	_ =	strace s17  }
0x93: {  	s2 =	sld [smem:$0x3FFC];
	_ =	sdelay $0x3  }
0x94: {  	_ =	strace s2  }
0x95: {  	s2 =	sld [smem:$0x3FFD];
	_ =	sdelay $0x3  }
0x96: {  	_ =	strace s2  }
0x97: {  	_ =	strace $0x8FFFFFFF  }
0x98: {  	s18 =	sld [smem:$0x3FDB];
	_ =	sdelay $0x1  }
0x99: {  	s19 =	simm.s32 $_scs_section_size  }
0x9a: {  	s4 =	simm.s32 $_size__tile_overlayer_lowered;
	s5 =	simm.s32 $_tile_overlayer_lowered  }
0x9b: {  	s22 =	simm.s32 $0x1BFF;
	s21 =	sshll.u32 s5, $0x1;
	s2 =	sadd.s32 s19, s18  }
0x9c: {  	s6 =	simm.s32 $0x0;
	s20 =	sshll.u32 s4, $0x1;
	s4 =	sadd.s32 s21, s2  }
0x9d: {  	[timem:s6], [sflag:s22] =	dma.local [hbm:s4], s20  }
0x9e: {  	_ =	swait.ge [sflag:s22], s20  }
0x9f: {  	s3 =	ssub.s32 $0x0, s20;
	[sflag:s22] =	ssyncset.done $0x0  }
0xa0: {  	[sflag:s22] =	ssyncadd.s32 s3;
	_ =	sdelay $0x1  }
0xa1: {  	s23 =	simm.s32 $0x1B8B  }
0xa2: {  	_ =	swait.ge [sflag:s23], $0x1  }
0xa3: {  	[sflag:s23] =	ssyncset.done $0x0  }
0xa4: {  	s25 =	simm.s32 $0x1B8E;
	s24 =	sld [smem:$0x3FFE];
	[sflag:s23] =	ssyncadd.s32 $0xFFFFFFFF  }
0xa5: {  	s26 =	simm.s32 $execute0_lowered;
	[smem:$0x3FD2] =	sst s25  }
0xa6: {  	s4 =	sshll.u32 s26, $0x1;
	_ =	strace $0x8000004C;
	[dreg:$0x1] =	wrdreg $0xFFFFFFFF  }
0xa7: {  	s28 =	simm.s32 $_size_execute0_lowered;
	s2 =	sadd.s32 s2, s4;
	[dreg:$0x0] =	wrdreg $0x0  }
0xa8: {  	s4 =	sshll.u32 s28, $0x1;
	[dreg:$0x2] =	wrdreg s2  }
0xa9: {  	[dreg:$0x3] =	wrdreg s4  }
0xaa: {  	[dreg:$0x4] =	wrdreg $0xC0  }
0xab: {  	_ =	task [dreg:s6], $0x5FFFF  }
0xac: {  	[dreg:$0x1] =	wrdreg $0xFFFFFFFF  }
0xad: {  	[dreg:$0x0] =	wrdreg $0x60  }
0xae: {  	[dreg:$0x2] =	wrdreg s24  }
0xaf: {  	[dreg:$0x3] =	wrdreg $0x0  }
0xb0: {  	[dreg:$0x4] =	wrdreg $0x9  }
0xb1: {  	_ =	task.clear_ibuf [dreg:s6], $0x5FFFF;
	_ =	strace $0x9000004C  }
0xb2: {  	s29 =	simm.s32 $0x9;
	_ =	strace $0x8000004E  }
0xb3: {  	_ =	swait.ge [sflag:s29], $0x1  }
0xb4: {  	[sflag:s29] =	ssyncadd.s32 $0xFFFFFFFF  }
0xb5: {  	_ =	strace $0x9000004E  }
0xb6: {  	_ =	sfence  }
0xb7: {  	s30 =	sld [smem:$0x0];
	_ =	sdelay $0x2  }
0xb8: {  	s31 =	sshll.u32 s1, $0xD;
	s1 =	sshrl.u32 s1, $0x2  }
0xb9: {  	s3 =	sand.u32 $0x4000, s31;
	s1 =	sadd.s32 s1, s30  }
0xba: {  	s0 =	sor.u32 s3, s0;
	s1 =	sshll.u32 s1, $0x11  }
0xbb: {  	s0 =	sor.u32 s1, s0  }
0xbc: {  	s0 =	sadd.s32 $0x8F2B, s0  }
0xbd: {  	[sflag:s0] =	ssyncadd.remote.s32 $0x1  }
0xbe: {  	_ =	sfence.sel $0xFFFF  }
0xbf: {  	[dreg:$0x0] =	wrdreg $0xFFFFFFFF;
	(pc) =	sbr.abs _section_cstart, $3  }
0xc0: {  	[dreg:$0x1] =	wrdreg $0xFFFFFFFF  }
0xc1: {  	_ =	task.clear_ibuf [dreg:s6], $0x2FFFF;
	_ =	strace $0x9FFFFFFF  }
0xc2: {  	(tm) =	ssettm $0x7FFFFFFF  }
0xc3: {  	_ =	shalt  }
tec
execute0_lowered:
.L_overlay_start_1:
0x0: {  	(tag) =	ssettag $0x1  }
0x1: {  	s0 =	rddreg [dreg:$0x0]  }
0x2: {  	s2 =	srdreg.scid;
	s1 =	rddreg [dreg:$0x1];
	s3 =	simm.s32 $0x0  }
0x3: {  	s8 =	stileid.u32;
	s11 =	simm.s32 $0x14080;
	s13 =	simm.s32 $0x14100  }
0x4: {  	s15 =	simm.s32 $0x14880;
	s16 =	simm.s32 $0x14180;
	s17 =	simm.s32 $0x14900  }
0x5: {  	s18 =	simm.s32 $0x14200;
	s19 =	simm.s32 $0x14980;
	[smem:$0x7FF] =	sst s3  }
0x6: {  	s20 =	simm.s32 $0x14280;
	_ =	strace $0x8000004D;
	[dreg:$0x5] =	wrdreg s11  }
0x7: {  	s21 =	simm.s32 $0x14A00;
	s22 =	simm.s32 $0x14300;
	[dreg:$0x6] =	wrdreg s13  }
0x8: {  	s23 =	simm.s32 $0x14A80;
	s24 =	simm.s32 $0x14380;
	[dreg:$0x7] =	wrdreg s15  }
0x9: {  	s28 =	simm.s32 $0x14600;
	s29 =	simm.s32 $0x14D80;
	[dreg:$0x8] =	wrdreg s16  }
0xa: {  	s30 =	simm.s32 $0x14680;
	s7 =	smul.u32 $0x14000, s8;
	[dreg:$0x9] =	wrdreg s17  }
0xb: {  	s31 =	simm.s32 $0x14E00;
	s25 =	smul.u32 $0x500, s8;
	[dreg:$0xa] =	wrdreg s18  }
0xc: {  	s2 =	sand.u32 $0x1, s2;
	s8 =	smul.u32 $0x50000, s8;
	[dreg:$0xb] =	wrdreg s19  }
0xd: {  	s4 =	sadd.s32 $0x16400, s0;
	s5 =	smul.u32 $0x5000, s2;
	[dreg:$0xc] =	wrdreg s20  }
0xe: {  	s6 =	smul.u32 $0x140000, s2;
	s2 =	ssub.s32 $0x2, s2;
	[dreg:$0xd] =	wrdreg s21  }
0xf: {  	s13 =	simm.s32 $0x3;
	s15 =	simm.s32 $0x14800;
	[dreg:$0xe] =	wrdreg s22  }
0x10: {  	s16 =	simm.s32 $0x80;
	s17 =	simm.s32 $0x19000;
	[dreg:$0xf] =	wrdreg s23  }
0x11: {  	s18 =	simm.s32 $0x1;
	[dreg:$0x10] =	wrdreg s24;
	s19 =	simm.s32 $0x2  }
0x12: {  	s20 =	simm.s32 $0x14B80;
	s21 =	simm.s32 $0x14480;
	s22 =	simm.s32 $0x14C00  }
0x13: {  	s23 =	simm.s32 $0x14500;
	s24 =	simm.s32 $0x14C80;
	s26 =	sshrl.u32 s2, $0x1  }
0x14: {  	s9 =	sshrl.u32 s8, $0x2;
	s2 =	ssub.s32 s2, s26;
	s26 =	simm.s32 $0x14400  }
0x15: {  	s5 =	sadd.s32 s5, s0;
	s2 =	smax.u32 s2, $0x1;
	[dreg:$0x12] =	wrdreg s26  }
0x16: {  	s5 =	sadd.s32 s25, s5;
	s25 =	simm.s32 $0x14B00;
	[dreg:$0x19] =	wrdreg s2  }
0x17: {  	s6 =	sadd.s32 s7, s6;
	s7 =	sadd.s32 $0xC400, s5;
	[dreg:$0x11] =	wrdreg s25  }
0x18: {  	s6 =	sshrl.u32 s6, $0x3;
	s5 =	sadd.s32 $0x2400, s5;
	[dreg:$0x3] =	wrdreg s7  }
0x19: {  	s0 =	sadd.s32 s6, s0;
	s6 =	sadd.s32 s9, s1;
	[dreg:$0x4] =	wrdreg s5  }
0x1a: {  	s8 =	simm.s32 $0x14F80;
	s10 =	sadd.s32 $0x4000, s6;
	[dreg:$0x13] =	wrdreg s6  }
0x1b: {  	s26 =	simm.s32 $0x14D00;
	s12 =	sadd.s32 $0x8000, s6;
	[dreg:$0x14] =	wrdreg s10  }
0x1c: {  	s25 =	simm.s32 $0x14580;
	s14 =	sadd.s32 $0xC000, s6;
	[dreg:$0x15] =	wrdreg s12  }
0x1d: {  	s2 =	simm.s32 $0x14E80;
	s6 =	sadd.s32 $0x10000, s6;
	[dreg:$0x16] =	wrdreg s14  }
0x1e: {  	s9 =	simm.s32 $0x0;
	s0 =	sadd.s32 $0x3D600, s0;
	[dreg:$0x17] =	wrdreg s6  }
0x1f: {  	s7 =	simm.s32 $0x14F00;
	[dreg:$0x18] =	wrdreg s0;
	s12 =	simm.s32 $0x15000  }
0x20: {  	v0 =	vimm.f32 $0.0e+00;
	s14 =	simm.s32 $0x14000;
	s0 =	simm.s32 $0x14700;
	s6 =	simm.s32 $0x14780  }
.LBB2_1:
0x21: {  	s10 =	simm.s32 $0x0;
	s11 =	simm.s32 $0x200  }
.LBB2_2:
0x22: {  	p0 =	sne.s32 s11, $0xFE00;
	[tilespmem:s10+$0x15070] =	vst v0  }
0x23: {  	[tilespmem:s10+$0x15000] =	vst v0  }
0x24: {  	[tilespmem:s10+$0x15010] =	vst v0  }
.Ltmp0:
0x25: {  	[tilespmem:s10+$0x15020] =	vst v0;
	(pc) =	sbr.rel @p0 .LBB2_2-.Ltmp0, $4  }
0x26: {  	[tilespmem:s10+$0x15030] =	vst v0  }
0x27: {  	[tilespmem:s10+$0x15040] =	vst v0  }
0x28: {  	[tilespmem:s10+$0x15050] =	vst v0  }
0x29: {  	[tilespmem:s10+$0x15060] =	vst v0;
	s10 =	sshra.s32 s11, $0x2;
	s11 =	sadd.s32 $0x200, s11  }
0x2a: {  	[tilespmem:s10+$0x15070] =	vst v0  }
0x2b: {  	[tilespmem:s10+$0x15000] =	vst v0  }
0x2c: {  	[tilespmem:s10+$0x15010] =	vst v0  }
0x2d: {  	[tilespmem:s10+$0x15020] =	vst v0  }
0x2e: {  	[tilespmem:s10+$0x15030] =	vst v0  }
0x2f: {  	[tilespmem:s10+$0x15040] =	vst v0  }
0x30: {  	[dreg:$0x1a] =	wrdreg s9;
	[tilespmem:s10+$0x15050] =	vst v0  }
0x31: {  	[tilespmem:s10+$0x15060] =	vst v0;
	s5 =	rddreg [dreg:$0x13]  }
0x32: {  	[spmem:s5] =	stream.linear.scatter [tilespmem:s12], [sflag:$0x3], $0x4000, $0x38;
	[tilespmem:$0x1D000] =	vst v63  }
0x33: {  	_ =	swait.ge [sflag:s13], $0x4000  }
0x34: {  	[sflag:s13] =	ssyncset.done $0x0  }
0x35: {  	s10 =	rddreg [dreg:$0x14];
	[sflag:s13] =	ssyncadd.s32 $0xFFFFC000  }
0x36: {  	[spmem:s10] =	stream.linear.scatter [tilespmem:s12], [sflag:$0x3], $0x4000, $0x38;
	[tilespmem:$0x1D000] =	vst v63  }
0x37: {  	_ =	swait.ge [sflag:s13], $0x4000  }
0x38: {  	[sflag:s13] =	ssyncset.done $0x0  }
0x39: {  	s11 =	rddreg [dreg:$0x15];
	[sflag:s13] =	ssyncadd.s32 $0xFFFFC000  }
0x3a: {  	[spmem:s11] =	stream.linear.scatter [tilespmem:s12], [sflag:$0x3], $0x4000, $0x38;
	[tilespmem:$0x1D000] =	vst v63  }
0x3b: {  	_ =	swait.ge [sflag:s13], $0x4000  }
0x3c: {  	[sflag:s13] =	ssyncset.done $0x0  }
0x3d: {  	s9 =	rddreg [dreg:$0x16];
	[sflag:s13] =	ssyncadd.s32 $0xFFFFC000  }
0x3e: {  	[spmem:s9] =	stream.linear.scatter [tilespmem:s12], [sflag:$0x3], $0x4000, $0x38;
	[tilespmem:$0x1D000] =	vst v63  }
0x3f: {  	_ =	swait.ge [sflag:s13], $0x4000  }
0x40: {  	[sflag:s13] =	ssyncset.done $0x0  }
0x41: {  	s10 =	rddreg [dreg:$0x17];
	[sflag:s13] =	ssyncadd.s32 $0xFFFFC000  }
0x42: {  	[spmem:s10] =	stream.linear.scatter [tilespmem:s12], [sflag:$0x3], $0x4000, $0x38;
	[tilespmem:$0x1D000] =	vst v63  }
0x43: {  	_ =	swait.ge [sflag:s13], $0x4000  }
0x44: {  	[sflag:s13] =	ssyncset.done $0x0  }
0x45: {  	[sflag:s13] =	ssyncadd.s32 $0xFFFFC000  }
0x46: {  	[bflag:$0x0] =	sbarrier.arrive $0xFFFF  }
0x47: {  	s11 =	rddreg [dreg:$0x3]  }
0x48: {  	s5 =	sadd.s32 $0x0, s11  }
0x49: {  	[tilespmem:s14], [sflag:$0x3] =	stream.linear.gather [hbm4b:s5+s3], $0x800, $0x38;
	[tilespmem:$0x1D000] =	vst v63  }
0x4a: {  	_ =	swait.ge [sflag:s13], $0x800  }
0x4b: {  	s9 =	rddreg [dreg:$0x4];
	[sflag:s13] =	ssyncset.done $0x0  }
0x4c: {  	[sflag:s13] =	ssyncadd.s32 $0xFFFFF800;
	s5 =	sadd.s32 $0x0, s9  }
0x4d: {  	[tilespmem:s15], [sflag:$0x3] =	stream.linear.gather [hbm4b:s5+s3], $0x800, $0x38;
	[tilespmem:$0x1D000] =	vst v63  }
0x4e: {  	_ =	swait.ge [sflag:s13], $0x800  }
0x4f: {  	[sflag:s13] =	ssyncset.done $0x0  }
0x50: {  	[sflag:s13] =	ssyncadd.s32 $0xFFFFF800  }
0x51: {  	[tilespmem:s12], [sflag:$0x1] =	stream.indirect.gather [hbm4b:s4+s16], $0x80, s14, s16, $0xb8;
	[tilespmem:$0x1D000] =	vst v63  }
0x52: {  	s10 =	rddreg [dreg:$0x5]  }
0x53: {  	[tilespmem:s17], [sflag:$0x1] =	stream.indirect.gather [hbm4b:s4+s16], $0x80, s10, s16, $0xb8;
	[tilespmem:$0x1D000] =	vst v63  }
0x54: {  	_ =	swait.ge [sflag:s18], $0x4000  }
0x55: {  	[sflag:s18] =	ssyncset.done $0x0  }
0x56: {  	[sflag:s18] =	ssyncadd.s32 $0xFFFFC000  }
0x57: {  	[spmem:s1] =	stream.indirect.scatter.add.f32 [tilespmem:s12], [sflag:$0x2], $0x80, s15, s16, $0xb8;
	[tilespmem:$0x1D000] =	vst v63  }
0x58: {  	_ =	swait.ge [sflag:s19], $0x4000  }
0x59: {  	[sflag:s19] =	ssyncset.done $0x0  }
0x5a: {  	s11 =	rddreg [dreg:$0x6];
	[sflag:s19] =	ssyncadd.s32 $0xFFFFC000  }
0x5b: {  	[tilespmem:s12], [sflag:$0x1] =	stream.indirect.gather [hbm4b:s4+s16], $0x80, s11, s16, $0xb8;
	[tilespmem:$0x1D000] =	vst v63  }
0x5c: {  	_ =	swait.ge [sflag:s18], $0x4000  }
0x5d: {  	[sflag:s18] =	ssyncset.done $0x0  }
0x5e: {  	s9 =	rddreg [dreg:$0x7];
	[sflag:s18] =	ssyncadd.s32 $0xFFFFC000  }
0x5f: {  	[spmem:s1] =	stream.indirect.scatter.add.f32 [tilespmem:s17], [sflag:$0x2], $0x80, s9, s16, $0xb8;
	[tilespmem:$0x1D000] =	vst v63  }
0x60: {  	_ =	swait.ge [sflag:s19], $0x4000  }
0x61: {  	[sflag:s19] =	ssyncset.done $0x0  }
0x62: {  	s10 =	rddreg [dreg:$0x8];
	[sflag:s19] =	ssyncadd.s32 $0xFFFFC000  }
0x63: {  	[tilespmem:s17], [sflag:$0x1] =	stream.indirect.gather [hbm4b:s4+s16], $0x80, s10, s16, $0xb8;
	[tilespmem:$0x1D000] =	vst v63  }
0x64: {  	_ =	swait.ge [sflag:s18], $0x4000  }
0x65: {  	[sflag:s18] =	ssyncset.done $0x0  }
0x66: {  	s11 =	rddreg [dreg:$0x9];
	[sflag:s18] =	ssyncadd.s32 $0xFFFFC000  }
0x67: {  	[spmem:s1] =	stream.indirect.scatter.add.f32 [tilespmem:s12], [sflag:$0x2], $0x80, s11, s16, $0xb8;
	[tilespmem:$0x1D000] =	vst v63  }
0x68: {  	_ =	swait.ge [sflag:s19], $0x4000  }
0x69: {  	[sflag:s19] =	ssyncset.done $0x0  }
0x6a: {  	s9 =	rddreg [dreg:$0xa];
	[sflag:s19] =	ssyncadd.s32 $0xFFFFC000  }
0x6b: {  	[tilespmem:s12], [sflag:$0x1] =	stream.indirect.gather [hbm4b:s4+s16], $0x80, s9, s16, $0xb8;
	[tilespmem:$0x1D000] =	vst v63  }
0x6c: {  	_ =	swait.ge [sflag:s18], $0x4000  }
0x6d: {  	[sflag:s18] =	ssyncset.done $0x0  }
0x6e: {  	s10 =	rddreg [dreg:$0xb];
	[sflag:s18] =	ssyncadd.s32 $0xFFFFC000  }
0x6f: {  	[spmem:s1] =	stream.indirect.scatter.add.f32 [tilespmem:s17], [sflag:$0x2], $0x80, s10, s16, $0xb8;
	[tilespmem:$0x1D000] =	vst v63  }
0x70: {  	_ =	swait.ge [sflag:s19], $0x4000  }
0x71: {  	[sflag:s19] =	ssyncset.done $0x0  }
0x72: {  	s11 =	rddreg [dreg:$0xc];
	[sflag:s19] =	ssyncadd.s32 $0xFFFFC000  }
0x73: {  	[tilespmem:s17], [sflag:$0x1] =	stream.indirect.gather [hbm4b:s4+s16], $0x80, s11, s16, $0xb8;
	[tilespmem:$0x1D000] =	vst v63  }
0x74: {  	_ =	swait.ge [sflag:s18], $0x4000  }
0x75: {  	[sflag:s18] =	ssyncset.done $0x0  }
0x76: {  	s9 =	rddreg [dreg:$0xd];
	[sflag:s18] =	ssyncadd.s32 $0xFFFFC000  }
0x77: {  	[spmem:s1] =	stream.indirect.scatter.add.f32 [tilespmem:s12], [sflag:$0x2], $0x80, s9, s16, $0xb8;
	[tilespmem:$0x1D000] =	vst v63  }
0x78: {  	_ =	swait.ge [sflag:s19], $0x4000  }
0x79: {  	[sflag:s19] =	ssyncset.done $0x0  }
0x7a: {  	s10 =	rddreg [dreg:$0xe];
	[sflag:s19] =	ssyncadd.s32 $0xFFFFC000  }
0x7b: {  	[tilespmem:s12], [sflag:$0x1] =	stream.indirect.gather [hbm4b:s4+s16], $0x80, s10, s16, $0xb8;
	[tilespmem:$0x1D000] =	vst v63  }
0x7c: {  	_ =	swait.ge [sflag:s18], $0x4000  }
0x7d: {  	[sflag:s18] =	ssyncset.done $0x0  }
0x7e: {  	s11 =	rddreg [dreg:$0xf];
	[sflag:s18] =	ssyncadd.s32 $0xFFFFC000  }
0x7f: {  	[spmem:s1] =	stream.indirect.scatter.add.f32 [tilespmem:s17], [sflag:$0x2], $0x80, s11, s16, $0xb8;
	[tilespmem:$0x1D000] =	vst v63  }
0x80: {  	_ =	swait.ge [sflag:s19], $0x4000  }
0x81: {  	[sflag:s19] =	ssyncset.done $0x0  }
0x82: {  	s9 =	rddreg [dreg:$0x10];
	[sflag:s19] =	ssyncadd.s32 $0xFFFFC000  }
0x83: {  	[tilespmem:s17], [sflag:$0x1] =	stream.indirect.gather [hbm4b:s4+s16], $0x80, s9, s16, $0xb8;
	[tilespmem:$0x1D000] =	vst v63  }
0x84: {  	_ =	swait.ge [sflag:s18], $0x4000  }
0x85: {  	[sflag:s18] =	ssyncset.done $0x0  }
0x86: {  	s10 =	rddreg [dreg:$0x11];
	[sflag:s18] =	ssyncadd.s32 $0xFFFFC000  }
0x87: {  	[spmem:s1] =	stream.indirect.scatter.add.f32 [tilespmem:s12], [sflag:$0x2], $0x80, s10, s16, $0xb8;
	[tilespmem:$0x1D000] =	vst v63  }
0x88: {  	_ =	swait.ge [sflag:s19], $0x4000  }
0x89: {  	[sflag:s19] =	ssyncset.done $0x0  }
0x8a: {  	s11 =	rddreg [dreg:$0x12];
	[sflag:s19] =	ssyncadd.s32 $0xFFFFC000  }
0x8b: {  	[tilespmem:s12], [sflag:$0x1] =	stream.indirect.gather [hbm4b:s4+s16], $0x80, s11, s16, $0xb8;
	[tilespmem:$0x1D000] =	vst v63  }
0x8c: {  	_ =	swait.ge [sflag:s18], $0x4000  }
0x8d: {  	[sflag:s18] =	ssyncset.done $0x0  }
0x8e: {  	[sflag:s18] =	ssyncadd.s32 $0xFFFFC000  }
0x8f: {  	[spmem:s1] =	stream.indirect.scatter.add.f32 [tilespmem:s17], [sflag:$0x2], $0x80, s20, s16, $0xb8;
	[tilespmem:$0x1D000] =	vst v63  }
0x90: {  	_ =	swait.ge [sflag:s19], $0x4000  }
0x91: {  	[sflag:s19] =	ssyncset.done $0x0  }
0x92: {  	[sflag:s19] =	ssyncadd.s32 $0xFFFFC000  }
0x93: {  	[tilespmem:s17], [sflag:$0x1] =	stream.indirect.gather [hbm4b:s4+s16], $0x80, s21, s16, $0xb8;
	[tilespmem:$0x1D000] =	vst v63  }
0x94: {  	_ =	swait.ge [sflag:s18], $0x4000  }
0x95: {  	[sflag:s18] =	ssyncset.done $0x0  }
0x96: {  	[sflag:s18] =	ssyncadd.s32 $0xFFFFC000  }
0x97: {  	[spmem:s1] =	stream.indirect.scatter.add.f32 [tilespmem:s12], [sflag:$0x2], $0x80, s22, s16, $0xb8;
	[tilespmem:$0x1D000] =	vst v63  }
0x98: {  	_ =	swait.ge [sflag:s19], $0x4000  }
0x99: {  	[sflag:s19] =	ssyncset.done $0x0  }
0x9a: {  	[sflag:s19] =	ssyncadd.s32 $0xFFFFC000  }
0x9b: {  	[tilespmem:s12], [sflag:$0x1] =	stream.indirect.gather [hbm4b:s4+s16], $0x80, s23, s16, $0xb8;
	[tilespmem:$0x1D000] =	vst v63  }
0x9c: {  	_ =	swait.ge [sflag:s18], $0x4000  }
0x9d: {  	[sflag:s18] =	ssyncset.done $0x0  }
0x9e: {  	[sflag:s18] =	ssyncadd.s32 $0xFFFFC000  }
0x9f: {  	[spmem:s1] =	stream.indirect.scatter.add.f32 [tilespmem:s17], [sflag:$0x2], $0x80, s24, s16, $0xb8;
	[tilespmem:$0x1D000] =	vst v63  }
0xa0: {  	_ =	swait.ge [sflag:s19], $0x4000  }
0xa1: {  	[sflag:s19] =	ssyncset.done $0x0  }
0xa2: {  	[sflag:s19] =	ssyncadd.s32 $0xFFFFC000  }
0xa3: {  	[tilespmem:s17], [sflag:$0x1] =	stream.indirect.gather [hbm4b:s4+s16], $0x80, s25, s16, $0xb8;
	[tilespmem:$0x1D000] =	vst v63  }
0xa4: {  	_ =	swait.ge [sflag:s18], $0x4000  }
0xa5: {  	[sflag:s18] =	ssyncset.done $0x0  }
0xa6: {  	[sflag:s18] =	ssyncadd.s32 $0xFFFFC000  }
0xa7: {  	[spmem:s1] =	stream.indirect.scatter.add.f32 [tilespmem:s12], [sflag:$0x2], $0x80, s26, s16, $0xb8;
	[tilespmem:$0x1D000] =	vst v63  }
0xa8: {  	_ =	swait.ge [sflag:s19], $0x4000  }
0xa9: {  	[sflag:s19] =	ssyncset.done $0x0  }
0xaa: {  	[sflag:s19] =	ssyncadd.s32 $0xFFFFC000  }
0xab: {  	[tilespmem:s12], [sflag:$0x1] =	stream.indirect.gather [hbm4b:s4+s16], $0x80, s28, s16, $0xb8;
	[tilespmem:$0x1D000] =	vst v63  }
0xac: {  	_ =	swait.ge [sflag:s18], $0x4000  }
0xad: {  	[sflag:s18] =	ssyncset.done $0x0  }
0xae: {  	[sflag:s18] =	ssyncadd.s32 $0xFFFFC000  }
0xaf: {  	[spmem:s1] =	stream.indirect.scatter.add.f32 [tilespmem:s17], [sflag:$0x2], $0x80, s29, s16, $0xb8;
	[tilespmem:$0x1D000] =	vst v63  }
0xb0: {  	_ =	swait.ge [sflag:s19], $0x4000  }
0xb1: {  	[sflag:s19] =	ssyncset.done $0x0  }
0xb2: {  	[sflag:s19] =	ssyncadd.s32 $0xFFFFC000  }
0xb3: {  	[tilespmem:s17], [sflag:$0x1] =	stream.indirect.gather [hbm4b:s4+s16], $0x80, s30, s16, $0xb8;
	[tilespmem:$0x1D000] =	vst v63  }
0xb4: {  	_ =	swait.ge [sflag:s18], $0x4000  }
0xb5: {  	[sflag:s18] =	ssyncset.done $0x0  }
0xb6: {  	[sflag:s18] =	ssyncadd.s32 $0xFFFFC000  }
0xb7: {  	[spmem:s1] =	stream.indirect.scatter.add.f32 [tilespmem:s12], [sflag:$0x2], $0x80, s31, s16, $0xb8;
	[tilespmem:$0x1D000] =	vst v63  }
0xb8: {  	_ =	swait.ge [sflag:s19], $0x4000  }
0xb9: {  	[sflag:s19] =	ssyncset.done $0x0  }
0xba: {  	[sflag:s19] =	ssyncadd.s32 $0xFFFFC000  }
0xbb: {  	[tilespmem:s12], [sflag:$0x1] =	stream.indirect.gather [hbm4b:s4+s16], $0x80, s0, s16, $0xb8;
	[tilespmem:$0x1D000] =	vst v63  }
0xbc: {  	_ =	swait.ge [sflag:s18], $0x4000  }
0xbd: {  	[sflag:s18] =	ssyncset.done $0x0  }
0xbe: {  	[sflag:s18] =	ssyncadd.s32 $0xFFFFC000  }
0xbf: {  	[spmem:s1] =	stream.indirect.scatter.add.f32 [tilespmem:s17], [sflag:$0x2], $0x80, s2, s16, $0xb8;
	[tilespmem:$0x1D000] =	vst v63  }
0xc0: {  	_ =	swait.ge [sflag:s19], $0x4000  }
0xc1: {  	[sflag:s19] =	ssyncset.done $0x0  }
0xc2: {  	[sflag:s19] =	ssyncadd.s32 $0xFFFFC000  }
0xc3: {  	[tilespmem:s17], [sflag:$0x1] =	stream.indirect.gather [hbm4b:s4+s16], $0x80, s6, s16, $0xb8;
	[tilespmem:$0x1D000] =	vst v63  }
0xc4: {  	_ =	swait.ge [sflag:s18], $0x4000  }
0xc5: {  	[sflag:s18] =	ssyncset.done $0x0  }
0xc6: {  	[sflag:s18] =	ssyncadd.s32 $0xFFFFC000  }
0xc7: {  	[spmem:s1] =	stream.indirect.scatter.add.f32 [tilespmem:s12], [sflag:$0x2], $0x80, s7, s16, $0xb8;
	[tilespmem:$0x1D000] =	vst v63  }
0xc8: {  	_ =	swait.ge [sflag:s18], $0x4000  }
0xc9: {  	[sflag:s18] =	ssyncset.done $0x0  }
0xca: {  	[sflag:s18] =	ssyncadd.s32 $0xFFFFC000  }
0xcb: {  	[spmem:s1] =	stream.indirect.scatter.add.f32 [tilespmem:s17], [sflag:$0x2], $0x80, s8, s16, $0xb8;
	[tilespmem:$0x1D000] =	vst v63  }
0xcc: {  	_ =	swait.ge [sflag:s19], $0x4000  }
0xcd: {  	[sflag:s19] =	ssyncset.done $0x0  }
0xce: {  	[sflag:s19] =	ssyncadd.s32 $0xFFFFC000  }
0xcf: {  	s10 =	simm.s32 $0x100;
	_ =	swait.ge [sflag:s19], $0x4000  }
0xd0: {  	s11 =	simm.s32 $0x200;
	s5 =	rddreg [dreg:$0x3];
	[sflag:s19] =	ssyncset.done $0x0  }
.LBB2_4:
0xd1: {  	[sflag:s19] =	ssyncadd.s32 $0xFFFFC000;
	s5 =	sadd.s32 s10, s5  }
0xd2: {  	[tilespmem:s14], [sflag:$0x3] =	stream.linear.gather [hbm4b:s5+s3], $0x800, $0x38;
	[tilespmem:$0x1D000] =	vst v63  }
0xd3: {  	_ =	swait.ge [sflag:s13], $0x800  }
0xd4: {  	s5 =	rddreg [dreg:$0x4];
	[sflag:s13] =	ssyncset.done $0x0  }
0xd5: {  	[sflag:s13] =	ssyncadd.s32 $0xFFFFF800;
	s5 =	sadd.s32 s10, s5  }
0xd6: {  	[tilespmem:s15], [sflag:$0x3] =	stream.linear.gather [hbm4b:s5+s3], $0x800, $0x38;
	[tilespmem:$0x1D000] =	vst v63  }
0xd7: {  	_ =	swait.ge [sflag:s13], $0x800  }
0xd8: {  	[sflag:s13] =	ssyncset.done $0x0  }
0xd9: {  	s9 =	smov.u32 s11;
	[sflag:s13] =	ssyncadd.s32 $0xFFFFF800  }
0xda: {  	[tilespmem:s12], [sflag:$0x1] =	stream.indirect.gather [hbm4b:s4+s16], $0x80, s14, s16, $0xb8;
	[tilespmem:$0x1D000] =	vst v63  }
0xdb: {  	s10 =	smov.u32 s9;
	s9 =	rddreg [dreg:$0x5]  }
0xdc: {  	[tilespmem:s17], [sflag:$0x1] =	stream.indirect.gather [hbm4b:s4+s16], $0x80, s9, s16, $0xb8;
	[tilespmem:$0x1D000] =	vst v63  }
0xdd: {  	_ =	swait.ge [sflag:s18], $0x4000  }
0xde: {  	[sflag:s18] =	ssyncset.done $0x0  }
0xdf: {  	[sflag:s18] =	ssyncadd.s32 $0xFFFFC000  }
0xe0: {  	[spmem:s1] =	stream.indirect.scatter.add.f32 [tilespmem:s12], [sflag:$0x2], $0x80, s15, s16, $0xb8;
	[tilespmem:$0x1D000] =	vst v63  }
0xe1: {  	_ =	swait.ge [sflag:s19], $0x4000  }
0xe2: {  	[sflag:s19] =	ssyncset.done $0x0  }
0xe3: {  	s9 =	rddreg [dreg:$0x6];
	[sflag:s19] =	ssyncadd.s32 $0xFFFFC000  }
0xe4: {  	[tilespmem:s12], [sflag:$0x1] =	stream.indirect.gather [hbm4b:s4+s16], $0x80, s9, s16, $0xb8;
	[tilespmem:$0x1D000] =	vst v63  }
0xe5: {  	_ =	swait.ge [sflag:s18], $0x4000  }
0xe6: {  	[sflag:s18] =	ssyncset.done $0x0  }
0xe7: {  	s9 =	rddreg [dreg:$0x7];
	[sflag:s18] =	ssyncadd.s32 $0xFFFFC000  }
0xe8: {  	[spmem:s1] =	stream.indirect.scatter.add.f32 [tilespmem:s17], [sflag:$0x2], $0x80, s9, s16, $0xb8;
	[tilespmem:$0x1D000] =	vst v63  }
0xe9: {  	_ =	swait.ge [sflag:s19], $0x4000  }
0xea: {  	[sflag:s19] =	ssyncset.done $0x0  }
0xeb: {  	s9 =	rddreg [dreg:$0x8];
	[sflag:s19] =	ssyncadd.s32 $0xFFFFC000  }
0xec: {  	[tilespmem:s17], [sflag:$0x1] =	stream.indirect.gather [hbm4b:s4+s16], $0x80, s9, s16, $0xb8;
	[tilespmem:$0x1D000] =	vst v63  }
0xed: {  	_ =	swait.ge [sflag:s18], $0x4000  }
0xee: {  	[sflag:s18] =	ssyncset.done $0x0  }
0xef: {  	s9 =	rddreg [dreg:$0x9];
	[sflag:s18] =	ssyncadd.s32 $0xFFFFC000  }
0xf0: {  	[spmem:s1] =	stream.indirect.scatter.add.f32 [tilespmem:s12], [sflag:$0x2], $0x80, s9, s16, $0xb8;
	[tilespmem:$0x1D000] =	vst v63  }
0xf1: {  	_ =	swait.ge [sflag:s19], $0x4000  }
0xf2: {  	[sflag:s19] =	ssyncset.done $0x0  }
0xf3: {  	s9 =	rddreg [dreg:$0xa];
	[sflag:s19] =	ssyncadd.s32 $0xFFFFC000  }
0xf4: {  	[tilespmem:s12], [sflag:$0x1] =	stream.indirect.gather [hbm4b:s4+s16], $0x80, s9, s16, $0xb8;
	[tilespmem:$0x1D000] =	vst v63  }
0xf5: {  	_ =	swait.ge [sflag:s18], $0x4000  }
0xf6: {  	[sflag:s18] =	ssyncset.done $0x0  }
0xf7: {  	s9 =	rddreg [dreg:$0xb];
	[sflag:s18] =	ssyncadd.s32 $0xFFFFC000  }
0xf8: {  	[spmem:s1] =	stream.indirect.scatter.add.f32 [tilespmem:s17], [sflag:$0x2], $0x80, s9, s16, $0xb8;
	[tilespmem:$0x1D000] =	vst v63  }
0xf9: {  	_ =	swait.ge [sflag:s19], $0x4000  }
0xfa: {  	[sflag:s19] =	ssyncset.done $0x0  }
0xfb: {  	s9 =	rddreg [dreg:$0xc];
	[sflag:s19] =	ssyncadd.s32 $0xFFFFC000  }
0xfc: {  	[tilespmem:s17], [sflag:$0x1] =	stream.indirect.gather [hbm4b:s4+s16], $0x80, s9, s16, $0xb8;
	[tilespmem:$0x1D000] =	vst v63  }
0xfd: {  	_ =	swait.ge [sflag:s18], $0x4000  }
0xfe: {  	[sflag:s18] =	ssyncset.done $0x0  }
0xff: {  	s9 =	rddreg [dreg:$0xd];
	[sflag:s18] =	ssyncadd.s32 $0xFFFFC000  }
0x100: {  	[spmem:s1] =	stream.indirect.scatter.add.f32 [tilespmem:s12], [sflag:$0x2], $0x80, s9, s16, $0xb8;
	[tilespmem:$0x1D000] =	vst v63  }
0x101: {  	_ =	swait.ge [sflag:s19], $0x4000  }
0x102: {  	[sflag:s19] =	ssyncset.done $0x0  }
0x103: {  	s9 =	rddreg [dreg:$0xe];
	[sflag:s19] =	ssyncadd.s32 $0xFFFFC000  }
0x104: {  	[tilespmem:s12], [sflag:$0x1] =	stream.indirect.gather [hbm4b:s4+s16], $0x80, s9, s16, $0xb8;
	[tilespmem:$0x1D000] =	vst v63  }
0x105: {  	_ =	swait.ge [sflag:s18], $0x4000  }
0x106: {  	[sflag:s18] =	ssyncset.done $0x0  }
0x107: {  	s9 =	rddreg [dreg:$0xf];
	[sflag:s18] =	ssyncadd.s32 $0xFFFFC000  }
0x108: {  	[spmem:s1] =	stream.indirect.scatter.add.f32 [tilespmem:s17], [sflag:$0x2], $0x80, s9, s16, $0xb8;
	[tilespmem:$0x1D000] =	vst v63  }
0x109: {  	_ =	swait.ge [sflag:s19], $0x4000  }
0x10a: {  	[sflag:s19] =	ssyncset.done $0x0  }
0x10b: {  	s9 =	rddreg [dreg:$0x10];
	[sflag:s19] =	ssyncadd.s32 $0xFFFFC000  }
0x10c: {  	[tilespmem:s17], [sflag:$0x1] =	stream.indirect.gather [hbm4b:s4+s16], $0x80, s9, s16, $0xb8;
	[tilespmem:$0x1D000] =	vst v63  }
0x10d: {  	_ =	swait.ge [sflag:s18], $0x4000  }
0x10e: {  	[sflag:s18] =	ssyncset.done $0x0  }
0x10f: {  	s9 =	rddreg [dreg:$0x11];
	[sflag:s18] =	ssyncadd.s32 $0xFFFFC000  }
0x110: {  	[spmem:s1] =	stream.indirect.scatter.add.f32 [tilespmem:s12], [sflag:$0x2], $0x80, s9, s16, $0xb8;
	[tilespmem:$0x1D000] =	vst v63  }
0x111: {  	_ =	swait.ge [sflag:s19], $0x4000  }
0x112: {  	[sflag:s19] =	ssyncset.done $0x0  }
0x113: {  	s9 =	rddreg [dreg:$0x12];
	[sflag:s19] =	ssyncadd.s32 $0xFFFFC000  }
0x114: {  	[tilespmem:s12], [sflag:$0x1] =	stream.indirect.gather [hbm4b:s4+s16], $0x80, s9, s16, $0xb8;
	[tilespmem:$0x1D000] =	vst v63  }
0x115: {  	_ =	swait.ge [sflag:s18], $0x4000  }
0x116: {  	[sflag:s18] =	ssyncset.done $0x0  }
0x117: {  	[sflag:s18] =	ssyncadd.s32 $0xFFFFC000  }
0x118: {  	[spmem:s1] =	stream.indirect.scatter.add.f32 [tilespmem:s17], [sflag:$0x2], $0x80, s20, s16, $0xb8;
	[tilespmem:$0x1D000] =	vst v63  }
0x119: {  	_ =	swait.ge [sflag:s19], $0x4000  }
0x11a: {  	[sflag:s19] =	ssyncset.done $0x0  }
0x11b: {  	[sflag:s19] =	ssyncadd.s32 $0xFFFFC000  }
0x11c: {  	[tilespmem:s17], [sflag:$0x1] =	stream.indirect.gather [hbm4b:s4+s16], $0x80, s21, s16, $0xb8;
	[tilespmem:$0x1D000] =	vst v63  }
0x11d: {  	_ =	swait.ge [sflag:s18], $0x4000  }
0x11e: {  	[sflag:s18] =	ssyncset.done $0x0  }
0x11f: {  	[sflag:s18] =	ssyncadd.s32 $0xFFFFC000  }
0x120: {  	[spmem:s1] =	stream.indirect.scatter.add.f32 [tilespmem:s12], [sflag:$0x2], $0x80, s22, s16, $0xb8;
	[tilespmem:$0x1D000] =	vst v63  }
0x121: {  	_ =	swait.ge [sflag:s19], $0x4000  }
0x122: {  	[sflag:s19] =	ssyncset.done $0x0  }
0x123: {  	[sflag:s19] =	ssyncadd.s32 $0xFFFFC000  }
0x124: {  	[tilespmem:s12], [sflag:$0x1] =	stream.indirect.gather [hbm4b:s4+s16], $0x80, s23, s16, $0xb8;
	[tilespmem:$0x1D000] =	vst v63  }
0x125: {  	_ =	swait.ge [sflag:s18], $0x4000  }
0x126: {  	[sflag:s18] =	ssyncset.done $0x0  }
0x127: {  	[sflag:s18] =	ssyncadd.s32 $0xFFFFC000  }
0x128: {  	[spmem:s1] =	stream.indirect.scatter.add.f32 [tilespmem:s17], [sflag:$0x2], $0x80, s24, s16, $0xb8;
	[tilespmem:$0x1D000] =	vst v63  }
0x129: {  	_ =	swait.ge [sflag:s19], $0x4000  }
0x12a: {  	[sflag:s19] =	ssyncset.done $0x0  }
0x12b: {  	[sflag:s19] =	ssyncadd.s32 $0xFFFFC000  }
0x12c: {  	[tilespmem:s17], [sflag:$0x1] =	stream.indirect.gather [hbm4b:s4+s16], $0x80, s25, s16, $0xb8;
	[tilespmem:$0x1D000] =	vst v63  }
0x12d: {  	_ =	swait.ge [sflag:s18], $0x4000  }
0x12e: {  	[sflag:s18] =	ssyncset.done $0x0  }
0x12f: {  	[sflag:s18] =	ssyncadd.s32 $0xFFFFC000  }
0x130: {  	[spmem:s1] =	stream.indirect.scatter.add.f32 [tilespmem:s12], [sflag:$0x2], $0x80, s26, s16, $0xb8;
	[tilespmem:$0x1D000] =	vst v63  }
0x131: {  	_ =	swait.ge [sflag:s19], $0x4000  }
0x132: {  	[sflag:s19] =	ssyncset.done $0x0  }
0x133: {  	[sflag:s19] =	ssyncadd.s32 $0xFFFFC000  }
0x134: {  	[tilespmem:s12], [sflag:$0x1] =	stream.indirect.gather [hbm4b:s4+s16], $0x80, s28, s16, $0xb8;
	[tilespmem:$0x1D000] =	vst v63  }
0x135: {  	_ =	swait.ge [sflag:s18], $0x4000  }
0x136: {  	[sflag:s18] =	ssyncset.done $0x0  }
0x137: {  	[sflag:s18] =	ssyncadd.s32 $0xFFFFC000  }
0x138: {  	[spmem:s1] =	stream.indirect.scatter.add.f32 [tilespmem:s17], [sflag:$0x2], $0x80, s29, s16, $0xb8;
	[tilespmem:$0x1D000] =	vst v63  }
0x139: {  	_ =	swait.ge [sflag:s19], $0x4000  }
0x13a: {  	[sflag:s19] =	ssyncset.done $0x0  }
0x13b: {  	[sflag:s19] =	ssyncadd.s32 $0xFFFFC000  }
0x13c: {  	[tilespmem:s17], [sflag:$0x1] =	stream.indirect.gather [hbm4b:s4+s16], $0x80, s30, s16, $0xb8;
	[tilespmem:$0x1D000] =	vst v63  }
0x13d: {  	_ =	swait.ge [sflag:s18], $0x4000  }
0x13e: {  	[sflag:s18] =	ssyncset.done $0x0  }
0x13f: {  	[sflag:s18] =	ssyncadd.s32 $0xFFFFC000  }
0x140: {  	[spmem:s1] =	stream.indirect.scatter.add.f32 [tilespmem:s12], [sflag:$0x2], $0x80, s31, s16, $0xb8;
	[tilespmem:$0x1D000] =	vst v63  }
0x141: {  	_ =	swait.ge [sflag:s19], $0x4000  }
0x142: {  	[sflag:s19] =	ssyncset.done $0x0  }
0x143: {  	[sflag:s19] =	ssyncadd.s32 $0xFFFFC000  }
0x144: {  	[tilespmem:s12], [sflag:$0x1] =	stream.indirect.gather [hbm4b:s4+s16], $0x80, s0, s16, $0xb8;
	[tilespmem:$0x1D000] =	vst v63  }
0x145: {  	_ =	swait.ge [sflag:s18], $0x4000  }
0x146: {  	[sflag:s18] =	ssyncset.done $0x0  }
0x147: {  	[sflag:s18] =	ssyncadd.s32 $0xFFFFC000  }
0x148: {  	[spmem:s1] =	stream.indirect.scatter.add.f32 [tilespmem:s17], [sflag:$0x2], $0x80, s2, s16, $0xb8;
	[tilespmem:$0x1D000] =	vst v63  }
0x149: {  	_ =	swait.ge [sflag:s19], $0x4000  }
0x14a: {  	[sflag:s19] =	ssyncset.done $0x0  }
0x14b: {  	[sflag:s19] =	ssyncadd.s32 $0xFFFFC000  }
0x14c: {  	[tilespmem:s17], [sflag:$0x1] =	stream.indirect.gather [hbm4b:s4+s16], $0x80, s6, s16, $0xb8;
	[tilespmem:$0x1D000] =	vst v63  }
0x14d: {  	_ =	swait.ge [sflag:s18], $0x4000  }
0x14e: {  	[sflag:s18] =	ssyncset.done $0x0  }
0x14f: {  	[sflag:s18] =	ssyncadd.s32 $0xFFFFC000  }
0x150: {  	[spmem:s1] =	stream.indirect.scatter.add.f32 [tilespmem:s12], [sflag:$0x2], $0x80, s7, s16, $0xb8;
	[tilespmem:$0x1D000] =	vst v63  }
0x151: {  	_ =	swait.ge [sflag:s18], $0x4000  }
0x152: {  	[sflag:s18] =	ssyncset.done $0x0  }
0x153: {  	p0 =	sne.s32 s11, $0x400;
	[sflag:s18] =	ssyncadd.s32 $0xFFFFC000  }
0x154: {  	[spmem:s1] =	stream.indirect.scatter.add.f32 [tilespmem:s17], [sflag:$0x2], $0x80, s8, s16, $0xb8;
	[tilespmem:$0x1D000] =	vst v63  }
.Ltmp1:
0x155: {  	_ =	swait.ge [sflag:s19], $0x4000;
	(pc) =	sbr.rel @p0 .LBB2_4-.Ltmp1, $4  }
0x156: {  	[sflag:s19] =	ssyncset.done $0x0  }
0x157: {  	[sflag:s19] =	ssyncadd.s32 $0xFFFFC000  }
0x158: {  	_ =	swait.ge [sflag:s19], $0x4000  }
0x159: {  	s11 =	sadd.s32 $0x100, s11;
	s5 =	rddreg [dreg:$0x3];
	[sflag:s19] =	ssyncset.done $0x0  }
0x15a: {  	[sflag:s19] =	ssyncadd.s32 $0xFFFFC000;
	s5 =	sadd.s32 s10, s5  }
0x15b: {  	[tilespmem:s14], [sflag:$0x3] =	stream.linear.gather [hbm4b:s5+s3], $0x800, $0x38;
	[tilespmem:$0x1D000] =	vst v63  }
0x15c: {  	_ =	swait.ge [sflag:s13], $0x800  }
0x15d: {  	s9 =	rddreg [dreg:$0x4];
	[sflag:s13] =	ssyncset.done $0x0  }
0x15e: {  	[sflag:s13] =	ssyncadd.s32 $0xFFFFF800;
	s5 =	sadd.s32 s10, s9  }
0x15f: {  	[tilespmem:s15], [sflag:$0x3] =	stream.linear.gather [hbm4b:s5+s3], $0x800, $0x38;
	[tilespmem:$0x1D000] =	vst v63  }
0x160: {  	_ =	swait.ge [sflag:s13], $0x800  }
0x161: {  	[sflag:s13] =	ssyncset.done $0x0  }
0x162: {  	[sflag:s13] =	ssyncadd.s32 $0xFFFFF800  }
0x163: {  	[tilespmem:s12], [sflag:$0x1] =	stream.indirect.gather [hbm4b:s4+s16], $0x80, s14, s16, $0xb8;
	[tilespmem:$0x1D000] =	vst v63  }
0x164: {  	s11 =	rddreg [dreg:$0x5]  }
0x165: {  	[tilespmem:s17], [sflag:$0x1] =	stream.indirect.gather [hbm4b:s4+s16], $0x80, s11, s16, $0xb8;
	[tilespmem:$0x1D000] =	vst v63  }
0x166: {  	_ =	swait.ge [sflag:s18], $0x4000  }
0x167: {  	[sflag:s18] =	ssyncset.done $0x0  }
0x168: {  	[sflag:s18] =	ssyncadd.s32 $0xFFFFC000  }
0x169: {  	[spmem:s1] =	stream.indirect.scatter.add.f32 [tilespmem:s12], [sflag:$0x2], $0x80, s15, s16, $0xb8;
	[tilespmem:$0x1D000] =	vst v63  }
0x16a: {  	_ =	swait.ge [sflag:s19], $0x4000  }
0x16b: {  	[sflag:s19] =	ssyncset.done $0x0  }
0x16c: {  	s9 =	rddreg [dreg:$0x6];
	[sflag:s19] =	ssyncadd.s32 $0xFFFFC000  }
0x16d: {  	[tilespmem:s12], [sflag:$0x1] =	stream.indirect.gather [hbm4b:s4+s16], $0x80, s9, s16, $0xb8;
	[tilespmem:$0x1D000] =	vst v63  }
0x16e: {  	_ =	swait.ge [sflag:s18], $0x4000  }
0x16f: {  	[sflag:s18] =	ssyncset.done $0x0  }
0x170: {  	s10 =	rddreg [dreg:$0x7];
	[sflag:s18] =	ssyncadd.s32 $0xFFFFC000  }
0x171: {  	[spmem:s1] =	stream.indirect.scatter.add.f32 [tilespmem:s17], [sflag:$0x2], $0x80, s10, s16, $0xb8;
	[tilespmem:$0x1D000] =	vst v63  }
0x172: {  	_ =	swait.ge [sflag:s19], $0x4000  }
0x173: {  	[sflag:s19] =	ssyncset.done $0x0  }
0x174: {  	s11 =	rddreg [dreg:$0x8];
	[sflag:s19] =	ssyncadd.s32 $0xFFFFC000  }
0x175: {  	[tilespmem:s17], [sflag:$0x1] =	stream.indirect.gather [hbm4b:s4+s16], $0x80, s11, s16, $0xb8;
	[tilespmem:$0x1D000] =	vst v63  }
0x176: {  	_ =	swait.ge [sflag:s18], $0x4000  }
0x177: {  	[sflag:s18] =	ssyncset.done $0x0  }
0x178: {  	s9 =	rddreg [dreg:$0x9];
	[sflag:s18] =	ssyncadd.s32 $0xFFFFC000  }
0x179: {  	[spmem:s1] =	stream.indirect.scatter.add.f32 [tilespmem:s12], [sflag:$0x2], $0x80, s9, s16, $0xb8;
	[tilespmem:$0x1D000] =	vst v63  }
0x17a: {  	_ =	swait.ge [sflag:s19], $0x4000  }
0x17b: {  	[sflag:s19] =	ssyncset.done $0x0  }
0x17c: {  	s10 =	rddreg [dreg:$0xa];
	[sflag:s19] =	ssyncadd.s32 $0xFFFFC000  }
0x17d: {  	[tilespmem:s12], [sflag:$0x1] =	stream.indirect.gather [hbm4b:s4+s16], $0x80, s10, s16, $0xb8;
	[tilespmem:$0x1D000] =	vst v63  }
0x17e: {  	_ =	swait.ge [sflag:s18], $0x4000  }
0x17f: {  	[sflag:s18] =	ssyncset.done $0x0  }
0x180: {  	s11 =	rddreg [dreg:$0xb];
	[sflag:s18] =	ssyncadd.s32 $0xFFFFC000  }
0x181: {  	[spmem:s1] =	stream.indirect.scatter.add.f32 [tilespmem:s17], [sflag:$0x2], $0x80, s11, s16, $0xb8;
	[tilespmem:$0x1D000] =	vst v63  }
0x182: {  	_ =	swait.ge [sflag:s19], $0x4000  }
0x183: {  	[sflag:s19] =	ssyncset.done $0x0  }
0x184: {  	s9 =	rddreg [dreg:$0xc];
	[sflag:s19] =	ssyncadd.s32 $0xFFFFC000  }
0x185: {  	[tilespmem:s17], [sflag:$0x1] =	stream.indirect.gather [hbm4b:s4+s16], $0x80, s9, s16, $0xb8;
	[tilespmem:$0x1D000] =	vst v63  }
0x186: {  	_ =	swait.ge [sflag:s18], $0x4000  }
0x187: {  	[sflag:s18] =	ssyncset.done $0x0  }
0x188: {  	s10 =	rddreg [dreg:$0xd];
	[sflag:s18] =	ssyncadd.s32 $0xFFFFC000  }
0x189: {  	[spmem:s1] =	stream.indirect.scatter.add.f32 [tilespmem:s12], [sflag:$0x2], $0x80, s10, s16, $0xb8;
	[tilespmem:$0x1D000] =	vst v63  }
0x18a: {  	_ =	swait.ge [sflag:s19], $0x4000  }
0x18b: {  	[sflag:s19] =	ssyncset.done $0x0  }
0x18c: {  	s11 =	rddreg [dreg:$0xe];
	[sflag:s19] =	ssyncadd.s32 $0xFFFFC000  }
0x18d: {  	[tilespmem:s12], [sflag:$0x1] =	stream.indirect.gather [hbm4b:s4+s16], $0x80, s11, s16, $0xb8;
	[tilespmem:$0x1D000] =	vst v63  }
0x18e: {  	_ =	swait.ge [sflag:s18], $0x4000  }
0x18f: {  	[sflag:s18] =	ssyncset.done $0x0  }
0x190: {  	s9 =	rddreg [dreg:$0xf];
	[sflag:s18] =	ssyncadd.s32 $0xFFFFC000  }
0x191: {  	[spmem:s1] =	stream.indirect.scatter.add.f32 [tilespmem:s17], [sflag:$0x2], $0x80, s9, s16, $0xb8;
	[tilespmem:$0x1D000] =	vst v63  }
0x192: {  	_ =	swait.ge [sflag:s19], $0x4000  }
0x193: {  	[sflag:s19] =	ssyncset.done $0x0  }
0x194: {  	s10 =	rddreg [dreg:$0x10];
	[sflag:s19] =	ssyncadd.s32 $0xFFFFC000  }
0x195: {  	[tilespmem:s17], [sflag:$0x1] =	stream.indirect.gather [hbm4b:s4+s16], $0x80, s10, s16, $0xb8;
	[tilespmem:$0x1D000] =	vst v63  }
0x196: {  	_ =	swait.ge [sflag:s18], $0x4000  }
0x197: {  	[sflag:s18] =	ssyncset.done $0x0  }
0x198: {  	s11 =	rddreg [dreg:$0x11];
	[sflag:s18] =	ssyncadd.s32 $0xFFFFC000  }
0x199: {  	[spmem:s1] =	stream.indirect.scatter.add.f32 [tilespmem:s12], [sflag:$0x2], $0x80, s11, s16, $0xb8;
	[tilespmem:$0x1D000] =	vst v63  }
0x19a: {  	_ =	swait.ge [sflag:s19], $0x4000  }
0x19b: {  	[sflag:s19] =	ssyncset.done $0x0  }
0x19c: {  	s9 =	rddreg [dreg:$0x12];
	[sflag:s19] =	ssyncadd.s32 $0xFFFFC000  }
0x19d: {  	[tilespmem:s12], [sflag:$0x1] =	stream.indirect.gather [hbm4b:s4+s16], $0x80, s9, s16, $0xb8;
	[tilespmem:$0x1D000] =	vst v63  }
0x19e: {  	_ =	swait.ge [sflag:s18], $0x4000  }
0x19f: {  	[sflag:s18] =	ssyncset.done $0x0  }
0x1a0: {  	[sflag:s18] =	ssyncadd.s32 $0xFFFFC000  }
0x1a1: {  	[spmem:s1] =	stream.indirect.scatter.add.f32 [tilespmem:s17], [sflag:$0x2], $0x80, s20, s16, $0xb8;
	[tilespmem:$0x1D000] =	vst v63  }
0x1a2: {  	_ =	swait.ge [sflag:s19], $0x4000  }
0x1a3: {  	[sflag:s19] =	ssyncset.done $0x0  }
0x1a4: {  	[sflag:s19] =	ssyncadd.s32 $0xFFFFC000  }
0x1a5: {  	[tilespmem:s17], [sflag:$0x1] =	stream.indirect.gather [hbm4b:s4+s16], $0x80, s21, s16, $0xb8;
	[tilespmem:$0x1D000] =	vst v63  }
0x1a6: {  	_ =	swait.ge [sflag:s18], $0x4000  }
0x1a7: {  	[sflag:s18] =	ssyncset.done $0x0  }
0x1a8: {  	[sflag:s18] =	ssyncadd.s32 $0xFFFFC000  }
0x1a9: {  	[spmem:s1] =	stream.indirect.scatter.add.f32 [tilespmem:s12], [sflag:$0x2], $0x80, s22, s16, $0xb8;
	[tilespmem:$0x1D000] =	vst v63  }
0x1aa: {  	_ =	swait.ge [sflag:s19], $0x4000  }
0x1ab: {  	[sflag:s19] =	ssyncset.done $0x0  }
0x1ac: {  	[sflag:s19] =	ssyncadd.s32 $0xFFFFC000  }
0x1ad: {  	[tilespmem:s12], [sflag:$0x1] =	stream.indirect.gather [hbm4b:s4+s16], $0x80, s23, s16, $0xb8;
	[tilespmem:$0x1D000] =	vst v63  }
0x1ae: {  	_ =	swait.ge [sflag:s18], $0x4000  }
0x1af: {  	[sflag:s18] =	ssyncset.done $0x0  }
0x1b0: {  	[sflag:s18] =	ssyncadd.s32 $0xFFFFC000  }
0x1b1: {  	[spmem:s1] =	stream.indirect.scatter.add.f32 [tilespmem:s17], [sflag:$0x2], $0x80, s24, s16, $0xb8;
	[tilespmem:$0x1D000] =	vst v63  }
0x1b2: {  	_ =	swait.ge [sflag:s19], $0x4000  }
0x1b3: {  	[sflag:s19] =	ssyncset.done $0x0  }
0x1b4: {  	[sflag:s19] =	ssyncadd.s32 $0xFFFFC000  }
0x1b5: {  	[tilespmem:s17], [sflag:$0x1] =	stream.indirect.gather [hbm4b:s4+s16], $0x80, s25, s16, $0xb8;
	[tilespmem:$0x1D000] =	vst v63  }
0x1b6: {  	_ =	swait.ge [sflag:s18], $0x4000  }
0x1b7: {  	[sflag:s18] =	ssyncset.done $0x0  }
0x1b8: {  	[sflag:s18] =	ssyncadd.s32 $0xFFFFC000  }
0x1b9: {  	[spmem:s1] =	stream.indirect.scatter.add.f32 [tilespmem:s12], [sflag:$0x2], $0x80, s26, s16, $0xb8;
	[tilespmem:$0x1D000] =	vst v63  }
0x1ba: {  	_ =	swait.ge [sflag:s19], $0x4000  }
0x1bb: {  	[sflag:s19] =	ssyncset.done $0x0  }
0x1bc: {  	[sflag:s19] =	ssyncadd.s32 $0xFFFFC000  }
0x1bd: {  	[tilespmem:s12], [sflag:$0x1] =	stream.indirect.gather [hbm4b:s4+s16], $0x80, s28, s16, $0xb8;
	[tilespmem:$0x1D000] =	vst v63  }
0x1be: {  	_ =	swait.ge [sflag:s18], $0x4000  }
0x1bf: {  	[sflag:s18] =	ssyncset.done $0x0  }
0x1c0: {  	[sflag:s18] =	ssyncadd.s32 $0xFFFFC000  }
0x1c1: {  	[spmem:s1] =	stream.indirect.scatter.add.f32 [tilespmem:s17], [sflag:$0x2], $0x80, s29, s16, $0xb8;
	[tilespmem:$0x1D000] =	vst v63  }
0x1c2: {  	_ =	swait.ge [sflag:s19], $0x4000  }
0x1c3: {  	[sflag:s19] =	ssyncset.done $0x0  }
0x1c4: {  	[sflag:s19] =	ssyncadd.s32 $0xFFFFC000  }
0x1c5: {  	[tilespmem:s17], [sflag:$0x1] =	stream.indirect.gather [hbm4b:s4+s16], $0x80, s30, s16, $0xb8;
	[tilespmem:$0x1D000] =	vst v63  }
0x1c6: {  	_ =	swait.ge [sflag:s18], $0x4000  }
0x1c7: {  	[sflag:s18] =	ssyncset.done $0x0  }
0x1c8: {  	[sflag:s18] =	ssyncadd.s32 $0xFFFFC000  }
0x1c9: {  	[spmem:s1] =	stream.indirect.scatter.add.f32 [tilespmem:s12], [sflag:$0x2], $0x80, s31, s16, $0xb8;
	[tilespmem:$0x1D000] =	vst v63  }
0x1ca: {  	_ =	swait.ge [sflag:s19], $0x4000  }
0x1cb: {  	[sflag:s19] =	ssyncset.done $0x0  }
0x1cc: {  	[sflag:s19] =	ssyncadd.s32 $0xFFFFC000  }
0x1cd: {  	[tilespmem:s12], [sflag:$0x1] =	stream.indirect.gather [hbm4b:s4+s16], $0x80, s0, s16, $0xb8;
	[tilespmem:$0x1D000] =	vst v63  }
0x1ce: {  	_ =	swait.ge [sflag:s18], $0x4000  }
0x1cf: {  	[sflag:s18] =	ssyncset.done $0x0  }
0x1d0: {  	[sflag:s18] =	ssyncadd.s32 $0xFFFFC000  }
0x1d1: {  	[spmem:s1] =	stream.indirect.scatter.add.f32 [tilespmem:s17], [sflag:$0x2], $0x80, s2, s16, $0xb8;
	[tilespmem:$0x1D000] =	vst v63  }
0x1d2: {  	_ =	swait.ge [sflag:s19], $0x4000  }
0x1d3: {  	[sflag:s19] =	ssyncset.done $0x0  }
0x1d4: {  	[sflag:s19] =	ssyncadd.s32 $0xFFFFC000  }
0x1d5: {  	[tilespmem:s17], [sflag:$0x1] =	stream.indirect.gather [hbm4b:s4+s16], $0x80, s6, s16, $0xb8;
	[tilespmem:$0x1D000] =	vst v63  }
0x1d6: {  	_ =	swait.ge [sflag:s18], $0x4000  }
0x1d7: {  	[sflag:s18] =	ssyncset.done $0x0  }
0x1d8: {  	[sflag:s18] =	ssyncadd.s32 $0xFFFFC000  }
0x1d9: {  	[spmem:s1] =	stream.indirect.scatter.add.f32 [tilespmem:s12], [sflag:$0x2], $0x80, s7, s16, $0xb8;
	[tilespmem:$0x1D000] =	vst v63  }
0x1da: {  	_ =	swait.ge [sflag:s18], $0x4000  }
0x1db: {  	[sflag:s18] =	ssyncset.done $0x0  }
0x1dc: {  	[sflag:s18] =	ssyncadd.s32 $0xFFFFC000  }
0x1dd: {  	[spmem:s1] =	stream.indirect.scatter.add.f32 [tilespmem:s17], [sflag:$0x2], $0x80, s8, s16, $0xb8;
	[tilespmem:$0x1D000] =	vst v63  }
0x1de: {  	_ =	swait.ge [sflag:s19], $0x4000  }
0x1df: {  	[sflag:s19] =	ssyncset.done $0x0  }
0x1e0: {  	[sflag:s19] =	ssyncadd.s32 $0xFFFFC000  }
0x1e1: {  	_ =	swait.ge [sflag:s19], $0x4000  }
0x1e2: {  	[sflag:s19] =	ssyncset.done $0x0  }
0x1e3: {  	[sflag:s19] =	ssyncadd.s32 $0xFFFFC000  }
0x1e4: {  	s10 =	stileid.u32;
	[bflag:$0x0] =	sbarrier.arrive $0xFFFF  }
0x1e5: {  	s5 =	sshll.u32 s10, $0x6;
	s9 =	rddreg [dreg:$0x13]  }
0x1e6: {  	s5 =	sor.u32 $0x1C03, s5;
	s11 =	rddreg [dreg:$0x18];
	s9 =	sshrl.u32 s9, $0x3  }
0x1e7: {  	[hbm:s11], [sflag:s5] =	dma.local [spmem:s9], $0x2800  }
0x1e8: {  	_ =	swait.ge [sflag:s13], $0x2800  }
0x1e9: {  	s10 =	rddreg [dreg:$0x1a]  }
0x1ea: {  	s11 =	rddreg [dreg:$0x19];
	s9 =	sadd.s32 $0x1, s10  }
0x1eb: {  	p0 =	sne.s32 s9, s11  }
.Ltmp2:
0x1ec: {  	_ = 	snop;
	(pc) =	sbr.rel @p0 .LBB2_1-.Ltmp2, $3  }
0x1ed: {  	_ =	sdelay $0x1  }
0x1ee: {  	[sflag:s13] =	ssyncset.done $0x0  }
0x1ef: {  	[sflag:s13] =	ssyncadd.s32 $0xFFFFD800  }
0x1f0: {  	_ =	sfence.sel $0x180000  }
0x1f1: {  	[bflag:$0x0] =	sbarrier.arrive $0xFFFF  }
0x1f2: {  	_ =	strace $0x9000004D  }
0x1f3: {  	s0 =	stileid.u32;
	[bflag:$0x2] =	sbarrier.arrive $0xFFFF  }
0x1f4: {  	p0 =	sne.s32 s0, $0x0;
	s0 =	rddreg [dreg:$0x2]  }
0x1f5: {  	s0 =	sadd.s32 @!p0 $0x100000, s0  }
0x1f6: {  	[sflag:s0] =	ssyncadd.tile.s32 @!p0 $0x1;
	_ =	shalt  }
.Lfunc_end2:
_tile_overlayer_lowered:
.L_overlay_start_2:
0x1f7: {  	(tag) =	ssettag $0x2  }
0x1f8: {  	s0 =	rddreg [dreg:$0x0];
	s2 =	stileid.u32  }
0x1f9: {  	s1 =	rddreg [dreg:$0x1];
	p0 =	sne.s32 s2, $0x0  }
0x1fa: {  	s3 =	rddreg [dreg:$0x2];
	[bflag:$0x3] =	sbarrier.arrive $0xFFFF;
	s2 =	simm.s32 @!p0 $0x1C03  }
0x1fb: {  	[timem:s3], [sflag:s2] =	dma.local @!p0 [hbm:s0], s1  }
0x1fc: {  	s0 =	simm.s32 @!p0 $0x3  }
0x1fd: {  	_ =	swait.ge @!p0 [sflag:s0], s1  }
0x1fe: {  	s1 =	ssub.s32 @!p0 $0x0, s1;
	[sflag:s0] =	ssyncset.done @!p0 $0x0  }
0x1ff: {  	[sflag:s0] =	ssyncadd.s32 @!p0 s1  }
0x200: {  	[bflag:$0x3] =	sbarrier.arrive $0xFFFF  }
0x201: {  	_ =	shalt  }

// kernel: kernel.9.cloned.1.call-start
scs
__scs_entry_jumppad:
0x0: {  	(pc) =	sbr.rel $0x88, $3  }
0x1: {  	(tag) =	ssettag $0x0;
	lr =	simm.s32 $0x1  }
0x2: {  	[smem:$0x3F97] =	sst lr;
	_ =	strace $0xD0000000  }
0x3: {  	_ = 	snop  }
0x4: {  	_ = 	snop  }
0x5: {  	_ = 	snop  }
0x6: {  	_ = 	snop  }
0x7: {  	_ = 	snop  }
__scs_overlays_trampoline_lowered:
0x8: {  	[smem:$0x3FA6] =	sst s0  }
0x9: {  	[smem:$0x3FA7] =	sst s1  }
0xa: {  	[smem:$0x3FA8] =	sst s2  }
0xb: {  	[smem:$0x3FA9] =	sst s3  }
0xc: {  	[smem:$0x3FAA] =	sst s4  }
0xd: {  	[smem:$0x3FAB] =	sst s5  }
0xe: {  	[smem:$0x3FAC] =	sst s6  }
0xf: {  	[smem:$0x3FAD] =	sst s7  }
0x10: {  	[smem:$0x3FAE] =	sst s8  }
0x11: {  	[smem:$0x3FAF] =	sst s9;
	s0 =	simm.s32 @!p0 $0x0  }
0x12: {  	s1 =	sld [smem:$0x3F95];
	s0 =	simm.s32 @p0 $0x1  }
0x13: {  	[smem:$0x3FB0] =	sst s0;
	s0 =	simm.s32 @!p1 $0x0  }
0x14: {  	s2 =	sld [smem:$0x3F94];
	s0 =	simm.s32 @p1 $0x1  }
0x15: {  	[smem:$0x3FB1] =	sst s0;
	s0 =	simm.s32 @!p2 $0x0  }
0x16: {  	s3 =	sld [smem:$0x3FDB];
	s0 =	simm.s32 @p2 $0x1  }
0x17: {  	s4 =	simm.s32 $0x1BF5;
	[smem:$0x3FB3] =	sst s0  }
0x18: {  	s0 =	sld [smem:$0x3F96];
	_ =	swait.ge [sflag:s4], $0x0  }
0x19: {  	s7 =	sld [smem:$0x3F97]  }
0x1a: {  	s8 =	sadd.s32 $0xFFFFE003, lr  }
0x1b: {  	s9 =	sadd.s32 $0xFFFFFEF7, lr;
	s5 =	simm.s32 $0xFFFFFFFF;
	p2 =	slt.u32 s8, $0xFFFFF086  }
0x1c: {  	p1 =	slt.u32 s9, $0xF7A;
	s5 =	simm.s32 @!p2 $0x0  }
0x1d: {  	s5 =	simm.s32 @p1 $0x1;
	p0 =	seq.s32 s7, s2  }
0x1e: {  	s7 =	smul.u32 @!p0 $0xF7A, s2;
	p2 =	seq.s32 @!p0 s5, $0x0  }
0x1f: {  	s9 =	smul.u32 $0xF7A, s1;
	s8 =	simm.s32 @!p0 $0x1BF5;
	p2 =	por !p2, p0  }
0x20: {  	[sflag:s8] =	ssyncset.s32 @!p0 $0xFFFFF086;
	s6 =	sadd.s32 @!p0 s3, s7;
	s7 =	simm.s32 @!p0 $0x108  }
0x21: {  	s3 =	sadd.s32 s3, s9;
	s6 =	sadd.s32 @!p0 $0x88, s6;
	s7 =	simm.s32 @p2 $0x1082  }
0x22: {  	[simem:s7], [sflag:s8] =	dma.local @!p0 [hbm:s6], $0xF7A  }
0x23: {  	s9 =	sor.u32 $0xD0000000, s2;
	s6 =	simm.s32 $0x108;
	_ =	swait.ge @!p0 [sflag:s8], $0x0  }
0x24: {  	s3 =	sadd.s32 $0x88, s3;
	s6 =	simm.s32 @!p1 $0x1082;
	[sflag:s4] =	ssyncset.s32 $0xFFFFF086  }
0x25: {  	[simem:s6], [sflag:s4] =	dma.local [hbm:s3], $0xF7A  }
0x26: {  	[smem:$0x3F97] =	sst s1;
	(tag) =	ssettag s2;
	_ =	strace s9  }
0x27: {  	s1 =	sld [smem:$0x3FA7]  }
0x28: {  	s2 =	sld [smem:$0x3FA8]  }
0x29: {  	s4 =	sld [smem:$0x3FAA]  }
0x2a: {  	p0 =	seq.s32 s5, $0x0;
	s5 =	sld [smem:$0x3FAB]  }
0x2b: {  	s6 =	sld [smem:$0x3FAC]  }
0x2c: {  	s7 =	sld [smem:$0x3FAD]  }
0x2d: {  	s3 =	simm.s32 $0x108;
	s8 =	sld [smem:$0x3FAE]  }
0x2e: {  	s3 =	simm.s32 @!p0 $0x1082;
	s9 =	sld [smem:$0x3FAF]  }
0x2f: {  	lr =	sadd.s32 s0, s3;
	s0 =	sld [smem:$0x3FA6]  }
0x30: {  	s3 =	sld [smem:$0x3FA9]  }
0x31: {  	[smem:$0x3FB2] =	sst s10  }
0x32: {  	s10 =	sld [smem:$0x3FB0];
	_ =	sdelay $0x3  }
0x33: {  	p0 =	seq.s32 s10, $0x1;
	s10 =	sld [smem:$0x3FB2];
	_ =	sdelay $0x3  }
0x34: {  	[smem:$0x3FB2] =	sst s10  }
0x35: {  	s10 =	sld [smem:$0x3FB1];
	_ =	sdelay $0x3  }
0x36: {  	p1 =	seq.s32 s10, $0x1;
	s10 =	sld [smem:$0x3FB2];
	_ =	sdelay $0x3  }
0x37: {  	[smem:$0x3FB2] =	sst s10  }
0x38: {  	s10 =	sld [smem:$0x3FB3]  }
0x39: {  	_ = 	snop;
	(pc) =	sbr.ind lr, $3  }
0x3a: {  	_ = 	snop  }
0x3b: {  	_ = 	snop  }
0x3c: {  	p2 =	seq.s32 s10, $0x1;
	s10 =	sld [smem:$0x3FB2]  }
0x3d: {  	_ =	shalt  }
0x3e: {  	_ =	shalt  }
0x3f: {  	_ =	shalt  }
0x40: {  	_ =	shalt  }
0x41: {  	_ =	shalt  }
0x42: {  	_ =	shalt  }
0x43: {  	_ =	shalt  }
0x44: {  	_ =	shalt  }
0x45: {  	_ =	shalt  }
0x46: {  	_ =	shalt  }
0x47: {  	_ =	shalt  }
0x48: {  	_ =	shalt  }
0x49: {  	_ =	shalt  }
0x4a: {  	_ =	shalt  }
0x4b: {  	_ =	shalt  }
0x4c: {  	_ =	shalt  }
0x4d: {  	_ =	shalt  }
0x4e: {  	_ =	shalt  }
0x4f: {  	_ =	shalt  }
0x50: {  	_ =	shalt  }
0x51: {  	_ =	shalt  }
0x52: {  	_ =	shalt  }
0x53: {  	_ =	shalt  }
0x54: {  	_ =	shalt  }
0x55: {  	_ =	shalt  }
0x56: {  	_ =	shalt  }
0x57: {  	_ =	shalt  }
0x58: {  	_ =	shalt  }
0x59: {  	_ =	shalt  }
0x5a: {  	_ =	shalt  }
0x5b: {  	_ =	shalt  }
0x5c: {  	_ =	shalt  }
0x5d: {  	_ =	shalt  }
0x5e: {  	_ =	shalt  }
0x5f: {  	_ =	shalt  }
0x60: {  	_ =	shalt  }
0x61: {  	_ =	shalt  }
0x62: {  	_ =	shalt  }
0x63: {  	_ =	shalt  }
0x64: {  	_ =	shalt  }
0x65: {  	_ =	shalt  }
0x66: {  	_ =	shalt  }
0x67: {  	_ =	shalt  }
0x68: {  	_ =	shalt  }
0x69: {  	_ =	shalt  }
0x6a: {  	_ =	shalt  }
0x6b: {  	_ =	shalt  }
0x6c: {  	_ =	shalt  }
0x6d: {  	_ =	shalt  }
0x6e: {  	_ =	shalt  }
0x6f: {  	_ =	shalt  }
0x70: {  	_ =	shalt  }
0x71: {  	_ =	shalt  }
0x72: {  	_ =	shalt  }
0x73: {  	_ =	shalt  }
0x74: {  	_ =	shalt  }
0x75: {  	_ =	shalt  }
0x76: {  	_ =	shalt  }
0x77: {  	_ =	shalt  }
0x78: {  	_ =	shalt  }
0x79: {  	_ =	shalt  }
0x7a: {  	_ =	shalt  }
0x7b: {  	_ =	shalt  }
0x7c: {  	_ =	shalt  }
0x7d: {  	_ =	shalt  }
0x7e: {  	_ =	shalt  }
0x7f: {  	_ =	shalt  }
0x80: {  	_ =	shalt  }
0x81: {  	_ =	shalt  }
0x82: {  	_ =	shalt  }
0x83: {  	_ =	shalt  }
0x84: {  	_ =	shalt  }
0x85: {  	_ =	shalt  }
0x86: {  	_ =	shalt  }
0x87: {  	_ =	shalt  }
.Lfunc_end0:
.L_simem_size_0:
called_computation_lowered:
.L_overlay_start_0:
0x88: {  	s2 =	sld [smem:$0x3FD9]  }
0x89: {  	s3 =	sld [smem:$0x3FFE];
	_ =	sdelay $0x1  }
0x8a: {  	s1 =	srdreg.scid  }
0x8b: {  	s0 =	sand.u32 $0x1, s1  }
0x8c: {  	s16 =	sshll.u32 s0, $0xA;
	s2 =	sadd.s32 s3, s2  }
0x8d: {  	s2 =	sadd.s32 s2, s16  }
0x8e: {  	[smem:$0x3FBE] =	sst s2  }
0x8f: {  	_ = 	snop  }
0x90: {  	(tm) =	ssettm $0x1  }
0x91: {  	s17 =	sld [smem:$0x3FFB];
	_ =	sdelay $0x3  }
0x92: {  	_ =	strace s17  }
0x93: {  	s2 =	sld [smem:$0x3FFC];
	_ =	sdelay $0x3  }
0x94: {  	_ =	strace s2  }
0x95: {  	s2 =	sld [smem:$0x3FFD];
	_ =	sdelay $0x3  }
0x96: {  	_ =	strace s2  }
0x97: {  	_ =	strace $0x8FFFFFFF  }
0x98: {  	s18 =	sld [smem:$0x3FDB];
	_ =	sdelay $0x1  }
0x99: {  	s19 =	simm.s32 $_scs_section_size  }
0x9a: {  	s4 =	simm.s32 $_size__tile_overlayer_lowered;
	s5 =	simm.s32 $_tile_overlayer_lowered  }
0x9b: {  	s22 =	simm.s32 $0x1BFF;
	s21 =	sshll.u32 s5, $0x1;
	s2 =	sadd.s32 s19, s18  }
0x9c: {  	s6 =	simm.s32 $0x0;
	s20 =	sshll.u32 s4, $0x1;
	s4 =	sadd.s32 s21, s2  }
0x9d: {  	[timem:s6], [sflag:s22] =	dma.local [hbm:s4], s20  }
0x9e: {  	_ =	swait.ge [sflag:s22], s20  }
0x9f: {  	s3 =	ssub.s32 $0x0, s20;
	[sflag:s22] =	ssyncset.done $0x0  }
0xa0: {  	[sflag:s22] =	ssyncadd.s32 s3;
	_ =	sdelay $0x1  }
0xa1: {  	s23 =	simm.s32 $0x1B8B  }
0xa2: {  	_ =	swait.ge [sflag:s23], $0x1  }
0xa3: {  	[sflag:s23] =	ssyncset.done $0x0  }
0xa4: {  	s25 =	simm.s32 $0x1B8E;
	s24 =	sld [smem:$0x3FFE];
	[sflag:s23] =	ssyncadd.s32 $0xFFFFFFFF  }
0xa5: {  	s26 =	simm.s32 $execute0_lowered;
	[smem:$0x3FD2] =	sst s25  }
0xa6: {  	s4 =	sshll.u32 s26, $0x1;
	_ =	strace $0x80000046;
	[dreg:$0x1] =	wrdreg $0xFFFFFFFF  }
0xa7: {  	s28 =	simm.s32 $_size_execute0_lowered;
	s2 =	sadd.s32 s2, s4;
	[dreg:$0x0] =	wrdreg $0x0  }
0xa8: {  	s4 =	sshll.u32 s28, $0x1;
	[dreg:$0x2] =	wrdreg s2  }
0xa9: {  	[dreg:$0x3] =	wrdreg s4  }
0xaa: {  	[dreg:$0x4] =	wrdreg $0xC0  }
0xab: {  	_ =	task [dreg:s6], $0x5FFFF  }
0xac: {  	[dreg:$0x1] =	wrdreg $0xFFFFFFFF  }
0xad: {  	[dreg:$0x0] =	wrdreg $0x60  }
0xae: {  	[dreg:$0x2] =	wrdreg s24  }
0xaf: {  	[dreg:$0x3] =	wrdreg $0x0  }
0xb0: {  	[dreg:$0x4] =	wrdreg $0x9  }
0xb1: {  	_ =	task.clear_ibuf [dreg:s6], $0x5FFFF;
	_ =	strace $0x90000046  }
0xb2: {  	s29 =	simm.s32 $0x9;
	_ =	strace $0x80000048  }
0xb3: {  	_ =	swait.ge [sflag:s29], $0x1  }
0xb4: {  	[sflag:s29] =	ssyncadd.s32 $0xFFFFFFFF  }
0xb5: {  	_ =	strace $0x90000048  }
0xb6: {  	_ =	sfence  }
0xb7: {  	s30 =	sld [smem:$0x0];
	_ =	sdelay $0x2  }
0xb8: {  	s31 =	sshll.u32 s1, $0xD;
	s1 =	sshrl.u32 s1, $0x2  }
0xb9: {  	s3 =	sand.u32 $0x4000, s31;
	s1 =	sadd.s32 s1, s30  }
0xba: {  	s0 =	sor.u32 s3, s0;
	s1 =	sshll.u32 s1, $0x11  }
0xbb: {  	s0 =	sor.u32 s1, s0  }
0xbc: {  	s0 =	sadd.s32 $0x8F2B, s0  }
0xbd: {  	[sflag:s0] =	ssyncadd.remote.s32 $0x1  }
0xbe: {  	_ =	sfence.sel $0xFFFF  }
0xbf: {  	[dreg:$0x0] =	wrdreg $0xFFFFFFFF;
	(pc) =	sbr.abs _section_cstart, $3  }
0xc0: {  	[dreg:$0x1] =	wrdreg $0xFFFFFFFF  }
0xc1: {  	_ =	task.clear_ibuf [dreg:s6], $0x2FFFF;
	_ =	strace $0x9FFFFFFF  }
0xc2: {  	(tm) =	ssettm $0x7FFFFFFF  }
0xc3: {  	_ =	shalt  }
tec
execute0_lowered:
.L_overlay_start_1:
0x0: {  	(tag) =	ssettag $0x1  }
0x1: {  	s0 =	rddreg [dreg:$0x0]  }
0x2: {  	s2 =	srdreg.scid;
	s1 =	rddreg [dreg:$0x1];
	s3 =	simm.s32 $0x0  }
0x3: {  	s8 =	stileid.u32;
	s11 =	simm.s32 $0x14080;
	s13 =	simm.s32 $0x14100  }
0x4: {  	s15 =	simm.s32 $0x14880;
	s16 =	simm.s32 $0x14180;
	s17 =	simm.s32 $0x14900  }
0x5: {  	s18 =	simm.s32 $0x14200;
	s19 =	simm.s32 $0x14980;
	[smem:$0x7FF] =	sst s3  }
0x6: {  	s20 =	simm.s32 $0x14280;
	_ =	strace $0x80000047;
	[dreg:$0x5] =	wrdreg s11  }
0x7: {  	s21 =	simm.s32 $0x14A00;
	s22 =	simm.s32 $0x14300;
	[dreg:$0x6] =	wrdreg s13  }
0x8: {  	s23 =	simm.s32 $0x14A80;
	s24 =	simm.s32 $0x14380;
	[dreg:$0x7] =	wrdreg s15  }
0x9: {  	s28 =	simm.s32 $0x14600;
	s29 =	simm.s32 $0x14D80;
	[dreg:$0x8] =	wrdreg s16  }
0xa: {  	s30 =	simm.s32 $0x14680;
	s7 =	smul.u32 $0x14000, s8;
	[dreg:$0x9] =	wrdreg s17  }
0xb: {  	s31 =	simm.s32 $0x14E00;
	s25 =	smul.u32 $0x500, s8;
	[dreg:$0xa] =	wrdreg s18  }
0xc: {  	s2 =	sand.u32 $0x1, s2;
	s8 =	smul.u32 $0x50000, s8;
	[dreg:$0xb] =	wrdreg s19  }
0xd: {  	s4 =	sadd.s32 $0x16400, s0;
	s5 =	smul.u32 $0x5000, s2;
	[dreg:$0xc] =	wrdreg s20  }
0xe: {  	s6 =	smul.u32 $0x140000, s2;
	s2 =	ssub.s32 $0x2, s2;
	[dreg:$0xd] =	wrdreg s21  }
0xf: {  	s13 =	simm.s32 $0x3;
	s15 =	simm.s32 $0x14800;
	[dreg:$0xe] =	wrdreg s22  }
0x10: {  	s16 =	simm.s32 $0x80;
	s17 =	simm.s32 $0x19000;
	[dreg:$0xf] =	wrdreg s23  }
0x11: {  	s18 =	simm.s32 $0x1;
	[dreg:$0x10] =	wrdreg s24;
	s19 =	simm.s32 $0x2  }
0x12: {  	s20 =	simm.s32 $0x14B80;
	s21 =	simm.s32 $0x14480;
	s22 =	simm.s32 $0x14C00  }
0x13: {  	s23 =	simm.s32 $0x14500;
	s24 =	simm.s32 $0x14C80;
	s26 =	sshrl.u32 s2, $0x1  }
0x14: {  	s9 =	sshrl.u32 s8, $0x2;
	s2 =	ssub.s32 s2, s26;
	s26 =	simm.s32 $0x14400  }
0x15: {  	s5 =	sadd.s32 s5, s0;
	s2 =	smax.u32 s2, $0x1;
	[dreg:$0x12] =	wrdreg s26  }
0x16: {  	s5 =	sadd.s32 s25, s5;
	s25 =	simm.s32 $0x14B00;
	[dreg:$0x19] =	wrdreg s2  }
0x17: {  	s6 =	sadd.s32 s7, s6;
	s7 =	sadd.s32 $0xC400, s5;
	[dreg:$0x11] =	wrdreg s25  }
0x18: {  	s6 =	sshrl.u32 s6, $0x3;
	s5 =	sadd.s32 $0x2400, s5;
	[dreg:$0x3] =	wrdreg s7  }
0x19: {  	s0 =	sadd.s32 s6, s0;
	s6 =	sadd.s32 s9, s1;
	[dreg:$0x4] =	wrdreg s5  }
0x1a: {  	s8 =	simm.s32 $0x14F80;
	s10 =	sadd.s32 $0x4000, s6;
	[dreg:$0x13] =	wrdreg s6  }
0x1b: {  	s26 =	simm.s32 $0x14D00;
	s12 =	sadd.s32 $0x8000, s6;
	[dreg:$0x14] =	wrdreg s10  }
0x1c: {  	s25 =	simm.s32 $0x14580;
	s14 =	sadd.s32 $0xC000, s6;
	[dreg:$0x15] =	wrdreg s12  }
0x1d: {  	s2 =	simm.s32 $0x14E80;
	s6 =	sadd.s32 $0x10000, s6;
	[dreg:$0x16] =	wrdreg s14  }
0x1e: {  	s9 =	simm.s32 $0x0;
	s0 =	sadd.s32 $0x3D600, s0;
	[dreg:$0x17] =	wrdreg s6  }
0x1f: {  	s7 =	simm.s32 $0x14F00;
	[dreg:$0x18] =	wrdreg s0;
	s12 =	simm.s32 $0x15000  }
0x20: {  	v0 =	vimm.f32 $0.0e+00;
	s14 =	simm.s32 $0x14000;
	s0 =	simm.s32 $0x14700;
	s6 =	simm.s32 $0x14780  }
.LBB2_1:
0x21: {  	s10 =	simm.s32 $0x0;
	s11 =	simm.s32 $0x200  }
.LBB2_2:
0x22: {  	p0 =	sne.s32 s11, $0xFE00;
	[tilespmem:s10+$0x15070] =	vst v0  }
0x23: {  	[tilespmem:s10+$0x15000] =	vst v0  }
0x24: {  	[tilespmem:s10+$0x15010] =	vst v0  }
.Ltmp0:
0x25: {  	[tilespmem:s10+$0x15020] =	vst v0;
	(pc) =	sbr.rel @p0 .LBB2_2-.Ltmp0, $4  }
0x26: {  	[tilespmem:s10+$0x15030] =	vst v0  }
0x27: {  	[tilespmem:s10+$0x15040] =	vst v0  }
0x28: {  	[tilespmem:s10+$0x15050] =	vst v0  }
0x29: {  	[tilespmem:s10+$0x15060] =	vst v0;
	s10 =	sshra.s32 s11, $0x2;
	s11 =	sadd.s32 $0x200, s11  }
0x2a: {  	[tilespmem:s10+$0x15070] =	vst v0  }
0x2b: {  	[tilespmem:s10+$0x15000] =	vst v0  }
0x2c: {  	[tilespmem:s10+$0x15010] =	vst v0  }
0x2d: {  	[tilespmem:s10+$0x15020] =	vst v0  }
0x2e: {  	[tilespmem:s10+$0x15030] =	vst v0  }
0x2f: {  	[tilespmem:s10+$0x15040] =	vst v0  }
0x30: {  	[dreg:$0x1a] =	wrdreg s9;
	[tilespmem:s10+$0x15050] =	vst v0  }
0x31: {  	[tilespmem:s10+$0x15060] =	vst v0;
	s5 =	rddreg [dreg:$0x13]  }
0x32: {  	[spmem:s5] =	stream.linear.scatter [tilespmem:s12], [sflag:$0x3], $0x4000, $0x38;
	[tilespmem:$0x1D000] =	vst v63  }
0x33: {  	_ =	swait.ge [sflag:s13], $0x4000  }
0x34: {  	[sflag:s13] =	ssyncset.done $0x0  }
0x35: {  	s10 =	rddreg [dreg:$0x14];
	[sflag:s13] =	ssyncadd.s32 $0xFFFFC000  }
0x36: {  	[spmem:s10] =	stream.linear.scatter [tilespmem:s12], [sflag:$0x3], $0x4000, $0x38;
	[tilespmem:$0x1D000] =	vst v63  }
0x37: {  	_ =	swait.ge [sflag:s13], $0x4000  }
0x38: {  	[sflag:s13] =	ssyncset.done $0x0  }
0x39: {  	s11 =	rddreg [dreg:$0x15];
	[sflag:s13] =	ssyncadd.s32 $0xFFFFC000  }
0x3a: {  	[spmem:s11] =	stream.linear.scatter [tilespmem:s12], [sflag:$0x3], $0x4000, $0x38;
	[tilespmem:$0x1D000] =	vst v63  }
0x3b: {  	_ =	swait.ge [sflag:s13], $0x4000  }
0x3c: {  	[sflag:s13] =	ssyncset.done $0x0  }
0x3d: {  	s9 =	rddreg [dreg:$0x16];
	[sflag:s13] =	ssyncadd.s32 $0xFFFFC000  }
0x3e: {  	[spmem:s9] =	stream.linear.scatter [tilespmem:s12], [sflag:$0x3], $0x4000, $0x38;
	[tilespmem:$0x1D000] =	vst v63  }
0x3f: {  	_ =	swait.ge [sflag:s13], $0x4000  }
0x40: {  	[sflag:s13] =	ssyncset.done $0x0  }
0x41: {  	s10 =	rddreg [dreg:$0x17];
	[sflag:s13] =	ssyncadd.s32 $0xFFFFC000  }
0x42: {  	[spmem:s10] =	stream.linear.scatter [tilespmem:s12], [sflag:$0x3], $0x4000, $0x38;
	[tilespmem:$0x1D000] =	vst v63  }
0x43: {  	_ =	swait.ge [sflag:s13], $0x4000  }
0x44: {  	[sflag:s13] =	ssyncset.done $0x0  }
0x45: {  	[sflag:s13] =	ssyncadd.s32 $0xFFFFC000  }
0x46: {  	[bflag:$0x0] =	sbarrier.arrive $0xFFFF  }
0x47: {  	s11 =	rddreg [dreg:$0x3]  }
0x48: {  	s5 =	sadd.s32 $0x0, s11  }
0x49: {  	[tilespmem:s14], [sflag:$0x3] =	stream.linear.gather [hbm4b:s5+s3], $0x800, $0x38;
	[tilespmem:$0x1D000] =	vst v63  }
0x4a: {  	_ =	swait.ge [sflag:s13], $0x800  }
0x4b: {  	s9 =	rddreg [dreg:$0x4];
	[sflag:s13] =	ssyncset.done $0x0  }
0x4c: {  	[sflag:s13] =	ssyncadd.s32 $0xFFFFF800;
	s5 =	sadd.s32 $0x0, s9  }
0x4d: {  	[tilespmem:s15], [sflag:$0x3] =	stream.linear.gather [hbm4b:s5+s3], $0x800, $0x38;
	[tilespmem:$0x1D000] =	vst v63  }
0x4e: {  	_ =	swait.ge [sflag:s13], $0x800  }
0x4f: {  	[sflag:s13] =	ssyncset.done $0x0  }
0x50: {  	[sflag:s13] =	ssyncadd.s32 $0xFFFFF800  }
0x51: {  	[tilespmem:s12], [sflag:$0x1] =	stream.indirect.gather [hbm4b:s4+s16], $0x80, s14, s16, $0xb8;
	[tilespmem:$0x1D000] =	vst v63  }
0x52: {  	s10 =	rddreg [dreg:$0x5]  }
0x53: {  	[tilespmem:s17], [sflag:$0x1] =	stream.indirect.gather [hbm4b:s4+s16], $0x80, s10, s16, $0xb8;
	[tilespmem:$0x1D000] =	vst v63  }
0x54: {  	_ =	swait.ge [sflag:s18], $0x4000  }
0x55: {  	[sflag:s18] =	ssyncset.done $0x0  }
0x56: {  	[sflag:s18] =	ssyncadd.s32 $0xFFFFC000  }
0x57: {  	[spmem:s1] =	stream.indirect.scatter.add.f32 [tilespmem:s12], [sflag:$0x2], $0x80, s15, s16, $0xb8;
	[tilespmem:$0x1D000] =	vst v63  }
0x58: {  	_ =	swait.ge [sflag:s19], $0x4000  }
0x59: {  	[sflag:s19] =	ssyncset.done $0x0  }
0x5a: {  	s11 =	rddreg [dreg:$0x6];
	[sflag:s19] =	ssyncadd.s32 $0xFFFFC000  }
0x5b: {  	[tilespmem:s12], [sflag:$0x1] =	stream.indirect.gather [hbm4b:s4+s16], $0x80, s11, s16, $0xb8;
	[tilespmem:$0x1D000] =	vst v63  }
0x5c: {  	_ =	swait.ge [sflag:s18], $0x4000  }
0x5d: {  	[sflag:s18] =	ssyncset.done $0x0  }
0x5e: {  	s9 =	rddreg [dreg:$0x7];
	[sflag:s18] =	ssyncadd.s32 $0xFFFFC000  }
0x5f: {  	[spmem:s1] =	stream.indirect.scatter.add.f32 [tilespmem:s17], [sflag:$0x2], $0x80, s9, s16, $0xb8;
	[tilespmem:$0x1D000] =	vst v63  }
0x60: {  	_ =	swait.ge [sflag:s19], $0x4000  }
0x61: {  	[sflag:s19] =	ssyncset.done $0x0  }
0x62: {  	s10 =	rddreg [dreg:$0x8];
	[sflag:s19] =	ssyncadd.s32 $0xFFFFC000  }
0x63: {  	[tilespmem:s17], [sflag:$0x1] =	stream.indirect.gather [hbm4b:s4+s16], $0x80, s10, s16, $0xb8;
	[tilespmem:$0x1D000] =	vst v63  }
0x64: {  	_ =	swait.ge [sflag:s18], $0x4000  }
0x65: {  	[sflag:s18] =	ssyncset.done $0x0  }
0x66: {  	s11 =	rddreg [dreg:$0x9];
	[sflag:s18] =	ssyncadd.s32 $0xFFFFC000  }
0x67: {  	[spmem:s1] =	stream.indirect.scatter.add.f32 [tilespmem:s12], [sflag:$0x2], $0x80, s11, s16, $0xb8;
	[tilespmem:$0x1D000] =	vst v63  }
0x68: {  	_ =	swait.ge [sflag:s19], $0x4000  }
0x69: {  	[sflag:s19] =	ssyncset.done $0x0  }
0x6a: {  	s9 =	rddreg [dreg:$0xa];
	[sflag:s19] =	ssyncadd.s32 $0xFFFFC000  }
0x6b: {  	[tilespmem:s12], [sflag:$0x1] =	stream.indirect.gather [hbm4b:s4+s16], $0x80, s9, s16, $0xb8;
	[tilespmem:$0x1D000] =	vst v63  }
0x6c: {  	_ =	swait.ge [sflag:s18], $0x4000  }
0x6d: {  	[sflag:s18] =	ssyncset.done $0x0  }
0x6e: {  	s10 =	rddreg [dreg:$0xb];
	[sflag:s18] =	ssyncadd.s32 $0xFFFFC000  }
0x6f: {  	[spmem:s1] =	stream.indirect.scatter.add.f32 [tilespmem:s17], [sflag:$0x2], $0x80, s10, s16, $0xb8;
	[tilespmem:$0x1D000] =	vst v63  }
0x70: {  	_ =	swait.ge [sflag:s19], $0x4000  }
0x71: {  	[sflag:s19] =	ssyncset.done $0x0  }
0x72: {  	s11 =	rddreg [dreg:$0xc];
	[sflag:s19] =	ssyncadd.s32 $0xFFFFC000  }
0x73: {  	[tilespmem:s17], [sflag:$0x1] =	stream.indirect.gather [hbm4b:s4+s16], $0x80, s11, s16, $0xb8;
	[tilespmem:$0x1D000] =	vst v63  }
0x74: {  	_ =	swait.ge [sflag:s18], $0x4000  }
0x75: {  	[sflag:s18] =	ssyncset.done $0x0  }
0x76: {  	s9 =	rddreg [dreg:$0xd];
	[sflag:s18] =	ssyncadd.s32 $0xFFFFC000  }
0x77: {  	[spmem:s1] =	stream.indirect.scatter.add.f32 [tilespmem:s12], [sflag:$0x2], $0x80, s9, s16, $0xb8;
	[tilespmem:$0x1D000] =	vst v63  }
0x78: {  	_ =	swait.ge [sflag:s19], $0x4000  }
0x79: {  	[sflag:s19] =	ssyncset.done $0x0  }
0x7a: {  	s10 =	rddreg [dreg:$0xe];
	[sflag:s19] =	ssyncadd.s32 $0xFFFFC000  }
0x7b: {  	[tilespmem:s12], [sflag:$0x1] =	stream.indirect.gather [hbm4b:s4+s16], $0x80, s10, s16, $0xb8;
	[tilespmem:$0x1D000] =	vst v63  }
0x7c: {  	_ =	swait.ge [sflag:s18], $0x4000  }
0x7d: {  	[sflag:s18] =	ssyncset.done $0x0  }
0x7e: {  	s11 =	rddreg [dreg:$0xf];
	[sflag:s18] =	ssyncadd.s32 $0xFFFFC000  }
0x7f: {  	[spmem:s1] =	stream.indirect.scatter.add.f32 [tilespmem:s17], [sflag:$0x2], $0x80, s11, s16, $0xb8;
	[tilespmem:$0x1D000] =	vst v63  }
0x80: {  	_ =	swait.ge [sflag:s19], $0x4000  }
0x81: {  	[sflag:s19] =	ssyncset.done $0x0  }
0x82: {  	s9 =	rddreg [dreg:$0x10];
	[sflag:s19] =	ssyncadd.s32 $0xFFFFC000  }
0x83: {  	[tilespmem:s17], [sflag:$0x1] =	stream.indirect.gather [hbm4b:s4+s16], $0x80, s9, s16, $0xb8;
	[tilespmem:$0x1D000] =	vst v63  }
0x84: {  	_ =	swait.ge [sflag:s18], $0x4000  }
0x85: {  	[sflag:s18] =	ssyncset.done $0x0  }
0x86: {  	s10 =	rddreg [dreg:$0x11];
	[sflag:s18] =	ssyncadd.s32 $0xFFFFC000  }
0x87: {  	[spmem:s1] =	stream.indirect.scatter.add.f32 [tilespmem:s12], [sflag:$0x2], $0x80, s10, s16, $0xb8;
	[tilespmem:$0x1D000] =	vst v63  }
0x88: {  	_ =	swait.ge [sflag:s19], $0x4000  }
0x89: {  	[sflag:s19] =	ssyncset.done $0x0  }
0x8a: {  	s11 =	rddreg [dreg:$0x12];
	[sflag:s19] =	ssyncadd.s32 $0xFFFFC000  }
0x8b: {  	[tilespmem:s12], [sflag:$0x1] =	stream.indirect.gather [hbm4b:s4+s16], $0x80, s11, s16, $0xb8;
	[tilespmem:$0x1D000] =	vst v63  }
0x8c: {  	_ =	swait.ge [sflag:s18], $0x4000  }
0x8d: {  	[sflag:s18] =	ssyncset.done $0x0  }
0x8e: {  	[sflag:s18] =	ssyncadd.s32 $0xFFFFC000  }
0x8f: {  	[spmem:s1] =	stream.indirect.scatter.add.f32 [tilespmem:s17], [sflag:$0x2], $0x80, s20, s16, $0xb8;
	[tilespmem:$0x1D000] =	vst v63  }
0x90: {  	_ =	swait.ge [sflag:s19], $0x4000  }
0x91: {  	[sflag:s19] =	ssyncset.done $0x0  }
0x92: {  	[sflag:s19] =	ssyncadd.s32 $0xFFFFC000  }
0x93: {  	[tilespmem:s17], [sflag:$0x1] =	stream.indirect.gather [hbm4b:s4+s16], $0x80, s21, s16, $0xb8;
	[tilespmem:$0x1D000] =	vst v63  }
0x94: {  	_ =	swait.ge [sflag:s18], $0x4000  }
0x95: {  	[sflag:s18] =	ssyncset.done $0x0  }
0x96: {  	[sflag:s18] =	ssyncadd.s32 $0xFFFFC000  }
0x97: {  	[spmem:s1] =	stream.indirect.scatter.add.f32 [tilespmem:s12], [sflag:$0x2], $0x80, s22, s16, $0xb8;
	[tilespmem:$0x1D000] =	vst v63  }
0x98: {  	_ =	swait.ge [sflag:s19], $0x4000  }
0x99: {  	[sflag:s19] =	ssyncset.done $0x0  }
0x9a: {  	[sflag:s19] =	ssyncadd.s32 $0xFFFFC000  }
0x9b: {  	[tilespmem:s12], [sflag:$0x1] =	stream.indirect.gather [hbm4b:s4+s16], $0x80, s23, s16, $0xb8;
	[tilespmem:$0x1D000] =	vst v63  }
0x9c: {  	_ =	swait.ge [sflag:s18], $0x4000  }
0x9d: {  	[sflag:s18] =	ssyncset.done $0x0  }
0x9e: {  	[sflag:s18] =	ssyncadd.s32 $0xFFFFC000  }
0x9f: {  	[spmem:s1] =	stream.indirect.scatter.add.f32 [tilespmem:s17], [sflag:$0x2], $0x80, s24, s16, $0xb8;
	[tilespmem:$0x1D000] =	vst v63  }
0xa0: {  	_ =	swait.ge [sflag:s19], $0x4000  }
0xa1: {  	[sflag:s19] =	ssyncset.done $0x0  }
0xa2: {  	[sflag:s19] =	ssyncadd.s32 $0xFFFFC000  }
0xa3: {  	[tilespmem:s17], [sflag:$0x1] =	stream.indirect.gather [hbm4b:s4+s16], $0x80, s25, s16, $0xb8;
	[tilespmem:$0x1D000] =	vst v63  }
0xa4: {  	_ =	swait.ge [sflag:s18], $0x4000  }
0xa5: {  	[sflag:s18] =	ssyncset.done $0x0  }
0xa6: {  	[sflag:s18] =	ssyncadd.s32 $0xFFFFC000  }
0xa7: {  	[spmem:s1] =	stream.indirect.scatter.add.f32 [tilespmem:s12], [sflag:$0x2], $0x80, s26, s16, $0xb8;
	[tilespmem:$0x1D000] =	vst v63  }
0xa8: {  	_ =	swait.ge [sflag:s19], $0x4000  }
0xa9: {  	[sflag:s19] =	ssyncset.done $0x0  }
0xaa: {  	[sflag:s19] =	ssyncadd.s32 $0xFFFFC000  }
0xab: {  	[tilespmem:s12], [sflag:$0x1] =	stream.indirect.gather [hbm4b:s4+s16], $0x80, s28, s16, $0xb8;
	[tilespmem:$0x1D000] =	vst v63  }
0xac: {  	_ =	swait.ge [sflag:s18], $0x4000  }
0xad: {  	[sflag:s18] =	ssyncset.done $0x0  }
0xae: {  	[sflag:s18] =	ssyncadd.s32 $0xFFFFC000  }
0xaf: {  	[spmem:s1] =	stream.indirect.scatter.add.f32 [tilespmem:s17], [sflag:$0x2], $0x80, s29, s16, $0xb8;
	[tilespmem:$0x1D000] =	vst v63  }
0xb0: {  	_ =	swait.ge [sflag:s19], $0x4000  }
0xb1: {  	[sflag:s19] =	ssyncset.done $0x0  }
0xb2: {  	[sflag:s19] =	ssyncadd.s32 $0xFFFFC000  }
0xb3: {  	[tilespmem:s17], [sflag:$0x1] =	stream.indirect.gather [hbm4b:s4+s16], $0x80, s30, s16, $0xb8;
	[tilespmem:$0x1D000] =	vst v63  }
0xb4: {  	_ =	swait.ge [sflag:s18], $0x4000  }
0xb5: {  	[sflag:s18] =	ssyncset.done $0x0  }
0xb6: {  	[sflag:s18] =	ssyncadd.s32 $0xFFFFC000  }
0xb7: {  	[spmem:s1] =	stream.indirect.scatter.add.f32 [tilespmem:s12], [sflag:$0x2], $0x80, s31, s16, $0xb8;
	[tilespmem:$0x1D000] =	vst v63  }
0xb8: {  	_ =	swait.ge [sflag:s19], $0x4000  }
0xb9: {  	[sflag:s19] =	ssyncset.done $0x0  }
0xba: {  	[sflag:s19] =	ssyncadd.s32 $0xFFFFC000  }
0xbb: {  	[tilespmem:s12], [sflag:$0x1] =	stream.indirect.gather [hbm4b:s4+s16], $0x80, s0, s16, $0xb8;
	[tilespmem:$0x1D000] =	vst v63  }
0xbc: {  	_ =	swait.ge [sflag:s18], $0x4000  }
0xbd: {  	[sflag:s18] =	ssyncset.done $0x0  }
0xbe: {  	[sflag:s18] =	ssyncadd.s32 $0xFFFFC000  }
0xbf: {  	[spmem:s1] =	stream.indirect.scatter.add.f32 [tilespmem:s17], [sflag:$0x2], $0x80, s2, s16, $0xb8;
	[tilespmem:$0x1D000] =	vst v63  }
0xc0: {  	_ =	swait.ge [sflag:s19], $0x4000  }
0xc1: {  	[sflag:s19] =	ssyncset.done $0x0  }
0xc2: {  	[sflag:s19] =	ssyncadd.s32 $0xFFFFC000  }
0xc3: {  	[tilespmem:s17], [sflag:$0x1] =	stream.indirect.gather [hbm4b:s4+s16], $0x80, s6, s16, $0xb8;
	[tilespmem:$0x1D000] =	vst v63  }
0xc4: {  	_ =	swait.ge [sflag:s18], $0x4000  }
0xc5: {  	[sflag:s18] =	ssyncset.done $0x0  }
0xc6: {  	[sflag:s18] =	ssyncadd.s32 $0xFFFFC000  }
0xc7: {  	[spmem:s1] =	stream.indirect.scatter.add.f32 [tilespmem:s12], [sflag:$0x2], $0x80, s7, s16, $0xb8;
	[tilespmem:$0x1D000] =	vst v63  }
0xc8: {  	_ =	swait.ge [sflag:s18], $0x4000  }
0xc9: {  	[sflag:s18] =	ssyncset.done $0x0  }
0xca: {  	[sflag:s18] =	ssyncadd.s32 $0xFFFFC000  }
0xcb: {  	[spmem:s1] =	stream.indirect.scatter.add.f32 [tilespmem:s17], [sflag:$0x2], $0x80, s8, s16, $0xb8;
	[tilespmem:$0x1D000] =	vst v63  }
0xcc: {  	_ =	swait.ge [sflag:s19], $0x4000  }
0xcd: {  	[sflag:s19] =	ssyncset.done $0x0  }
0xce: {  	[sflag:s19] =	ssyncadd.s32 $0xFFFFC000  }
0xcf: {  	s10 =	simm.s32 $0x100;
	_ =	swait.ge [sflag:s19], $0x4000  }
0xd0: {  	s11 =	simm.s32 $0x200;
	s5 =	rddreg [dreg:$0x3];
	[sflag:s19] =	ssyncset.done $0x0  }
.LBB2_4:
0xd1: {  	[sflag:s19] =	ssyncadd.s32 $0xFFFFC000;
	s5 =	sadd.s32 s10, s5  }
0xd2: {  	[tilespmem:s14], [sflag:$0x3] =	stream.linear.gather [hbm4b:s5+s3], $0x800, $0x38;
	[tilespmem:$0x1D000] =	vst v63  }
0xd3: {  	_ =	swait.ge [sflag:s13], $0x800  }
0xd4: {  	s5 =	rddreg [dreg:$0x4];
	[sflag:s13] =	ssyncset.done $0x0  }
0xd5: {  	[sflag:s13] =	ssyncadd.s32 $0xFFFFF800;
	s5 =	sadd.s32 s10, s5  }
0xd6: {  	[tilespmem:s15], [sflag:$0x3] =	stream.linear.gather [hbm4b:s5+s3], $0x800, $0x38;
	[tilespmem:$0x1D000] =	vst v63  }
0xd7: {  	_ =	swait.ge [sflag:s13], $0x800  }
0xd8: {  	[sflag:s13] =	ssyncset.done $0x0  }
0xd9: {  	s9 =	smov.u32 s11;
	[sflag:s13] =	ssyncadd.s32 $0xFFFFF800  }
0xda: {  	[tilespmem:s12], [sflag:$0x1] =	stream.indirect.gather [hbm4b:s4+s16], $0x80, s14, s16, $0xb8;
	[tilespmem:$0x1D000] =	vst v63  }
0xdb: {  	s10 =	smov.u32 s9;
	s9 =	rddreg [dreg:$0x5]  }
0xdc: {  	[tilespmem:s17], [sflag:$0x1] =	stream.indirect.gather [hbm4b:s4+s16], $0x80, s9, s16, $0xb8;
	[tilespmem:$0x1D000] =	vst v63  }
0xdd: {  	_ =	swait.ge [sflag:s18], $0x4000  }
0xde: {  	[sflag:s18] =	ssyncset.done $0x0  }
0xdf: {  	[sflag:s18] =	ssyncadd.s32 $0xFFFFC000  }
0xe0: {  	[spmem:s1] =	stream.indirect.scatter.add.f32 [tilespmem:s12], [sflag:$0x2], $0x80, s15, s16, $0xb8;
	[tilespmem:$0x1D000] =	vst v63  }
0xe1: {  	_ =	swait.ge [sflag:s19], $0x4000  }
0xe2: {  	[sflag:s19] =	ssyncset.done $0x0  }
0xe3: {  	s9 =	rddreg [dreg:$0x6];
	[sflag:s19] =	ssyncadd.s32 $0xFFFFC000  }
0xe4: {  	[tilespmem:s12], [sflag:$0x1] =	stream.indirect.gather [hbm4b:s4+s16], $0x80, s9, s16, $0xb8;
	[tilespmem:$0x1D000] =	vst v63  }
0xe5: {  	_ =	swait.ge [sflag:s18], $0x4000  }
0xe6: {  	[sflag:s18] =	ssyncset.done $0x0  }
0xe7: {  	s9 =	rddreg [dreg:$0x7];
	[sflag:s18] =	ssyncadd.s32 $0xFFFFC000  }
0xe8: {  	[spmem:s1] =	stream.indirect.scatter.add.f32 [tilespmem:s17], [sflag:$0x2], $0x80, s9, s16, $0xb8;
	[tilespmem:$0x1D000] =	vst v63  }
0xe9: {  	_ =	swait.ge [sflag:s19], $0x4000  }
0xea: {  	[sflag:s19] =	ssyncset.done $0x0  }
0xeb: {  	s9 =	rddreg [dreg:$0x8];
	[sflag:s19] =	ssyncadd.s32 $0xFFFFC000  }
0xec: {  	[tilespmem:s17], [sflag:$0x1] =	stream.indirect.gather [hbm4b:s4+s16], $0x80, s9, s16, $0xb8;
	[tilespmem:$0x1D000] =	vst v63  }
0xed: {  	_ =	swait.ge [sflag:s18], $0x4000  }
0xee: {  	[sflag:s18] =	ssyncset.done $0x0  }
0xef: {  	s9 =	rddreg [dreg:$0x9];
	[sflag:s18] =	ssyncadd.s32 $0xFFFFC000  }
0xf0: {  	[spmem:s1] =	stream.indirect.scatter.add.f32 [tilespmem:s12], [sflag:$0x2], $0x80, s9, s16, $0xb8;
	[tilespmem:$0x1D000] =	vst v63  }
0xf1: {  	_ =	swait.ge [sflag:s19], $0x4000  }
0xf2: {  	[sflag:s19] =	ssyncset.done $0x0  }
0xf3: {  	s9 =	rddreg [dreg:$0xa];
	[sflag:s19] =	ssyncadd.s32 $0xFFFFC000  }
0xf4: {  	[tilespmem:s12], [sflag:$0x1] =	stream.indirect.gather [hbm4b:s4+s16], $0x80, s9, s16, $0xb8;
	[tilespmem:$0x1D000] =	vst v63  }
0xf5: {  	_ =	swait.ge [sflag:s18], $0x4000  }
0xf6: {  	[sflag:s18] =	ssyncset.done $0x0  }
0xf7: {  	s9 =	rddreg [dreg:$0xb];
	[sflag:s18] =	ssyncadd.s32 $0xFFFFC000  }
0xf8: {  	[spmem:s1] =	stream.indirect.scatter.add.f32 [tilespmem:s17], [sflag:$0x2], $0x80, s9, s16, $0xb8;
	[tilespmem:$0x1D000] =	vst v63  }
0xf9: {  	_ =	swait.ge [sflag:s19], $0x4000  }
0xfa: {  	[sflag:s19] =	ssyncset.done $0x0  }
0xfb: {  	s9 =	rddreg [dreg:$0xc];
	[sflag:s19] =	ssyncadd.s32 $0xFFFFC000  }
0xfc: {  	[tilespmem:s17], [sflag:$0x1] =	stream.indirect.gather [hbm4b:s4+s16], $0x80, s9, s16, $0xb8;
	[tilespmem:$0x1D000] =	vst v63  }
0xfd: {  	_ =	swait.ge [sflag:s18], $0x4000  }
0xfe: {  	[sflag:s18] =	ssyncset.done $0x0  }
0xff: {  	s9 =	rddreg [dreg:$0xd];
	[sflag:s18] =	ssyncadd.s32 $0xFFFFC000  }
0x100: {  	[spmem:s1] =	stream.indirect.scatter.add.f32 [tilespmem:s12], [sflag:$0x2], $0x80, s9, s16, $0xb8;
	[tilespmem:$0x1D000] =	vst v63  }
0x101: {  	_ =	swait.ge [sflag:s19], $0x4000  }
0x102: {  	[sflag:s19] =	ssyncset.done $0x0  }
0x103: {  	s9 =	rddreg [dreg:$0xe];
	[sflag:s19] =	ssyncadd.s32 $0xFFFFC000  }
0x104: {  	[tilespmem:s12], [sflag:$0x1] =	stream.indirect.gather [hbm4b:s4+s16], $0x80, s9, s16, $0xb8;
	[tilespmem:$0x1D000] =	vst v63  }
0x105: {  	_ =	swait.ge [sflag:s18], $0x4000  }
0x106: {  	[sflag:s18] =	ssyncset.done $0x0  }
0x107: {  	s9 =	rddreg [dreg:$0xf];
	[sflag:s18] =	ssyncadd.s32 $0xFFFFC000  }
0x108: {  	[spmem:s1] =	stream.indirect.scatter.add.f32 [tilespmem:s17], [sflag:$0x2], $0x80, s9, s16, $0xb8;
	[tilespmem:$0x1D000] =	vst v63  }
0x109: {  	_ =	swait.ge [sflag:s19], $0x4000  }
0x10a: {  	[sflag:s19] =	ssyncset.done $0x0  }
0x10b: {  	s9 =	rddreg [dreg:$0x10];
	[sflag:s19] =	ssyncadd.s32 $0xFFFFC000  }
0x10c: {  	[tilespmem:s17], [sflag:$0x1] =	stream.indirect.gather [hbm4b:s4+s16], $0x80, s9, s16, $0xb8;
	[tilespmem:$0x1D000] =	vst v63  }
0x10d: {  	_ =	swait.ge [sflag:s18], $0x4000  }
0x10e: {  	[sflag:s18] =	ssyncset.done $0x0  }
0x10f: {  	s9 =	rddreg [dreg:$0x11];
	[sflag:s18] =	ssyncadd.s32 $0xFFFFC000  }
0x110: {  	[spmem:s1] =	stream.indirect.scatter.add.f32 [tilespmem:s12], [sflag:$0x2], $0x80, s9, s16, $0xb8;
	[tilespmem:$0x1D000] =	vst v63  }
0x111: {  	_ =	swait.ge [sflag:s19], $0x4000  }
0x112: {  	[sflag:s19] =	ssyncset.done $0x0  }
0x113: {  	s9 =	rddreg [dreg:$0x12];
	[sflag:s19] =	ssyncadd.s32 $0xFFFFC000  }
0x114: {  	[tilespmem:s12], [sflag:$0x1] =	stream.indirect.gather [hbm4b:s4+s16], $0x80, s9, s16, $0xb8;
	[tilespmem:$0x1D000] =	vst v63  }
0x115: {  	_ =	swait.ge [sflag:s18], $0x4000  }
0x116: {  	[sflag:s18] =	ssyncset.done $0x0  }
0x117: {  	[sflag:s18] =	ssyncadd.s32 $0xFFFFC000  }
0x118: {  	[spmem:s1] =	stream.indirect.scatter.add.f32 [tilespmem:s17], [sflag:$0x2], $0x80, s20, s16, $0xb8;
	[tilespmem:$0x1D000] =	vst v63  }
0x119: {  	_ =	swait.ge [sflag:s19], $0x4000  }
0x11a: {  	[sflag:s19] =	ssyncset.done $0x0  }
0x11b: {  	[sflag:s19] =	ssyncadd.s32 $0xFFFFC000  }
0x11c: {  	[tilespmem:s17], [sflag:$0x1] =	stream.indirect.gather [hbm4b:s4+s16], $0x80, s21, s16, $0xb8;
	[tilespmem:$0x1D000] =	vst v63  }
0x11d: {  	_ =	swait.ge [sflag:s18], $0x4000  }
0x11e: {  	[sflag:s18] =	ssyncset.done $0x0  }
0x11f: {  	[sflag:s18] =	ssyncadd.s32 $0xFFFFC000  }
0x120: {  	[spmem:s1] =	stream.indirect.scatter.add.f32 [tilespmem:s12], [sflag:$0x2], $0x80, s22, s16, $0xb8;
	[tilespmem:$0x1D000] =	vst v63  }
0x121: {  	_ =	swait.ge [sflag:s19], $0x4000  }
0x122: {  	[sflag:s19] =	ssyncset.done $0x0  }
0x123: {  	[sflag:s19] =	ssyncadd.s32 $0xFFFFC000  }
0x124: {  	[tilespmem:s12], [sflag:$0x1] =	stream.indirect.gather [hbm4b:s4+s16], $0x80, s23, s16, $0xb8;
	[tilespmem:$0x1D000] =	vst v63  }
0x125: {  	_ =	swait.ge [sflag:s18], $0x4000  }
0x126: {  	[sflag:s18] =	ssyncset.done $0x0  }
0x127: {  	[sflag:s18] =	ssyncadd.s32 $0xFFFFC000  }
0x128: {  	[spmem:s1] =	stream.indirect.scatter.add.f32 [tilespmem:s17], [sflag:$0x2], $0x80, s24, s16, $0xb8;
	[tilespmem:$0x1D000] =	vst v63  }
0x129: {  	_ =	swait.ge [sflag:s19], $0x4000  }
0x12a: {  	[sflag:s19] =	ssyncset.done $0x0  }
0x12b: {  	[sflag:s19] =	ssyncadd.s32 $0xFFFFC000  }
0x12c: {  	[tilespmem:s17], [sflag:$0x1] =	stream.indirect.gather [hbm4b:s4+s16], $0x80, s25, s16, $0xb8;
	[tilespmem:$0x1D000] =	vst v63  }
0x12d: {  	_ =	swait.ge [sflag:s18], $0x4000  }
0x12e: {  	[sflag:s18] =	ssyncset.done $0x0  }
0x12f: {  	[sflag:s18] =	ssyncadd.s32 $0xFFFFC000  }
0x130: {  	[spmem:s1] =	stream.indirect.scatter.add.f32 [tilespmem:s12], [sflag:$0x2], $0x80, s26, s16, $0xb8;
	[tilespmem:$0x1D000] =	vst v63  }
0x131: {  	_ =	swait.ge [sflag:s19], $0x4000  }
0x132: {  	[sflag:s19] =	ssyncset.done $0x0  }
0x133: {  	[sflag:s19] =	ssyncadd.s32 $0xFFFFC000  }
0x134: {  	[tilespmem:s12], [sflag:$0x1] =	stream.indirect.gather [hbm4b:s4+s16], $0x80, s28, s16, $0xb8;
	[tilespmem:$0x1D000] =	vst v63  }
0x135: {  	_ =	swait.ge [sflag:s18], $0x4000  }
0x136: {  	[sflag:s18] =	ssyncset.done $0x0  }
0x137: {  	[sflag:s18] =	ssyncadd.s32 $0xFFFFC000  }
0x138: {  	[spmem:s1] =	stream.indirect.scatter.add.f32 [tilespmem:s17], [sflag:$0x2], $0x80, s29, s16, $0xb8;
	[tilespmem:$0x1D000] =	vst v63  }
0x139: {  	_ =	swait.ge [sflag:s19], $0x4000  }
0x13a: {  	[sflag:s19] =	ssyncset.done $0x0  }
0x13b: {  	[sflag:s19] =	ssyncadd.s32 $0xFFFFC000  }
0x13c: {  	[tilespmem:s17], [sflag:$0x1] =	stream.indirect.gather [hbm4b:s4+s16], $0x80, s30, s16, $0xb8;
	[tilespmem:$0x1D000] =	vst v63  }
0x13d: {  	_ =	swait.ge [sflag:s18], $0x4000  }
0x13e: {  	[sflag:s18] =	ssyncset.done $0x0  }
0x13f: {  	[sflag:s18] =	ssyncadd.s32 $0xFFFFC000  }
0x140: {  	[spmem:s1] =	stream.indirect.scatter.add.f32 [tilespmem:s12], [sflag:$0x2], $0x80, s31, s16, $0xb8;
	[tilespmem:$0x1D000] =	vst v63  }
0x141: {  	_ =	swait.ge [sflag:s19], $0x4000  }
0x142: {  	[sflag:s19] =	ssyncset.done $0x0  }
0x143: {  	[sflag:s19] =	ssyncadd.s32 $0xFFFFC000  }
0x144: {  	[tilespmem:s12], [sflag:$0x1] =	stream.indirect.gather [hbm4b:s4+s16], $0x80, s0, s16, $0xb8;
	[tilespmem:$0x1D000] =	vst v63  }
0x145: {  	_ =	swait.ge [sflag:s18], $0x4000  }
0x146: {  	[sflag:s18] =	ssyncset.done $0x0  }
0x147: {  	[sflag:s18] =	ssyncadd.s32 $0xFFFFC000  }
0x148: {  	[spmem:s1] =	stream.indirect.scatter.add.f32 [tilespmem:s17], [sflag:$0x2], $0x80, s2, s16, $0xb8;
	[tilespmem:$0x1D000] =	vst v63  }
0x149: {  	_ =	swait.ge [sflag:s19], $0x4000  }
0x14a: {  	[sflag:s19] =	ssyncset.done $0x0  }
0x14b: {  	[sflag:s19] =	ssyncadd.s32 $0xFFFFC000  }
0x14c: {  	[tilespmem:s17], [sflag:$0x1] =	stream.indirect.gather [hbm4b:s4+s16], $0x80, s6, s16, $0xb8;
	[tilespmem:$0x1D000] =	vst v63  }
0x14d: {  	_ =	swait.ge [sflag:s18], $0x4000  }
0x14e: {  	[sflag:s18] =	ssyncset.done $0x0  }
0x14f: {  	[sflag:s18] =	ssyncadd.s32 $0xFFFFC000  }
0x150: {  	[spmem:s1] =	stream.indirect.scatter.add.f32 [tilespmem:s12], [sflag:$0x2], $0x80, s7, s16, $0xb8;
	[tilespmem:$0x1D000] =	vst v63  }
0x151: {  	_ =	swait.ge [sflag:s18], $0x4000  }
0x152: {  	[sflag:s18] =	ssyncset.done $0x0  }
0x153: {  	p0 =	sne.s32 s11, $0x400;
	[sflag:s18] =	ssyncadd.s32 $0xFFFFC000  }
0x154: {  	[spmem:s1] =	stream.indirect.scatter.add.f32 [tilespmem:s17], [sflag:$0x2], $0x80, s8, s16, $0xb8;
	[tilespmem:$0x1D000] =	vst v63  }
.Ltmp1:
0x155: {  	_ =	swait.ge [sflag:s19], $0x4000;
	(pc) =	sbr.rel @p0 .LBB2_4-.Ltmp1, $4  }
0x156: {  	[sflag:s19] =	ssyncset.done $0x0  }
0x157: {  	[sflag:s19] =	ssyncadd.s32 $0xFFFFC000  }
0x158: {  	_ =	swait.ge [sflag:s19], $0x4000  }
0x159: {  	s11 =	sadd.s32 $0x100, s11;
	s5 =	rddreg [dreg:$0x3];
	[sflag:s19] =	ssyncset.done $0x0  }
0x15a: {  	[sflag:s19] =	ssyncadd.s32 $0xFFFFC000;
	s5 =	sadd.s32 s10, s5  }
0x15b: {  	[tilespmem:s14], [sflag:$0x3] =	stream.linear.gather [hbm4b:s5+s3], $0x800, $0x38;
	[tilespmem:$0x1D000] =	vst v63  }
0x15c: {  	_ =	swait.ge [sflag:s13], $0x800  }
0x15d: {  	s9 =	rddreg [dreg:$0x4];
	[sflag:s13] =	ssyncset.done $0x0  }
0x15e: {  	[sflag:s13] =	ssyncadd.s32 $0xFFFFF800;
	s5 =	sadd.s32 s10, s9  }
0x15f: {  	[tilespmem:s15], [sflag:$0x3] =	stream.linear.gather [hbm4b:s5+s3], $0x800, $0x38;
	[tilespmem:$0x1D000] =	vst v63  }
0x160: {  	_ =	swait.ge [sflag:s13], $0x800  }
0x161: {  	[sflag:s13] =	ssyncset.done $0x0  }
0x162: {  	[sflag:s13] =	ssyncadd.s32 $0xFFFFF800  }
0x163: {  	[tilespmem:s12], [sflag:$0x1] =	stream.indirect.gather [hbm4b:s4+s16], $0x80, s14, s16, $0xb8;
	[tilespmem:$0x1D000] =	vst v63  }
0x164: {  	s11 =	rddreg [dreg:$0x5]  }
0x165: {  	[tilespmem:s17], [sflag:$0x1] =	stream.indirect.gather [hbm4b:s4+s16], $0x80, s11, s16, $0xb8;
	[tilespmem:$0x1D000] =	vst v63  }
0x166: {  	_ =	swait.ge [sflag:s18], $0x4000  }
0x167: {  	[sflag:s18] =	ssyncset.done $0x0  }
0x168: {  	[sflag:s18] =	ssyncadd.s32 $0xFFFFC000  }
0x169: {  	[spmem:s1] =	stream.indirect.scatter.add.f32 [tilespmem:s12], [sflag:$0x2], $0x80, s15, s16, $0xb8;
	[tilespmem:$0x1D000] =	vst v63  }
0x16a: {  	_ =	swait.ge [sflag:s19], $0x4000  }
0x16b: {  	[sflag:s19] =	ssyncset.done $0x0  }
0x16c: {  	s9 =	rddreg [dreg:$0x6];
	[sflag:s19] =	ssyncadd.s32 $0xFFFFC000  }
0x16d: {  	[tilespmem:s12], [sflag:$0x1] =	stream.indirect.gather [hbm4b:s4+s16], $0x80, s9, s16, $0xb8;
	[tilespmem:$0x1D000] =	vst v63  }
0x16e: {  	_ =	swait.ge [sflag:s18], $0x4000  }
0x16f: {  	[sflag:s18] =	ssyncset.done $0x0  }
0x170: {  	s10 =	rddreg [dreg:$0x7];
	[sflag:s18] =	ssyncadd.s32 $0xFFFFC000  }
0x171: {  	[spmem:s1] =	stream.indirect.scatter.add.f32 [tilespmem:s17], [sflag:$0x2], $0x80, s10, s16, $0xb8;
	[tilespmem:$0x1D000] =	vst v63  }
0x172: {  	_ =	swait.ge [sflag:s19], $0x4000  }
0x173: {  	[sflag:s19] =	ssyncset.done $0x0  }
0x174: {  	s11 =	rddreg [dreg:$0x8];
	[sflag:s19] =	ssyncadd.s32 $0xFFFFC000  }
0x175: {  	[tilespmem:s17], [sflag:$0x1] =	stream.indirect.gather [hbm4b:s4+s16], $0x80, s11, s16, $0xb8;
	[tilespmem:$0x1D000] =	vst v63  }
0x176: {  	_ =	swait.ge [sflag:s18], $0x4000  }
0x177: {  	[sflag:s18] =	ssyncset.done $0x0  }
0x178: {  	s9 =	rddreg [dreg:$0x9];
	[sflag:s18] =	ssyncadd.s32 $0xFFFFC000  }
0x179: {  	[spmem:s1] =	stream.indirect.scatter.add.f32 [tilespmem:s12], [sflag:$0x2], $0x80, s9, s16, $0xb8;
	[tilespmem:$0x1D000] =	vst v63  }
0x17a: {  	_ =	swait.ge [sflag:s19], $0x4000  }
0x17b: {  	[sflag:s19] =	ssyncset.done $0x0  }
0x17c: {  	s10 =	rddreg [dreg:$0xa];
	[sflag:s19] =	ssyncadd.s32 $0xFFFFC000  }
0x17d: {  	[tilespmem:s12], [sflag:$0x1] =	stream.indirect.gather [hbm4b:s4+s16], $0x80, s10, s16, $0xb8;
	[tilespmem:$0x1D000] =	vst v63  }
0x17e: {  	_ =	swait.ge [sflag:s18], $0x4000  }
0x17f: {  	[sflag:s18] =	ssyncset.done $0x0  }
0x180: {  	s11 =	rddreg [dreg:$0xb];
	[sflag:s18] =	ssyncadd.s32 $0xFFFFC000  }
0x181: {  	[spmem:s1] =	stream.indirect.scatter.add.f32 [tilespmem:s17], [sflag:$0x2], $0x80, s11, s16, $0xb8;
	[tilespmem:$0x1D000] =	vst v63  }
0x182: {  	_ =	swait.ge [sflag:s19], $0x4000  }
0x183: {  	[sflag:s19] =	ssyncset.done $0x0  }
0x184: {  	s9 =	rddreg [dreg:$0xc];
	[sflag:s19] =	ssyncadd.s32 $0xFFFFC000  }
0x185: {  	[tilespmem:s17], [sflag:$0x1] =	stream.indirect.gather [hbm4b:s4+s16], $0x80, s9, s16, $0xb8;
	[tilespmem:$0x1D000] =	vst v63  }
0x186: {  	_ =	swait.ge [sflag:s18], $0x4000  }
0x187: {  	[sflag:s18] =	ssyncset.done $0x0  }
0x188: {  	s10 =	rddreg [dreg:$0xd];
	[sflag:s18] =	ssyncadd.s32 $0xFFFFC000  }
0x189: {  	[spmem:s1] =	stream.indirect.scatter.add.f32 [tilespmem:s12], [sflag:$0x2], $0x80, s10, s16, $0xb8;
	[tilespmem:$0x1D000] =	vst v63  }
0x18a: {  	_ =	swait.ge [sflag:s19], $0x4000  }
0x18b: {  	[sflag:s19] =	ssyncset.done $0x0  }
0x18c: {  	s11 =	rddreg [dreg:$0xe];
	[sflag:s19] =	ssyncadd.s32 $0xFFFFC000  }
0x18d: {  	[tilespmem:s12], [sflag:$0x1] =	stream.indirect.gather [hbm4b:s4+s16], $0x80, s11, s16, $0xb8;
	[tilespmem:$0x1D000] =	vst v63  }
0x18e: {  	_ =	swait.ge [sflag:s18], $0x4000  }
0x18f: {  	[sflag:s18] =	ssyncset.done $0x0  }
0x190: {  	s9 =	rddreg [dreg:$0xf];
	[sflag:s18] =	ssyncadd.s32 $0xFFFFC000  }
0x191: {  	[spmem:s1] =	stream.indirect.scatter.add.f32 [tilespmem:s17], [sflag:$0x2], $0x80, s9, s16, $0xb8;
	[tilespmem:$0x1D000] =	vst v63  }
0x192: {  	_ =	swait.ge [sflag:s19], $0x4000  }
0x193: {  	[sflag:s19] =	ssyncset.done $0x0  }
0x194: {  	s10 =	rddreg [dreg:$0x10];
	[sflag:s19] =	ssyncadd.s32 $0xFFFFC000  }
0x195: {  	[tilespmem:s17], [sflag:$0x1] =	stream.indirect.gather [hbm4b:s4+s16], $0x80, s10, s16, $0xb8;
	[tilespmem:$0x1D000] =	vst v63  }
0x196: {  	_ =	swait.ge [sflag:s18], $0x4000  }
0x197: {  	[sflag:s18] =	ssyncset.done $0x0  }
0x198: {  	s11 =	rddreg [dreg:$0x11];
	[sflag:s18] =	ssyncadd.s32 $0xFFFFC000  }
0x199: {  	[spmem:s1] =	stream.indirect.scatter.add.f32 [tilespmem:s12], [sflag:$0x2], $0x80, s11, s16, $0xb8;
	[tilespmem:$0x1D000] =	vst v63  }
0x19a: {  	_ =	swait.ge [sflag:s19], $0x4000  }
0x19b: {  	[sflag:s19] =	ssyncset.done $0x0  }
0x19c: {  	s9 =	rddreg [dreg:$0x12];
	[sflag:s19] =	ssyncadd.s32 $0xFFFFC000  }
0x19d: {  	[tilespmem:s12], [sflag:$0x1] =	stream.indirect.gather [hbm4b:s4+s16], $0x80, s9, s16, $0xb8;
	[tilespmem:$0x1D000] =	vst v63  }
0x19e: {  	_ =	swait.ge [sflag:s18], $0x4000  }
0x19f: {  	[sflag:s18] =	ssyncset.done $0x0  }
0x1a0: {  	[sflag:s18] =	ssyncadd.s32 $0xFFFFC000  }
0x1a1: {  	[spmem:s1] =	stream.indirect.scatter.add.f32 [tilespmem:s17], [sflag:$0x2], $0x80, s20, s16, $0xb8;
	[tilespmem:$0x1D000] =	vst v63  }
0x1a2: {  	_ =	swait.ge [sflag:s19], $0x4000  }
0x1a3: {  	[sflag:s19] =	ssyncset.done $0x0  }
0x1a4: {  	[sflag:s19] =	ssyncadd.s32 $0xFFFFC000  }
0x1a5: {  	[tilespmem:s17], [sflag:$0x1] =	stream.indirect.gather [hbm4b:s4+s16], $0x80, s21, s16, $0xb8;
	[tilespmem:$0x1D000] =	vst v63  }
0x1a6: {  	_ =	swait.ge [sflag:s18], $0x4000  }
0x1a7: {  	[sflag:s18] =	ssyncset.done $0x0  }
0x1a8: {  	[sflag:s18] =	ssyncadd.s32 $0xFFFFC000  }
0x1a9: {  	[spmem:s1] =	stream.indirect.scatter.add.f32 [tilespmem:s12], [sflag:$0x2], $0x80, s22, s16, $0xb8;
	[tilespmem:$0x1D000] =	vst v63  }
0x1aa: {  	_ =	swait.ge [sflag:s19], $0x4000  }
0x1ab: {  	[sflag:s19] =	ssyncset.done $0x0  }
0x1ac: {  	[sflag:s19] =	ssyncadd.s32 $0xFFFFC000  }
0x1ad: {  	[tilespmem:s12], [sflag:$0x1] =	stream.indirect.gather [hbm4b:s4+s16], $0x80, s23, s16, $0xb8;
	[tilespmem:$0x1D000] =	vst v63  }
0x1ae: {  	_ =	swait.ge [sflag:s18], $0x4000  }
0x1af: {  	[sflag:s18] =	ssyncset.done $0x0  }
0x1b0: {  	[sflag:s18] =	ssyncadd.s32 $0xFFFFC000  }
0x1b1: {  	[spmem:s1] =	stream.indirect.scatter.add.f32 [tilespmem:s17], [sflag:$0x2], $0x80, s24, s16, $0xb8;
	[tilespmem:$0x1D000] =	vst v63  }
0x1b2: {  	_ =	swait.ge [sflag:s19], $0x4000  }
0x1b3: {  	[sflag:s19] =	ssyncset.done $0x0  }
0x1b4: {  	[sflag:s19] =	ssyncadd.s32 $0xFFFFC000  }
0x1b5: {  	[tilespmem:s17], [sflag:$0x1] =	stream.indirect.gather [hbm4b:s4+s16], $0x80, s25, s16, $0xb8;
	[tilespmem:$0x1D000] =	vst v63  }
0x1b6: {  	_ =	swait.ge [sflag:s18], $0x4000  }
0x1b7: {  	[sflag:s18] =	ssyncset.done $0x0  }
0x1b8: {  	[sflag:s18] =	ssyncadd.s32 $0xFFFFC000  }
0x1b9: {  	[spmem:s1] =	stream.indirect.scatter.add.f32 [tilespmem:s12], [sflag:$0x2], $0x80, s26, s16, $0xb8;
	[tilespmem:$0x1D000] =	vst v63  }
0x1ba: {  	_ =	swait.ge [sflag:s19], $0x4000  }
0x1bb: {  	[sflag:s19] =	ssyncset.done $0x0  }
0x1bc: {  	[sflag:s19] =	ssyncadd.s32 $0xFFFFC000  }
0x1bd: {  	[tilespmem:s12], [sflag:$0x1] =	stream.indirect.gather [hbm4b:s4+s16], $0x80, s28, s16, $0xb8;
	[tilespmem:$0x1D000] =	vst v63  }
0x1be: {  	_ =	swait.ge [sflag:s18], $0x4000  }
0x1bf: {  	[sflag:s18] =	ssyncset.done $0x0  }
0x1c0: {  	[sflag:s18] =	ssyncadd.s32 $0xFFFFC000  }
0x1c1: {  	[spmem:s1] =	stream.indirect.scatter.add.f32 [tilespmem:s17], [sflag:$0x2], $0x80, s29, s16, $0xb8;
	[tilespmem:$0x1D000] =	vst v63  }
0x1c2: {  	_ =	swait.ge [sflag:s19], $0x4000  }
0x1c3: {  	[sflag:s19] =	ssyncset.done $0x0  }
0x1c4: {  	[sflag:s19] =	ssyncadd.s32 $0xFFFFC000  }
0x1c5: {  	[tilespmem:s17], [sflag:$0x1] =	stream.indirect.gather [hbm4b:s4+s16], $0x80, s30, s16, $0xb8;
	[tilespmem:$0x1D000] =	vst v63  }
0x1c6: {  	_ =	swait.ge [sflag:s18], $0x4000  }
0x1c7: {  	[sflag:s18] =	ssyncset.done $0x0  }
0x1c8: {  	[sflag:s18] =	ssyncadd.s32 $0xFFFFC000  }
0x1c9: {  	[spmem:s1] =	stream.indirect.scatter.add.f32 [tilespmem:s12], [sflag:$0x2], $0x80, s31, s16, $0xb8;
	[tilespmem:$0x1D000] =	vst v63  }
0x1ca: {  	_ =	swait.ge [sflag:s19], $0x4000  }
0x1cb: {  	[sflag:s19] =	ssyncset.done $0x0  }
0x1cc: {  	[sflag:s19] =	ssyncadd.s32 $0xFFFFC000  }
0x1cd: {  	[tilespmem:s12], [sflag:$0x1] =	stream.indirect.gather [hbm4b:s4+s16], $0x80, s0, s16, $0xb8;
	[tilespmem:$0x1D000] =	vst v63  }
0x1ce: {  	_ =	swait.ge [sflag:s18], $0x4000  }
0x1cf: {  	[sflag:s18] =	ssyncset.done $0x0  }
0x1d0: {  	[sflag:s18] =	ssyncadd.s32 $0xFFFFC000  }
0x1d1: {  	[spmem:s1] =	stream.indirect.scatter.add.f32 [tilespmem:s17], [sflag:$0x2], $0x80, s2, s16, $0xb8;
	[tilespmem:$0x1D000] =	vst v63  }
0x1d2: {  	_ =	swait.ge [sflag:s19], $0x4000  }
0x1d3: {  	[sflag:s19] =	ssyncset.done $0x0  }
0x1d4: {  	[sflag:s19] =	ssyncadd.s32 $0xFFFFC000  }
0x1d5: {  	[tilespmem:s17], [sflag:$0x1] =	stream.indirect.gather [hbm4b:s4+s16], $0x80, s6, s16, $0xb8;
	[tilespmem:$0x1D000] =	vst v63  }
0x1d6: {  	_ =	swait.ge [sflag:s18], $0x4000  }
0x1d7: {  	[sflag:s18] =	ssyncset.done $0x0  }
0x1d8: {  	[sflag:s18] =	ssyncadd.s32 $0xFFFFC000  }
0x1d9: {  	[spmem:s1] =	stream.indirect.scatter.add.f32 [tilespmem:s12], [sflag:$0x2], $0x80, s7, s16, $0xb8;
	[tilespmem:$0x1D000] =	vst v63  }
0x1da: {  	_ =	swait.ge [sflag:s18], $0x4000  }
0x1db: {  	[sflag:s18] =	ssyncset.done $0x0  }
0x1dc: {  	[sflag:s18] =	ssyncadd.s32 $0xFFFFC000  }
0x1dd: {  	[spmem:s1] =	stream.indirect.scatter.add.f32 [tilespmem:s17], [sflag:$0x2], $0x80, s8, s16, $0xb8;
	[tilespmem:$0x1D000] =	vst v63  }
0x1de: {  	_ =	swait.ge [sflag:s19], $0x4000  }
0x1df: {  	[sflag:s19] =	ssyncset.done $0x0  }
0x1e0: {  	[sflag:s19] =	ssyncadd.s32 $0xFFFFC000  }
0x1e1: {  	_ =	swait.ge [sflag:s19], $0x4000  }
0x1e2: {  	[sflag:s19] =	ssyncset.done $0x0  }
0x1e3: {  	[sflag:s19] =	ssyncadd.s32 $0xFFFFC000  }
0x1e4: {  	s10 =	stileid.u32;
	[bflag:$0x0] =	sbarrier.arrive $0xFFFF  }
0x1e5: {  	s5 =	sshll.u32 s10, $0x6;
	s9 =	rddreg [dreg:$0x13]  }
0x1e6: {  	s5 =	sor.u32 $0x1C03, s5;
	s11 =	rddreg [dreg:$0x18];
	s9 =	sshrl.u32 s9, $0x3  }
0x1e7: {  	[hbm:s11], [sflag:s5] =	dma.local [spmem:s9], $0x2800  }
0x1e8: {  	_ =	swait.ge [sflag:s13], $0x2800  }
0x1e9: {  	s10 =	rddreg [dreg:$0x1a]  }
0x1ea: {  	s11 =	rddreg [dreg:$0x19];
	s9 =	sadd.s32 $0x1, s10  }
0x1eb: {  	p0 =	sne.s32 s9, s11  }
.Ltmp2:
0x1ec: {  	_ = 	snop;
	(pc) =	sbr.rel @p0 .LBB2_1-.Ltmp2, $3  }
0x1ed: {  	_ =	sdelay $0x1  }
0x1ee: {  	[sflag:s13] =	ssyncset.done $0x0  }
0x1ef: {  	[sflag:s13] =	ssyncadd.s32 $0xFFFFD800  }
0x1f0: {  	_ =	sfence.sel $0x180000  }
0x1f1: {  	[bflag:$0x0] =	sbarrier.arrive $0xFFFF  }
0x1f2: {  	_ =	strace $0x90000047  }
0x1f3: {  	s0 =	stileid.u32;
	[bflag:$0x2] =	sbarrier.arrive $0xFFFF  }
0x1f4: {  	p0 =	sne.s32 s0, $0x0;
	s0 =	rddreg [dreg:$0x2]  }
0x1f5: {  	s0 =	sadd.s32 @!p0 $0x100000, s0  }
0x1f6: {  	[sflag:s0] =	ssyncadd.tile.s32 @!p0 $0x1;
	_ =	shalt  }
.Lfunc_end2:
_tile_overlayer_lowered:
.L_overlay_start_2:
0x1f7: {  	(tag) =	ssettag $0x2  }
0x1f8: {  	s0 =	rddreg [dreg:$0x0];
	s2 =	stileid.u32  }
0x1f9: {  	s1 =	rddreg [dreg:$0x1];
	p0 =	sne.s32 s2, $0x0  }
0x1fa: {  	s3 =	rddreg [dreg:$0x2];
	[bflag:$0x3] =	sbarrier.arrive $0xFFFF;
	s2 =	simm.s32 @!p0 $0x1C03  }
0x1fb: {  	[timem:s3], [sflag:s2] =	dma.local @!p0 [hbm:s0], s1  }
0x1fc: {  	s0 =	simm.s32 @!p0 $0x3  }
0x1fd: {  	_ =	swait.ge @!p0 [sflag:s0], s1  }
0x1fe: {  	s1 =	ssub.s32 @!p0 $0x0, s1;
	[sflag:s0] =	ssyncset.done @!p0 $0x0  }
0x1ff: {  	[sflag:s0] =	ssyncadd.s32 @!p0 s1  }
0x200: {  	[bflag:$0x3] =	sbarrier.arrive $0xFFFF  }
0x201: {  	_ =	shalt  }

</sc_bundles>
